<compile_context>
chip_gen: v7x
topology: tpu7x:2x2x1
jax: 0.10.2.dev20260603
libtpu: 0.0.44.dev20260713+nightly
codegen_flags: <defaults>
</compile_context>

<pallas_src>
import functools
import jax
import jax.numpy as jnp
from jax import lax
from jax.experimental import pallas as pl
from jax.experimental.pallas import tpu as pltpu
from jax.experimental.pallas import tpu_sc as plsc

N_NODES = 10000
N_EDGES = 160000
DIM = 128

NC = 2
NS = 16
NW = NC * NS
CHUNK = 64
G0 = 112
G1 = 48
GMAX = max(G0, G1)
TOT_CHUNKS = NS * (G0 + G1)
E_PAD = TOT_CHUNKS * CHUNK
IDX_ROWS = NS * G0 + (NS - 1) * G1 + GMAX
AGG_ROWS = 10112
ZSPAN = AGG_ROWS // NS



def _sc_body(nt_hbm, et_hbm, src_hbm, dst_hbm, part_hbm,
             src_v, dst_v, rows0, rows1, acc0, acc1, aggr_sh,
             sem_e0, sem_e1, sem_g0, sem_g1, sem_s0, sem_s1, sem_d0, sem_d1):
    c = lax.axis_index("c")
    s = lax.axis_index("s")
    gc = jnp.where(c == 0, G0, G1)
    base = jnp.where(c == 0, s * G0, NS * G0 + s * G1)
    sem_e = (sem_e0, sem_e1)
    sem_g = (sem_g0, sem_g1)
    sem_s = (sem_s0, sem_s1)
    sem_d = (sem_d0, sem_d1)
    rows_v = (rows0, rows1)
    acc_v = (acc0, acc1)

    pltpu.sync_copy(src_hbm.at[pl.ds(base, GMAX)], src_v)

    pltpu.async_copy(nt_hbm.at[src_v.at[0]], rows_v[0], sem_g[0])
    pltpu.async_copy(dst_hbm.at[base], dst_v.at[0], sem_d[0])

    @pl.loop(0, CHUNK)
    def _zr(r):
        for cc in range(DIM // 16):
            acc0[r, pl.ds(cc * 16, 16)] = jnp.zeros((16,), jnp.float32)

    zfull, zrem = divmod(ZSPAN, CHUNK)
    for j in range(zfull):
        pltpu.sync_copy(acc0,
                        aggr_sh.at[pl.ds(s * ZSPAN + j * CHUNK, CHUNK)])
    if zrem:
        pltpu.sync_copy(acc0.at[pl.ds(0, zrem)],
                        aggr_sh.at[pl.ds(s * ZSPAN + zfull * CHUNK, zrem)])
    plsc.subcore_barrier()

    def start(g, b):
        pltpu.async_copy(et_hbm.at[pl.ds((base + g) * CHUNK, CHUNK)],
                         acc_v[b], sem_e[b])
        pltpu.async_copy(nt_hbm.at[src_v.at[g]], rows_v[b], sem_g[b])
        pltpu.async_copy(dst_hbm.at[base + g], dst_v.at[b], sem_d[b])

    def wait(b):
        pltpu.make_async_copy(et_hbm.at[pl.ds(0, CHUNK)],
                              acc_v[b], sem_e[b]).wait()
        pltpu.make_async_copy(nt_hbm.at[pl.ds(0, CHUNK)],
                              rows_v[b], sem_g[b]).wait()
        pltpu.make_async_copy(dst_hbm.at[0], dst_v.at[b], sem_d[b]).wait()

    def wait_scatter(b):
        pltpu.make_async_copy(acc_v[b], aggr_sh.at[dst_v.at[b]],
                              sem_s[b]).wait()

    pltpu.async_copy(et_hbm.at[pl.ds(base * CHUNK, CHUNK)], acc_v[0], sem_e[0])

    @pl.loop(0, gc, step=2)
    def _chunk(g0):
        for b in range(2):
            g = g0 + b

            if b == 0:
                @pl.when(g0 > 0)
                def _ws():
                    wait_scatter(1)
            else:
                wait_scatter(0)

            @pl.when(g + 1 < gc)
            def _prefetch():
                start(g + 1, 1 - b)

            wait(b)

            @plsc.parallel_loop(0, CHUNK * (DIM // 16), unroll=4)
            def _compute(i):
                r = i >> 3
                col = (i & 7) * 16
                v = acc_v[b][r, pl.ds(col, 16)] + rows_v[b][r, pl.ds(col, 16)]
                acc_v[b][r, pl.ds(col, 16)] = jnp.maximum(v, 0.0)

            pltpu.async_copy(acc_v[b], aggr_sh.at[dst_v.at[b]], sem_s[b],
                             add=True)

    wait_scatter(1)

    plsc.subcore_barrier()
    pltpu.sync_copy(aggr_sh.at[pl.ds(s * ZSPAN, ZSPAN)],
                    part_hbm.at[c, pl.ds(s * ZSPAN, ZSPAN)])


def _sc_message_aggregate(nt, et, src2d, dst2d):
    mesh = plsc.VectorSubcoreMesh(core_axis_name="c", subcore_axis_name="s")
    f = pl.kernel(
        _sc_body,
        out_type=pltpu.HBM((NC, AGG_ROWS, DIM), jnp.float32),
        mesh=mesh,
        scratch_types=[
            pltpu.VMEM((GMAX, CHUNK), jnp.int32),
            pltpu.VMEM((2, CHUNK), jnp.int32),
            pltpu.VMEM((CHUNK, DIM), jnp.float32),
            pltpu.VMEM((CHUNK, DIM), jnp.float32),
            pltpu.VMEM((CHUNK, DIM), jnp.float32),
            pltpu.VMEM((CHUNK, DIM), jnp.float32),
            pltpu.VMEM_SHARED((AGG_ROWS, DIM), jnp.float32),
            pltpu.SemaphoreType.DMA,
            pltpu.SemaphoreType.DMA,
            pltpu.SemaphoreType.DMA,
            pltpu.SemaphoreType.DMA,
            pltpu.SemaphoreType.DMA,
            pltpu.SemaphoreType.DMA,
            pltpu.SemaphoreType.DMA,
            pltpu.SemaphoreType.DMA,
        ],
    )
    return f(nt, et, src2d, dst2d)



NODE_BLK = 1000


def _enc_nodes_body(x_ref, wn_ref, bn_ref, wmt_ref, nf_ref, nt_ref):
    nf = jnp.dot(x_ref[...], wn_ref[...], preferred_element_type=jnp.float32)
    nf = nf + bn_ref[...]
    nf_ref[...] = nf
    nt_ref[...] = jnp.dot(nf, wmt_ref[...], preferred_element_type=jnp.float32)


def _enc_nodes(x, Wn, bn, WmT0):
    grid = (N_NODES // NODE_BLK,)
    return pl.pallas_call(
        _enc_nodes_body,
        grid=grid,
        in_specs=[
            pl.BlockSpec((NODE_BLK, DIM), lambda i: (i, 0)),
            pl.BlockSpec((DIM, DIM), lambda i: (0, 0)),
            pl.BlockSpec((1, DIM), lambda i: (0, 0)),
            pl.BlockSpec((DIM, DIM), lambda i: (0, 0)),
        ],
        out_specs=[
            pl.BlockSpec((NODE_BLK, DIM), lambda i: (i, 0)),
            pl.BlockSpec((NODE_BLK, DIM), lambda i: (i, 0)),
        ],
        out_shape=[
            jax.ShapeDtypeStruct((N_NODES, DIM), jnp.float32),
            jax.ShapeDtypeStruct((N_NODES, DIM), jnp.float32),
        ],
    )(x, Wn, bn.reshape(1, DIM), WmT0)


EDGE_BLK = 2048


def _make_enc_edges_body(nl):
    def body(a_ref, v_ref, c_ref, *outs):
        a = a_ref[...]
        for j in range(nl):
            et = jnp.dot(a, v_ref[j], preferred_element_type=jnp.float32)
            outs[j][...] = et + c_ref[j]
    return body


def _enc_edges(attr_pad, Vs, cs):
    nl = Vs.shape[0]
    grid = (E_PAD // EDGE_BLK,)
    shp = jax.ShapeDtypeStruct((E_PAD, DIM), jnp.float32)
    espec = pl.BlockSpec((EDGE_BLK, DIM), lambda i: (i, 0))
    return pl.pallas_call(
        _make_enc_edges_body(nl),
        grid=grid,
        in_specs=[
            pl.BlockSpec((EDGE_BLK, 16), lambda i: (i, 0)),
            pl.BlockSpec((nl, 16, DIM), lambda i: (0, 0, 0)),
            pl.BlockSpec((nl, 1, DIM), lambda i: (0, 0, 0)),
        ],
        out_specs=[espec] * nl,
        out_shape=[shp] * nl,
    )(attr_pad, Vs, cs)


def _update_body(nf_ref, p_ref, wut_ref, wub_ref, bu_ref, wmt_ref,
                 nfo_ref, nt_ref):
    nf = nf_ref[...]
    aggr = p_ref[0] + p_ref[1]
    h = jnp.dot(nf, wut_ref[...], preferred_element_type=jnp.float32)
    h = h + jnp.dot(aggr, wub_ref[...], preferred_element_type=jnp.float32)
    nf_new = jnp.maximum(h + bu_ref[...], 0.0) + nf
    nfo_ref[...] = nf_new
    if nt_ref is not None:
        nt_ref[...] = jnp.dot(nf_new, wmt_ref[...],
                              preferred_element_type=jnp.float32)


def _update(nf, part, WuT, WuB, bu, WmT_next):
    grid = (N_NODES // NODE_BLK,)
    with_nt = WmT_next is not None
    if not with_nt:
        WmT_next = WuT

    def body(nf_ref, p_ref, wut_ref, wub_ref, bu_ref, wmt_ref, *outs):
        _update_body(nf_ref, p_ref, wut_ref, wub_ref, bu_ref, wmt_ref,
                     outs[0], outs[1] if with_nt else None)

    nshape = jax.ShapeDtypeStruct((N_NODES, DIM), jnp.float32)
    nspec = pl.BlockSpec((NODE_BLK, DIM), lambda i: (i, 0))
    return pl.pallas_call(
        body,
        grid=grid,
        in_specs=[
            nspec,
            pl.BlockSpec((NC, NODE_BLK, DIM), lambda i: (0, i, 0)),
            pl.BlockSpec((DIM, DIM), lambda i: (0, 0)),
            pl.BlockSpec((DIM, DIM), lambda i: (0, 0)),
            pl.BlockSpec((1, DIM), lambda i: (0, 0)),
            pl.BlockSpec((DIM, DIM), lambda i: (0, 0)),
        ],
        out_specs=[nspec, nspec] if with_nt else [nspec],
        out_shape=[nshape, nshape] if with_nt else [nshape],
    )(nf, part, WuT, WuB, bu.reshape(1, DIM), WmT_next)


def _decode_body(cat_ref, w1_ref, b1_ref, w2_ref, b2_ref, w3_ref, b3_ref,
                 y_ref, out_ref):
    h = jnp.dot(cat_ref[...], w1_ref[...], preferred_element_type=jnp.float32)
    h = jnp.maximum(h + b1_ref[...], 0.0)
    h = jnp.dot(h, w2_ref[...], preferred_element_type=jnp.float32)
    h = jnp.maximum(h + b2_ref[...], 0.0)
    pred = jnp.dot(h, w3_ref[...], preferred_element_type=jnp.float32)
    pred = pred + b3_ref[...]
    d = pred - y_ref[...]
    out_ref[...] = (jnp.sum(d * d) / (N_NODES // 2)).reshape(1, 1)


def _decode(cat, W1, b1, W2, b2, W3, b3, y2):
    half = N_NODES // 2
    return pl.pallas_call(
        _decode_body,
        grid=(1,),
        in_specs=[
            pl.BlockSpec((half, 2 * DIM), lambda i: (0, 0)),
            pl.BlockSpec((2 * DIM, DIM), lambda i: (0, 0)),
            pl.BlockSpec((1, DIM), lambda i: (0, 0)),
            pl.BlockSpec((DIM, DIM), lambda i: (0, 0)),
            pl.BlockSpec((1, DIM), lambda i: (0, 0)),
            pl.BlockSpec((DIM, 1), lambda i: (0, 0)),
            pl.BlockSpec((1, 1), lambda i: (0, 0)),
            pl.BlockSpec((half, 1), lambda i: (0, 0)),
        ],
        out_specs=pl.BlockSpec((1, 1), lambda i: (0, 0)),
        out_shape=jax.ShapeDtypeStruct((1, 1), jnp.float32),
    )(cat, W1, b1.reshape(1, DIM), W2, b2.reshape(1, DIM), W3,
      b3.reshape(1, 1), y2)



def kernel(x, edge_index, edge_attr, y, Wn, bn, We, be,
           Wm0, bm0, Wu0, bu0, Wm1, bm1, Wu1, bu1, Wm2, bm2, Wu2, bu2,
           W1, b1, W2, b2, W3, b3):
    Wms = (Wm0, Wm1, Wm2)
    bms = (bm0, bm1, bm2)
    Wus = (Wu0, Wu1, Wu2)
    bus = (bu0, bu1, bu2)

    WmT = [w[:DIM] for w in Wms]
    Vs = jnp.stack([We @ w[DIM:] for w in Wms])
    cs = jnp.stack([(be @ w[DIM:] + b).reshape(1, DIM)
                    for w, b in zip(Wms, bms)])
    WuT = [w[:DIM] for w in Wus]
    WuB = [w[DIM:] for w in Wus]

    ipad = IDX_ROWS * CHUNK - N_EDGES
    src = edge_index[0]
    dst = edge_index[1]
    src2d = jnp.concatenate(
        [src, jnp.zeros((ipad,), jnp.int32)]).reshape(-1, CHUNK)
    dst2d = jnp.concatenate(
        [dst, jnp.full((ipad,), N_NODES, jnp.int32)]).reshape(-1, CHUNK)
    attr_pad = jnp.concatenate(
        [edge_attr,
         jnp.zeros((E_PAD - N_EDGES, edge_attr.shape[1]), jnp.float32)])

    nf, nt = _enc_nodes(x, Wn, bn, WmT[0])
    ets = _enc_edges(attr_pad, Vs, cs)

    for i in range(3):
        part = _sc_message_aggregate(nt, ets[i], src2d, dst2d)
        nxt = WmT[i + 1] if i < 2 else None
        res = _update(nf, part, WuT[i], WuB[i], bus[i], nxt)
        if i < 2:
            nf, nt = res
        else:
            nf = res[0]

    cat = jnp.transpose(nf.reshape(N_NODES // 100, 2, 50, DIM),
                        (0, 2, 1, 3)).reshape(N_NODES // 2, 2 * DIM)
    y2 = y.reshape(N_NODES // 2, 1)
    loss = _decode(cat, W1, b1, W2, b2, W3, b3, y2)
    return loss[0, 0]

# --- scband reference (transcript-rebuilt; emitter-appended) ---
"""Pipeline reference for scband-mpnn-47639777247380 (READ-ONLY COPY).

The authoritative reference and input builder live on the scoring server;
editing this copy changes nothing except your own understanding.
"""

import jax, jax.numpy as jnp
import numpy as np

N_NODES = 10000
N_EDGES = 160000
N_ENC = 128
E_ENC = 16
DIM = 128
N_LAYERS = 3
N_GRAPHS = 100
C = N_NODES // N_GRAPHS  # 100 nodes per graph
C2 = C // 2


def _forward(x, edge_index, edge_attr, y, params):
    (Wn, bn, We, be, layers, W1, b1, W2, b2, W3, b3) = params
    # node_enc / edge_enc
    nf = x @ Wn + bn
    ef = edge_attr @ We + be
    src = edge_index[0]
    dst = edge_index[1]
    # MPLayer stack: message = act(Lin([nf_src, ef])); aggregate by dst (node_aggr='sum');
    # update = act(Lin([nf, aggr])) with residual connection
    for (Wm, bm, Wu, bu) in layers:
        msg = jax.nn.relu(jnp.concatenate([nf[src], ef], axis=-1) @ Wm + bm)
        aggr = jax.ops.segment_sum(msg, dst, num_segments=N_NODES)
        nf = jax.nn.relu(jnp.concatenate([nf, aggr], axis=-1) @ Wu + bu) + nf
    # rearrange '(N C) L -> N C L' then 'N (C1 C2) L -> N C2 (C1 L)' with C1=2
    b_nf = nf.reshape(N_GRAPHS, 2, C2, DIM)
    cat = jnp.transpose(b_nf, (0, 2, 1, 3)).reshape(N_GRAPHS * C2, 2 * DIM)
    # MLP([2*dim, dim, dim, 1])
    h = jax.nn.relu(cat @ W1 + b1)
    h = jax.nn.relu(h @ W2 + b2)
    pred = h @ W3 + b3
    y_hat = pred.reshape(N_GRAPHS, C2)
    label = y.reshape(N_GRAPHS, C2)
    # MSELoss
    return jnp.mean((y_hat - label) ** 2)


def setup_inputs(seed: int = 0) -> dict:
    key = jax.random.key(seed)
    ks = jax.random.split(key, 32)

    def lin(kw, fi, fo):
        return jax.random.normal(kw, (fi, fo), jnp.float32) / np.sqrt(fi)

    inp = {}
    inp["x"] = jax.random.normal(ks[0], (N_NODES, N_ENC), jnp.float32)
    inp["edge_index"] = jax.random.randint(ks[1], (2, N_EDGES), 0, N_NODES, dtype=jnp.int32)
    inp["edge_attr"] = jax.random.normal(ks[2], (N_EDGES, E_ENC), jnp.float32)
    inp["y"] = jax.random.normal(ks[3], (N_GRAPHS * C2,), jnp.float32)
    inp["Wn"] = lin(ks[4], N_ENC, DIM); inp["bn"] = jnp.zeros((DIM,), jnp.float32)
    inp["We"] = lin(ks[5], E_ENC, DIM); inp["be"] = jnp.zeros((DIM,), jnp.float32)
    for i in range(N_LAYERS):
        inp[f"Wm{i}"] = lin(ks[6 + 2 * i], 2 * DIM, DIM); inp[f"bm{i}"] = jnp.zeros((DIM,), jnp.float32)
        inp[f"Wu{i}"] = lin(ks[7 + 2 * i], 2 * DIM, DIM); inp[f"bu{i}"] = jnp.zeros((DIM,), jnp.float32)
    inp["W1"] = lin(ks[14], 2 * DIM, DIM); inp["b1"] = jnp.zeros((DIM,), jnp.float32)
    inp["W2"] = lin(ks[15], DIM, DIM); inp["b2"] = jnp.zeros((DIM,), jnp.float32)
    inp["W3"] = lin(ks[16], DIM, 1); inp["b3"] = jnp.zeros((1,), jnp.float32)
    return inp


def reference(x, edge_index, edge_attr, y, Wn, bn, We, be,
              Wm0, bm0, Wu0, bu0, Wm1, bm1, Wu1, bu1, Wm2, bm2, Wu2, bu2,
              W1, b1, W2, b2, W3, b3):
    layers = [(Wm0, bm0, Wu0, bu0), (Wm1, bm1, Wu1, bu1), (Wm2, bm2, Wu2, bu2)]
    return _forward(x, edge_index, edge_attr, y,
                    (Wn, bn, We, be, layers, W1, b1, W2, b2, W3, b3))

if __name__ == "__main__":
    import jax
    _d = setup_inputs()
    print(jax.jit(kernel)(*tuple(_d.values())))

</pallas_src>

<mosaic_0001>
#map = affine_map<(d0, d1) -> (0, 0)>
#map1 = affine_map<(d0, d1) -> (0, 0, 0)>
module attributes {stable_mosaic.version = 14 : i64} {
  func.func @_sc_body(%arg0: i32, %arg1: i32, %arg2: memref<10000x128xf32, #tpu.memory_space<hbm>>, %arg3: memref<163840x128xf32, #tpu.memory_space<hbm>>, %arg4: memref<2624x64xi32, #tpu.memory_space<hbm>>, %arg5: memref<2624x64xi32, #tpu.memory_space<hbm>>, %arg6: memref<2x10112x128xf32, #tpu.memory_space<hbm>>, %arg7: memref<112x64xi32, #tpu.memory_space<vmem>>, %arg8: memref<2x64xi32, #tpu.memory_space<vmem>>, %arg9: memref<64x128xf32, #tpu.memory_space<vmem>>, %arg10: memref<64x128xf32, #tpu.memory_space<vmem>>, %arg11: memref<64x128xf32, #tpu.memory_space<vmem>>, %arg12: memref<64x128xf32, #tpu.memory_space<vmem>>, %arg13: memref<10112x128xf32, #tpu.memory_space<vmem_shared>>, %arg14: memref<!tpu.dma_semaphore, #tpu.memory_space<semaphore_mem>>, %arg15: memref<!tpu.dma_semaphore, #tpu.memory_space<semaphore_mem>>, %arg16: memref<!tpu.dma_semaphore, #tpu.memory_space<semaphore_mem>>, %arg17: memref<!tpu.dma_semaphore, #tpu.memory_space<semaphore_mem>>, %arg18: memref<!tpu.dma_semaphore, #tpu.memory_space<semaphore_mem>>, %arg19: memref<!tpu.dma_semaphore, #tpu.memory_space<semaphore_mem>>, %arg20: memref<!tpu.dma_semaphore, #tpu.memory_space<semaphore_mem>>, %arg21: memref<!tpu.dma_semaphore, #tpu.memory_space<semaphore_mem>>) attributes {dimension_semantics = [#tpu.dimension_semantics<core_parallel>, #tpu.dimension_semantics<subcore_parallel>], iteration_bounds = array<i64: 2, 16>, scalar_prefetch = 0 : i64, scratch_operands = 15 : i64, tpu.core_type = #tpu.core_type<sc_vector_subcore>, window_params = [{transform_indices = #map}, {transform_indices = #map}, {transform_indices = #map}, {transform_indices = #map}, {transform_indices = #map1}]} {
    %eq3A = arith.constant 0 : i32
    %eq3A_0 = arith.cmpi eq, %arg0, %eq3A : i32
    %jit3A = arith.constant 112 : i32
    %jit3A_1 = arith.constant 48 : i32
    %select_n3A = arith.select %eq3A_0, %jit3A, %jit3A_1 : i32
    %eq3A_2 = arith.constant 0 : i32
    %eq3A_3 = arith.cmpi eq, %arg0, %eq3A_2 : i32
    %mul3A = arith.constant 112 : i32
    %mul3A_4 = arith.muli %arg1, %mul3A : i32
    %mul3A_5 = arith.constant 48 : i32
    %mul3A_6 = arith.muli %arg1, %mul3A_5 : i32
    %add3A = arith.constant 1792 : i32
    %add3A_7 = arith.addi %add3A, %mul3A_6 : i32
    %select_n3A_8 = arith.select %eq3A_3, %mul3A_4, %add3A_7 : i32
    "tpu.region"() ({
      %run_scoped3A = tpu.sem_alloc : memref<!tpu.dma_semaphore, #tpu.memory_space<semaphore_mem>>
      %dma_start3A_105 = arith.constant 0 : i32
      %dma_start3A_106 = tpu.memref_slice %arg4[%select_n3A_8, %dma_start3A_105] : memref<2624x64xi32, #tpu.memory_space<hbm>> -> memref<112x64xi32, #tpu.memory_space<hbm>>
      %dma_start3A_107 = arith.constant 0 : i32
      %dma_start3A_108 = tpu.memref_slice %arg4[%select_n3A_8, %dma_start3A_107] : memref<2624x64xi32, #tpu.memory_space<hbm>> -> memref<112x64xi32, #tpu.memory_space<hbm>>
      tpu.enqueue_dma source(%dma_start3A_108 : memref<112x64xi32, #tpu.memory_space<hbm>>) target(%arg7 : memref<112x64xi32, #tpu.memory_space<vmem>>) target_semaphore(%run_scoped3A : memref<!tpu.dma_semaphore, #tpu.memory_space<semaphore_mem>>)
      %dma_wait3A_109 = arith.constant 0 : i32
      %dma_wait3A_110 = tpu.memref_slice %arg4[%select_n3A_8, %dma_wait3A_109] : memref<2624x64xi32, #tpu.memory_space<hbm>> -> memref<112x64xi32, #tpu.memory_space<hbm>>
      %dma_wait3A_111 = arith.constant 0 : i32
      %dma_wait3A_112 = tpu.memref_slice %arg4[%select_n3A_8, %dma_wait3A_111] : memref<2624x64xi32, #tpu.memory_space<hbm>> -> memref<112x64xi32, #tpu.memory_space<hbm>>
      tpu.wait_dma2 semaphore(%run_scoped3A : memref<!tpu.dma_semaphore, #tpu.memory_space<semaphore_mem>>) src(%dma_wait3A_112 : memref<112x64xi32, #tpu.memory_space<hbm>>) dst(%arg7 : memref<112x64xi32, #tpu.memory_space<vmem>>)
      tpu.yield
    }) : () -> ()
    %dma_start3A = arith.constant 0 : i32
    %dma_start3A_9 = arith.constant 0 : i32
    %dma_start3A_10 = tpu.memref_slice %arg7[%dma_start3A, %dma_start3A_9] : memref<112x64xi32, #tpu.memory_space<vmem>> -> memref<1x64xi32, #tpu.memory_space<vmem>>
    %dma_start3A_11 = tpu.memref_squeeze %dma_start3A_10 : memref<1x64xi32, #tpu.memory_space<vmem>> -> memref<64xi32, #tpu.memory_space<vmem>>
    %dma_start3A_12 = arith.constant 0 : i32
    %dma_start3A_13 = arith.constant 0 : i32
    %dma_start3A_14 = tpu.memref_slice %arg2[%dma_start3A_12, %dma_start3A_13] : memref<10000x128xf32, #tpu.memory_space<hbm>> -> memref<10000x128xf32, #tpu.memory_space<hbm>>
    tpu.enqueue_indirect_dma source(%dma_start3A_14 : memref<10000x128xf32, #tpu.memory_space<hbm>>) target(%arg9 : memref<64x128xf32, #tpu.memory_space<vmem>>) offsets(%dma_start3A_11 : memref<64xi32, #tpu.memory_space<vmem>>) semaphore(%arg16 : memref<!tpu.dma_semaphore, #tpu.memory_space<semaphore_mem>>)
    %dma_start3A_15 = arith.constant 0 : i32
    %dma_start3A_16 = arith.constant 0 : i32
    %dma_start3A_17 = tpu.memref_slice %arg8[%dma_start3A_15, %dma_start3A_16] : memref<2x64xi32, #tpu.memory_space<vmem>> -> memref<1x64xi32, #tpu.memory_space<vmem>>
    %dma_start3A_18 = tpu.memref_squeeze %dma_start3A_17 : memref<1x64xi32, #tpu.memory_space<vmem>> -> memref<64xi32, #tpu.memory_space<vmem>>
    %dma_start3A_19 = arith.constant 0 : i32
    %dma_start3A_20 = tpu.memref_slice %arg5[%select_n3A_8, %dma_start3A_19] : memref<2624x64xi32, #tpu.memory_space<hbm>> -> memref<1x64xi32, #tpu.memory_space<hbm>>
    %dma_start3A_21 = tpu.memref_squeeze %dma_start3A_20 : memref<1x64xi32, #tpu.memory_space<hbm>> -> memref<64xi32, #tpu.memory_space<hbm>>
    %dma_start3A_22 = arith.constant 0 : i32
    %dma_start3A_23 = tpu.memref_slice %arg8[%dma_start3A_15, %dma_start3A_22] : memref<2x64xi32, #tpu.memory_space<vmem>> -> memref<1x64xi32, #tpu.memory_space<vmem>>
    %dma_start3A_24 = tpu.memref_squeeze %dma_start3A_23 : memref<1x64xi32, #tpu.memory_space<vmem>> -> memref<64xi32, #tpu.memory_space<vmem>>
    %dma_start3A_25 = arith.constant 0 : i32
    %dma_start3A_26 = tpu.memref_slice %arg5[%select_n3A_8, %dma_start3A_25] : memref<2624x64xi32, #tpu.memory_space<hbm>> -> memref<1x64xi32, #tpu.memory_space<hbm>>
    %dma_start3A_27 = tpu.memref_squeeze %dma_start3A_26 : memref<1x64xi32, #tpu.memory_space<hbm>> -> memref<64xi32, #tpu.memory_space<hbm>>
    tpu.enqueue_dma source(%dma_start3A_27 : memref<64xi32, #tpu.memory_space<hbm>>) target(%dma_start3A_24 : memref<64xi32, #tpu.memory_space<vmem>>) target_semaphore(%arg20 : memref<!tpu.dma_semaphore, #tpu.memory_space<semaphore_mem>>)
    %scan3A = arith.constant 0 : i32
    %scan3A_28 = arith.constant 64 : i32
    %scan3A_29 = arith.addi %scan3A, %scan3A_28 : i32
    %scan3A_30 = arith.constant 1 : i32
    scf.for %scan3A_105 = %scan3A to %scan3A_29 step %scan3A_30  : i32 {
      %mul3A_106 = arith.constant 1 : i32
      %mul3A_107 = arith.muli %scan3A_105, %mul3A_106 : i32
      %add3A_108 = arith.constant 0 : i32
      %add3A_109 = arith.addi %add3A_108, %mul3A_107 : i32
      %broadcast_in_dim3A = arith.constant 0.000000e+00 : f32
      %broadcast_in_dim3A_110 = vector.broadcast %broadcast_in_dim3A : f32 to vector<16xf32>
      %swap3A = arith.index_cast %add3A_109 : i32 to index
      %swap3A_111 = arith.constant 0 : index
      %swap3A_112 = tpu.vector_load %arg11[%swap3A, %swap3A_111] {strides = array<i32>} : memref<64x128xf32, #tpu.memory_space<vmem>>, vector<1x16xf32>,
      %swap3A_113 = vector.shape_cast %swap3A_112 : vector<1x16xf32> to vector<16xf32>
      %swap3A_114 = vector.shape_cast %broadcast_in_dim3A_110 : vector<16xf32> to vector<1x16xf32>
      tpu.vector_store %arg11[%swap3A, %swap3A_111], %swap3A_114 {strides = array<i32>} : memref<64x128xf32, #tpu.memory_space<vmem>>, vector<1x16xf32>,
      %broadcast_in_dim3A_115 = arith.constant 0.000000e+00 : f32
      %broadcast_in_dim3A_116 = vector.broadcast %broadcast_in_dim3A_115 : f32 to vector<16xf32>
      %swap3A_117 = arith.index_cast %add3A_109 : i32 to index
      %swap3A_118 = arith.constant 16 : index
      %swap3A_119 = tpu.vector_load %arg11[%swap3A_117, %swap3A_118] {strides = array<i32>} : memref<64x128xf32, #tpu.memory_space<vmem>>, vector<1x16xf32>,
      %swap3A_120 = vector.shape_cast %swap3A_119 : vector<1x16xf32> to vector<16xf32>
      %swap3A_121 = vector.shape_cast %broadcast_in_dim3A_116 : vector<16xf32> to vector<1x16xf32>
      tpu.vector_store %arg11[%swap3A_117, %swap3A_118], %swap3A_121 {strides = array<i32>} : memref<64x128xf32, #tpu.memory_space<vmem>>, vector<1x16xf32>,
      %broadcast_in_dim3A_122 = arith.constant 0.000000e+00 : f32
      %broadcast_in_dim3A_123 = vector.broadcast %broadcast_in_dim3A_122 : f32 to vector<16xf32>
      %swap3A_124 = arith.index_cast %add3A_109 : i32 to index
      %swap3A_125 = arith.constant 32 : index
      %swap3A_126 = tpu.vector_load %arg11[%swap3A_124, %swap3A_125] {strides = array<i32>} : memref<64x128xf32, #tpu.memory_space<vmem>>, vector<1x16xf32>,
      %swap3A_127 = vector.shape_cast %swap3A_126 : vector<1x16xf32> to vector<16xf32>
      %swap3A_128 = vector.shape_cast %broadcast_in_dim3A_123 : vector<16xf32> to vector<1x16xf32>
      tpu.vector_store %arg11[%swap3A_124, %swap3A_125], %swap3A_128 {strides = array<i32>} : memref<64x128xf32, #tpu.memory_space<vmem>>, vector<1x16xf32>,
      %broadcast_in_dim3A_129 = arith.constant 0.000000e+00 : f32
      %broadcast_in_dim3A_130 = vector.broadcast %broadcast_in_dim3A_129 : f32 to vector<16xf32>
      %swap3A_131 = arith.index_cast %add3A_109 : i32 to index
      %swap3A_132 = arith.constant 48 : index
      %swap3A_133 = tpu.vector_load %arg11[%swap3A_131, %swap3A_132] {strides = array<i32>} : memref<64x128xf32, #tpu.memory_space<vmem>>, vector<1x16xf32>,
      %swap3A_134 = vector.shape_cast %swap3A_133 : vector<1x16xf32> to vector<16xf32>
      %swap3A_135 = vector.shape_cast %broadcast_in_dim3A_130 : vector<16xf32> to vector<1x16xf32>
      tpu.vector_store %arg11[%swap3A_131, %swap3A_132], %swap3A_135 {strides = array<i32>} : memref<64x128xf32, #tpu.memory_space<vmem>>, vector<1x16xf32>,
      %broadcast_in_dim3A_136 = arith.constant 0.000000e+00 : f32
      %broadcast_in_dim3A_137 = vector.broadcast %broadcast_in_dim3A_136 : f32 to vector<16xf32>
      %swap3A_138 = arith.index_cast %add3A_109 : i32 to index
      %swap3A_139 = arith.constant 64 : index
      %swap3A_140 = tpu.vector_load %arg11[%swap3A_138, %swap3A_139] {strides = array<i32>} : memref<64x128xf32, #tpu.memory_space<vmem>>, vector<1x16xf32>,
      %swap3A_141 = vector.shape_cast %swap3A_140 : vector<1x16xf32> to vector<16xf32>
      %swap3A_142 = vector.shape_cast %broadcast_in_dim3A_137 : vector<16xf32> to vector<1x16xf32>
      tpu.vector_store %arg11[%swap3A_138, %swap3A_139], %swap3A_142 {strides = array<i32>} : memref<64x128xf32, #tpu.memory_space<vmem>>, vector<1x16xf32>,
      %broadcast_in_dim3A_143 = arith.constant 0.000000e+00 : f32
      %broadcast_in_dim3A_144 = vector.broadcast %broadcast_in_dim3A_143 : f32 to vector<16xf32>
      %swap3A_145 = arith.index_cast %add3A_109 : i32 to index
      %swap3A_146 = arith.constant 80 : index
      %swap3A_147 = tpu.vector_load %arg11[%swap3A_145, %swap3A_146] {strides = array<i32>} : memref<64x128xf32, #tpu.memory_space<vmem>>, vector<1x16xf32>,
      %swap3A_148 = vector.shape_cast %swap3A_147 : vector<1x16xf32> to vector<16xf32>
      %swap3A_149 = vector.shape_cast %broadcast_in_dim3A_144 : vector<16xf32> to vector<1x16xf32>
      tpu.vector_store %arg11[%swap3A_145, %swap3A_146], %swap3A_149 {strides = array<i32>} : memref<64x128xf32, #tpu.memory_space<vmem>>, vector<1x16xf32>,
      %broadcast_in_dim3A_150 = arith.constant 0.000000e+00 : f32
      %broadcast_in_dim3A_151 = vector.broadcast %broadcast_in_dim3A_150 : f32 to vector<16xf32>
      %swap3A_152 = arith.index_cast %add3A_109 : i32 to index
      %swap3A_153 = arith.constant 96 : index
      %swap3A_154 = tpu.vector_load %arg11[%swap3A_152, %swap3A_153] {strides = array<i32>} : memref<64x128xf32, #tpu.memory_space<vmem>>, vector<1x16xf32>,
      %swap3A_155 = vector.shape_cast %swap3A_154 : vector<1x16xf32> to vector<16xf32>
      %swap3A_156 = vector.shape_cast %broadcast_in_dim3A_151 : vector<16xf32> to vector<1x16xf32>
      tpu.vector_store %arg11[%swap3A_152, %swap3A_153], %swap3A_156 {strides = array<i32>} : memref<64x128xf32, #tpu.memory_space<vmem>>, vector<1x16xf32>,
      %broadcast_in_dim3A_157 = arith.constant 0.000000e+00 : f32
      %broadcast_in_dim3A_158 = vector.broadcast %broadcast_in_dim3A_157 : f32 to vector<16xf32>
      %swap3A_159 = arith.index_cast %add3A_109 : i32 to index
      %swap3A_160 = arith.constant 112 : index
      %swap3A_161 = tpu.vector_load %arg11[%swap3A_159, %swap3A_160] {strides = array<i32>} : memref<64x128xf32, #tpu.memory_space<vmem>>, vector<1x16xf32>,
      %swap3A_162 = vector.shape_cast %swap3A_161 : vector<1x16xf32> to vector<16xf32>
      %swap3A_163 = vector.shape_cast %broadcast_in_dim3A_158 : vector<16xf32> to vector<1x16xf32>
      tpu.vector_store %arg11[%swap3A_159, %swap3A_160], %swap3A_163 {strides = array<i32>} : memref<64x128xf32, #tpu.memory_space<vmem>>, vector<1x16xf32>,
    }
    %scan3A_31 = arith.constant 64 : i32
    %mul3A_32 = arith.constant 632 : i32
    %mul3A_33 = arith.muli %arg1, %mul3A_32 : i32
    %add3A_34 = arith.constant 0 : i32
    %add3A_35 = arith.addi %mul3A_33, %add3A_34 : i32
    "tpu.region"() ({
      %run_scoped3A = tpu.sem_alloc : memref<!tpu.dma_semaphore, #tpu.memory_space<semaphore_mem>>
      %dma_start3A_105 = arith.constant 0 : i32
      %dma_start3A_106 = tpu.memref_slice %arg13[%add3A_35, %dma_start3A_105] : memref<10112x128xf32, #tpu.memory_space<vmem_shared>> -> memref<64x128xf32, #tpu.memory_space<vmem_shared>>
      %dma_start3A_107 = arith.constant 0 : i32
      %dma_start3A_108 = tpu.memref_slice %arg13[%add3A_35, %dma_start3A_107] : memref<10112x128xf32, #tpu.memory_space<vmem_shared>> -> memref<64x128xf32, #tpu.memory_space<vmem_shared>>
      tpu.enqueue_dma source(%arg11 : memref<64x128xf32, #tpu.memory_space<vmem>>) target(%dma_start3A_108 : memref<64x128xf32, #tpu.memory_space<vmem_shared>>) target_semaphore(%run_scoped3A : memref<!tpu.dma_semaphore, #tpu.memory_space<semaphore_mem>>)
      %dma_wait3A_109 = arith.constant 0 : i32
      %dma_wait3A_110 = tpu.memref_slice %arg13[%add3A_35, %dma_wait3A_109] : memref<10112x128xf32, #tpu.memory_space<vmem_shared>> -> memref<64x128xf32, #tpu.memory_space<vmem_shared>>
      %dma_wait3A_111 = arith.constant 0 : i32
      %dma_wait3A_112 = tpu.memref_slice %arg13[%add3A_35, %dma_wait3A_111] : memref<10112x128xf32, #tpu.memory_space<vmem_shared>> -> memref<64x128xf32, #tpu.memory_space<vmem_shared>>
      tpu.wait_dma2 semaphore(%run_scoped3A : memref<!tpu.dma_semaphore, #tpu.memory_space<semaphore_mem>>) src(%arg11 : memref<64x128xf32, #tpu.memory_space<vmem>>) dst(%dma_wait3A_112 : memref<64x128xf32, #tpu.memory_space<vmem_shared>>)
      tpu.yield
    }) : () -> ()
    %mul3A_36 = arith.constant 632 : i32
    %mul3A_37 = arith.muli %arg1, %mul3A_36 : i32
    %add3A_38 = arith.constant 64 : i32
    %add3A_39 = arith.addi %mul3A_37, %add3A_38 : i32
    "tpu.region"() ({
      %run_scoped3A = tpu.sem_alloc : memref<!tpu.dma_semaphore, #tpu.memory_space<semaphore_mem>>
      %dma_start3A_105 = arith.constant 0 : i32
      %dma_start3A_106 = tpu.memref_slice %arg13[%add3A_39, %dma_start3A_105] : memref<10112x128xf32, #tpu.memory_space<vmem_shared>> -> memref<64x128xf32, #tpu.memory_space<vmem_shared>>
      %dma_start3A_107 = arith.constant 0 : i32
      %dma_start3A_108 = tpu.memref_slice %arg13[%add3A_39, %dma_start3A_107] : memref<10112x128xf32, #tpu.memory_space<vmem_shared>> -> memref<64x128xf32, #tpu.memory_space<vmem_shared>>
      tpu.enqueue_dma source(%arg11 : memref<64x128xf32, #tpu.memory_space<vmem>>) target(%dma_start3A_108 : memref<64x128xf32, #tpu.memory_space<vmem_shared>>) target_semaphore(%run_scoped3A : memref<!tpu.dma_semaphore, #tpu.memory_space<semaphore_mem>>)
      %dma_wait3A_109 = arith.constant 0 : i32
      %dma_wait3A_110 = tpu.memref_slice %arg13[%add3A_39, %dma_wait3A_109] : memref<10112x128xf32, #tpu.memory_space<vmem_shared>> -> memref<64x128xf32, #tpu.memory_space<vmem_shared>>
      %dma_wait3A_111 = arith.constant 0 : i32
      %dma_wait3A_112 = tpu.memref_slice %arg13[%add3A_39, %dma_wait3A_111] : memref<10112x128xf32, #tpu.memory_space<vmem_shared>> -> memref<64x128xf32, #tpu.memory_space<vmem_shared>>
      tpu.wait_dma2 semaphore(%run_scoped3A : memref<!tpu.dma_semaphore, #tpu.memory_space<semaphore_mem>>) src(%arg11 : memref<64x128xf32, #tpu.memory_space<vmem>>) dst(%dma_wait3A_112 : memref<64x128xf32, #tpu.memory_space<vmem_shared>>)
      tpu.yield
    }) : () -> ()
    %mul3A_40 = arith.constant 632 : i32
    %mul3A_41 = arith.muli %arg1, %mul3A_40 : i32
    %add3A_42 = arith.constant 128 : i32
    %add3A_43 = arith.addi %mul3A_41, %add3A_42 : i32
    "tpu.region"() ({
      %run_scoped3A = tpu.sem_alloc : memref<!tpu.dma_semaphore, #tpu.memory_space<semaphore_mem>>
      %dma_start3A_105 = arith.constant 0 : i32
      %dma_start3A_106 = tpu.memref_slice %arg13[%add3A_43, %dma_start3A_105] : memref<10112x128xf32, #tpu.memory_space<vmem_shared>> -> memref<64x128xf32, #tpu.memory_space<vmem_shared>>
      %dma_start3A_107 = arith.constant 0 : i32
      %dma_start3A_108 = tpu.memref_slice %arg13[%add3A_43, %dma_start3A_107] : memref<10112x128xf32, #tpu.memory_space<vmem_shared>> -> memref<64x128xf32, #tpu.memory_space<vmem_shared>>
      tpu.enqueue_dma source(%arg11 : memref<64x128xf32, #tpu.memory_space<vmem>>) target(%dma_start3A_108 : memref<64x128xf32, #tpu.memory_space<vmem_shared>>) target_semaphore(%run_scoped3A : memref<!tpu.dma_semaphore, #tpu.memory_space<semaphore_mem>>)
      %dma_wait3A_109 = arith.constant 0 : i32
      %dma_wait3A_110 = tpu.memref_slice %arg13[%add3A_43, %dma_wait3A_109] : memref<10112x128xf32, #tpu.memory_space<vmem_shared>> -> memref<64x128xf32, #tpu.memory_space<vmem_shared>>
      %dma_wait3A_111 = arith.constant 0 : i32
      %dma_wait3A_112 = tpu.memref_slice %arg13[%add3A_43, %dma_wait3A_111] : memref<10112x128xf32, #tpu.memory_space<vmem_shared>> -> memref<64x128xf32, #tpu.memory_space<vmem_shared>>
      tpu.wait_dma2 semaphore(%run_scoped3A : memref<!tpu.dma_semaphore, #tpu.memory_space<semaphore_mem>>) src(%arg11 : memref<64x128xf32, #tpu.memory_space<vmem>>) dst(%dma_wait3A_112 : memref<64x128xf32, #tpu.memory_space<vmem_shared>>)
      tpu.yield
    }) : () -> ()
    %mul3A_44 = arith.constant 632 : i32
    %mul3A_45 = arith.muli %arg1, %mul3A_44 : i32
    %add3A_46 = arith.constant 192 : i32
    %add3A_47 = arith.addi %mul3A_45, %add3A_46 : i32
    "tpu.region"() ({
      %run_scoped3A = tpu.sem_alloc : memref<!tpu.dma_semaphore, #tpu.memory_space<semaphore_mem>>
      %dma_start3A_105 = arith.constant 0 : i32
      %dma_start3A_106 = tpu.memref_slice %arg13[%add3A_47, %dma_start3A_105] : memref<10112x128xf32, #tpu.memory_space<vmem_shared>> -> memref<64x128xf32, #tpu.memory_space<vmem_shared>>
      %dma_start3A_107 = arith.constant 0 : i32
      %dma_start3A_108 = tpu.memref_slice %arg13[%add3A_47, %dma_start3A_107] : memref<10112x128xf32, #tpu.memory_space<vmem_shared>> -> memref<64x128xf32, #tpu.memory_space<vmem_shared>>
      tpu.enqueue_dma source(%arg11 : memref<64x128xf32, #tpu.memory_space<vmem>>) target(%dma_start3A_108 : memref<64x128xf32, #tpu.memory_space<vmem_shared>>) target_semaphore(%run_scoped3A : memref<!tpu.dma_semaphore, #tpu.memory_space<semaphore_mem>>)
      %dma_wait3A_109 = arith.constant 0 : i32
      %dma_wait3A_110 = tpu.memref_slice %arg13[%add3A_47, %dma_wait3A_109] : memref<10112x128xf32, #tpu.memory_space<vmem_shared>> -> memref<64x128xf32, #tpu.memory_space<vmem_shared>>
      %dma_wait3A_111 = arith.constant 0 : i32
      %dma_wait3A_112 = tpu.memref_slice %arg13[%add3A_47, %dma_wait3A_111] : memref<10112x128xf32, #tpu.memory_space<vmem_shared>> -> memref<64x128xf32, #tpu.memory_space<vmem_shared>>
      tpu.wait_dma2 semaphore(%run_scoped3A : memref<!tpu.dma_semaphore, #tpu.memory_space<semaphore_mem>>) src(%arg11 : memref<64x128xf32, #tpu.memory_space<vmem>>) dst(%dma_wait3A_112 : memref<64x128xf32, #tpu.memory_space<vmem_shared>>)
      tpu.yield
    }) : () -> ()
    %mul3A_48 = arith.constant 632 : i32
    %mul3A_49 = arith.muli %arg1, %mul3A_48 : i32
    %add3A_50 = arith.constant 256 : i32
    %add3A_51 = arith.addi %mul3A_49, %add3A_50 : i32
    "tpu.region"() ({
      %run_scoped3A = tpu.sem_alloc : memref<!tpu.dma_semaphore, #tpu.memory_space<semaphore_mem>>
      %dma_start3A_105 = arith.constant 0 : i32
      %dma_start3A_106 = tpu.memref_slice %arg13[%add3A_51, %dma_start3A_105] : memref<10112x128xf32, #tpu.memory_space<vmem_shared>> -> memref<64x128xf32, #tpu.memory_space<vmem_shared>>
      %dma_start3A_107 = arith.constant 0 : i32
      %dma_start3A_108 = tpu.memref_slice %arg13[%add3A_51, %dma_start3A_107] : memref<10112x128xf32, #tpu.memory_space<vmem_shared>> -> memref<64x128xf32, #tpu.memory_space<vmem_shared>>
      tpu.enqueue_dma source(%arg11 : memref<64x128xf32, #tpu.memory_space<vmem>>) target(%dma_start3A_108 : memref<64x128xf32, #tpu.memory_space<vmem_shared>>) target_semaphore(%run_scoped3A : memref<!tpu.dma_semaphore, #tpu.memory_space<semaphore_mem>>)
      %dma_wait3A_109 = arith.constant 0 : i32
      %dma_wait3A_110 = tpu.memref_slice %arg13[%add3A_51, %dma_wait3A_109] : memref<10112x128xf32, #tpu.memory_space<vmem_shared>> -> memref<64x128xf32, #tpu.memory_space<vmem_shared>>
      %dma_wait3A_111 = arith.constant 0 : i32
      %dma_wait3A_112 = tpu.memref_slice %arg13[%add3A_51, %dma_wait3A_111] : memref<10112x128xf32, #tpu.memory_space<vmem_shared>> -> memref<64x128xf32, #tpu.memory_space<vmem_shared>>
      tpu.wait_dma2 semaphore(%run_scoped3A : memref<!tpu.dma_semaphore, #tpu.memory_space<semaphore_mem>>) src(%arg11 : memref<64x128xf32, #tpu.memory_space<vmem>>) dst(%dma_wait3A_112 : memref<64x128xf32, #tpu.memory_space<vmem_shared>>)
      tpu.yield
    }) : () -> ()
    %mul3A_52 = arith.constant 632 : i32
    %mul3A_53 = arith.muli %arg1, %mul3A_52 : i32
    %add3A_54 = arith.constant 320 : i32
    %add3A_55 = arith.addi %mul3A_53, %add3A_54 : i32
    "tpu.region"() ({
      %run_scoped3A = tpu.sem_alloc : memref<!tpu.dma_semaphore, #tpu.memory_space<semaphore_mem>>
      %dma_start3A_105 = arith.constant 0 : i32
      %dma_start3A_106 = tpu.memref_slice %arg13[%add3A_55, %dma_start3A_105] : memref<10112x128xf32, #tpu.memory_space<vmem_shared>> -> memref<64x128xf32, #tpu.memory_space<vmem_shared>>
      %dma_start3A_107 = arith.constant 0 : i32
      %dma_start3A_108 = tpu.memref_slice %arg13[%add3A_55, %dma_start3A_107] : memref<10112x128xf32, #tpu.memory_space<vmem_shared>> -> memref<64x128xf32, #tpu.memory_space<vmem_shared>>
      tpu.enqueue_dma source(%arg11 : memref<64x128xf32, #tpu.memory_space<vmem>>) target(%dma_start3A_108 : memref<64x128xf32, #tpu.memory_space<vmem_shared>>) target_semaphore(%run_scoped3A : memref<!tpu.dma_semaphore, #tpu.memory_space<semaphore_mem>>)
      %dma_wait3A_109 = arith.constant 0 : i32
      %dma_wait3A_110 = tpu.memref_slice %arg13[%add3A_55, %dma_wait3A_109] : memref<10112x128xf32, #tpu.memory_space<vmem_shared>> -> memref<64x128xf32, #tpu.memory_space<vmem_shared>>
      %dma_wait3A_111 = arith.constant 0 : i32
      %dma_wait3A_112 = tpu.memref_slice %arg13[%add3A_55, %dma_wait3A_111] : memref<10112x128xf32, #tpu.memory_space<vmem_shared>> -> memref<64x128xf32, #tpu.memory_space<vmem_shared>>
      tpu.wait_dma2 semaphore(%run_scoped3A : memref<!tpu.dma_semaphore, #tpu.memory_space<semaphore_mem>>) src(%arg11 : memref<64x128xf32, #tpu.memory_space<vmem>>) dst(%dma_wait3A_112 : memref<64x128xf32, #tpu.memory_space<vmem_shared>>)
      tpu.yield
    }) : () -> ()
    %mul3A_56 = arith.constant 632 : i32
    %mul3A_57 = arith.muli %arg1, %mul3A_56 : i32
    %add3A_58 = arith.constant 384 : i32
    %add3A_59 = arith.addi %mul3A_57, %add3A_58 : i32
    "tpu.region"() ({
      %run_scoped3A = tpu.sem_alloc : memref<!tpu.dma_semaphore, #tpu.memory_space<semaphore_mem>>
      %dma_start3A_105 = arith.constant 0 : i32
      %dma_start3A_106 = tpu.memref_slice %arg13[%add3A_59, %dma_start3A_105] : memref<10112x128xf32, #tpu.memory_space<vmem_shared>> -> memref<64x128xf32, #tpu.memory_space<vmem_shared>>
      %dma_start3A_107 = arith.constant 0 : i32
      %dma_start3A_108 = tpu.memref_slice %arg13[%add3A_59, %dma_start3A_107] : memref<10112x128xf32, #tpu.memory_space<vmem_shared>> -> memref<64x128xf32, #tpu.memory_space<vmem_shared>>
      tpu.enqueue_dma source(%arg11 : memref<64x128xf32, #tpu.memory_space<vmem>>) target(%dma_start3A_108 : memref<64x128xf32, #tpu.memory_space<vmem_shared>>) target_semaphore(%run_scoped3A : memref<!tpu.dma_semaphore, #tpu.memory_space<semaphore_mem>>)
      %dma_wait3A_109 = arith.constant 0 : i32
      %dma_wait3A_110 = tpu.memref_slice %arg13[%add3A_59, %dma_wait3A_109] : memref<10112x128xf32, #tpu.memory_space<vmem_shared>> -> memref<64x128xf32, #tpu.memory_space<vmem_shared>>
      %dma_wait3A_111 = arith.constant 0 : i32
      %dma_wait3A_112 = tpu.memref_slice %arg13[%add3A_59, %dma_wait3A_111] : memref<10112x128xf32, #tpu.memory_space<vmem_shared>> -> memref<64x128xf32, #tpu.memory_space<vmem_shared>>
      tpu.wait_dma2 semaphore(%run_scoped3A : memref<!tpu.dma_semaphore, #tpu.memory_space<semaphore_mem>>) src(%arg11 : memref<64x128xf32, #tpu.memory_space<vmem>>) dst(%dma_wait3A_112 : memref<64x128xf32, #tpu.memory_space<vmem_shared>>)
      tpu.yield
    }) : () -> ()
    %mul3A_60 = arith.constant 632 : i32
    %mul3A_61 = arith.muli %arg1, %mul3A_60 : i32
    %add3A_62 = arith.constant 448 : i32
    %add3A_63 = arith.addi %mul3A_61, %add3A_62 : i32
    "tpu.region"() ({
      %run_scoped3A = tpu.sem_alloc : memref<!tpu.dma_semaphore, #tpu.memory_space<semaphore_mem>>
      %dma_start3A_105 = arith.constant 0 : i32
      %dma_start3A_106 = tpu.memref_slice %arg13[%add3A_63, %dma_start3A_105] : memref<10112x128xf32, #tpu.memory_space<vmem_shared>> -> memref<64x128xf32, #tpu.memory_space<vmem_shared>>
      %dma_start3A_107 = arith.constant 0 : i32
      %dma_start3A_108 = tpu.memref_slice %arg13[%add3A_63, %dma_start3A_107] : memref<10112x128xf32, #tpu.memory_space<vmem_shared>> -> memref<64x128xf32, #tpu.memory_space<vmem_shared>>
      tpu.enqueue_dma source(%arg11 : memref<64x128xf32, #tpu.memory_space<vmem>>) target(%dma_start3A_108 : memref<64x128xf32, #tpu.memory_space<vmem_shared>>) target_semaphore(%run_scoped3A : memref<!tpu.dma_semaphore, #tpu.memory_space<semaphore_mem>>)
      %dma_wait3A_109 = arith.constant 0 : i32
      %dma_wait3A_110 = tpu.memref_slice %arg13[%add3A_63, %dma_wait3A_109] : memref<10112x128xf32, #tpu.memory_space<vmem_shared>> -> memref<64x128xf32, #tpu.memory_space<vmem_shared>>
      %dma_wait3A_111 = arith.constant 0 : i32
      %dma_wait3A_112 = tpu.memref_slice %arg13[%add3A_63, %dma_wait3A_111] : memref<10112x128xf32, #tpu.memory_space<vmem_shared>> -> memref<64x128xf32, #tpu.memory_space<vmem_shared>>
      tpu.wait_dma2 semaphore(%run_scoped3A : memref<!tpu.dma_semaphore, #tpu.memory_space<semaphore_mem>>) src(%arg11 : memref<64x128xf32, #tpu.memory_space<vmem>>) dst(%dma_wait3A_112 : memref<64x128xf32, #tpu.memory_space<vmem_shared>>)
      tpu.yield
    }) : () -> ()
    %mul3A_64 = arith.constant 632 : i32
    %mul3A_65 = arith.muli %arg1, %mul3A_64 : i32
    %add3A_66 = arith.constant 512 : i32
    %add3A_67 = arith.addi %mul3A_65, %add3A_66 : i32
    "tpu.region"() ({
      %run_scoped3A = tpu.sem_alloc : memref<!tpu.dma_semaphore, #tpu.memory_space<semaphore_mem>>
      %dma_start3A_105 = arith.constant 0 : i32
      %dma_start3A_106 = tpu.memref_slice %arg13[%add3A_67, %dma_start3A_105] : memref<10112x128xf32, #tpu.memory_space<vmem_shared>> -> memref<64x128xf32, #tpu.memory_space<vmem_shared>>
      %dma_start3A_107 = arith.constant 0 : i32
      %dma_start3A_108 = tpu.memref_slice %arg13[%add3A_67, %dma_start3A_107] : memref<10112x128xf32, #tpu.memory_space<vmem_shared>> -> memref<64x128xf32, #tpu.memory_space<vmem_shared>>
      tpu.enqueue_dma source(%arg11 : memref<64x128xf32, #tpu.memory_space<vmem>>) target(%dma_start3A_108 : memref<64x128xf32, #tpu.memory_space<vmem_shared>>) target_semaphore(%run_scoped3A : memref<!tpu.dma_semaphore, #tpu.memory_space<semaphore_mem>>)
      %dma_wait3A_109 = arith.constant 0 : i32
      %dma_wait3A_110 = tpu.memref_slice %arg13[%add3A_67, %dma_wait3A_109] : memref<10112x128xf32, #tpu.memory_space<vmem_shared>> -> memref<64x128xf32, #tpu.memory_space<vmem_shared>>
      %dma_wait3A_111 = arith.constant 0 : i32
      %dma_wait3A_112 = tpu.memref_slice %arg13[%add3A_67, %dma_wait3A_111] : memref<10112x128xf32, #tpu.memory_space<vmem_shared>> -> memref<64x128xf32, #tpu.memory_space<vmem_shared>>
      tpu.wait_dma2 semaphore(%run_scoped3A : memref<!tpu.dma_semaphore, #tpu.memory_space<semaphore_mem>>) src(%arg11 : memref<64x128xf32, #tpu.memory_space<vmem>>) dst(%dma_wait3A_112 : memref<64x128xf32, #tpu.memory_space<vmem_shared>>)
      tpu.yield
    }) : () -> ()
    %mul3A_68 = arith.constant 632 : i32
    %mul3A_69 = arith.muli %arg1, %mul3A_68 : i32
    %add3A_70 = arith.constant 576 : i32
    %add3A_71 = arith.addi %mul3A_69, %add3A_70 : i32
    "tpu.region"() ({
      %run_scoped3A = tpu.sem_alloc : memref<!tpu.dma_semaphore, #tpu.memory_space<semaphore_mem>>
      %dma_start3A_105 = arith.constant 0 : i32
      %dma_start3A_106 = arith.constant 0 : i32
      %dma_start3A_107 = tpu.memref_slice %arg11[%dma_start3A_105, %dma_start3A_106] : memref<64x128xf32, #tpu.memory_space<vmem>> -> memref<56x128xf32, #tpu.memory_space<vmem>>
      %dma_start3A_108 = arith.constant 0 : i32
      %dma_start3A_109 = tpu.memref_slice %arg13[%add3A_71, %dma_start3A_108] : memref<10112x128xf32, #tpu.memory_space<vmem_shared>> -> memref<56x128xf32, #tpu.memory_space<vmem_shared>>
      %dma_start3A_110 = arith.constant 0 : i32
      %dma_start3A_111 = tpu.memref_slice %arg13[%add3A_71, %dma_start3A_110] : memref<10112x128xf32, #tpu.memory_space<vmem_shared>> -> memref<56x128xf32, #tpu.memory_space<vmem_shared>>
      %dma_start3A_112 = arith.constant 0 : i32
      %dma_start3A_113 = arith.constant 0 : i32
      %dma_start3A_114 = tpu.memref_slice %arg11[%dma_start3A_112, %dma_start3A_113] : memref<64x128xf32, #tpu.memory_space<vmem>> -> memref<56x128xf32, #tpu.memory_space<vmem>>
      tpu.enqueue_dma source(%dma_start3A_114 : memref<56x128xf32, #tpu.memory_space<vmem>>) target(%dma_start3A_111 : memref<56x128xf32, #tpu.memory_space<vmem_shared>>) target_semaphore(%run_scoped3A : memref<!tpu.dma_semaphore, #tpu.memory_space<semaphore_mem>>)
      %dma_wait3A_115 = arith.constant 0 : i32
      %dma_wait3A_116 = arith.constant 0 : i32
      %dma_wait3A_117 = tpu.memref_slice %arg11[%dma_wait3A_115, %dma_wait3A_116] : memref<64x128xf32, #tpu.memory_space<vmem>> -> memref<56x128xf32, #tpu.memory_space<vmem>>
      %dma_wait3A_118 = arith.constant 0 : i32
      %dma_wait3A_119 = tpu.memref_slice %arg13[%add3A_71, %dma_wait3A_118] : memref<10112x128xf32, #tpu.memory_space<vmem_shared>> -> memref<56x128xf32, #tpu.memory_space<vmem_shared>>
      %dma_wait3A_120 = arith.constant 0 : i32
      %dma_wait3A_121 = tpu.memref_slice %arg13[%add3A_71, %dma_wait3A_120] : memref<10112x128xf32, #tpu.memory_space<vmem_shared>> -> memref<56x128xf32, #tpu.memory_space<vmem_shared>>
      %dma_wait3A_122 = arith.constant 0 : i32
      %dma_wait3A_123 = arith.constant 0 : i32
      %dma_wait3A_124 = tpu.memref_slice %arg11[%dma_wait3A_122, %dma_wait3A_123] : memref<64x128xf32, #tpu.memory_space<vmem>> -> memref<56x128xf32, #tpu.memory_space<vmem>>
      tpu.wait_dma2 semaphore(%run_scoped3A : memref<!tpu.dma_semaphore, #tpu.memory_space<semaphore_mem>>) src(%dma_wait3A_124 : memref<56x128xf32, #tpu.memory_space<vmem>>) dst(%dma_wait3A_121 : memref<56x128xf32, #tpu.memory_space<vmem_shared>>)
      tpu.yield
    }) : () -> ()
    %barrier3A = arith.constant 0 : index
    tpu.barrier barrier_id(%barrier3A)
    %mul3A_72 = arith.constant 64 : i32
    %mul3A_73 = arith.muli %select_n3A_8, %mul3A_72 : i32
    %dma_start3A_74 = arith.constant 0 : i32
    %dma_start3A_75 = tpu.memref_slice %arg3[%mul3A_73, %dma_start3A_74] : memref<163840x128xf32, #tpu.memory_space<hbm>> -> memref<64x128xf32, #tpu.memory_space<hbm>>
    %dma_start3A_76 = arith.constant 0 : i32
    %dma_start3A_77 = tpu.memref_slice %arg3[%mul3A_73, %dma_start3A_76] : memref<163840x128xf32, #tpu.memory_space<hbm>> -> memref<64x128xf32, #tpu.memory_space<hbm>>
    tpu.enqueue_dma source(%dma_start3A_77 : memref<64x128xf32, #tpu.memory_space<hbm>>) target(%arg11 : memref<64x128xf32, #tpu.memory_space<vmem>>) target_semaphore(%arg14 : memref<!tpu.dma_semaphore, #tpu.memory_space<semaphore_mem>>)
    %sub3A = arith.constant 0 : i32
    %sub3A_78 = arith.subi %select_n3A, %sub3A : i32
    %sub3A_79 = arith.constant 2 : i32
    %sub3A_80 = arith.constant 1 : i32
    %sub3A_81 = arith.subi %sub3A_79, %sub3A_80 : i32
    %add3A_82 = arith.addi %sub3A_78, %sub3A_81 : i32
    %div3A = arith.constant 2 : i32
    %div3A_83 = arith.divsi %add3A_82, %div3A : i32
    %while3A = arith.constant 2 : i32
    %while3A_84 = arith.constant 0 : i32
    %while3A_85 = arith.constant 0 : i32
    %while3A_86 = arith.subi %div3A_83, %while3A_85 : i32
    %while3A_87 = arith.addi %while3A_85, %while3A_86 : i32
    %while3A_88 = arith.constant 1 : i32
    %while3A_89 = arith.divsi %while3A_86, %while3A_88 : i32
    %while3A_90 = arith.muli %while3A_89, %while3A_88 : i32
    %while3A_91 = arith.addi %while3A_85, %while3A_90 : i32
    %while3A_92 = arith.constant 1 : i32
    scf.for %while3A_105 = %while3A_85 to %while3A_91 step %while3A_92  : i32 {
      %mul3A_106 = arith.muli %while3A_105, %while3A : i32
      %add3A_107 = arith.addi %while3A_84, %mul3A_106 : i32
      %add3A_108 = arith.constant 0 : i32
      %add3A_109 = arith.addi %add3A_107, %add3A_108 : i32
      %gt3A = arith.constant 0 : i32
      %gt3A_110 = arith.cmpi sgt, %add3A_107, %gt3A : i32
      %convert_element_type3A = arith.extui %gt3A_110 : i1 to i32
      %cond3A = arith.constant 0 : i32
      %cond3A_111 = arith.cmpi ne, %convert_element_type3A, %cond3A : i32
      scf.if %cond3A_111 {
        %dma_wait3A_203 = arith.constant 1 : i32
        %dma_wait3A_204 = arith.constant 0 : i32
        %dma_wait3A_205 = tpu.memref_slice %arg8[%dma_wait3A_203, %dma_wait3A_204] : memref<2x64xi32, #tpu.memory_space<vmem>> -> memref<1x64xi32, #tpu.memory_space<vmem>>
        %dma_wait3A_206 = tpu.memref_squeeze %dma_wait3A_205 : memref<1x64xi32, #tpu.memory_space<vmem>> -> memref<64xi32, #tpu.memory_space<vmem>>
        %dma_wait3A_207 = arith.constant 0 : i32
        %dma_wait3A_208 = arith.constant 0 : i32
        %dma_wait3A_209 = tpu.memref_slice %arg13[%dma_wait3A_207, %dma_wait3A_208] : memref<10112x128xf32, #tpu.memory_space<vmem_shared>> -> memref<10112x128xf32, #tpu.memory_space<vmem_shared>>
        tpu.wait_indirect_dma semaphore(%arg19 : memref<!tpu.dma_semaphore, #tpu.memory_space<semaphore_mem>>) src(%arg12 : memref<64x128xf32, #tpu.memory_space<vmem>>) dst(%dma_wait3A_209 : memref<10112x128xf32, #tpu.memory_space<vmem_shared>>)
      } else {
      }
      %add3A_112 = arith.constant 1 : i32
      %add3A_113 = arith.addi %add3A_109, %add3A_112 : i32
      %lt3A = arith.cmpi slt, %add3A_113, %select_n3A : i32
      %convert_element_type3A_114 = arith.extui %lt3A : i1 to i32
      %cond3A_115 = arith.constant 0 : i32
      %cond3A_116 = arith.cmpi ne, %convert_element_type3A_114, %cond3A_115 : i32
      scf.if %cond3A_116 {
        %add3A_203 = arith.constant 1 : i32
        %add3A_204 = arith.addi %add3A_109, %add3A_203 : i32
        %add3A_205 = arith.addi %select_n3A_8, %add3A_204 : i32
        %mul3A_206 = arith.constant 64 : i32
        %mul3A_207 = arith.muli %add3A_205, %mul3A_206 : i32
        %dma_start3A_208 = arith.constant 0 : i32
        %dma_start3A_209 = tpu.memref_slice %arg3[%mul3A_207, %dma_start3A_208] : memref<163840x128xf32, #tpu.memory_space<hbm>> -> memref<64x128xf32, #tpu.memory_space<hbm>>
        %dma_start3A_210 = arith.constant 0 : i32
        %dma_start3A_211 = tpu.memref_slice %arg3[%mul3A_207, %dma_start3A_210] : memref<163840x128xf32, #tpu.memory_space<hbm>> -> memref<64x128xf32, #tpu.memory_space<hbm>>
        tpu.enqueue_dma source(%dma_start3A_211 : memref<64x128xf32, #tpu.memory_space<hbm>>) target(%arg12 : memref<64x128xf32, #tpu.memory_space<vmem>>) target_semaphore(%arg15 : memref<!tpu.dma_semaphore, #tpu.memory_space<semaphore_mem>>)
        %dma_start3A_212 = arith.constant 0 : i32
        %dma_start3A_213 = tpu.memref_slice %arg7[%add3A_204, %dma_start3A_212] : memref<112x64xi32, #tpu.memory_space<vmem>> -> memref<1x64xi32, #tpu.memory_space<vmem>>
        %dma_start3A_214 = tpu.memref_squeeze %dma_start3A_213 : memref<1x64xi32, #tpu.memory_space<vmem>> -> memref<64xi32, #tpu.memory_space<vmem>>
        %dma_start3A_215 = arith.constant 0 : i32
        %dma_start3A_216 = arith.constant 0 : i32
        %dma_start3A_217 = tpu.memref_slice %arg2[%dma_start3A_215, %dma_start3A_216] : memref<10000x128xf32, #tpu.memory_space<hbm>> -> memref<10000x128xf32, #tpu.memory_space<hbm>>
        tpu.enqueue_indirect_dma source(%dma_start3A_217 : memref<10000x128xf32, #tpu.memory_space<hbm>>) target(%arg10 : memref<64x128xf32, #tpu.memory_space<vmem>>) offsets(%dma_start3A_214 : memref<64xi32, #tpu.memory_space<vmem>>) semaphore(%arg17 : memref<!tpu.dma_semaphore, #tpu.memory_space<semaphore_mem>>)
        %add3A_218 = arith.addi %select_n3A_8, %add3A_204 : i32
        %dma_start3A_219 = arith.constant 1 : i32
        %dma_start3A_220 = arith.constant 0 : i32
        %dma_start3A_221 = tpu.memref_slice %arg8[%dma_start3A_219, %dma_start3A_220] : memref<2x64xi32, #tpu.memory_space<vmem>> -> memref<1x64xi32, #tpu.memory_space<vmem>>
        %dma_start3A_222 = tpu.memref_squeeze %dma_start3A_221 : memref<1x64xi32, #tpu.memory_space<vmem>> -> memref<64xi32, #tpu.memory_space<vmem>>
        %dma_start3A_223 = arith.constant 0 : i32
        %dma_start3A_224 = tpu.memref_slice %arg5[%add3A_218, %dma_start3A_223] : memref<2624x64xi32, #tpu.memory_space<hbm>> -> memref<1x64xi32, #tpu.memory_space<hbm>>
        %dma_start3A_225 = tpu.memref_squeeze %dma_start3A_224 : memref<1x64xi32, #tpu.memory_space<hbm>> -> memref<64xi32, #tpu.memory_space<hbm>>
        %dma_start3A_226 = arith.constant 0 : i32
        %dma_start3A_227 = tpu.memref_slice %arg8[%dma_start3A_219, %dma_start3A_226] : memref<2x64xi32, #tpu.memory_space<vmem>> -> memref<1x64xi32, #tpu.memory_space<vmem>>
        %dma_start3A_228 = tpu.memref_squeeze %dma_start3A_227 : memref<1x64xi32, #tpu.memory_space<vmem>> -> memref<64xi32, #tpu.memory_space<vmem>>
        %dma_start3A_229 = arith.constant 0 : i32
        %dma_start3A_230 = tpu.memref_slice %arg5[%add3A_218, %dma_start3A_229] : memref<2624x64xi32, #tpu.memory_space<hbm>> -> memref<1x64xi32, #tpu.memory_space<hbm>>
        %dma_start3A_231 = tpu.memref_squeeze %dma_start3A_230 : memref<1x64xi32, #tpu.memory_space<hbm>> -> memref<64xi32, #tpu.memory_space<hbm>>
        tpu.enqueue_dma source(%dma_start3A_231 : memref<64xi32, #tpu.memory_space<hbm>>) target(%dma_start3A_228 : memref<64xi32, #tpu.memory_space<vmem>>) target_semaphore(%arg21 : memref<!tpu.dma_semaphore, #tpu.memory_space<semaphore_mem>>)
      } else {
      }
      %dma_wait3A_117 = arith.constant 0 : i32
      %dma_wait3A_118 = arith.constant 0 : i32
      %dma_wait3A_119 = tpu.memref_slice %arg3[%dma_wait3A_117, %dma_wait3A_118] : memref<163840x128xf32, #tpu.memory_space<hbm>> -> memref<64x128xf32, #tpu.memory_space<hbm>>
      %dma_wait3A_120 = arith.constant 0 : i32
      %dma_wait3A_121 = arith.constant 0 : i32
      %dma_wait3A_122 = tpu.memref_slice %arg3[%dma_wait3A_120, %dma_wait3A_121] : memref<163840x128xf32, #tpu.memory_space<hbm>> -> memref<64x128xf32, #tpu.memory_space<hbm>>
      tpu.wait_dma2 semaphore(%arg14 : memref<!tpu.dma_semaphore, #tpu.memory_space<semaphore_mem>>) src(%dma_wait3A_122 : memref<64x128xf32, #tpu.memory_space<hbm>>) dst(%arg11 : memref<64x128xf32, #tpu.memory_space<vmem>>)
      %dma_wait3A_123 = arith.constant 0 : i32
      %dma_wait3A_124 = arith.constant 0 : i32
      %dma_wait3A_125 = tpu.memref_slice %arg2[%dma_wait3A_123, %dma_wait3A_124] : memref<10000x128xf32, #tpu.memory_space<hbm>> -> memref<64x128xf32, #tpu.memory_space<hbm>>
      %dma_wait3A_126 = arith.constant 0 : i32
      %dma_wait3A_127 = arith.constant 0 : i32
      %dma_wait3A_128 = tpu.memref_slice %arg2[%dma_wait3A_126, %dma_wait3A_127] : memref<10000x128xf32, #tpu.memory_space<hbm>> -> memref<64x128xf32, #tpu.memory_space<hbm>>
      tpu.wait_dma2 semaphore(%arg16 : memref<!tpu.dma_semaphore, #tpu.memory_space<semaphore_mem>>) src(%dma_wait3A_128 : memref<64x128xf32, #tpu.memory_space<hbm>>) dst(%arg9 : memref<64x128xf32, #tpu.memory_space<vmem>>)
      %dma_wait3A_129 = arith.constant 0 : i32
      %dma_wait3A_130 = arith.constant 0 : i32
      %dma_wait3A_131 = arith.constant 0 : i32
      %dma_wait3A_132 = tpu.memref_slice %arg8[%dma_wait3A_130, %dma_wait3A_131] : memref<2x64xi32, #tpu.memory_space<vmem>> -> memref<1x64xi32, #tpu.memory_space<vmem>>
      %dma_wait3A_133 = tpu.memref_squeeze %dma_wait3A_132 : memref<1x64xi32, #tpu.memory_space<vmem>> -> memref<64xi32, #tpu.memory_space<vmem>>
      %dma_wait3A_134 = arith.constant 0 : i32
      %dma_wait3A_135 = tpu.memref_slice %arg5[%dma_wait3A_129, %dma_wait3A_134] : memref<2624x64xi32, #tpu.memory_space<hbm>> -> memref<1x64xi32, #tpu.memory_space<hbm>>
      %dma_wait3A_136 = tpu.memref_squeeze %dma_wait3A_135 : memref<1x64xi32, #tpu.memory_space<hbm>> -> memref<64xi32, #tpu.memory_space<hbm>>
      %dma_wait3A_137 = arith.constant 0 : i32
      %dma_wait3A_138 = tpu.memref_slice %arg8[%dma_wait3A_130, %dma_wait3A_137] : memref<2x64xi32, #tpu.memory_space<vmem>> -> memref<1x64xi32, #tpu.memory_space<vmem>>
      %dma_wait3A_139 = tpu.memref_squeeze %dma_wait3A_138 : memref<1x64xi32, #tpu.memory_space<vmem>> -> memref<64xi32, #tpu.memory_space<vmem>>
      %dma_wait3A_140 = arith.constant 0 : i32
      %dma_wait3A_141 = tpu.memref_slice %arg5[%dma_wait3A_129, %dma_wait3A_140] : memref<2624x64xi32, #tpu.memory_space<hbm>> -> memref<1x64xi32, #tpu.memory_space<hbm>>
      %dma_wait3A_142 = tpu.memref_squeeze %dma_wait3A_141 : memref<1x64xi32, #tpu.memory_space<hbm>> -> memref<64xi32, #tpu.memory_space<hbm>>
      tpu.wait_dma2 semaphore(%arg20 : memref<!tpu.dma_semaphore, #tpu.memory_space<semaphore_mem>>) src(%dma_wait3A_142 : memref<64xi32, #tpu.memory_space<hbm>>) dst(%dma_wait3A_139 : memref<64xi32, #tpu.memory_space<vmem>>)
      %parallel_loop3A = arith.constant 0 : i32
      %parallel_loop3A_143 = arith.constant 512 : i32
      %parallel_loop3A_144 = arith.constant 1 : i32
      scf.for %parallel_loop3A_203 = %parallel_loop3A to %parallel_loop3A_143 step %parallel_loop3A_144  : i32 {
        %parallel_loop3A_204 = arith.constant 3 : i32
        %parallel_loop3A_205 = arith.shrsi %parallel_loop3A_203, %parallel_loop3A_204 : i32
        %parallel_loop3A_206 = arith.constant 7 : i32
        %parallel_loop3A_207 = arith.andi %parallel_loop3A_203, %parallel_loop3A_206 : i32
        %parallel_loop3A_208 = arith.constant 16 : i32
        %parallel_loop3A_209 = arith.muli %parallel_loop3A_207, %parallel_loop3A_208 : i32
        %parallel_loop3A_210 = arith.index_cast %parallel_loop3A_205 : i32 to index
        %parallel_loop3A_211 = arith.index_cast %parallel_loop3A_209 : i32 to index
        %parallel_loop3A_212 = tpu.vector_load %arg11[%parallel_loop3A_210, %parallel_loop3A_211] {strides = array<i32>} : memref<64x128xf32, #tpu.memory_space<vmem>>, vector<1x16xf32>,
        %parallel_loop3A_213 = vector.shape_cast %parallel_loop3A_212 : vector<1x16xf32> to vector<16xf32>
        %parallel_loop3A_214 = arith.index_cast %parallel_loop3A_205 : i32 to index
        %parallel_loop3A_215 = arith.index_cast %parallel_loop3A_209 : i32 to index
        %parallel_loop3A_216 = tpu.vector_load %arg9[%parallel_loop3A_214, %parallel_loop3A_215] {strides = array<i32>} : memref<64x128xf32, #tpu.memory_space<vmem>>, vector<1x16xf32>,
        %parallel_loop3A_217 = vector.shape_cast %parallel_loop3A_216 : vector<1x16xf32> to vector<16xf32>
        %parallel_loop3A_218 = arith.addf %parallel_loop3A_213, %parallel_loop3A_217 : vector<16xf32>
        %parallel_loop3A_219 = arith.constant 0.000000e+00 : f32
        %parallel_loop3A_220 = vector.broadcast %parallel_loop3A_219 : f32 to vector<16xf32>
        %parallel_loop3A_221 = arith.maximumf %parallel_loop3A_218, %parallel_loop3A_220 : vector<16xf32>
        %parallel_loop3A_222 = arith.index_cast %parallel_loop3A_205 : i32 to index
        %parallel_loop3A_223 = arith.index_cast %parallel_loop3A_209 : i32 to index
        %parallel_loop3A_224 = tpu.vector_load %arg11[%parallel_loop3A_222, %parallel_loop3A_223] {strides = array<i32>} : memref<64x128xf32, #tpu.memory_space<vmem>>, vector<1x16xf32>,
        %parallel_loop3A_225 = vector.shape_cast %parallel_loop3A_224 : vector<1x16xf32> to vector<16xf32>
        %parallel_loop3A_226 = vector.shape_cast %parallel_loop3A_221 : vector<16xf32> to vector<1x16xf32>
        tpu.vector_store %arg11[%parallel_loop3A_222, %parallel_loop3A_223], %parallel_loop3A_226 {strides = array<i32>} : memref<64x128xf32, #tpu.memory_space<vmem>>, vector<1x16xf32>,
      } {sc.loop_unroll_factor = 4 : i64, sc.parallel_access}
      %dma_start3A_145 = arith.constant 0 : i32
      %dma_start3A_146 = arith.constant 0 : i32
      %dma_start3A_147 = tpu.memref_slice %arg8[%dma_start3A_145, %dma_start3A_146] : memref<2x64xi32, #tpu.memory_space<vmem>> -> memref<1x64xi32, #tpu.memory_space<vmem>>
      %dma_start3A_148 = tpu.memref_squeeze %dma_start3A_147 : memref<1x64xi32, #tpu.memory_space<vmem>> -> memref<64xi32, #tpu.memory_space<vmem>>
      %dma_start3A_149 = arith.constant 0 : i32
      %dma_start3A_150 = arith.constant 0 : i32
      %dma_start3A_151 = tpu.memref_slice %arg13[%dma_start3A_149, %dma_start3A_150] : memref<10112x128xf32, #tpu.memory_space<vmem_shared>> -> memref<10112x128xf32, #tpu.memory_space<vmem_shared>>
      tpu.enqueue_indirect_dma source(%arg11 : memref<64x128xf32, #tpu.memory_space<vmem>>) target(%dma_start3A_151 : memref<10112x128xf32, #tpu.memory_space<vmem_shared>>) offsets(%dma_start3A_148 : memref<64xi32, #tpu.memory_space<vmem>>) semaphore(%arg18 : memref<!tpu.dma_semaphore, #tpu.memory_space<semaphore_mem>>) {add = true}
      %add3A_152 = arith.constant 1 : i32
      %add3A_153 = arith.addi %add3A_107, %add3A_152 : i32
      %dma_wait3A_154 = arith.constant 0 : i32
      %dma_wait3A_155 = arith.constant 0 : i32
      %dma_wait3A_156 = tpu.memref_slice %arg8[%dma_wait3A_154, %dma_wait3A_155] : memref<2x64xi32, #tpu.memory_space<vmem>> -> memref<1x64xi32, #tpu.memory_space<vmem>>
      %dma_wait3A_157 = tpu.memref_squeeze %dma_wait3A_156 : memref<1x64xi32, #tpu.memory_space<vmem>> -> memref<64xi32, #tpu.memory_space<vmem>>
      %dma_wait3A_158 = arith.constant 0 : i32
      %dma_wait3A_159 = arith.constant 0 : i32
      %dma_wait3A_160 = tpu.memref_slice %arg13[%dma_wait3A_158, %dma_wait3A_159] : memref<10112x128xf32, #tpu.memory_space<vmem_shared>> -> memref<10112x128xf32, #tpu.memory_space<vmem_shared>>
      tpu.wait_indirect_dma semaphore(%arg18 : memref<!tpu.dma_semaphore, #tpu.memory_space<semaphore_mem>>) src(%arg11 : memref<64x128xf32, #tpu.memory_space<vmem>>) dst(%dma_wait3A_160 : memref<10112x128xf32, #tpu.memory_space<vmem_shared>>)
      %add3A_161 = arith.constant 1 : i32
      %add3A_162 = arith.addi %add3A_153, %add3A_161 : i32
      %lt3A_163 = arith.cmpi slt, %add3A_162, %select_n3A : i32
      %convert_element_type3A_164 = arith.extui %lt3A_163 : i1 to i32
      %cond3A_165 = arith.constant 0 : i32
      %cond3A_166 = arith.cmpi ne, %convert_element_type3A_164, %cond3A_165 : i32
      scf.if %cond3A_166 {
        %add3A_203 = arith.constant 1 : i32
        %add3A_204 = arith.addi %add3A_153, %add3A_203 : i32
        %add3A_205 = arith.addi %select_n3A_8, %add3A_204 : i32
        %mul3A_206 = arith.constant 64 : i32
        %mul3A_207 = arith.muli %add3A_205, %mul3A_206 : i32
        %dma_start3A_208 = arith.constant 0 : i32
        %dma_start3A_209 = tpu.memref_slice %arg3[%mul3A_207, %dma_start3A_208] : memref<163840x128xf32, #tpu.memory_space<hbm>> -> memref<64x128xf32, #tpu.memory_space<hbm>>
        %dma_start3A_210 = arith.constant 0 : i32
        %dma_start3A_211 = tpu.memref_slice %arg3[%mul3A_207, %dma_start3A_210] : memref<163840x128xf32, #tpu.memory_space<hbm>> -> memref<64x128xf32, #tpu.memory_space<hbm>>
        tpu.enqueue_dma source(%dma_start3A_211 : memref<64x128xf32, #tpu.memory_space<hbm>>) target(%arg11 : memref<64x128xf32, #tpu.memory_space<vmem>>) target_semaphore(%arg14 : memref<!tpu.dma_semaphore, #tpu.memory_space<semaphore_mem>>)
        %dma_start3A_212 = arith.constant 0 : i32
        %dma_start3A_213 = tpu.memref_slice %arg7[%add3A_204, %dma_start3A_212] : memref<112x64xi32, #tpu.memory_space<vmem>> -> memref<1x64xi32, #tpu.memory_space<vmem>>
        %dma_start3A_214 = tpu.memref_squeeze %dma_start3A_213 : memref<1x64xi32, #tpu.memory_space<vmem>> -> memref<64xi32, #tpu.memory_space<vmem>>
        %dma_start3A_215 = arith.constant 0 : i32
        %dma_start3A_216 = arith.constant 0 : i32
        %dma_start3A_217 = tpu.memref_slice %arg2[%dma_start3A_215, %dma_start3A_216] : memref<10000x128xf32, #tpu.memory_space<hbm>> -> memref<10000x128xf32, #tpu.memory_space<hbm>>
        tpu.enqueue_indirect_dma source(%dma_start3A_217 : memref<10000x128xf32, #tpu.memory_space<hbm>>) target(%arg9 : memref<64x128xf32, #tpu.memory_space<vmem>>) offsets(%dma_start3A_214 : memref<64xi32, #tpu.memory_space<vmem>>) semaphore(%arg16 : memref<!tpu.dma_semaphore, #tpu.memory_space<semaphore_mem>>)
        %add3A_218 = arith.addi %select_n3A_8, %add3A_204 : i32
        %dma_start3A_219 = arith.constant 0 : i32
        %dma_start3A_220 = arith.constant 0 : i32
        %dma_start3A_221 = tpu.memref_slice %arg8[%dma_start3A_219, %dma_start3A_220] : memref<2x64xi32, #tpu.memory_space<vmem>> -> memref<1x64xi32, #tpu.memory_space<vmem>>
        %dma_start3A_222 = tpu.memref_squeeze %dma_start3A_221 : memref<1x64xi32, #tpu.memory_space<vmem>> -> memref<64xi32, #tpu.memory_space<vmem>>
        %dma_start3A_223 = arith.constant 0 : i32
        %dma_start3A_224 = tpu.memref_slice %arg5[%add3A_218, %dma_start3A_223] : memref<2624x64xi32, #tpu.memory_space<hbm>> -> memref<1x64xi32, #tpu.memory_space<hbm>>
        %dma_start3A_225 = tpu.memref_squeeze %dma_start3A_224 : memref<1x64xi32, #tpu.memory_space<hbm>> -> memref<64xi32, #tpu.memory_space<hbm>>
        %dma_start3A_226 = arith.constant 0 : i32
        %dma_start3A_227 = tpu.memref_slice %arg8[%dma_start3A_219, %dma_start3A_226] : memref<2x64xi32, #tpu.memory_space<vmem>> -> memref<1x64xi32, #tpu.memory_space<vmem>>
        %dma_start3A_228 = tpu.memref_squeeze %dma_start3A_227 : memref<1x64xi32, #tpu.memory_space<vmem>> -> memref<64xi32, #tpu.memory_space<vmem>>
        %dma_start3A_229 = arith.constant 0 : i32
        %dma_start3A_230 = tpu.memref_slice %arg5[%add3A_218, %dma_start3A_229] : memref<2624x64xi32, #tpu.memory_space<hbm>> -> memref<1x64xi32, #tpu.memory_space<hbm>>
        %dma_start3A_231 = tpu.memref_squeeze %dma_start3A_230 : memref<1x64xi32, #tpu.memory_space<hbm>> -> memref<64xi32, #tpu.memory_space<hbm>>
        tpu.enqueue_dma source(%dma_start3A_231 : memref<64xi32, #tpu.memory_space<hbm>>) target(%dma_start3A_228 : memref<64xi32, #tpu.memory_space<vmem>>) target_semaphore(%arg20 : memref<!tpu.dma_semaphore, #tpu.memory_space<semaphore_mem>>)
      } else {
      }
      %dma_wait3A_167 = arith.constant 0 : i32
      %dma_wait3A_168 = arith.constant 0 : i32
      %dma_wait3A_169 = tpu.memref_slice %arg3[%dma_wait3A_167, %dma_wait3A_168] : memref<163840x128xf32, #tpu.memory_space<hbm>> -> memref<64x128xf32, #tpu.memory_space<hbm>>
      %dma_wait3A_170 = arith.constant 0 : i32
      %dma_wait3A_171 = arith.constant 0 : i32
      %dma_wait3A_172 = tpu.memref_slice %arg3[%dma_wait3A_170, %dma_wait3A_171] : memref<163840x128xf32, #tpu.memory_space<hbm>> -> memref<64x128xf32, #tpu.memory_space<hbm>>
      tpu.wait_dma2 semaphore(%arg15 : memref<!tpu.dma_semaphore, #tpu.memory_space<semaphore_mem>>) src(%dma_wait3A_172 : memref<64x128xf32, #tpu.memory_space<hbm>>) dst(%arg12 : memref<64x128xf32, #tpu.memory_space<vmem>>)
      %dma_wait3A_173 = arith.constant 0 : i32
      %dma_wait3A_174 = arith.constant 0 : i32
      %dma_wait3A_175 = tpu.memref_slice %arg2[%dma_wait3A_173, %dma_wait3A_174] : memref<10000x128xf32, #tpu.memory_space<hbm>> -> memref<64x128xf32, #tpu.memory_space<hbm>>
      %dma_wait3A_176 = arith.constant 0 : i32
      %dma_wait3A_177 = arith.constant 0 : i32
      %dma_wait3A_178 = tpu.memref_slice %arg2[%dma_wait3A_176, %dma_wait3A_177] : memref<10000x128xf32, #tpu.memory_space<hbm>> -> memref<64x128xf32, #tpu.memory_space<hbm>>
      tpu.wait_dma2 semaphore(%arg17 : memref<!tpu.dma_semaphore, #tpu.memory_space<semaphore_mem>>) src(%dma_wait3A_178 : memref<64x128xf32, #tpu.memory_space<hbm>>) dst(%arg10 : memref<64x128xf32, #tpu.memory_space<vmem>>)
      %dma_wait3A_179 = arith.constant 0 : i32
      %dma_wait3A_180 = arith.constant 1 : i32
      %dma_wait3A_181 = arith.constant 0 : i32
      %dma_wait3A_182 = tpu.memref_slice %arg8[%dma_wait3A_180, %dma_wait3A_181] : memref<2x64xi32, #tpu.memory_space<vmem>> -> memref<1x64xi32, #tpu.memory_space<vmem>>
      %dma_wait3A_183 = tpu.memref_squeeze %dma_wait3A_182 : memref<1x64xi32, #tpu.memory_space<vmem>> -> memref<64xi32, #tpu.memory_space<vmem>>
      %dma_wait3A_184 = arith.constant 0 : i32
      %dma_wait3A_185 = tpu.memref_slice %arg5[%dma_wait3A_179, %dma_wait3A_184] : memref<2624x64xi32, #tpu.memory_space<hbm>> -> memref<1x64xi32, #tpu.memory_space<hbm>>
      %dma_wait3A_186 = tpu.memref_squeeze %dma_wait3A_185 : memref<1x64xi32, #tpu.memory_space<hbm>> -> memref<64xi32, #tpu.memory_space<hbm>>
      %dma_wait3A_187 = arith.constant 0 : i32
      %dma_wait3A_188 = tpu.memref_slice %arg8[%dma_wait3A_180, %dma_wait3A_187] : memref<2x64xi32, #tpu.memory_space<vmem>> -> memref<1x64xi32, #tpu.memory_space<vmem>>
      %dma_wait3A_189 = tpu.memref_squeeze %dma_wait3A_188 : memref<1x64xi32, #tpu.memory_space<vmem>> -> memref<64xi32, #tpu.memory_space<vmem>>
      %dma_wait3A_190 = arith.constant 0 : i32
      %dma_wait3A_191 = tpu.memref_slice %arg5[%dma_wait3A_179, %dma_wait3A_190] : memref<2624x64xi32, #tpu.memory_space<hbm>> -> memref<1x64xi32, #tpu.memory_space<hbm>>
      %dma_wait3A_192 = tpu.memref_squeeze %dma_wait3A_191 : memref<1x64xi32, #tpu.memory_space<hbm>> -> memref<64xi32, #tpu.memory_space<hbm>>
      tpu.wait_dma2 semaphore(%arg21 : memref<!tpu.dma_semaphore, #tpu.memory_space<semaphore_mem>>) src(%dma_wait3A_192 : memref<64xi32, #tpu.memory_space<hbm>>) dst(%dma_wait3A_189 : memref<64xi32, #tpu.memory_space<vmem>>)
      %parallel_loop3A_193 = arith.constant 0 : i32
      %parallel_loop3A_194 = arith.constant 512 : i32
      %parallel_loop3A_195 = arith.constant 1 : i32
      scf.for %parallel_loop3A_203 = %parallel_loop3A_193 to %parallel_loop3A_194 step %parallel_loop3A_195  : i32 {
        %parallel_loop3A_204 = arith.constant 3 : i32
        %parallel_loop3A_205 = arith.shrsi %parallel_loop3A_203, %parallel_loop3A_204 : i32
        %parallel_loop3A_206 = arith.constant 7 : i32
        %parallel_loop3A_207 = arith.andi %parallel_loop3A_203, %parallel_loop3A_206 : i32
        %parallel_loop3A_208 = arith.constant 16 : i32
        %parallel_loop3A_209 = arith.muli %parallel_loop3A_207, %parallel_loop3A_208 : i32
        %parallel_loop3A_210 = arith.index_cast %parallel_loop3A_205 : i32 to index
        %parallel_loop3A_211 = arith.index_cast %parallel_loop3A_209 : i32 to index
        %parallel_loop3A_212 = tpu.vector_load %arg12[%parallel_loop3A_210, %parallel_loop3A_211] {strides = array<i32>} : memref<64x128xf32, #tpu.memory_space<vmem>>, vector<1x16xf32>,
        %parallel_loop3A_213 = vector.shape_cast %parallel_loop3A_212 : vector<1x16xf32> to vector<16xf32>
        %parallel_loop3A_214 = arith.index_cast %parallel_loop3A_205 : i32 to index
        %parallel_loop3A_215 = arith.index_cast %parallel_loop3A_209 : i32 to index
        %parallel_loop3A_216 = tpu.vector_load %arg10[%parallel_loop3A_214, %parallel_loop3A_215] {strides = array<i32>} : memref<64x128xf32, #tpu.memory_space<vmem>>, vector<1x16xf32>,
        %parallel_loop3A_217 = vector.shape_cast %parallel_loop3A_216 : vector<1x16xf32> to vector<16xf32>
        %parallel_loop3A_218 = arith.addf %parallel_loop3A_213, %parallel_loop3A_217 : vector<16xf32>
        %parallel_loop3A_219 = arith.constant 0.000000e+00 : f32
        %parallel_loop3A_220 = vector.broadcast %parallel_loop3A_219 : f32 to vector<16xf32>
        %parallel_loop3A_221 = arith.maximumf %parallel_loop3A_218, %parallel_loop3A_220 : vector<16xf32>
        %parallel_loop3A_222 = arith.index_cast %parallel_loop3A_205 : i32 to index
        %parallel_loop3A_223 = arith.index_cast %parallel_loop3A_209 : i32 to index
        %parallel_loop3A_224 = tpu.vector_load %arg12[%parallel_loop3A_222, %parallel_loop3A_223] {strides = array<i32>} : memref<64x128xf32, #tpu.memory_space<vmem>>, vector<1x16xf32>,
        %parallel_loop3A_225 = vector.shape_cast %parallel_loop3A_224 : vector<1x16xf32> to vector<16xf32>
        %parallel_loop3A_226 = vector.shape_cast %parallel_loop3A_221 : vector<16xf32> to vector<1x16xf32>
        tpu.vector_store %arg12[%parallel_loop3A_222, %parallel_loop3A_223], %parallel_loop3A_226 {strides = array<i32>} : memref<64x128xf32, #tpu.memory_space<vmem>>, vector<1x16xf32>,
      } {sc.loop_unroll_factor = 4 : i64, sc.parallel_access}
      %dma_start3A_196 = arith.constant 1 : i32
      %dma_start3A_197 = arith.constant 0 : i32
      %dma_start3A_198 = tpu.memref_slice %arg8[%dma_start3A_196, %dma_start3A_197] : memref<2x64xi32, #tpu.memory_space<vmem>> -> memref<1x64xi32, #tpu.memory_space<vmem>>
      %dma_start3A_199 = tpu.memref_squeeze %dma_start3A_198 : memref<1x64xi32, #tpu.memory_space<vmem>> -> memref<64xi32, #tpu.memory_space<vmem>>
      %dma_start3A_200 = arith.constant 0 : i32
      %dma_start3A_201 = arith.constant 0 : i32
      %dma_start3A_202 = tpu.memref_slice %arg13[%dma_start3A_200, %dma_start3A_201] : memref<10112x128xf32, #tpu.memory_space<vmem_shared>> -> memref<10112x128xf32, #tpu.memory_space<vmem_shared>>
      tpu.enqueue_indirect_dma source(%arg12 : memref<64x128xf32, #tpu.memory_space<vmem>>) target(%dma_start3A_202 : memref<10112x128xf32, #tpu.memory_space<vmem_shared>>) offsets(%dma_start3A_199 : memref<64xi32, #tpu.memory_space<vmem>>) semaphore(%arg19 : memref<!tpu.dma_semaphore, #tpu.memory_space<semaphore_mem>>) {add = true}
    }
    %while3A_93 = arith.constant 1 : i32
    scf.for %while3A_105 = %while3A_91 to %while3A_87 step %while3A_93  : i32 {
      %mul3A_106 = arith.muli %while3A_105, %while3A : i32
      %add3A_107 = arith.addi %while3A_84, %mul3A_106 : i32
      %add3A_108 = arith.constant 0 : i32
      %add3A_109 = arith.addi %add3A_107, %add3A_108 : i32
      %gt3A = arith.constant 0 : i32
      %gt3A_110 = arith.cmpi sgt, %add3A_107, %gt3A : i32
      %convert_element_type3A = arith.extui %gt3A_110 : i1 to i32
      %cond3A = arith.constant 0 : i32
      %cond3A_111 = arith.cmpi ne, %convert_element_type3A, %cond3A : i32
      scf.if %cond3A_111 {
        %dma_wait3A_203 = arith.constant 1 : i32
        %dma_wait3A_204 = arith.constant 0 : i32
        %dma_wait3A_205 = tpu.memref_slice %arg8[%dma_wait3A_203, %dma_wait3A_204] : memref<2x64xi32, #tpu.memory_space<vmem>> -> memref<1x64xi32, #tpu.memory_space<vmem>>
        %dma_wait3A_206 = tpu.memref_squeeze %dma_wait3A_205 : memref<1x64xi32, #tpu.memory_space<vmem>> -> memref<64xi32, #tpu.memory_space<vmem>>
        %dma_wait3A_207 = arith.constant 0 : i32
        %dma_wait3A_208 = arith.constant 0 : i32
        %dma_wait3A_209 = tpu.memref_slice %arg13[%dma_wait3A_207, %dma_wait3A_208] : memref<10112x128xf32, #tpu.memory_space<vmem_shared>> -> memref<10112x128xf32, #tpu.memory_space<vmem_shared>>
        tpu.wait_indirect_dma semaphore(%arg19 : memref<!tpu.dma_semaphore, #tpu.memory_space<semaphore_mem>>) src(%arg12 : memref<64x128xf32, #tpu.memory_space<vmem>>) dst(%dma_wait3A_209 : memref<10112x128xf32, #tpu.memory_space<vmem_shared>>)
      } else {
      }
      %add3A_112 = arith.constant 1 : i32
      %add3A_113 = arith.addi %add3A_109, %add3A_112 : i32
      %lt3A = arith.cmpi slt, %add3A_113, %select_n3A : i32
      %convert_element_type3A_114 = arith.extui %lt3A : i1 to i32
      %cond3A_115 = arith.constant 0 : i32
      %cond3A_116 = arith.cmpi ne, %convert_element_type3A_114, %cond3A_115 : i32
      scf.if %cond3A_116 {
        %add3A_203 = arith.constant 1 : i32
        %add3A_204 = arith.addi %add3A_109, %add3A_203 : i32
        %add3A_205 = arith.addi %select_n3A_8, %add3A_204 : i32
        %mul3A_206 = arith.constant 64 : i32
        %mul3A_207 = arith.muli %add3A_205, %mul3A_206 : i32
        %dma_start3A_208 = arith.constant 0 : i32
        %dma_start3A_209 = tpu.memref_slice %arg3[%mul3A_207, %dma_start3A_208] : memref<163840x128xf32, #tpu.memory_space<hbm>> -> memref<64x128xf32, #tpu.memory_space<hbm>>
        %dma_start3A_210 = arith.constant 0 : i32
        %dma_start3A_211 = tpu.memref_slice %arg3[%mul3A_207, %dma_start3A_210] : memref<163840x128xf32, #tpu.memory_space<hbm>> -> memref<64x128xf32, #tpu.memory_space<hbm>>
        tpu.enqueue_dma source(%dma_start3A_211 : memref<64x128xf32, #tpu.memory_space<hbm>>) target(%arg12 : memref<64x128xf32, #tpu.memory_space<vmem>>) target_semaphore(%arg15 : memref<!tpu.dma_semaphore, #tpu.memory_space<semaphore_mem>>)
        %dma_start3A_212 = arith.constant 0 : i32
        %dma_start3A_213 = tpu.memref_slice %arg7[%add3A_204, %dma_start3A_212] : memref<112x64xi32, #tpu.memory_space<vmem>> -> memref<1x64xi32, #tpu.memory_space<vmem>>
        %dma_start3A_214 = tpu.memref_squeeze %dma_start3A_213 : memref<1x64xi32, #tpu.memory_space<vmem>> -> memref<64xi32, #tpu.memory_space<vmem>>
        %dma_start3A_215 = arith.constant 0 : i32
        %dma_start3A_216 = arith.constant 0 : i32
        %dma_start3A_217 = tpu.memref_slice %arg2[%dma_start3A_215, %dma_start3A_216] : memref<10000x128xf32, #tpu.memory_space<hbm>> -> memref<10000x128xf32, #tpu.memory_space<hbm>>
        tpu.enqueue_indirect_dma source(%dma_start3A_217 : memref<10000x128xf32, #tpu.memory_space<hbm>>) target(%arg10 : memref<64x128xf32, #tpu.memory_space<vmem>>) offsets(%dma_start3A_214 : memref<64xi32, #tpu.memory_space<vmem>>) semaphore(%arg17 : memref<!tpu.dma_semaphore, #tpu.memory_space<semaphore_mem>>)
        %add3A_218 = arith.addi %select_n3A_8, %add3A_204 : i32
        %dma_start3A_219 = arith.constant 1 : i32
        %dma_start3A_220 = arith.constant 0 : i32
        %dma_start3A_221 = tpu.memref_slice %arg8[%dma_start3A_219, %dma_start3A_220] : memref<2x64xi32, #tpu.memory_space<vmem>> -> memref<1x64xi32, #tpu.memory_space<vmem>>
        %dma_start3A_222 = tpu.memref_squeeze %dma_start3A_221 : memref<1x64xi32, #tpu.memory_space<vmem>> -> memref<64xi32, #tpu.memory_space<vmem>>
        %dma_start3A_223 = arith.constant 0 : i32
        %dma_start3A_224 = tpu.memref_slice %arg5[%add3A_218, %dma_start3A_223] : memref<2624x64xi32, #tpu.memory_space<hbm>> -> memref<1x64xi32, #tpu.memory_space<hbm>>
        %dma_start3A_225 = tpu.memref_squeeze %dma_start3A_224 : memref<1x64xi32, #tpu.memory_space<hbm>> -> memref<64xi32, #tpu.memory_space<hbm>>
        %dma_start3A_226 = arith.constant 0 : i32
        %dma_start3A_227 = tpu.memref_slice %arg8[%dma_start3A_219, %dma_start3A_226] : memref<2x64xi32, #tpu.memory_space<vmem>> -> memref<1x64xi32, #tpu.memory_space<vmem>>
        %dma_start3A_228 = tpu.memref_squeeze %dma_start3A_227 : memref<1x64xi32, #tpu.memory_space<vmem>> -> memref<64xi32, #tpu.memory_space<vmem>>
        %dma_start3A_229 = arith.constant 0 : i32
        %dma_start3A_230 = tpu.memref_slice %arg5[%add3A_218, %dma_start3A_229] : memref<2624x64xi32, #tpu.memory_space<hbm>> -> memref<1x64xi32, #tpu.memory_space<hbm>>
        %dma_start3A_231 = tpu.memref_squeeze %dma_start3A_230 : memref<1x64xi32, #tpu.memory_space<hbm>> -> memref<64xi32, #tpu.memory_space<hbm>>
        tpu.enqueue_dma source(%dma_start3A_231 : memref<64xi32, #tpu.memory_space<hbm>>) target(%dma_start3A_228 : memref<64xi32, #tpu.memory_space<vmem>>) target_semaphore(%arg21 : memref<!tpu.dma_semaphore, #tpu.memory_space<semaphore_mem>>)
      } else {
      }
      %dma_wait3A_117 = arith.constant 0 : i32
      %dma_wait3A_118 = arith.constant 0 : i32
      %dma_wait3A_119 = tpu.memref_slice %arg3[%dma_wait3A_117, %dma_wait3A_118] : memref<163840x128xf32, #tpu.memory_space<hbm>> -> memref<64x128xf32, #tpu.memory_space<hbm>>
      %dma_wait3A_120 = arith.constant 0 : i32
      %dma_wait3A_121 = arith.constant 0 : i32
      %dma_wait3A_122 = tpu.memref_slice %arg3[%dma_wait3A_120, %dma_wait3A_121] : memref<163840x128xf32, #tpu.memory_space<hbm>> -> memref<64x128xf32, #tpu.memory_space<hbm>>
      tpu.wait_dma2 semaphore(%arg14 : memref<!tpu.dma_semaphore, #tpu.memory_space<semaphore_mem>>) src(%dma_wait3A_122 : memref<64x128xf32, #tpu.memory_space<hbm>>) dst(%arg11 : memref<64x128xf32, #tpu.memory_space<vmem>>)
      %dma_wait3A_123 = arith.constant 0 : i32
      %dma_wait3A_124 = arith.constant 0 : i32
      %dma_wait3A_125 = tpu.memref_slice %arg2[%dma_wait3A_123, %dma_wait3A_124] : memref<10000x128xf32, #tpu.memory_space<hbm>> -> memref<64x128xf32, #tpu.memory_space<hbm>>
      %dma_wait3A_126 = arith.constant 0 : i32
      %dma_wait3A_127 = arith.constant 0 : i32
      %dma_wait3A_128 = tpu.memref_slice %arg2[%dma_wait3A_126, %dma_wait3A_127] : memref<10000x128xf32, #tpu.memory_space<hbm>> -> memref<64x128xf32, #tpu.memory_space<hbm>>
      tpu.wait_dma2 semaphore(%arg16 : memref<!tpu.dma_semaphore, #tpu.memory_space<semaphore_mem>>) src(%dma_wait3A_128 : memref<64x128xf32, #tpu.memory_space<hbm>>) dst(%arg9 : memref<64x128xf32, #tpu.memory_space<vmem>>)
      %dma_wait3A_129 = arith.constant 0 : i32
      %dma_wait3A_130 = arith.constant 0 : i32
      %dma_wait3A_131 = arith.constant 0 : i32
      %dma_wait3A_132 = tpu.memref_slice %arg8[%dma_wait3A_130, %dma_wait3A_131] : memref<2x64xi32, #tpu.memory_space<vmem>> -> memref<1x64xi32, #tpu.memory_space<vmem>>
      %dma_wait3A_133 = tpu.memref_squeeze %dma_wait3A_132 : memref<1x64xi32, #tpu.memory_space<vmem>> -> memref<64xi32, #tpu.memory_space<vmem>>
      %dma_wait3A_134 = arith.constant 0 : i32
      %dma_wait3A_135 = tpu.memref_slice %arg5[%dma_wait3A_129, %dma_wait3A_134] : memref<2624x64xi32, #tpu.memory_space<hbm>> -> memref<1x64xi32, #tpu.memory_space<hbm>>
      %dma_wait3A_136 = tpu.memref_squeeze %dma_wait3A_135 : memref<1x64xi32, #tpu.memory_space<hbm>> -> memref<64xi32, #tpu.memory_space<hbm>>
      %dma_wait3A_137 = arith.constant 0 : i32
      %dma_wait3A_138 = tpu.memref_slice %arg8[%dma_wait3A_130, %dma_wait3A_137] : memref<2x64xi32, #tpu.memory_space<vmem>> -> memref<1x64xi32, #tpu.memory_space<vmem>>
      %dma_wait3A_139 = tpu.memref_squeeze %dma_wait3A_138 : memref<1x64xi32, #tpu.memory_space<vmem>> -> memref<64xi32, #tpu.memory_space<vmem>>
      %dma_wait3A_140 = arith.constant 0 : i32
      %dma_wait3A_141 = tpu.memref_slice %arg5[%dma_wait3A_129, %dma_wait3A_140] : memref<2624x64xi32, #tpu.memory_space<hbm>> -> memref<1x64xi32, #tpu.memory_space<hbm>>
      %dma_wait3A_142 = tpu.memref_squeeze %dma_wait3A_141 : memref<1x64xi32, #tpu.memory_space<hbm>> -> memref<64xi32, #tpu.memory_space<hbm>>
      tpu.wait_dma2 semaphore(%arg20 : memref<!tpu.dma_semaphore, #tpu.memory_space<semaphore_mem>>) src(%dma_wait3A_142 : memref<64xi32, #tpu.memory_space<hbm>>) dst(%dma_wait3A_139 : memref<64xi32, #tpu.memory_space<vmem>>)
      %parallel_loop3A = arith.constant 0 : i32
      %parallel_loop3A_143 = arith.constant 512 : i32
      %parallel_loop3A_144 = arith.constant 1 : i32
      scf.for %parallel_loop3A_203 = %parallel_loop3A to %parallel_loop3A_143 step %parallel_loop3A_144  : i32 {
        %parallel_loop3A_204 = arith.constant 3 : i32
        %parallel_loop3A_205 = arith.shrsi %parallel_loop3A_203, %parallel_loop3A_204 : i32
        %parallel_loop3A_206 = arith.constant 7 : i32
        %parallel_loop3A_207 = arith.andi %parallel_loop3A_203, %parallel_loop3A_206 : i32
        %parallel_loop3A_208 = arith.constant 16 : i32
        %parallel_loop3A_209 = arith.muli %parallel_loop3A_207, %parallel_loop3A_208 : i32
        %parallel_loop3A_210 = arith.index_cast %parallel_loop3A_205 : i32 to index
        %parallel_loop3A_211 = arith.index_cast %parallel_loop3A_209 : i32 to index
        %parallel_loop3A_212 = tpu.vector_load %arg11[%parallel_loop3A_210, %parallel_loop3A_211] {strides = array<i32>} : memref<64x128xf32, #tpu.memory_space<vmem>>, vector<1x16xf32>,
        %parallel_loop3A_213 = vector.shape_cast %parallel_loop3A_212 : vector<1x16xf32> to vector<16xf32>
        %parallel_loop3A_214 = arith.index_cast %parallel_loop3A_205 : i32 to index
        %parallel_loop3A_215 = arith.index_cast %parallel_loop3A_209 : i32 to index
        %parallel_loop3A_216 = tpu.vector_load %arg9[%parallel_loop3A_214, %parallel_loop3A_215] {strides = array<i32>} : memref<64x128xf32, #tpu.memory_space<vmem>>, vector<1x16xf32>,
        %parallel_loop3A_217 = vector.shape_cast %parallel_loop3A_216 : vector<1x16xf32> to vector<16xf32>
        %parallel_loop3A_218 = arith.addf %parallel_loop3A_213, %parallel_loop3A_217 : vector<16xf32>
        %parallel_loop3A_219 = arith.constant 0.000000e+00 : f32
        %parallel_loop3A_220 = vector.broadcast %parallel_loop3A_219 : f32 to vector<16xf32>
        %parallel_loop3A_221 = arith.maximumf %parallel_loop3A_218, %parallel_loop3A_220 : vector<16xf32>
        %parallel_loop3A_222 = arith.index_cast %parallel_loop3A_205 : i32 to index
        %parallel_loop3A_223 = arith.index_cast %parallel_loop3A_209 : i32 to index
        %parallel_loop3A_224 = tpu.vector_load %arg11[%parallel_loop3A_222, %parallel_loop3A_223] {strides = array<i32>} : memref<64x128xf32, #tpu.memory_space<vmem>>, vector<1x16xf32>,
        %parallel_loop3A_225 = vector.shape_cast %parallel_loop3A_224 : vector<1x16xf32> to vector<16xf32>
        %parallel_loop3A_226 = vector.shape_cast %parallel_loop3A_221 : vector<16xf32> to vector<1x16xf32>
        tpu.vector_store %arg11[%parallel_loop3A_222, %parallel_loop3A_223], %parallel_loop3A_226 {strides = array<i32>} : memref<64x128xf32, #tpu.memory_space<vmem>>, vector<1x16xf32>,
      } {sc.loop_unroll_factor = 4 : i64, sc.parallel_access}
      %dma_start3A_145 = arith.constant 0 : i32
      %dma_start3A_146 = arith.constant 0 : i32
      %dma_start3A_147 = tpu.memref_slice %arg8[%dma_start3A_145, %dma_start3A_146] : memref<2x64xi32, #tpu.memory_space<vmem>> -> memref<1x64xi32, #tpu.memory_space<vmem>>
      %dma_start3A_148 = tpu.memref_squeeze %dma_start3A_147 : memref<1x64xi32, #tpu.memory_space<vmem>> -> memref<64xi32, #tpu.memory_space<vmem>>
      %dma_start3A_149 = arith.constant 0 : i32
      %dma_start3A_150 = arith.constant 0 : i32
      %dma_start3A_151 = tpu.memref_slice %arg13[%dma_start3A_149, %dma_start3A_150] : memref<10112x128xf32, #tpu.memory_space<vmem_shared>> -> memref<10112x128xf32, #tpu.memory_space<vmem_shared>>
      tpu.enqueue_indirect_dma source(%arg11 : memref<64x128xf32, #tpu.memory_space<vmem>>) target(%dma_start3A_151 : memref<10112x128xf32, #tpu.memory_space<vmem_shared>>) offsets(%dma_start3A_148 : memref<64xi32, #tpu.memory_space<vmem>>) semaphore(%arg18 : memref<!tpu.dma_semaphore, #tpu.memory_space<semaphore_mem>>) {add = true}
      %add3A_152 = arith.constant 1 : i32
      %add3A_153 = arith.addi %add3A_107, %add3A_152 : i32
      %dma_wait3A_154 = arith.constant 0 : i32
      %dma_wait3A_155 = arith.constant 0 : i32
      %dma_wait3A_156 = tpu.memref_slice %arg8[%dma_wait3A_154, %dma_wait3A_155] : memref<2x64xi32, #tpu.memory_space<vmem>> -> memref<1x64xi32, #tpu.memory_space<vmem>>
      %dma_wait3A_157 = tpu.memref_squeeze %dma_wait3A_156 : memref<1x64xi32, #tpu.memory_space<vmem>> -> memref<64xi32, #tpu.memory_space<vmem>>
      %dma_wait3A_158 = arith.constant 0 : i32
      %dma_wait3A_159 = arith.constant 0 : i32
      %dma_wait3A_160 = tpu.memref_slice %arg13[%dma_wait3A_158, %dma_wait3A_159] : memref<10112x128xf32, #tpu.memory_space<vmem_shared>> -> memref<10112x128xf32, #tpu.memory_space<vmem_shared>>
      tpu.wait_indirect_dma semaphore(%arg18 : memref<!tpu.dma_semaphore, #tpu.memory_space<semaphore_mem>>) src(%arg11 : memref<64x128xf32, #tpu.memory_space<vmem>>) dst(%dma_wait3A_160 : memref<10112x128xf32, #tpu.memory_space<vmem_shared>>)
      %add3A_161 = arith.constant 1 : i32
      %add3A_162 = arith.addi %add3A_153, %add3A_161 : i32
      %lt3A_163 = arith.cmpi slt, %add3A_162, %select_n3A : i32
      %convert_element_type3A_164 = arith.extui %lt3A_163 : i1 to i32
      %cond3A_165 = arith.constant 0 : i32
      %cond3A_166 = arith.cmpi ne, %convert_element_type3A_164, %cond3A_165 : i32
      scf.if %cond3A_166 {
        %add3A_203 = arith.constant 1 : i32
        %add3A_204 = arith.addi %add3A_153, %add3A_203 : i32
        %add3A_205 = arith.addi %select_n3A_8, %add3A_204 : i32
        %mul3A_206 = arith.constant 64 : i32
        %mul3A_207 = arith.muli %add3A_205, %mul3A_206 : i32
        %dma_start3A_208 = arith.constant 0 : i32
        %dma_start3A_209 = tpu.memref_slice %arg3[%mul3A_207, %dma_start3A_208] : memref<163840x128xf32, #tpu.memory_space<hbm>> -> memref<64x128xf32, #tpu.memory_space<hbm>>
        %dma_start3A_210 = arith.constant 0 : i32
        %dma_start3A_211 = tpu.memref_slice %arg3[%mul3A_207, %dma_start3A_210] : memref<163840x128xf32, #tpu.memory_space<hbm>> -> memref<64x128xf32, #tpu.memory_space<hbm>>
        tpu.enqueue_dma source(%dma_start3A_211 : memref<64x128xf32, #tpu.memory_space<hbm>>) target(%arg11 : memref<64x128xf32, #tpu.memory_space<vmem>>) target_semaphore(%arg14 : memref<!tpu.dma_semaphore, #tpu.memory_space<semaphore_mem>>)
        %dma_start3A_212 = arith.constant 0 : i32
        %dma_start3A_213 = tpu.memref_slice %arg7[%add3A_204, %dma_start3A_212] : memref<112x64xi32, #tpu.memory_space<vmem>> -> memref<1x64xi32, #tpu.memory_space<vmem>>
        %dma_start3A_214 = tpu.memref_squeeze %dma_start3A_213 : memref<1x64xi32, #tpu.memory_space<vmem>> -> memref<64xi32, #tpu.memory_space<vmem>>
        %dma_start3A_215 = arith.constant 0 : i32
        %dma_start3A_216 = arith.constant 0 : i32
        %dma_start3A_217 = tpu.memref_slice %arg2[%dma_start3A_215, %dma_start3A_216] : memref<10000x128xf32, #tpu.memory_space<hbm>> -> memref<10000x128xf32, #tpu.memory_space<hbm>>
        tpu.enqueue_indirect_dma source(%dma_start3A_217 : memref<10000x128xf32, #tpu.memory_space<hbm>>) target(%arg9 : memref<64x128xf32, #tpu.memory_space<vmem>>) offsets(%dma_start3A_214 : memref<64xi32, #tpu.memory_space<vmem>>) semaphore(%arg16 : memref<!tpu.dma_semaphore, #tpu.memory_space<semaphore_mem>>)
        %add3A_218 = arith.addi %select_n3A_8, %add3A_204 : i32
        %dma_start3A_219 = arith.constant 0 : i32
        %dma_start3A_220 = arith.constant 0 : i32
        %dma_start3A_221 = tpu.memref_slice %arg8[%dma_start3A_219, %dma_start3A_220] : memref<2x64xi32, #tpu.memory_space<vmem>> -> memref<1x64xi32, #tpu.memory_space<vmem>>
        %dma_start3A_222 = tpu.memref_squeeze %dma_start3A_221 : memref<1x64xi32, #tpu.memory_space<vmem>> -> memref<64xi32, #tpu.memory_space<vmem>>
        %dma_start3A_223 = arith.constant 0 : i32
        %dma_start3A_224 = tpu.memref_slice %arg5[%add3A_218, %dma_start3A_223] : memref<2624x64xi32, #tpu.memory_space<hbm>> -> memref<1x64xi32, #tpu.memory_space<hbm>>
        %dma_start3A_225 = tpu.memref_squeeze %dma_start3A_224 : memref<1x64xi32, #tpu.memory_space<hbm>> -> memref<64xi32, #tpu.memory_space<hbm>>
        %dma_start3A_226 = arith.constant 0 : i32
        %dma_start3A_227 = tpu.memref_slice %arg8[%dma_start3A_219, %dma_start3A_226] : memref<2x64xi32, #tpu.memory_space<vmem>> -> memref<1x64xi32, #tpu.memory_space<vmem>>
        %dma_start3A_228 = tpu.memref_squeeze %dma_start3A_227 : memref<1x64xi32, #tpu.memory_space<vmem>> -> memref<64xi32, #tpu.memory_space<vmem>>
        %dma_start3A_229 = arith.constant 0 : i32
        %dma_start3A_230 = tpu.memref_slice %arg5[%add3A_218, %dma_start3A_229] : memref<2624x64xi32, #tpu.memory_space<hbm>> -> memref<1x64xi32, #tpu.memory_space<hbm>>
        %dma_start3A_231 = tpu.memref_squeeze %dma_start3A_230 : memref<1x64xi32, #tpu.memory_space<hbm>> -> memref<64xi32, #tpu.memory_space<hbm>>
        tpu.enqueue_dma source(%dma_start3A_231 : memref<64xi32, #tpu.memory_space<hbm>>) target(%dma_start3A_228 : memref<64xi32, #tpu.memory_space<vmem>>) target_semaphore(%arg20 : memref<!tpu.dma_semaphore, #tpu.memory_space<semaphore_mem>>)
      } else {
      }
      %dma_wait3A_167 = arith.constant 0 : i32
      %dma_wait3A_168 = arith.constant 0 : i32
      %dma_wait3A_169 = tpu.memref_slice %arg3[%dma_wait3A_167, %dma_wait3A_168] : memref<163840x128xf32, #tpu.memory_space<hbm>> -> memref<64x128xf32, #tpu.memory_space<hbm>>
      %dma_wait3A_170 = arith.constant 0 : i32
      %dma_wait3A_171 = arith.constant 0 : i32
      %dma_wait3A_172 = tpu.memref_slice %arg3[%dma_wait3A_170, %dma_wait3A_171] : memref<163840x128xf32, #tpu.memory_space<hbm>> -> memref<64x128xf32, #tpu.memory_space<hbm>>
      tpu.wait_dma2 semaphore(%arg15 : memref<!tpu.dma_semaphore, #tpu.memory_space<semaphore_mem>>) src(%dma_wait3A_172 : memref<64x128xf32, #tpu.memory_space<hbm>>) dst(%arg12 : memref<64x128xf32, #tpu.memory_space<vmem>>)
      %dma_wait3A_173 = arith.constant 0 : i32
      %dma_wait3A_174 = arith.constant 0 : i32
      %dma_wait3A_175 = tpu.memref_slice %arg2[%dma_wait3A_173, %dma_wait3A_174] : memref<10000x128xf32, #tpu.memory_space<hbm>> -> memref<64x128xf32, #tpu.memory_space<hbm>>
      %dma_wait3A_176 = arith.constant 0 : i32
      %dma_wait3A_177 = arith.constant 0 : i32
      %dma_wait3A_178 = tpu.memref_slice %arg2[%dma_wait3A_176, %dma_wait3A_177] : memref<10000x128xf32, #tpu.memory_space<hbm>> -> memref<64x128xf32, #tpu.memory_space<hbm>>
      tpu.wait_dma2 semaphore(%arg17 : memref<!tpu.dma_semaphore, #tpu.memory_space<semaphore_mem>>) src(%dma_wait3A_178 : memref<64x128xf32, #tpu.memory_space<hbm>>) dst(%arg10 : memref<64x128xf32, #tpu.memory_space<vmem>>)
      %dma_wait3A_179 = arith.constant 0 : i32
      %dma_wait3A_180 = arith.constant 1 : i32
      %dma_wait3A_181 = arith.constant 0 : i32
      %dma_wait3A_182 = tpu.memref_slice %arg8[%dma_wait3A_180, %dma_wait3A_181] : memref<2x64xi32, #tpu.memory_space<vmem>> -> memref<1x64xi32, #tpu.memory_space<vmem>>
      %dma_wait3A_183 = tpu.memref_squeeze %dma_wait3A_182 : memref<1x64xi32, #tpu.memory_space<vmem>> -> memref<64xi32, #tpu.memory_space<vmem>>
      %dma_wait3A_184 = arith.constant 0 : i32
      %dma_wait3A_185 = tpu.memref_slice %arg5[%dma_wait3A_179, %dma_wait3A_184] : memref<2624x64xi32, #tpu.memory_space<hbm>> -> memref<1x64xi32, #tpu.memory_space<hbm>>
      %dma_wait3A_186 = tpu.memref_squeeze %dma_wait3A_185 : memref<1x64xi32, #tpu.memory_space<hbm>> -> memref<64xi32, #tpu.memory_space<hbm>>
      %dma_wait3A_187 = arith.constant 0 : i32
      %dma_wait3A_188 = tpu.memref_slice %arg8[%dma_wait3A_180, %dma_wait3A_187] : memref<2x64xi32, #tpu.memory_space<vmem>> -> memref<1x64xi32, #tpu.memory_space<vmem>>
      %dma_wait3A_189 = tpu.memref_squeeze %dma_wait3A_188 : memref<1x64xi32, #tpu.memory_space<vmem>> -> memref<64xi32, #tpu.memory_space<vmem>>
      %dma_wait3A_190 = arith.constant 0 : i32
      %dma_wait3A_191 = tpu.memref_slice %arg5[%dma_wait3A_179, %dma_wait3A_190] : memref<2624x64xi32, #tpu.memory_space<hbm>> -> memref<1x64xi32, #tpu.memory_space<hbm>>
      %dma_wait3A_192 = tpu.memref_squeeze %dma_wait3A_191 : memref<1x64xi32, #tpu.memory_space<hbm>> -> memref<64xi32, #tpu.memory_space<hbm>>
      tpu.wait_dma2 semaphore(%arg21 : memref<!tpu.dma_semaphore, #tpu.memory_space<semaphore_mem>>) src(%dma_wait3A_192 : memref<64xi32, #tpu.memory_space<hbm>>) dst(%dma_wait3A_189 : memref<64xi32, #tpu.memory_space<vmem>>)
      %parallel_loop3A_193 = arith.constant 0 : i32
      %parallel_loop3A_194 = arith.constant 512 : i32
      %parallel_loop3A_195 = arith.constant 1 : i32
      scf.for %parallel_loop3A_203 = %parallel_loop3A_193 to %parallel_loop3A_194 step %parallel_loop3A_195  : i32 {
        %parallel_loop3A_204 = arith.constant 3 : i32
        %parallel_loop3A_205 = arith.shrsi %parallel_loop3A_203, %parallel_loop3A_204 : i32
        %parallel_loop3A_206 = arith.constant 7 : i32
        %parallel_loop3A_207 = arith.andi %parallel_loop3A_203, %parallel_loop3A_206 : i32
        %parallel_loop3A_208 = arith.constant 16 : i32
        %parallel_loop3A_209 = arith.muli %parallel_loop3A_207, %parallel_loop3A_208 : i32
        %parallel_loop3A_210 = arith.index_cast %parallel_loop3A_205 : i32 to index
        %parallel_loop3A_211 = arith.index_cast %parallel_loop3A_209 : i32 to index
        %parallel_loop3A_212 = tpu.vector_load %arg12[%parallel_loop3A_210, %parallel_loop3A_211] {strides = array<i32>} : memref<64x128xf32, #tpu.memory_space<vmem>>, vector<1x16xf32>,
        %parallel_loop3A_213 = vector.shape_cast %parallel_loop3A_212 : vector<1x16xf32> to vector<16xf32>
        %parallel_loop3A_214 = arith.index_cast %parallel_loop3A_205 : i32 to index
        %parallel_loop3A_215 = arith.index_cast %parallel_loop3A_209 : i32 to index
        %parallel_loop3A_216 = tpu.vector_load %arg10[%parallel_loop3A_214, %parallel_loop3A_215] {strides = array<i32>} : memref<64x128xf32, #tpu.memory_space<vmem>>, vector<1x16xf32>,
        %parallel_loop3A_217 = vector.shape_cast %parallel_loop3A_216 : vector<1x16xf32> to vector<16xf32>
        %parallel_loop3A_218 = arith.addf %parallel_loop3A_213, %parallel_loop3A_217 : vector<16xf32>
        %parallel_loop3A_219 = arith.constant 0.000000e+00 : f32
        %parallel_loop3A_220 = vector.broadcast %parallel_loop3A_219 : f32 to vector<16xf32>
        %parallel_loop3A_221 = arith.maximumf %parallel_loop3A_218, %parallel_loop3A_220 : vector<16xf32>
        %parallel_loop3A_222 = arith.index_cast %parallel_loop3A_205 : i32 to index
        %parallel_loop3A_223 = arith.index_cast %parallel_loop3A_209 : i32 to index
        %parallel_loop3A_224 = tpu.vector_load %arg12[%parallel_loop3A_222, %parallel_loop3A_223] {strides = array<i32>} : memref<64x128xf32, #tpu.memory_space<vmem>>, vector<1x16xf32>,
        %parallel_loop3A_225 = vector.shape_cast %parallel_loop3A_224 : vector<1x16xf32> to vector<16xf32>
        %parallel_loop3A_226 = vector.shape_cast %parallel_loop3A_221 : vector<16xf32> to vector<1x16xf32>
        tpu.vector_store %arg12[%parallel_loop3A_222, %parallel_loop3A_223], %parallel_loop3A_226 {strides = array<i32>} : memref<64x128xf32, #tpu.memory_space<vmem>>, vector<1x16xf32>,
      } {sc.loop_unroll_factor = 4 : i64, sc.parallel_access}
      %dma_start3A_196 = arith.constant 1 : i32
      %dma_start3A_197 = arith.constant 0 : i32
      %dma_start3A_198 = tpu.memref_slice %arg8[%dma_start3A_196, %dma_start3A_197] : memref<2x64xi32, #tpu.memory_space<vmem>> -> memref<1x64xi32, #tpu.memory_space<vmem>>
      %dma_start3A_199 = tpu.memref_squeeze %dma_start3A_198 : memref<1x64xi32, #tpu.memory_space<vmem>> -> memref<64xi32, #tpu.memory_space<vmem>>
      %dma_start3A_200 = arith.constant 0 : i32
      %dma_start3A_201 = arith.constant 0 : i32
      %dma_start3A_202 = tpu.memref_slice %arg13[%dma_start3A_200, %dma_start3A_201] : memref<10112x128xf32, #tpu.memory_space<vmem_shared>> -> memref<10112x128xf32, #tpu.memory_space<vmem_shared>>
      tpu.enqueue_indirect_dma source(%arg12 : memref<64x128xf32, #tpu.memory_space<vmem>>) target(%dma_start3A_202 : memref<10112x128xf32, #tpu.memory_space<vmem_shared>>) offsets(%dma_start3A_199 : memref<64xi32, #tpu.memory_space<vmem>>) semaphore(%arg19 : memref<!tpu.dma_semaphore, #tpu.memory_space<semaphore_mem>>) {add = true}
    }
    %dma_wait3A = arith.constant 1 : i32
    %dma_wait3A_94 = arith.constant 0 : i32
    %dma_wait3A_95 = tpu.memref_slice %arg8[%dma_wait3A, %dma_wait3A_94] : memref<2x64xi32, #tpu.memory_space<vmem>> -> memref<1x64xi32, #tpu.memory_space<vmem>>
    %dma_wait3A_96 = tpu.memref_squeeze %dma_wait3A_95 : memref<1x64xi32, #tpu.memory_space<vmem>> -> memref<64xi32, #tpu.memory_space<vmem>>
    %dma_wait3A_97 = arith.constant 0 : i32
    %dma_wait3A_98 = arith.constant 0 : i32
    %dma_wait3A_99 = tpu.memref_slice %arg13[%dma_wait3A_97, %dma_wait3A_98] : memref<10112x128xf32, #tpu.memory_space<vmem_shared>> -> memref<10112x128xf32, #tpu.memory_space<vmem_shared>>
    tpu.wait_indirect_dma semaphore(%arg19 : memref<!tpu.dma_semaphore, #tpu.memory_space<semaphore_mem>>) src(%arg12 : memref<64x128xf32, #tpu.memory_space<vmem>>) dst(%dma_wait3A_99 : memref<10112x128xf32, #tpu.memory_space<vmem_shared>>)
    %barrier3A_100 = arith.constant 0 : index
    tpu.barrier barrier_id(%barrier3A_100)
    %mul3A_101 = arith.constant 632 : i32
    %mul3A_102 = arith.muli %arg1, %mul3A_101 : i32
    %mul3A_103 = arith.constant 632 : i32
    %mul3A_104 = arith.muli %arg1, %mul3A_103 : i32
    "tpu.region"() ({
      %run_scoped3A = tpu.sem_alloc : memref<!tpu.dma_semaphore, #tpu.memory_space<semaphore_mem>>
      %dma_start3A_105 = arith.constant 0 : i32
      %dma_start3A_106 = tpu.memref_slice %arg6[%arg0, %mul3A_104, %dma_start3A_105] : memref<2x10112x128xf32, #tpu.memory_space<hbm>> -> memref<1x632x128xf32, #tpu.memory_space<hbm>>
      %dma_start3A_107 = tpu.memref_squeeze %dma_start3A_106 : memref<1x632x128xf32, #tpu.memory_space<hbm>> -> memref<632x128xf32, #tpu.memory_space<hbm>>
      %dma_start3A_108 = arith.constant 0 : i32
      %dma_start3A_109 = tpu.memref_slice %arg13[%mul3A_102, %dma_start3A_108] : memref<10112x128xf32, #tpu.memory_space<vmem_shared>> -> memref<632x128xf32, #tpu.memory_space<vmem_shared>>
      tpu.enqueue_dma source(%dma_start3A_109 : memref<632x128xf32, #tpu.memory_space<vmem_shared>>) target(%dma_start3A_107 : memref<632x128xf32, #tpu.memory_space<hbm>>) target_semaphore(%run_scoped3A : memref<!tpu.dma_semaphore, #tpu.memory_space<semaphore_mem>>)
      %dma_wait3A_110 = arith.constant 0 : i32
      %dma_wait3A_111 = tpu.memref_slice %arg6[%arg0, %mul3A_104, %dma_wait3A_110] : memref<2x10112x128xf32, #tpu.memory_space<hbm>> -> memref<1x632x128xf32, #tpu.memory_space<hbm>>
      %dma_wait3A_112 = tpu.memref_squeeze %dma_wait3A_111 : memref<1x632x128xf32, #tpu.memory_space<hbm>> -> memref<632x128xf32, #tpu.memory_space<hbm>>
      %dma_wait3A_113 = arith.constant 0 : i32
      %dma_wait3A_114 = tpu.memref_slice %arg13[%mul3A_102, %dma_wait3A_113] : memref<10112x128xf32, #tpu.memory_space<vmem_shared>> -> memref<632x128xf32, #tpu.memory_space<vmem_shared>>
      tpu.wait_dma2 semaphore(%run_scoped3A : memref<!tpu.dma_semaphore, #tpu.memory_space<semaphore_mem>>) src(%dma_wait3A_114 : memref<632x128xf32, #tpu.memory_space<vmem_shared>>) dst(%dma_wait3A_112 : memref<632x128xf32, #tpu.memory_space<hbm>>)
      tpu.yield
    }) : () -> ()
    return
  }
}

#map = affine_map<(d0, d1) -> (0, 0)>
#map1 = affine_map<(d0, d1) -> (0, 0, 0)>
module attributes {stable_mosaic.version = 14 : i64} {
  func.func @_sc_body(%arg0: i32, %arg1: i32, %arg2: memref<10000x128xf32, #tpu.memory_space<hbm>>, %arg3: memref<163840x128xf32, #tpu.memory_space<hbm>>, %arg4: memref<2624x64xi32, #tpu.memory_space<hbm>>, %arg5: memref<2624x64xi32, #tpu.memory_space<hbm>>, %arg6: memref<2x10112x128xf32, #tpu.memory_space<hbm>>, %arg7: memref<112x64xi32, #tpu.memory_space<vmem>>, %arg8: memref<2x64xi32, #tpu.memory_space<vmem>>, %arg9: memref<64x128xf32, #tpu.memory_space<vmem>>, %arg10: memref<64x128xf32, #tpu.memory_space<vmem>>, %arg11: memref<64x128xf32, #tpu.memory_space<vmem>>, %arg12: memref<64x128xf32, #tpu.memory_space<vmem>>, %arg13: memref<10112x128xf32, #tpu.memory_space<vmem_shared>>, %arg14: memref<!tpu.dma_semaphore, #tpu.memory_space<semaphore_mem>>, %arg15: memref<!tpu.dma_semaphore, #tpu.memory_space<semaphore_mem>>, %arg16: memref<!tpu.dma_semaphore, #tpu.memory_space<semaphore_mem>>, %arg17: memref<!tpu.dma_semaphore, #tpu.memory_space<semaphore_mem>>, %arg18: memref<!tpu.dma_semaphore, #tpu.memory_space<semaphore_mem>>, %arg19: memref<!tpu.dma_semaphore, #tpu.memory_space<semaphore_mem>>, %arg20: memref<!tpu.dma_semaphore, #tpu.memory_space<semaphore_mem>>, %arg21: memref<!tpu.dma_semaphore, #tpu.memory_space<semaphore_mem>>) attributes {dimension_semantics = [#tpu.dimension_semantics<core_parallel>, #tpu.dimension_semantics<subcore_parallel>], iteration_bounds = array<i64: 2, 16>, scalar_prefetch = 0 : i64, scratch_operands = 15 : i64, tpu.core_type = #tpu.core_type<sc_vector_subcore>, window_params = [{transform_indices = #map}, {transform_indices = #map}, {transform_indices = #map}, {transform_indices = #map}, {transform_indices = #map1}]} {
    %eq3A = arith.constant 0 : i32
    %eq3A_0 = arith.cmpi eq, %arg0, %eq3A : i32
    %jit3A = arith.constant 112 : i32
    %jit3A_1 = arith.constant 48 : i32
    %select_n3A = arith.select %eq3A_0, %jit3A, %jit3A_1 : i32
    %eq3A_2 = arith.constant 0 : i32
    %eq3A_3 = arith.cmpi eq, %arg0, %eq3A_2 : i32
    %mul3A = arith.constant 112 : i32
    %mul3A_4 = arith.muli %arg1, %mul3A : i32
    %mul3A_5 = arith.constant 48 : i32
    %mul3A_6 = arith.muli %arg1, %mul3A_5 : i32
    %add3A = arith.constant 1792 : i32
    %add3A_7 = arith.addi %add3A, %mul3A_6 : i32
    %select_n3A_8 = arith.select %eq3A_3, %mul3A_4, %add3A_7 : i32
    "tpu.region"() ({
      %run_scoped3A = tpu.sem_alloc : memref<!tpu.dma_semaphore, #tpu.memory_space<semaphore_mem>>
      %dma_start3A_105 = arith.constant 0 : i32
      %dma_start3A_106 = tpu.memref_slice %arg4[%select_n3A_8, %dma_start3A_105] : memref<2624x64xi32, #tpu.memory_space<hbm>> -> memref<112x64xi32, #tpu.memory_space<hbm>>
      %dma_start3A_107 = arith.constant 0 : i32
      %dma_start3A_108 = tpu.memref_slice %arg4[%select_n3A_8, %dma_start3A_107] : memref<2624x64xi32, #tpu.memory_space<hbm>> -> memref<112x64xi32, #tpu.memory_space<hbm>>
      tpu.enqueue_dma source(%dma_start3A_108 : memref<112x64xi32, #tpu.memory_space<hbm>>) target(%arg7 : memref<112x64xi32, #tpu.memory_space<vmem>>) target_semaphore(%run_scoped3A : memref<!tpu.dma_semaphore, #tpu.memory_space<semaphore_mem>>)
      %dma_wait3A_109 = arith.constant 0 : i32
      %dma_wait3A_110 = tpu.memref_slice %arg4[%select_n3A_8, %dma_wait3A_109] : memref<2624x64xi32, #tpu.memory_space<hbm>> -> memref<112x64xi32, #tpu.memory_space<hbm>>
      %dma_wait3A_111 = arith.constant 0 : i32
      %dma_wait3A_112 = tpu.memref_slice %arg4[%select_n3A_8, %dma_wait3A_111] : memref<2624x64xi32, #tpu.memory_space<hbm>> -> memref<112x64xi32, #tpu.memory_space<hbm>>
      tpu.wait_dma2 semaphore(%run_scoped3A : memref<!tpu.dma_semaphore, #tpu.memory_space<semaphore_mem>>) src(%dma_wait3A_112 : memref<112x64xi32, #tpu.memory_space<hbm>>) dst(%arg7 : memref<112x64xi32, #tpu.memory_space<vmem>>)
      tpu.yield
    }) : () -> ()
    %dma_start3A = arith.constant 0 : i32
    %dma_start3A_9 = arith.constant 0 : i32
    %dma_start3A_10 = tpu.memref_slice %arg7[%dma_start3A, %dma_start3A_9] : memref<112x64xi32, #tpu.memory_space<vmem>> -> memref<1x64xi32, #tpu.memory_space<vmem>>
    %dma_start3A_11 = tpu.memref_squeeze %dma_start3A_10 : memref<1x64xi32, #tpu.memory_space<vmem>> -> memref<64xi32, #tpu.memory_space<vmem>>
    %dma_start3A_12 = arith.constant 0 : i32
    %dma_start3A_13 = arith.constant 0 : i32
    %dma_start3A_14 = tpu.memref_slice %arg2[%dma_start3A_12, %dma_start3A_13] : memref<10000x128xf32, #tpu.memory_space<hbm>> -> memref<10000x128xf32, #tpu.memory_space<hbm>>
    tpu.enqueue_indirect_dma source(%dma_start3A_14 : memref<10000x128xf32, #tpu.memory_space<hbm>>) target(%arg9 : memref<64x128xf32, #tpu.memory_space<vmem>>) offsets(%dma_start3A_11 : memref<64xi32, #tpu.memory_space<vmem>>) semaphore(%arg16 : memref<!tpu.dma_semaphore, #tpu.memory_space<semaphore_mem>>)
    %dma_start3A_15 = arith.constant 0 : i32
    %dma_start3A_16 = arith.constant 0 : i32
    %dma_start3A_17 = tpu.memref_slice %arg8[%dma_start3A_15, %dma_start3A_16] : memref<2x64xi32, #tpu.memory_space<vmem>> -> memref<1x64xi32, #tpu.memory_space<vmem>>
    %dma_start3A_18 = tpu.memref_squeeze %dma_start3A_17 : memref<1x64xi32, #tpu.memory_space<vmem>> -> memref<64xi32, #tpu.memory_space<vmem>>
    %dma_start3A_19 = arith.constant 0 : i32
    %dma_start3A_20 = tpu.memref_slice %arg5[%select_n3A_8, %dma_start3A_19] : memref<2624x64xi32, #tpu.memory_space<hbm>> -> memref<1x64xi32, #tpu.memory_space<hbm>>
    %dma_start3A_21 = tpu.memref_squeeze %dma_start3A_20 : memref<1x64xi32, #tpu.memory_space<hbm>> -> memref<64xi32, #tpu.memory_space<hbm>>
    %dma_start3A_22 = arith.constant 0 : i32
    %dma_start3A_23 = tpu.memref_slice %arg8[%dma_start3A_15, %dma_start3A_22] : memref<2x64xi32, #tpu.memory_space<vmem>> -> memref<1x64xi32, #tpu.memory_space<vmem>>
    %dma_start3A_24 = tpu.memref_squeeze %dma_start3A_23 : memref<1x64xi32, #tpu.memory_space<vmem>> -> memref<64xi32, #tpu.memory_space<vmem>>
    %dma_start3A_25 = arith.constant 0 : i32
    %dma_start3A_26 = tpu.memref_slice %arg5[%select_n3A_8, %dma_start3A_25] : memref<2624x64xi32, #tpu.memory_space<hbm>> -> memref<1x64xi32, #tpu.memory_space<hbm>>
    %dma_start3A_27 = tpu.memref_squeeze %dma_start3A_26 : memref<1x64xi32, #tpu.memory_space<hbm>> -> memref<64xi32, #tpu.memory_space<hbm>>
    tpu.enqueue_dma source(%dma_start3A_27 : memref<64xi32, #tpu.memory_space<hbm>>) target(%dma_start3A_24 : memref<64xi32, #tpu.memory_space<vmem>>) target_semaphore(%arg20 : memref<!tpu.dma_semaphore, #tpu.memory_space<semaphore_mem>>)
    %scan3A = arith.constant 0 : i32
    %scan3A_28 = arith.constant 64 : i32
    %scan3A_29 = arith.addi %scan3A, %scan3A_28 : i32
    %scan3A_30 = arith.constant 1 : i32
    scf.for %scan3A_105 = %scan3A to %scan3A_29 step %scan3A_30  : i32 {
      %mul3A_106 = arith.constant 1 : i32
      %mul3A_107 = arith.muli %scan3A_105, %mul3A_106 : i32
      %add3A_108 = arith.constant 0 : i32
      %add3A_109 = arith.addi %add3A_108, %mul3A_107 : i32
      %broadcast_in_dim3A = arith.constant 0.000000e+00 : f32
      %broadcast_in_dim3A_110 = vector.broadcast %broadcast_in_dim3A : f32 to vector<16xf32>
      %swap3A = arith.index_cast %add3A_109 : i32 to index
      %swap3A_111 = arith.constant 0 : index
      %swap3A_112 = tpu.vector_load %arg11[%swap3A, %swap3A_111] {strides = array<i32>} : memref<64x128xf32, #tpu.memory_space<vmem>>, vector<1x16xf32>,
      %swap3A_113 = vector.shape_cast %swap3A_112 : vector<1x16xf32> to vector<16xf32>
      %swap3A_114 = vector.shape_cast %broadcast_in_dim3A_110 : vector<16xf32> to vector<1x16xf32>
      tpu.vector_store %arg11[%swap3A, %swap3A_111], %swap3A_114 {strides = array<i32>} : memref<64x128xf32, #tpu.memory_space<vmem>>, vector<1x16xf32>,
      %broadcast_in_dim3A_115 = arith.constant 0.000000e+00 : f32
      %broadcast_in_dim3A_116 = vector.broadcast %broadcast_in_dim3A_115 : f32 to vector<16xf32>
      %swap3A_117 = arith.index_cast %add3A_109 : i32 to index
      %swap3A_118 = arith.constant 16 : index
      %swap3A_119 = tpu.vector_load %arg11[%swap3A_117, %swap3A_118] {strides = array<i32>} : memref<64x128xf32, #tpu.memory_space<vmem>>, vector<1x16xf32>,
      %swap3A_120 = vector.shape_cast %swap3A_119 : vector<1x16xf32> to vector<16xf32>
      %swap3A_121 = vector.shape_cast %broadcast_in_dim3A_116 : vector<16xf32> to vector<1x16xf32>
      tpu.vector_store %arg11[%swap3A_117, %swap3A_118], %swap3A_121 {strides = array<i32>} : memref<64x128xf32, #tpu.memory_space<vmem>>, vector<1x16xf32>,
      %broadcast_in_dim3A_122 = arith.constant 0.000000e+00 : f32
      %broadcast_in_dim3A_123 = vector.broadcast %broadcast_in_dim3A_122 : f32 to vector<16xf32>
      %swap3A_124 = arith.index_cast %add3A_109 : i32 to index
      %swap3A_125 = arith.constant 32 : index
      %swap3A_126 = tpu.vector_load %arg11[%swap3A_124, %swap3A_125] {strides = array<i32>} : memref<64x128xf32, #tpu.memory_space<vmem>>, vector<1x16xf32>,
      %swap3A_127 = vector.shape_cast %swap3A_126 : vector<1x16xf32> to vector<16xf32>
      %swap3A_128 = vector.shape_cast %broadcast_in_dim3A_123 : vector<16xf32> to vector<1x16xf32>
      tpu.vector_store %arg11[%swap3A_124, %swap3A_125], %swap3A_128 {strides = array<i32>} : memref<64x128xf32, #tpu.memory_space<vmem>>, vector<1x16xf32>,
      %broadcast_in_dim3A_129 = arith.constant 0.000000e+00 : f32
      %broadcast_in_dim3A_130 = vector.broadcast %broadcast_in_dim3A_129 : f32 to vector<16xf32>
      %swap3A_131 = arith.index_cast %add3A_109 : i32 to index
      %swap3A_132 = arith.constant 48 : index
      %swap3A_133 = tpu.vector_load %arg11[%swap3A_131, %swap3A_132] {strides = array<i32>} : memref<64x128xf32, #tpu.memory_space<vmem>>, vector<1x16xf32>,
      %swap3A_134 = vector.shape_cast %swap3A_133 : vector<1x16xf32> to vector<16xf32>
      %swap3A_135 = vector.shape_cast %broadcast_in_dim3A_130 : vector<16xf32> to vector<1x16xf32>
      tpu.vector_store %arg11[%swap3A_131, %swap3A_132], %swap3A_135 {strides = array<i32>} : memref<64x128xf32, #tpu.memory_space<vmem>>, vector<1x16xf32>,
      %broadcast_in_dim3A_136 = arith.constant 0.000000e+00 : f32
      %broadcast_in_dim3A_137 = vector.broadcast %broadcast_in_dim3A_136 : f32 to vector<16xf32>
      %swap3A_138 = arith.index_cast %add3A_109 : i32 to index
      %swap3A_139 = arith.constant 64 : index
      %swap3A_140 = tpu.vector_load %arg11[%swap3A_138, %swap3A_139] {strides = array<i32>} : memref<64x128xf32, #tpu.memory_space<vmem>>, vector<1x16xf32>,
      %swap3A_141 = vector.shape_cast %swap3A_140 : vector<1x16xf32> to vector<16xf32>
      %swap3A_142 = vector.shape_cast %broadcast_in_dim3A_137 : vector<16xf32> to vector<1x16xf32>
      tpu.vector_store %arg11[%swap3A_138, %swap3A_139], %swap3A_142 {strides = array<i32>} : memref<64x128xf32, #tpu.memory_space<vmem>>, vector<1x16xf32>,
      %broadcast_in_dim3A_143 = arith.constant 0.000000e+00 : f32
      %broadcast_in_dim3A_144 = vector.broadcast %broadcast_in_dim3A_143 : f32 to vector<16xf32>
      %swap3A_145 = arith.index_cast %add3A_109 : i32 to index
      %swap3A_146 = arith.constant 80 : index
      %swap3A_147 = tpu.vector_load %arg11[%swap3A_145, %swap3A_146] {strides = array<i32>} : memref<64x128xf32, #tpu.memory_space<vmem>>, vector<1x16xf32>,
      %swap3A_148 = vector.shape_cast %swap3A_147 : vector<1x16xf32> to vector<16xf32>
      %swap3A_149 = vector.shape_cast %broadcast_in_dim3A_144 : vector<16xf32> to vector<1x16xf32>
      tpu.vector_store %arg11[%swap3A_145, %swap3A_146], %swap3A_149 {strides = array<i32>} : memref<64x128xf32, #tpu.memory_space<vmem>>, vector<1x16xf32>,
      %broadcast_in_dim3A_150 = arith.constant 0.000000e+00 : f32
      %broadcast_in_dim3A_151 = vector.broadcast %broadcast_in_dim3A_150 : f32 to vector<16xf32>
      %swap3A_152 = arith.index_cast %add3A_109 : i32 to index
      %swap3A_153 = arith.constant 96 : index
      %swap3A_154 = tpu.vector_load %arg11[%swap3A_152, %swap3A_153] {strides = array<i32>} : memref<64x128xf32, #tpu.memory_space<vmem>>, vector<1x16xf32>,
      %swap3A_155 = vector.shape_cast %swap3A_154 : vector<1x16xf32> to vector<16xf32>
      %swap3A_156 = vector.shape_cast %broadcast_in_dim3A_151 : vector<16xf32> to vector<1x16xf32>
      tpu.vector_store %arg11[%swap3A_152, %swap3A_153], %swap3A_156 {strides = array<i32>} : memref<64x128xf32, #tpu.memory_space<vmem>>, vector<1x16xf32>,
      %broadcast_in_dim3A_157 = arith.constant 0.000000e+00 : f32
      %broadcast_in_dim3A_158 = vector.broadcast %broadcast_in_dim3A_157 : f32 to vector<16xf32>
      %swap3A_159 = arith.index_cast %add3A_109 : i32 to index
      %swap3A_160 = arith.constant 112 : index
      %swap3A_161 = tpu.vector_load %arg11[%swap3A_159, %swap3A_160] {strides = array<i32>} : memref<64x128xf32, #tpu.memory_space<vmem>>, vector<1x16xf32>,
      %swap3A_162 = vector.shape_cast %swap3A_161 : vector<1x16xf32> to vector<16xf32>
      %swap3A_163 = vector.shape_cast %broadcast_in_dim3A_158 : vector<16xf32> to vector<1x16xf32>
      tpu.vector_store %arg11[%swap3A_159, %swap3A_160], %swap3A_163 {strides = array<i32>} : memref<64x128xf32, #tpu.memory_space<vmem>>, vector<1x16xf32>,
    }
    %scan3A_31 = arith.constant 64 : i32
    %mul3A_32 = arith.constant 632 : i32
    %mul3A_33 = arith.muli %arg1, %mul3A_32 : i32
    %add3A_34 = arith.constant 0 : i32
    %add3A_35 = arith.addi %mul3A_33, %add3A_34 : i32
    "tpu.region"() ({
      %run_scoped3A = tpu.sem_alloc : memref<!tpu.dma_semaphore, #tpu.memory_space<semaphore_mem>>
      %dma_start3A_105 = arith.constant 0 : i32
      %dma_start3A_106 = tpu.memref_slice %arg13[%add3A_35, %dma_start3A_105] : memref<10112x128xf32, #tpu.memory_space<vmem_shared>> -> memref<64x128xf32, #tpu.memory_space<vmem_shared>>
      %dma_start3A_107 = arith.constant 0 : i32
      %dma_start3A_108 = tpu.memref_slice %arg13[%add3A_35, %dma_start3A_107] : memref<10112x128xf32, #tpu.memory_space<vmem_shared>> -> memref<64x128xf32, #tpu.memory_space<vmem_shared>>
      tpu.enqueue_dma source(%arg11 : memref<64x128xf32, #tpu.memory_space<vmem>>) target(%dma_start3A_108 : memref<64x128xf32, #tpu.memory_space<vmem_shared>>) target_semaphore(%run_scoped3A : memref<!tpu.dma_semaphore, #tpu.memory_space<semaphore_mem>>)
      %dma_wait3A_109 = arith.constant 0 : i32
      %dma_wait3A_110 = tpu.memref_slice %arg13[%add3A_35, %dma_wait3A_109] : memref<10112x128xf32, #tpu.memory_space<vmem_shared>> -> memref<64x128xf32, #tpu.memory_space<vmem_shared>>
      %dma_wait3A_111 = arith.constant 0 : i32
      %dma_wait3A_112 = tpu.memref_slice %arg13[%add3A_35, %dma_wait3A_111] : memref<10112x128xf32, #tpu.memory_space<vmem_shared>> -> memref<64x128xf32, #tpu.memory_space<vmem_shared>>
      tpu.wait_dma2 semaphore(%run_scoped3A : memref<!tpu.dma_semaphore, #tpu.memory_space<semaphore_mem>>) src(%arg11 : memref<64x128xf32, #tpu.memory_space<vmem>>) dst(%dma_wait3A_112 : memref<64x128xf32, #tpu.memory_space<vmem_shared>>)
      tpu.yield
    }) : () -> ()
    %mul3A_36 = arith.constant 632 : i32
    %mul3A_37 = arith.muli %arg1, %mul3A_36 : i32
    %add3A_38 = arith.constant 64 : i32
    %add3A_39 = arith.addi %mul3A_37, %add3A_38 : i32
    "tpu.region"() ({
      %run_scoped3A = tpu.sem_alloc : memref<!tpu.dma_semaphore, #tpu.memory_space<semaphore_mem>>
      %dma_start3A_105 = arith.constant 0 : i32
      %dma_start3A_106 = tpu.memref_slice %arg13[%add3A_39, %dma_start3A_105] : memref<10112x128xf32, #tpu.memory_space<vmem_shared>> -> memref<64x128xf32, #tpu.memory_space<vmem_shared>>
      %dma_start3A_107 = arith.constant 0 : i32
      %dma_start3A_108 = tpu.memref_slice %arg13[%add3A_39, %dma_start3A_107] : memref<10112x128xf32, #tpu.memory_space<vmem_shared>> -> memref<64x128xf32, #tpu.memory_space<vmem_shared>>
      tpu.enqueue_dma source(%arg11 : memref<64x128xf32, #tpu.memory_space<vmem>>) target(%dma_start3A_108 : memref<64x128xf32, #tpu.memory_space<vmem_shared>>) target_semaphore(%run_scoped3A : memref<!tpu.dma_semaphore, #tpu.memory_space<semaphore_mem>>)
      %dma_wait3A_109 = arith.constant 0 : i32
      %dma_wait3A_110 = tpu.memref_slice %arg13[%add3A_39, %dma_wait3A_109] : memref<10112x128xf32, #tpu.memory_space<vmem_shared>> -> memref<64x128xf32, #tpu.memory_space<vmem_shared>>
      %dma_wait3A_111 = arith.constant 0 : i32
      %dma_wait3A_112 = tpu.memref_slice %arg13[%add3A_39, %dma_wait3A_111] : memref<10112x128xf32, #tpu.memory_space<vmem_shared>> -> memref<64x128xf32, #tpu.memory_space<vmem_shared>>
      tpu.wait_dma2 semaphore(%run_scoped3A : memref<!tpu.dma_semaphore, #tpu.memory_space<semaphore_mem>>) src(%arg11 : memref<64x128xf32, #tpu.memory_space<vmem>>) dst(%dma_wait3A_112 : memref<64x128xf32, #tpu.memory_space<vmem_shared>>)
      tpu.yield
    }) : () -> ()
    %mul3A_40 = arith.constant 632 : i32
    %mul3A_41 = arith.muli %arg1, %mul3A_40 : i32
    %add3A_42 = arith.constant 128 : i32
    %add3A_43 = arith.addi %mul3A_41, %add3A_42 : i32
    "tpu.region"() ({
      %run_scoped3A = tpu.sem_alloc : memref<!tpu.dma_semaphore, #tpu.memory_space<semaphore_mem>>
      %dma_start3A_105 = arith.constant 0 : i32
      %dma_start3A_106 = tpu.memref_slice %arg13[%add3A_43, %dma_start3A_105] : memref<10112x128xf32, #tpu.memory_space<vmem_shared>> -> memref<64x128xf32, #tpu.memory_space<vmem_shared>>
      %dma_start3A_107 = arith.constant 0 : i32
      %dma_start3A_108 = tpu.memref_slice %arg13[%add3A_43, %dma_start3A_107] : memref<10112x128xf32, #tpu.memory_space<vmem_shared>> -> memref<64x128xf32, #tpu.memory_space<vmem_shared>>
      tpu.enqueue_dma source(%arg11 : memref<64x128xf32, #tpu.memory_space<vmem>>) target(%dma_start3A_108 : memref<64x128xf32, #tpu.memory_space<vmem_shared>>) target_semaphore(%run_scoped3A : memref<!tpu.dma_semaphore, #tpu.memory_space<semaphore_mem>>)
      %dma_wait3A_109 = arith.constant 0 : i32
      %dma_wait3A_110 = tpu.memref_slice %arg13[%add3A_43, %dma_wait3A_109] : memref<10112x128xf32, #tpu.memory_space<vmem_shared>> -> memref<64x128xf32, #tpu.memory_space<vmem_shared>>
      %dma_wait3A_111 = arith.constant 0 : i32
      %dma_wait3A_112 = tpu.memref_slice %arg13[%add3A_43, %dma_wait3A_111] : memref<10112x128xf32, #tpu.memory_space<vmem_shared>> -> memref<64x128xf32, #tpu.memory_space<vmem_shared>>
      tpu.wait_dma2 semaphore(%run_scoped3A : memref<!tpu.dma_semaphore, #tpu.memory_space<semaphore_mem>>) src(%arg11 : memref<64x128xf32, #tpu.memory_space<vmem>>) dst(%dma_wait3A_112 : memref<64x128xf32, #tpu.memory_space<vmem_shared>>)
      tpu.yield
    }) : () -> ()
    %mul3A_44 = arith.constant 632 : i32
    %mul3A_45 = arith.muli %arg1, %mul3A_44 : i32
    %add3A_46 = arith.constant 192 : i32
    %add3A_47 = arith.addi %mul3A_45, %add3A_46 : i32
    "tpu.region"() ({
      %run_scoped3A = tpu.sem_alloc : memref<!tpu.dma_semaphore, #tpu.memory_space<semaphore_mem>>
      %dma_start3A_105 = arith.constant 0 : i32
      %dma_start3A_106 = tpu.memref_slice %arg13[%add3A_47, %dma_start3A_105] : memref<10112x128xf32, #tpu.memory_space<vmem_shared>> -> memref<64x128xf32, #tpu.memory_space<vmem_shared>>
      %dma_start3A_107 = arith.constant 0 : i32
      %dma_start3A_108 = tpu.memref_slice %arg13[%add3A_47, %dma_start3A_107] : memref<10112x128xf32, #tpu.memory_space<vmem_shared>> -> memref<64x128xf32, #tpu.memory_space<vmem_shared>>
      tpu.enqueue_dma source(%arg11 : memref<64x128xf32, #tpu.memory_space<vmem>>) target(%dma_start3A_108 : memref<64x128xf32, #tpu.memory_space<vmem_shared>>) target_semaphore(%run_scoped3A : memref<!tpu.dma_semaphore, #tpu.memory_space<semaphore_mem>>)
      %dma_wait3A_109 = arith.constant 0 : i32
      %dma_wait3A_110 = tpu.memref_slice %arg13[%add3A_47, %dma_wait3A_109] : memref<10112x128xf32, #tpu.memory_space<vmem_shared>> -> memref<64x128xf32, #tpu.memory_space<vmem_shared>>
      %dma_wait3A_111 = arith.constant 0 : i32
      %dma_wait3A_112 = tpu.memref_slice %arg13[%add3A_47, %dma_wait3A_111] : memref<10112x128xf32, #tpu.memory_space<vmem_shared>> -> memref<64x128xf32, #tpu.memory_space<vmem_shared>>
      tpu.wait_dma2 semaphore(%run_scoped3A : memref<!tpu.dma_semaphore, #tpu.memory_space<semaphore_mem>>) src(%arg11 : memref<64x128xf32, #tpu.memory_space<vmem>>) dst(%dma_wait3A_112 : memref<64x128xf32, #tpu.memory_space<vmem_shared>>)
      tpu.yield
    }) : () -> ()
    %mul3A_48 = arith.constant 632 : i32
    %mul3A_49 = arith.muli %arg1, %mul3A_48 : i32
    %add3A_50 = arith.constant 256 : i32
    %add3A_51 = arith.addi %mul3A_49, %add3A_50 : i32
    "tpu.region"() ({
      %run_scoped3A = tpu.sem_alloc : memref<!tpu.dma_semaphore, #tpu.memory_space<semaphore_mem>>
      %dma_start3A_105 = arith.constant 0 : i32
      %dma_start3A_106 = tpu.memref_slice %arg13[%add3A_51, %dma_start3A_105] : memref<10112x128xf32, #tpu.memory_space<vmem_shared>> -> memref<64x128xf32, #tpu.memory_space<vmem_shared>>
      %dma_start3A_107 = arith.constant 0 : i32
      %dma_start3A_108 = tpu.memref_slice %arg13[%add3A_51, %dma_start3A_107] : memref<10112x128xf32, #tpu.memory_space<vmem_shared>> -> memref<64x128xf32, #tpu.memory_space<vmem_shared>>
      tpu.enqueue_dma source(%arg11 : memref<64x128xf32, #tpu.memory_space<vmem>>) target(%dma_start3A_108 : memref<64x128xf32, #tpu.memory_space<vmem_shared>>) target_semaphore(%run_scoped3A : memref<!tpu.dma_semaphore, #tpu.memory_space<semaphore_mem>>)
      %dma_wait3A_109 = arith.constant 0 : i32
      %dma_wait3A_110 = tpu.memref_slice %arg13[%add3A_51, %dma_wait3A_109] : memref<10112x128xf32, #tpu.memory_space<vmem_shared>> -> memref<64x128xf32, #tpu.memory_space<vmem_shared>>
      %dma_wait3A_111 = arith.constant 0 : i32
      %dma_wait3A_112 = tpu.memref_slice %arg13[%add3A_51, %dma_wait3A_111] : memref<10112x128xf32, #tpu.memory_space<vmem_shared>> -> memref<64x128xf32, #tpu.memory_space<vmem_shared>>
      tpu.wait_dma2 semaphore(%run_scoped3A : memref<!tpu.dma_semaphore, #tpu.memory_space<semaphore_mem>>) src(%arg11 : memref<64x128xf32, #tpu.memory_space<vmem>>) dst(%dma_wait3A_112 : memref<64x128xf32, #tpu.memory_space<vmem_shared>>)
      tpu.yield
    }) : () -> ()
    %mul3A_52 = arith.constant 632 : i32
    %mul3A_53 = arith.muli %arg1, %mul3A_52 : i32
    %add3A_54 = arith.constant 320 : i32
    %add3A_55 = arith.addi %mul3A_53, %add3A_54 : i32
    "tpu.region"() ({
      %run_scoped3A = tpu.sem_alloc : memref<!tpu.dma_semaphore, #tpu.memory_space<semaphore_mem>>
      %dma_start3A_105 = arith.constant 0 : i32
      %dma_start3A_106 = tpu.memref_slice %arg13[%add3A_55, %dma_start3A_105] : memref<10112x128xf32, #tpu.memory_space<vmem_shared>> -> memref<64x128xf32, #tpu.memory_space<vmem_shared>>
      %dma_start3A_107 = arith.constant 0 : i32
      %dma_start3A_108 = tpu.memref_slice %arg13[%add3A_55, %dma_start3A_107] : memref<10112x128xf32, #tpu.memory_space<vmem_shared>> -> memref<64x128xf32, #tpu.memory_space<vmem_shared>>
      tpu.enqueue_dma source(%arg11 : memref<64x128xf32, #tpu.memory_space<vmem>>) target(%dma_start3A_108 : memref<64x128xf32, #tpu.memory_space<vmem_shared>>) target_semaphore(%run_scoped3A : memref<!tpu.dma_semaphore, #tpu.memory_space<semaphore_mem>>)
      %dma_wait3A_109 = arith.constant 0 : i32
      %dma_wait3A_110 = tpu.memref_slice %arg13[%add3A_55, %dma_wait3A_109] : memref<10112x128xf32, #tpu.memory_space<vmem_shared>> -> memref<64x128xf32, #tpu.memory_space<vmem_shared>>
      %dma_wait3A_111 = arith.constant 0 : i32
      %dma_wait3A_112 = tpu.memref_slice %arg13[%add3A_55, %dma_wait3A_111] : memref<10112x128xf32, #tpu.memory_space<vmem_shared>> -> memref<64x128xf32, #tpu.memory_space<vmem_shared>>
      tpu.wait_dma2 semaphore(%run_scoped3A : memref<!tpu.dma_semaphore, #tpu.memory_space<semaphore_mem>>) src(%arg11 : memref<64x128xf32, #tpu.memory_space<vmem>>) dst(%dma_wait3A_112 : memref<64x128xf32, #tpu.memory_space<vmem_shared>>)
      tpu.yield
    }) : () -> ()
    %mul3A_56 = arith.constant 632 : i32
    %mul3A_57 = arith.muli %arg1, %mul3A_56 : i32
    %add3A_58 = arith.constant 384 : i32
    %add3A_59 = arith.addi %mul3A_57, %add3A_58 : i32
    "tpu.region"() ({
      %run_scoped3A = tpu.sem_alloc : memref<!tpu.dma_semaphore, #tpu.memory_space<semaphore_mem>>
      %dma_start3A_105 = arith.constant 0 : i32
      %dma_start3A_106 = tpu.memref_slice %arg13[%add3A_59, %dma_start3A_105] : memref<10112x128xf32, #tpu.memory_space<vmem_shared>> -> memref<64x128xf32, #tpu.memory_space<vmem_shared>>
      %dma_start3A_107 = arith.constant 0 : i32
      %dma_start3A_108 = tpu.memref_slice %arg13[%add3A_59, %dma_start3A_107] : memref<10112x128xf32, #tpu.memory_space<vmem_shared>> -> memref<64x128xf32, #tpu.memory_space<vmem_shared>>
      tpu.enqueue_dma source(%arg11 : memref<64x128xf32, #tpu.memory_space<vmem>>) target(%dma_start3A_108 : memref<64x128xf32, #tpu.memory_space<vmem_shared>>) target_semaphore(%run_scoped3A : memref<!tpu.dma_semaphore, #tpu.memory_space<semaphore_mem>>)
      %dma_wait3A_109 = arith.constant 0 : i32
      %dma_wait3A_110 = tpu.memref_slice %arg13[%add3A_59, %dma_wait3A_109] : memref<10112x128xf32, #tpu.memory_space<vmem_shared>> -> memref<64x128xf32, #tpu.memory_space<vmem_shared>>
      %dma_wait3A_111 = arith.constant 0 : i32
      %dma_wait3A_112 = tpu.memref_slice %arg13[%add3A_59, %dma_wait3A_111] : memref<10112x128xf32, #tpu.memory_space<vmem_shared>> -> memref<64x128xf32, #tpu.memory_space<vmem_shared>>
      tpu.wait_dma2 semaphore(%run_scoped3A : memref<!tpu.dma_semaphore, #tpu.memory_space<semaphore_mem>>) src(%arg11 : memref<64x128xf32, #tpu.memory_space<vmem>>) dst(%dma_wait3A_112 : memref<64x128xf32, #tpu.memory_space<vmem_shared>>)
      tpu.yield
    }) : () -> ()
    %mul3A_60 = arith.constant 632 : i32
    %mul3A_61 = arith.muli %arg1, %mul3A_60 : i32
    %add3A_62 = arith.constant 448 : i32
    %add3A_63 = arith.addi %mul3A_61, %add3A_62 : i32
    "tpu.region"() ({
      %run_scoped3A = tpu.sem_alloc : memref<!tpu.dma_semaphore, #tpu.memory_space<semaphore_mem>>
      %dma_start3A_105 = arith.constant 0 : i32
      %dma_start3A_106 = tpu.memref_slice %arg13[%add3A_63, %dma_start3A_105] : memref<10112x128xf32, #tpu.memory_space<vmem_shared>> -> memref<64x128xf32, #tpu.memory_space<vmem_shared>>
      %dma_start3A_107 = arith.constant 0 : i32
      %dma_start3A_108 = tpu.memref_slice %arg13[%add3A_63, %dma_start3A_107] : memref<10112x128xf32, #tpu.memory_space<vmem_shared>> -> memref<64x128xf32, #tpu.memory_space<vmem_shared>>
      tpu.enqueue_dma source(%arg11 : memref<64x128xf32, #tpu.memory_space<vmem>>) target(%dma_start3A_108 : memref<64x128xf32, #tpu.memory_space<vmem_shared>>) target_semaphore(%run_scoped3A : memref<!tpu.dma_semaphore, #tpu.memory_space<semaphore_mem>>)
      %dma_wait3A_109 = arith.constant 0 : i32
      %dma_wait3A_110 = tpu.memref_slice %arg13[%add3A_63, %dma_wait3A_109] : memref<10112x128xf32, #tpu.memory_space<vmem_shared>> -> memref<64x128xf32, #tpu.memory_space<vmem_shared>>
      %dma_wait3A_111 = arith.constant 0 : i32
      %dma_wait3A_112 = tpu.memref_slice %arg13[%add3A_63, %dma_wait3A_111] : memref<10112x128xf32, #tpu.memory_space<vmem_shared>> -> memref<64x128xf32, #tpu.memory_space<vmem_shared>>
      tpu.wait_dma2 semaphore(%run_scoped3A : memref<!tpu.dma_semaphore, #tpu.memory_space<semaphore_mem>>) src(%arg11 : memref<64x128xf32, #tpu.memory_space<vmem>>) dst(%dma_wait3A_112 : memref<64x128xf32, #tpu.memory_space<vmem_shared>>)
      tpu.yield
    }) : () -> ()
    %mul3A_64 = arith.constant 632 : i32
    %mul3A_65 = arith.muli %arg1, %mul3A_64 : i32
    %add3A_66 = arith.constant 512 : i32
    %add3A_67 = arith.addi %mul3A_65, %add3A_66 : i32
    "tpu.region"() ({
      %run_scoped3A = tpu.sem_alloc : memref<!tpu.dma_semaphore, #tpu.memory_space<semaphore_mem>>
      %dma_start3A_105 = arith.constant 0 : i32
      %dma_start3A_106 = tpu.memref_slice %arg13[%add3A_67, %dma_start3A_105] : memref<10112x128xf32, #tpu.memory_space<vmem_shared>> -> memref<64x128xf32, #tpu.memory_space<vmem_shared>>
      %dma_start3A_107 = arith.constant 0 : i32
      %dma_start3A_108 = tpu.memref_slice %arg13[%add3A_67, %dma_start3A_107] : memref<10112x128xf32, #tpu.memory_space<vmem_shared>> -> memref<64x128xf32, #tpu.memory_space<vmem_shared>>
      tpu.enqueue_dma source(%arg11 : memref<64x128xf32, #tpu.memory_space<vmem>>) target(%dma_start3A_108 : memref<64x128xf32, #tpu.memory_space<vmem_shared>>) target_semaphore(%run_scoped3A : memref<!tpu.dma_semaphore, #tpu.memory_space<semaphore_mem>>)
      %dma_wait3A_109 = arith.constant 0 : i32
      %dma_wait3A_110 = tpu.memref_slice %arg13[%add3A_67, %dma_wait3A_109] : memref<10112x128xf32, #tpu.memory_space<vmem_shared>> -> memref<64x128xf32, #tpu.memory_space<vmem_shared>>
      %dma_wait3A_111 = arith.constant 0 : i32
      %dma_wait3A_112 = tpu.memref_slice %arg13[%add3A_67, %dma_wait3A_111] : memref<10112x128xf32, #tpu.memory_space<vmem_shared>> -> memref<64x128xf32, #tpu.memory_space<vmem_shared>>
      tpu.wait_dma2 semaphore(%run_scoped3A : memref<!tpu.dma_semaphore, #tpu.memory_space<semaphore_mem>>) src(%arg11 : memref<64x128xf32, #tpu.memory_space<vmem>>) dst(%dma_wait3A_112 : memref<64x128xf32, #tpu.memory_space<vmem_shared>>)
      tpu.yield
    }) : () -> ()
    %mul3A_68 = arith.constant 632 : i32
    %mul3A_69 = arith.muli %arg1, %mul3A_68 : i32
    %add3A_70 = arith.constant 576 : i32
    %add3A_71 = arith.addi %mul3A_69, %add3A_70 : i32
    "tpu.region"() ({
      %run_scoped3A = tpu.sem_alloc : memref<!tpu.dma_semaphore, #tpu.memory_space<semaphore_mem>>
      %dma_start3A_105 = arith.constant 0 : i32
      %dma_start3A_106 = arith.constant 0 : i32
      %dma_start3A_107 = tpu.memref_slice %arg11[%dma_start3A_105, %dma_start3A_106] : memref<64x128xf32, #tpu.memory_space<vmem>> -> memref<56x128xf32, #tpu.memory_space<vmem>>
      %dma_start3A_108 = arith.constant 0 : i32
      %dma_start3A_109 = tpu.memref_slice %arg13[%add3A_71, %dma_start3A_108] : memref<10112x128xf32, #tpu.memory_space<vmem_shared>> -> memref<56x128xf32, #tpu.memory_space<vmem_shared>>
      %dma_start3A_110 = arith.constant 0 : i32
      %dma_start3A_111 = tpu.memref_slice %arg13[%add3A_71, %dma_start3A_110] : memref<10112x128xf32, #tpu.memory_space<vmem_shared>> -> memref<56x128xf32, #tpu.memory_space<vmem_shared>>
      %dma_start3A_112 = arith.constant 0 : i32
      %dma_start3A_113 = arith.constant 0 : i32
      %dma_start3A_114 = tpu.memref_slice %arg11[%dma_start3A_112, %dma_start3A_113] : memref<64x128xf32, #tpu.memory_space<vmem>> -> memref<56x128xf32, #tpu.memory_space<vmem>>
      tpu.enqueue_dma source(%dma_start3A_114 : memref<56x128xf32, #tpu.memory_space<vmem>>) target(%dma_start3A_111 : memref<56x128xf32, #tpu.memory_space<vmem_shared>>) target_semaphore(%run_scoped3A : memref<!tpu.dma_semaphore, #tpu.memory_space<semaphore_mem>>)
      %dma_wait3A_115 = arith.constant 0 : i32
      %dma_wait3A_116 = arith.constant 0 : i32
      %dma_wait3A_117 = tpu.memref_slice %arg11[%dma_wait3A_115, %dma_wait3A_116] : memref<64x128xf32, #tpu.memory_space<vmem>> -> memref<56x128xf32, #tpu.memory_space<vmem>>
      %dma_wait3A_118 = arith.constant 0 : i32
      %dma_wait3A_119 = tpu.memref_slice %arg13[%add3A_71, %dma_wait3A_118] : memref<10112x128xf32, #tpu.memory_space<vmem_shared>> -> memref<56x128xf32, #tpu.memory_space<vmem_shared>>
      %dma_wait3A_120 = arith.constant 0 : i32
      %dma_wait3A_121 = tpu.memref_slice %arg13[%add3A_71, %dma_wait3A_120] : memref<10112x128xf32, #tpu.memory_space<vmem_shared>> -> memref<56x128xf32, #tpu.memory_space<vmem_shared>>
      %dma_wait3A_122 = arith.constant 0 : i32
      %dma_wait3A_123 = arith.constant 0 : i32
      %dma_wait3A_124 = tpu.memref_slice %arg11[%dma_wait3A_122, %dma_wait3A_123] : memref<64x128xf32, #tpu.memory_space<vmem>> -> memref<56x128xf32, #tpu.memory_space<vmem>>
      tpu.wait_dma2 semaphore(%run_scoped3A : memref<!tpu.dma_semaphore, #tpu.memory_space<semaphore_mem>>) src(%dma_wait3A_124 : memref<56x128xf32, #tpu.memory_space<vmem>>) dst(%dma_wait3A_121 : memref<56x128xf32, #tpu.memory_space<vmem_shared>>)
      tpu.yield
    }) : () -> ()
    %barrier3A = arith.constant 0 : index
    tpu.barrier barrier_id(%barrier3A)
    %mul3A_72 = arith.constant 64 : i32
    %mul3A_73 = arith.muli %select_n3A_8, %mul3A_72 : i32
    %dma_start3A_74 = arith.constant 0 : i32
    %dma_start3A_75 = tpu.memref_slice %arg3[%mul3A_73, %dma_start3A_74] : memref<163840x128xf32, #tpu.memory_space<hbm>> -> memref<64x128xf32, #tpu.memory_space<hbm>>
    %dma_start3A_76 = arith.constant 0 : i32
    %dma_start3A_77 = tpu.memref_slice %arg3[%mul3A_73, %dma_start3A_76] : memref<163840x128xf32, #tpu.memory_space<hbm>> -> memref<64x128xf32, #tpu.memory_space<hbm>>
    tpu.enqueue_dma source(%dma_start3A_77 : memref<64x128xf32, #tpu.memory_space<hbm>>) target(%arg11 : memref<64x128xf32, #tpu.memory_space<vmem>>) target_semaphore(%arg14 : memref<!tpu.dma_semaphore, #tpu.memory_space<semaphore_mem>>)
    %sub3A = arith.constant 0 : i32
    %sub3A_78 = arith.subi %select_n3A, %sub3A : i32
    %sub3A_79 = arith.constant 2 : i32
    %sub3A_80 = arith.constant 1 : i32
    %sub3A_81 = arith.subi %sub3A_79, %sub3A_80 : i32
    %add3A_82 = arith.addi %sub3A_78, %sub3A_81 : i32
    %div3A = arith.constant 2 : i32
    %div3A_83 = arith.divsi %add3A_82, %div3A : i32
    %while3A = arith.constant 2 : i32
    %while3A_84 = arith.constant 0 : i32
    %while3A_85 = arith.constant 0 : i32
    %while3A_86 = arith.subi %div3A_83, %while3A_85 : i32
    %while3A_87 = arith.addi %while3A_85, %while3A_86 : i32
    %while3A_88 = arith.constant 1 : i32
    %while3A_89 = arith.divsi %while3A_86, %while3A_88 : i32
    %while3A_90 = arith.muli %while3A_89, %while3A_88 : i32
    %while3A_91 = arith.addi %while3A_85, %while3A_90 : i32
    %while3A_92 = arith.constant 1 : i32
    scf.for %while3A_105 = %while3A_85 to %while3A_91 step %while3A_92  : i32 {
      %mul3A_106 = arith.muli %while3A_105, %while3A : i32
      %add3A_107 = arith.addi %while3A_84, %mul3A_106 : i32
      %add3A_108 = arith.constant 0 : i32
      %add3A_109 = arith.addi %add3A_107, %add3A_108 : i32
      %gt3A = arith.constant 0 : i32
      %gt3A_110 = arith.cmpi sgt, %add3A_107, %gt3A : i32
      %convert_element_type3A = arith.extui %gt3A_110 : i1 to i32
      %cond3A = arith.constant 0 : i32
      %cond3A_111 = arith.cmpi ne, %convert_element_type3A, %cond3A : i32
      scf.if %cond3A_111 {
        %dma_wait3A_203 = arith.constant 1 : i32
        %dma_wait3A_204 = arith.constant 0 : i32
        %dma_wait3A_205 = tpu.memref_slice %arg8[%dma_wait3A_203, %dma_wait3A_204] : memref<2x64xi32, #tpu.memory_space<vmem>> -> memref<1x64xi32, #tpu.memory_space<vmem>>
        %dma_wait3A_206 = tpu.memref_squeeze %dma_wait3A_205 : memref<1x64xi32, #tpu.memory_space<vmem>> -> memref<64xi32, #tpu.memory_space<vmem>>
        %dma_wait3A_207 = arith.constant 0 : i32
        %dma_wait3A_208 = arith.constant 0 : i32
        %dma_wait3A_209 = tpu.memref_slice %arg13[%dma_wait3A_207, %dma_wait3A_208] : memref<10112x128xf32, #tpu.memory_space<vmem_shared>> -> memref<10112x128xf32, #tpu.memory_space<vmem_shared>>
        tpu.wait_indirect_dma semaphore(%arg19 : memref<!tpu.dma_semaphore, #tpu.memory_space<semaphore_mem>>) src(%arg12 : memref<64x128xf32, #tpu.memory_space<vmem>>) dst(%dma_wait3A_209 : memref<10112x128xf32, #tpu.memory_space<vmem_shared>>)
      } else {
      }
      %add3A_112 = arith.constant 1 : i32
      %add3A_113 = arith.addi %add3A_109, %add3A_112 : i32
      %lt3A = arith.cmpi slt, %add3A_113, %select_n3A : i32
      %convert_element_type3A_114 = arith.extui %lt3A : i1 to i32
      %cond3A_115 = arith.constant 0 : i32
      %cond3A_116 = arith.cmpi ne, %convert_element_type3A_114, %cond3A_115 : i32
      scf.if %cond3A_116 {
        %add3A_203 = arith.constant 1 : i32
        %add3A_204 = arith.addi %add3A_109, %add3A_203 : i32
        %add3A_205 = arith.addi %select_n3A_8, %add3A_204 : i32
        %mul3A_206 = arith.constant 64 : i32
        %mul3A_207 = arith.muli %add3A_205, %mul3A_206 : i32
        %dma_start3A_208 = arith.constant 0 : i32
        %dma_start3A_209 = tpu.memref_slice %arg3[%mul3A_207, %dma_start3A_208] : memref<163840x128xf32, #tpu.memory_space<hbm>> -> memref<64x128xf32, #tpu.memory_space<hbm>>
        %dma_start3A_210 = arith.constant 0 : i32
        %dma_start3A_211 = tpu.memref_slice %arg3[%mul3A_207, %dma_start3A_210] : memref<163840x128xf32, #tpu.memory_space<hbm>> -> memref<64x128xf32, #tpu.memory_space<hbm>>
        tpu.enqueue_dma source(%dma_start3A_211 : memref<64x128xf32, #tpu.memory_space<hbm>>) target(%arg12 : memref<64x128xf32, #tpu.memory_space<vmem>>) target_semaphore(%arg15 : memref<!tpu.dma_semaphore, #tpu.memory_space<semaphore_mem>>)
        %dma_start3A_212 = arith.constant 0 : i32
        %dma_start3A_213 = tpu.memref_slice %arg7[%add3A_204, %dma_start3A_212] : memref<112x64xi32, #tpu.memory_space<vmem>> -> memref<1x64xi32, #tpu.memory_space<vmem>>
        %dma_start3A_214 = tpu.memref_squeeze %dma_start3A_213 : memref<1x64xi32, #tpu.memory_space<vmem>> -> memref<64xi32, #tpu.memory_space<vmem>>
        %dma_start3A_215 = arith.constant 0 : i32
        %dma_start3A_216 = arith.constant 0 : i32
        %dma_start3A_217 = tpu.memref_slice %arg2[%dma_start3A_215, %dma_start3A_216] : memref<10000x128xf32, #tpu.memory_space<hbm>> -> memref<10000x128xf32, #tpu.memory_space<hbm>>
        tpu.enqueue_indirect_dma source(%dma_start3A_217 : memref<10000x128xf32, #tpu.memory_space<hbm>>) target(%arg10 : memref<64x128xf32, #tpu.memory_space<vmem>>) offsets(%dma_start3A_214 : memref<64xi32, #tpu.memory_space<vmem>>) semaphore(%arg17 : memref<!tpu.dma_semaphore, #tpu.memory_space<semaphore_mem>>)
        %add3A_218 = arith.addi %select_n3A_8, %add3A_204 : i32
        %dma_start3A_219 = arith.constant 1 : i32
        %dma_start3A_220 = arith.constant 0 : i32
        %dma_start3A_221 = tpu.memref_slice %arg8[%dma_start3A_219, %dma_start3A_220] : memref<2x64xi32, #tpu.memory_space<vmem>> -> memref<1x64xi32, #tpu.memory_space<vmem>>
        %dma_start3A_222 = tpu.memref_squeeze %dma_start3A_221 : memref<1x64xi32, #tpu.memory_space<vmem>> -> memref<64xi32, #tpu.memory_space<vmem>>
        %dma_start3A_223 = arith.constant 0 : i32
        %dma_start3A_224 = tpu.memref_slice %arg5[%add3A_218, %dma_start3A_223] : memref<2624x64xi32, #tpu.memory_space<hbm>> -> memref<1x64xi32, #tpu.memory_space<hbm>>
        %dma_start3A_225 = tpu.memref_squeeze %dma_start3A_224 : memref<1x64xi32, #tpu.memory_space<hbm>> -> memref<64xi32, #tpu.memory_space<hbm>>
        %dma_start3A_226 = arith.constant 0 : i32
        %dma_start3A_227 = tpu.memref_slice %arg8[%dma_start3A_219, %dma_start3A_226] : memref<2x64xi32, #tpu.memory_space<vmem>> -> memref<1x64xi32, #tpu.memory_space<vmem>>
        %dma_start3A_228 = tpu.memref_squeeze %dma_start3A_227 : memref<1x64xi32, #tpu.memory_space<vmem>> -> memref<64xi32, #tpu.memory_space<vmem>>
        %dma_start3A_229 = arith.constant 0 : i32
        %dma_start3A_230 = tpu.memref_slice %arg5[%add3A_218, %dma_start3A_229] : memref<2624x64xi32, #tpu.memory_space<hbm>> -> memref<1x64xi32, #tpu.memory_space<hbm>>
        %dma_start3A_231 = tpu.memref_squeeze %dma_start3A_230 : memref<1x64xi32, #tpu.memory_space<hbm>> -> memref<64xi32, #tpu.memory_space<hbm>>
        tpu.enqueue_dma source(%dma_start3A_231 : memref<64xi32, #tpu.memory_space<hbm>>) target(%dma_start3A_228 : memref<64xi32, #tpu.memory_space<vmem>>) target_semaphore(%arg21 : memref<!tpu.dma_semaphore, #tpu.memory_space<semaphore_mem>>)
      } else {
      }
      %dma_wait3A_117 = arith.constant 0 : i32
      %dma_wait3A_118 = arith.constant 0 : i32
      %dma_wait3A_119 = tpu.memref_slice %arg3[%dma_wait3A_117, %dma_wait3A_118] : memref<163840x128xf32, #tpu.memory_space<hbm>> -> memref<64x128xf32, #tpu.memory_space<hbm>>
      %dma_wait3A_120 = arith.constant 0 : i32
      %dma_wait3A_121 = arith.constant 0 : i32
      %dma_wait3A_122 = tpu.memref_slice %arg3[%dma_wait3A_120, %dma_wait3A_121] : memref<163840x128xf32, #tpu.memory_space<hbm>> -> memref<64x128xf32, #tpu.memory_space<hbm>>
      tpu.wait_dma2 semaphore(%arg14 : memref<!tpu.dma_semaphore, #tpu.memory_space<semaphore_mem>>) src(%dma_wait3A_122 : memref<64x128xf32, #tpu.memory_space<hbm>>) dst(%arg11 : memref<64x128xf32, #tpu.memory_space<vmem>>)
      %dma_wait3A_123 = arith.constant 0 : i32
      %dma_wait3A_124 = arith.constant 0 : i32
      %dma_wait3A_125 = tpu.memref_slice %arg2[%dma_wait3A_123, %dma_wait3A_124] : memref<10000x128xf32, #tpu.memory_space<hbm>> -> memref<64x128xf32, #tpu.memory_space<hbm>>
      %dma_wait3A_126 = arith.constant 0 : i32
      %dma_wait3A_127 = arith.constant 0 : i32
      %dma_wait3A_128 = tpu.memref_slice %arg2[%dma_wait3A_126, %dma_wait3A_127] : memref<10000x128xf32, #tpu.memory_space<hbm>> -> memref<64x128xf32, #tpu.memory_space<hbm>>
      tpu.wait_dma2 semaphore(%arg16 : memref<!tpu.dma_semaphore, #tpu.memory_space<semaphore_mem>>) src(%dma_wait3A_128 : memref<64x128xf32, #tpu.memory_space<hbm>>) dst(%arg9 : memref<64x128xf32, #tpu.memory_space<vmem>>)
      %dma_wait3A_129 = arith.constant 0 : i32
      %dma_wait3A_130 = arith.constant 0 : i32
      %dma_wait3A_131 = arith.constant 0 : i32
      %dma_wait3A_132 = tpu.memref_slice %arg8[%dma_wait3A_130, %dma_wait3A_131] : memref<2x64xi32, #tpu.memory_space<vmem>> -> memref<1x64xi32, #tpu.memory_space<vmem>>
      %dma_wait3A_133 = tpu.memref_squeeze %dma_wait3A_132 : memref<1x64xi32, #tpu.memory_space<vmem>> -> memref<64xi32, #tpu.memory_space<vmem>>
      %dma_wait3A_134 = arith.constant 0 : i32
      %dma_wait3A_135 = tpu.memref_slice %arg5[%dma_wait3A_129, %dma_wait3A_134] : memref<2624x64xi32, #tpu.memory_space<hbm>> -> memref<1x64xi32, #tpu.memory_space<hbm>>
      %dma_wait3A_136 = tpu.memref_squeeze %dma_wait3A_135 : memref<1x64xi32, #tpu.memory_space<hbm>> -> memref<64xi32, #tpu.memory_space<hbm>>
      %dma_wait3A_137 = arith.constant 0 : i32
      %dma_wait3A_138 = tpu.memref_slice %arg8[%dma_wait3A_130, %dma_wait3A_137] : memref<2x64xi32, #tpu.memory_space<vmem>> -> memref<1x64xi32, #tpu.memory_space<vmem>>
      %dma_wait3A_139 = tpu.memref_squeeze %dma_wait3A_138 : memref<1x64xi32, #tpu.memory_space<vmem>> -> memref<64xi32, #tpu.memory_space<vmem>>
      %dma_wait3A_140 = arith.constant 0 : i32
      %dma_wait3A_141 = tpu.memref_slice %arg5[%dma_wait3A_129, %dma_wait3A_140] : memref<2624x64xi32, #tpu.memory_space<hbm>> -> memref<1x64xi32, #tpu.memory_space<hbm>>
      %dma_wait3A_142 = tpu.memref_squeeze %dma_wait3A_141 : memref<1x64xi32, #tpu.memory_space<hbm>> -> memref<64xi32, #tpu.memory_space<hbm>>
      tpu.wait_dma2 semaphore(%arg20 : memref<!tpu.dma_semaphore, #tpu.memory_space<semaphore_mem>>) src(%dma_wait3A_142 : memref<64xi32, #tpu.memory_space<hbm>>) dst(%dma_wait3A_139 : memref<64xi32, #tpu.memory_space<vmem>>)
      %parallel_loop3A = arith.constant 0 : i32
      %parallel_loop3A_143 = arith.constant 512 : i32
      %parallel_loop3A_144 = arith.constant 1 : i32
      scf.for %parallel_loop3A_203 = %parallel_loop3A to %parallel_loop3A_143 step %parallel_loop3A_144  : i32 {
        %parallel_loop3A_204 = arith.constant 3 : i32
        %parallel_loop3A_205 = arith.shrsi %parallel_loop3A_203, %parallel_loop3A_204 : i32
        %parallel_loop3A_206 = arith.constant 7 : i32
        %parallel_loop3A_207 = arith.andi %parallel_loop3A_203, %parallel_loop3A_206 : i32
        %parallel_loop3A_208 = arith.constant 16 : i32
        %parallel_loop3A_209 = arith.muli %parallel_loop3A_207, %parallel_loop3A_208 : i32
        %parallel_loop3A_210 = arith.index_cast %parallel_loop3A_205 : i32 to index
        %parallel_loop3A_211 = arith.index_cast %parallel_loop3A_209 : i32 to index
        %parallel_loop3A_212 = tpu.vector_load %arg11[%parallel_loop3A_210, %parallel_loop3A_211] {strides = array<i32>} : memref<64x128xf32, #tpu.memory_space<vmem>>, vector<1x16xf32>,
        %parallel_loop3A_213 = vector.shape_cast %parallel_loop3A_212 : vector<1x16xf32> to vector<16xf32>
        %parallel_loop3A_214 = arith.index_cast %parallel_loop3A_205 : i32 to index
        %parallel_loop3A_215 = arith.index_cast %parallel_loop3A_209 : i32 to index
        %parallel_loop3A_216 = tpu.vector_load %arg9[%parallel_loop3A_214, %parallel_loop3A_215] {strides = array<i32>} : memref<64x128xf32, #tpu.memory_space<vmem>>, vector<1x16xf32>,
        %parallel_loop3A_217 = vector.shape_cast %parallel_loop3A_216 : vector<1x16xf32> to vector<16xf32>
        %parallel_loop3A_218 = arith.addf %parallel_loop3A_213, %parallel_loop3A_217 : vector<16xf32>
        %parallel_loop3A_219 = arith.constant 0.000000e+00 : f32
        %parallel_loop3A_220 = vector.broadcast %parallel_loop3A_219 : f32 to vector<16xf32>
        %parallel_loop3A_221 = arith.maximumf %parallel_loop3A_218, %parallel_loop3A_220 : vector<16xf32>
        %parallel_loop3A_222 = arith.index_cast %parallel_loop3A_205 : i32 to index
        %parallel_loop3A_223 = arith.index_cast %parallel_loop3A_209 : i32 to index
        %parallel_loop3A_224 = tpu.vector_load %arg11[%parallel_loop3A_222, %parallel_loop3A_223] {strides = array<i32>} : memref<64x128xf32, #tpu.memory_space<vmem>>, vector<1x16xf32>,
        %parallel_loop3A_225 = vector.shape_cast %parallel_loop3A_224 : vector<1x16xf32> to vector<16xf32>
        %parallel_loop3A_226 = vector.shape_cast %parallel_loop3A_221 : vector<16xf32> to vector<1x16xf32>
        tpu.vector_store %arg11[%parallel_loop3A_222, %parallel_loop3A_223], %parallel_loop3A_226 {strides = array<i32>} : memref<64x128xf32, #tpu.memory_space<vmem>>, vector<1x16xf32>,
      } {sc.loop_unroll_factor = 4 : i64, sc.parallel_access}
      %dma_start3A_145 = arith.constant 0 : i32
      %dma_start3A_146 = arith.constant 0 : i32
      %dma_start3A_147 = tpu.memref_slice %arg8[%dma_start3A_145, %dma_start3A_146] : memref<2x64xi32, #tpu.memory_space<vmem>> -> memref<1x64xi32, #tpu.memory_space<vmem>>
      %dma_start3A_148 = tpu.memref_squeeze %dma_start3A_147 : memref<1x64xi32, #tpu.memory_space<vmem>> -> memref<64xi32, #tpu.memory_space<vmem>>
      %dma_start3A_149 = arith.constant 0 : i32
      %dma_start3A_150 = arith.constant 0 : i32
      %dma_start3A_151 = tpu.memref_slice %arg13[%dma_start3A_149, %dma_start3A_150] : memref<10112x128xf32, #tpu.memory_space<vmem_shared>> -> memref<10112x128xf32, #tpu.memory_space<vmem_shared>>
      tpu.enqueue_indirect_dma source(%arg11 : memref<64x128xf32, #tpu.memory_space<vmem>>) target(%dma_start3A_151 : memref<10112x128xf32, #tpu.memory_space<vmem_shared>>) offsets(%dma_start3A_148 : memref<64xi32, #tpu.memory_space<vmem>>) semaphore(%arg18 : memref<!tpu.dma_semaphore, #tpu.memory_space<semaphore_mem>>) {add = true}
      %add3A_152 = arith.constant 1 : i32
      %add3A_153 = arith.addi %add3A_107, %add3A_152 : i32
      %dma_wait3A_154 = arith.constant 0 : i32
      %dma_wait3A_155 = arith.constant 0 : i32
      %dma_wait3A_156 = tpu.memref_slice %arg8[%dma_wait3A_154, %dma_wait3A_155] : memref<2x64xi32, #tpu.memory_space<vmem>> -> memref<1x64xi32, #tpu.memory_space<vmem>>
      %dma_wait3A_157 = tpu.memref_squeeze %dma_wait3A_156 : memref<1x64xi32, #tpu.memory_space<vmem>> -> memref<64xi32, #tpu.memory_space<vmem>>
      %dma_wait3A_158 = arith.constant 0 : i32
      %dma_wait3A_159 = arith.constant 0 : i32
      %dma_wait3A_160 = tpu.memref_slice %arg13[%dma_wait3A_158, %dma_wait3A_159] : memref<10112x128xf32, #tpu.memory_space<vmem_shared>> -> memref<10112x128xf32, #tpu.memory_space<vmem_shared>>
      tpu.wait_indirect_dma semaphore(%arg18 : memref<!tpu.dma_semaphore, #tpu.memory_space<semaphore_mem>>) src(%arg11 : memref<64x128xf32, #tpu.memory_space<vmem>>) dst(%dma_wait3A_160 : memref<10112x128xf32, #tpu.memory_space<vmem_shared>>)
      %add3A_161 = arith.constant 1 : i32
      %add3A_162 = arith.addi %add3A_153, %add3A_161 : i32
      %lt3A_163 = arith.cmpi slt, %add3A_162, %select_n3A : i32
      %convert_element_type3A_164 = arith.extui %lt3A_163 : i1 to i32
      %cond3A_165 = arith.constant 0 : i32
      %cond3A_166 = arith.cmpi ne, %convert_element_type3A_164, %cond3A_165 : i32
      scf.if %cond3A_166 {
        %add3A_203 = arith.constant 1 : i32
        %add3A_204 = arith.addi %add3A_153, %add3A_203 : i32
        %add3A_205 = arith.addi %select_n3A_8, %add3A_204 : i32
        %mul3A_206 = arith.constant 64 : i32
        %mul3A_207 = arith.muli %add3A_205, %mul3A_206 : i32
        %dma_start3A_208 = arith.constant 0 : i32
        %dma_start3A_209 = tpu.memref_slice %arg3[%mul3A_207, %dma_start3A_208] : memref<163840x128xf32, #tpu.memory_space<hbm>> -> memref<64x128xf32, #tpu.memory_space<hbm>>
        %dma_start3A_210 = arith.constant 0 : i32
        %dma_start3A_211 = tpu.memref_slice %arg3[%mul3A_207, %dma_start3A_210] : memref<163840x128xf32, #tpu.memory_space<hbm>> -> memref<64x128xf32, #tpu.memory_space<hbm>>
        tpu.enqueue_dma source(%dma_start3A_211 : memref<64x128xf32, #tpu.memory_space<hbm>>) target(%arg11 : memref<64x128xf32, #tpu.memory_space<vmem>>) target_semaphore(%arg14 : memref<!tpu.dma_semaphore, #tpu.memory_space<semaphore_mem>>)
        %dma_start3A_212 = arith.constant 0 : i32
        %dma_start3A_213 = tpu.memref_slice %arg7[%add3A_204, %dma_start3A_212] : memref<112x64xi32, #tpu.memory_space<vmem>> -> memref<1x64xi32, #tpu.memory_space<vmem>>
        %dma_start3A_214 = tpu.memref_squeeze %dma_start3A_213 : memref<1x64xi32, #tpu.memory_space<vmem>> -> memref<64xi32, #tpu.memory_space<vmem>>
        %dma_start3A_215 = arith.constant 0 : i32
        %dma_start3A_216 = arith.constant 0 : i32
        %dma_start3A_217 = tpu.memref_slice %arg2[%dma_start3A_215, %dma_start3A_216] : memref<10000x128xf32, #tpu.memory_space<hbm>> -> memref<10000x128xf32, #tpu.memory_space<hbm>>
        tpu.enqueue_indirect_dma source(%dma_start3A_217 : memref<10000x128xf32, #tpu.memory_space<hbm>>) target(%arg9 : memref<64x128xf32, #tpu.memory_space<vmem>>) offsets(%dma_start3A_214 : memref<64xi32, #tpu.memory_space<vmem>>) semaphore(%arg16 : memref<!tpu.dma_semaphore, #tpu.memory_space<semaphore_mem>>)
        %add3A_218 = arith.addi %select_n3A_8, %add3A_204 : i32
        %dma_start3A_219 = arith.constant 0 : i32
        %dma_start3A_220 = arith.constant 0 : i32
        %dma_start3A_221 = tpu.memref_slice %arg8[%dma_start3A_219, %dma_start3A_220] : memref<2x64xi32, #tpu.memory_space<vmem>> -> memref<1x64xi32, #tpu.memory_space<vmem>>
        %dma_start3A_222 = tpu.memref_squeeze %dma_start3A_221 : memref<1x64xi32, #tpu.memory_space<vmem>> -> memref<64xi32, #tpu.memory_space<vmem>>
        %dma_start3A_223 = arith.constant 0 : i32
        %dma_start3A_224 = tpu.memref_slice %arg5[%add3A_218, %dma_start3A_223] : memref<2624x64xi32, #tpu.memory_space<hbm>> -> memref<1x64xi32, #tpu.memory_space<hbm>>
        %dma_start3A_225 = tpu.memref_squeeze %dma_start3A_224 : memref<1x64xi32, #tpu.memory_space<hbm>> -> memref<64xi32, #tpu.memory_space<hbm>>
        %dma_start3A_226 = arith.constant 0 : i32
        %dma_start3A_227 = tpu.memref_slice %arg8[%dma_start3A_219, %dma_start3A_226] : memref<2x64xi32, #tpu.memory_space<vmem>> -> memref<1x64xi32, #tpu.memory_space<vmem>>
        %dma_start3A_228 = tpu.memref_squeeze %dma_start3A_227 : memref<1x64xi32, #tpu.memory_space<vmem>> -> memref<64xi32, #tpu.memory_space<vmem>>
        %dma_start3A_229 = arith.constant 0 : i32
        %dma_start3A_230 = tpu.memref_slice %arg5[%add3A_218, %dma_start3A_229] : memref<2624x64xi32, #tpu.memory_space<hbm>> -> memref<1x64xi32, #tpu.memory_space<hbm>>
        %dma_start3A_231 = tpu.memref_squeeze %dma_start3A_230 : memref<1x64xi32, #tpu.memory_space<hbm>> -> memref<64xi32, #tpu.memory_space<hbm>>
        tpu.enqueue_dma source(%dma_start3A_231 : memref<64xi32, #tpu.memory_space<hbm>>) target(%dma_start3A_228 : memref<64xi32, #tpu.memory_space<vmem>>) target_semaphore(%arg20 : memref<!tpu.dma_semaphore, #tpu.memory_space<semaphore_mem>>)
      } else {
      }
      %dma_wait3A_167 = arith.constant 0 : i32
      %dma_wait3A_168 = arith.constant 0 : i32
      %dma_wait3A_169 = tpu.memref_slice %arg3[%dma_wait3A_167, %dma_wait3A_168] : memref<163840x128xf32, #tpu.memory_space<hbm>> -> memref<64x128xf32, #tpu.memory_space<hbm>>
      %dma_wait3A_170 = arith.constant 0 : i32
      %dma_wait3A_171 = arith.constant 0 : i32
      %dma_wait3A_172 = tpu.memref_slice %arg3[%dma_wait3A_170, %dma_wait3A_171] : memref<163840x128xf32, #tpu.memory_space<hbm>> -> memref<64x128xf32, #tpu.memory_space<hbm>>
      tpu.wait_dma2 semaphore(%arg15 : memref<!tpu.dma_semaphore, #tpu.memory_space<semaphore_mem>>) src(%dma_wait3A_172 : memref<64x128xf32, #tpu.memory_space<hbm>>) dst(%arg12 : memref<64x128xf32, #tpu.memory_space<vmem>>)
      %dma_wait3A_173 = arith.constant 0 : i32
      %dma_wait3A_174 = arith.constant 0 : i32
      %dma_wait3A_175 = tpu.memref_slice %arg2[%dma_wait3A_173, %dma_wait3A_174] : memref<10000x128xf32, #tpu.memory_space<hbm>> -> memref<64x128xf32, #tpu.memory_space<hbm>>
      %dma_wait3A_176 = arith.constant 0 : i32
      %dma_wait3A_177 = arith.constant 0 : i32
      %dma_wait3A_178 = tpu.memref_slice %arg2[%dma_wait3A_176, %dma_wait3A_177] : memref<10000x128xf32, #tpu.memory_space<hbm>> -> memref<64x128xf32, #tpu.memory_space<hbm>>
      tpu.wait_dma2 semaphore(%arg17 : memref<!tpu.dma_semaphore, #tpu.memory_space<semaphore_mem>>) src(%dma_wait3A_178 : memref<64x128xf32, #tpu.memory_space<hbm>>) dst(%arg10 : memref<64x128xf32, #tpu.memory_space<vmem>>)
      %dma_wait3A_179 = arith.constant 0 : i32
      %dma_wait3A_180 = arith.constant 1 : i32
      %dma_wait3A_181 = arith.constant 0 : i32
      %dma_wait3A_182 = tpu.memref_slice %arg8[%dma_wait3A_180, %dma_wait3A_181] : memref<2x64xi32, #tpu.memory_space<vmem>> -> memref<1x64xi32, #tpu.memory_space<vmem>>
      %dma_wait3A_183 = tpu.memref_squeeze %dma_wait3A_182 : memref<1x64xi32, #tpu.memory_space<vmem>> -> memref<64xi32, #tpu.memory_space<vmem>>
      %dma_wait3A_184 = arith.constant 0 : i32
      %dma_wait3A_185 = tpu.memref_slice %arg5[%dma_wait3A_179, %dma_wait3A_184] : memref<2624x64xi32, #tpu.memory_space<hbm>> -> memref<1x64xi32, #tpu.memory_space<hbm>>
      %dma_wait3A_186 = tpu.memref_squeeze %dma_wait3A_185 : memref<1x64xi32, #tpu.memory_space<hbm>> -> memref<64xi32, #tpu.memory_space<hbm>>
      %dma_wait3A_187 = arith.constant 0 : i32
      %dma_wait3A_188 = tpu.memref_slice %arg8[%dma_wait3A_180, %dma_wait3A_187] : memref<2x64xi32, #tpu.memory_space<vmem>> -> memref<1x64xi32, #tpu.memory_space<vmem>>
      %dma_wait3A_189 = tpu.memref_squeeze %dma_wait3A_188 : memref<1x64xi32, #tpu.memory_space<vmem>> -> memref<64xi32, #tpu.memory_space<vmem>>
      %dma_wait3A_190 = arith.constant 0 : i32
      %dma_wait3A_191 = tpu.memref_slice %arg5[%dma_wait3A_179, %dma_wait3A_190] : memref<2624x64xi32, #tpu.memory_space<hbm>> -> memref<1x64xi32, #tpu.memory_space<hbm>>
      %dma_wait3A_192 = tpu.memref_squeeze %dma_wait3A_191 : memref<1x64xi32, #tpu.memory_space<hbm>> -> memref<64xi32, #tpu.memory_space<hbm>>
      tpu.wait_dma2 semaphore(%arg21 : memref<!tpu.dma_semaphore, #tpu.memory_space<semaphore_mem>>) src(%dma_wait3A_192 : memref<64xi32, #tpu.memory_space<hbm>>) dst(%dma_wait3A_189 : memref<64xi32, #tpu.memory_space<vmem>>)
      %parallel_loop3A_193 = arith.constant 0 : i32
      %parallel_loop3A_194 = arith.constant 512 : i32
      %parallel_loop3A_195 = arith.constant 1 : i32
      scf.for %parallel_loop3A_203 = %parallel_loop3A_193 to %parallel_loop3A_194 step %parallel_loop3A_195  : i32 {
        %parallel_loop3A_204 = arith.constant 3 : i32
        %parallel_loop3A_205 = arith.shrsi %parallel_loop3A_203, %parallel_loop3A_204 : i32
        %parallel_loop3A_206 = arith.constant 7 : i32
        %parallel_loop3A_207 = arith.andi %parallel_loop3A_203, %parallel_loop3A_206 : i32
        %parallel_loop3A_208 = arith.constant 16 : i32
        %parallel_loop3A_209 = arith.muli %parallel_loop3A_207, %parallel_loop3A_208 : i32
        %parallel_loop3A_210 = arith.index_cast %parallel_loop3A_205 : i32 to index
        %parallel_loop3A_211 = arith.index_cast %parallel_loop3A_209 : i32 to index
        %parallel_loop3A_212 = tpu.vector_load %arg12[%parallel_loop3A_210, %parallel_loop3A_211] {strides = array<i32>} : memref<64x128xf32, #tpu.memory_space<vmem>>, vector<1x16xf32>,
        %parallel_loop3A_213 = vector.shape_cast %parallel_loop3A_212 : vector<1x16xf32> to vector<16xf32>
        %parallel_loop3A_214 = arith.index_cast %parallel_loop3A_205 : i32 to index
        %parallel_loop3A_215 = arith.index_cast %parallel_loop3A_209 : i32 to index
        %parallel_loop3A_216 = tpu.vector_load %arg10[%parallel_loop3A_214, %parallel_loop3A_215] {strides = array<i32>} : memref<64x128xf32, #tpu.memory_space<vmem>>, vector<1x16xf32>,
        %parallel_loop3A_217 = vector.shape_cast %parallel_loop3A_216 : vector<1x16xf32> to vector<16xf32>
        %parallel_loop3A_218 = arith.addf %parallel_loop3A_213, %parallel_loop3A_217 : vector<16xf32>
        %parallel_loop3A_219 = arith.constant 0.000000e+00 : f32
        %parallel_loop3A_220 = vector.broadcast %parallel_loop3A_219 : f32 to vector<16xf32>
        %parallel_loop3A_221 = arith.maximumf %parallel_loop3A_218, %parallel_loop3A_220 : vector<16xf32>
        %parallel_loop3A_222 = arith.index_cast %parallel_loop3A_205 : i32 to index
        %parallel_loop3A_223 = arith.index_cast %parallel_loop3A_209 : i32 to index
        %parallel_loop3A_224 = tpu.vector_load %arg12[%parallel_loop3A_222, %parallel_loop3A_223] {strides = array<i32>} : memref<64x128xf32, #tpu.memory_space<vmem>>, vector<1x16xf32>,
        %parallel_loop3A_225 = vector.shape_cast %parallel_loop3A_224 : vector<1x16xf32> to vector<16xf32>
        %parallel_loop3A_226 = vector.shape_cast %parallel_loop3A_221 : vector<16xf32> to vector<1x16xf32>
        tpu.vector_store %arg12[%parallel_loop3A_222, %parallel_loop3A_223], %parallel_loop3A_226 {strides = array<i32>} : memref<64x128xf32, #tpu.memory_space<vmem>>, vector<1x16xf32>,
      } {sc.loop_unroll_factor = 4 : i64, sc.parallel_access}
      %dma_start3A_196 = arith.constant 1 : i32
      %dma_start3A_197 = arith.constant 0 : i32
      %dma_start3A_198 = tpu.memref_slice %arg8[%dma_start3A_196, %dma_start3A_197] : memref<2x64xi32, #tpu.memory_space<vmem>> -> memref<1x64xi32, #tpu.memory_space<vmem>>
      %dma_start3A_199 = tpu.memref_squeeze %dma_start3A_198 : memref<1x64xi32, #tpu.memory_space<vmem>> -> memref<64xi32, #tpu.memory_space<vmem>>
      %dma_start3A_200 = arith.constant 0 : i32
      %dma_start3A_201 = arith.constant 0 : i32
      %dma_start3A_202 = tpu.memref_slice %arg13[%dma_start3A_200, %dma_start3A_201] : memref<10112x128xf32, #tpu.memory_space<vmem_shared>> -> memref<10112x128xf32, #tpu.memory_space<vmem_shared>>
      tpu.enqueue_indirect_dma source(%arg12 : memref<64x128xf32, #tpu.memory_space<vmem>>) target(%dma_start3A_202 : memref<10112x128xf32, #tpu.memory_space<vmem_shared>>) offsets(%dma_start3A_199 : memref<64xi32, #tpu.memory_space<vmem>>) semaphore(%arg19 : memref<!tpu.dma_semaphore, #tpu.memory_space<semaphore_mem>>) {add = true}
    }
    %while3A_93 = arith.constant 1 : i32
    scf.for %while3A_105 = %while3A_91 to %while3A_87 step %while3A_93  : i32 {
      %mul3A_106 = arith.muli %while3A_105, %while3A : i32
      %add3A_107 = arith.addi %while3A_84, %mul3A_106 : i32
      %add3A_108 = arith.constant 0 : i32
      %add3A_109 = arith.addi %add3A_107, %add3A_108 : i32
      %gt3A = arith.constant 0 : i32
      %gt3A_110 = arith.cmpi sgt, %add3A_107, %gt3A : i32
      %convert_element_type3A = arith.extui %gt3A_110 : i1 to i32
      %cond3A = arith.constant 0 : i32
      %cond3A_111 = arith.cmpi ne, %convert_element_type3A, %cond3A : i32
      scf.if %cond3A_111 {
        %dma_wait3A_203 = arith.constant 1 : i32
        %dma_wait3A_204 = arith.constant 0 : i32
        %dma_wait3A_205 = tpu.memref_slice %arg8[%dma_wait3A_203, %dma_wait3A_204] : memref<2x64xi32, #tpu.memory_space<vmem>> -> memref<1x64xi32, #tpu.memory_space<vmem>>
        %dma_wait3A_206 = tpu.memref_squeeze %dma_wait3A_205 : memref<1x64xi32, #tpu.memory_space<vmem>> -> memref<64xi32, #tpu.memory_space<vmem>>
        %dma_wait3A_207 = arith.constant 0 : i32
        %dma_wait3A_208 = arith.constant 0 : i32
        %dma_wait3A_209 = tpu.memref_slice %arg13[%dma_wait3A_207, %dma_wait3A_208] : memref<10112x128xf32, #tpu.memory_space<vmem_shared>> -> memref<10112x128xf32, #tpu.memory_space<vmem_shared>>
        tpu.wait_indirect_dma semaphore(%arg19 : memref<!tpu.dma_semaphore, #tpu.memory_space<semaphore_mem>>) src(%arg12 : memref<64x128xf32, #tpu.memory_space<vmem>>) dst(%dma_wait3A_209 : memref<10112x128xf32, #tpu.memory_space<vmem_shared>>)
      } else {
      }
      %add3A_112 = arith.constant 1 : i32
      %add3A_113 = arith.addi %add3A_109, %add3A_112 : i32
      %lt3A = arith.cmpi slt, %add3A_113, %select_n3A : i32
      %convert_element_type3A_114 = arith.extui %lt3A : i1 to i32
      %cond3A_115 = arith.constant 0 : i32
      %cond3A_116 = arith.cmpi ne, %convert_element_type3A_114, %cond3A_115 : i32
      scf.if %cond3A_116 {
        %add3A_203 = arith.constant 1 : i32
        %add3A_204 = arith.addi %add3A_109, %add3A_203 : i32
        %add3A_205 = arith.addi %select_n3A_8, %add3A_204 : i32
        %mul3A_206 = arith.constant 64 : i32
        %mul3A_207 = arith.muli %add3A_205, %mul3A_206 : i32
        %dma_start3A_208 = arith.constant 0 : i32
        %dma_start3A_209 = tpu.memref_slice %arg3[%mul3A_207, %dma_start3A_208] : memref<163840x128xf32, #tpu.memory_space<hbm>> -> memref<64x128xf32, #tpu.memory_space<hbm>>
        %dma_start3A_210 = arith.constant 0 : i32
        %dma_start3A_211 = tpu.memref_slice %arg3[%mul3A_207, %dma_start3A_210] : memref<163840x128xf32, #tpu.memory_space<hbm>> -> memref<64x128xf32, #tpu.memory_space<hbm>>
        tpu.enqueue_dma source(%dma_start3A_211 : memref<64x128xf32, #tpu.memory_space<hbm>>) target(%arg12 : memref<64x128xf32, #tpu.memory_space<vmem>>) target_semaphore(%arg15 : memref<!tpu.dma_semaphore, #tpu.memory_space<semaphore_mem>>)
        %dma_start3A_212 = arith.constant 0 : i32
        %dma_start3A_213 = tpu.memref_slice %arg7[%add3A_204, %dma_start3A_212] : memref<112x64xi32, #tpu.memory_space<vmem>> -> memref<1x64xi32, #tpu.memory_space<vmem>>
        %dma_start3A_214 = tpu.memref_squeeze %dma_start3A_213 : memref<1x64xi32, #tpu.memory_space<vmem>> -> memref<64xi32, #tpu.memory_space<vmem>>
        %dma_start3A_215 = arith.constant 0 : i32
        %dma_start3A_216 = arith.constant 0 : i32
        %dma_start3A_217 = tpu.memref_slice %arg2[%dma_start3A_215, %dma_start3A_216] : memref<10000x128xf32, #tpu.memory_space<hbm>> -> memref<10000x128xf32, #tpu.memory_space<hbm>>
        tpu.enqueue_indirect_dma source(%dma_start3A_217 : memref<10000x128xf32, #tpu.memory_space<hbm>>) target(%arg10 : memref<64x128xf32, #tpu.memory_space<vmem>>) offsets(%dma_start3A_214 : memref<64xi32, #tpu.memory_space<vmem>>) semaphore(%arg17 : memref<!tpu.dma_semaphore, #tpu.memory_space<semaphore_mem>>)
        %add3A_218 = arith.addi %select_n3A_8, %add3A_204 : i32
        %dma_start3A_219 = arith.constant 1 : i32
        %dma_start3A_220 = arith.constant 0 : i32
        %dma_start3A_221 = tpu.memref_slice %arg8[%dma_start3A_219, %dma_start3A_220] : memref<2x64xi32, #tpu.memory_space<vmem>> -> memref<1x64xi32, #tpu.memory_space<vmem>>
        %dma_start3A_222 = tpu.memref_squeeze %dma_start3A_221 : memref<1x64xi32, #tpu.memory_space<vmem>> -> memref<64xi32, #tpu.memory_space<vmem>>
        %dma_start3A_223 = arith.constant 0 : i32
        %dma_start3A_224 = tpu.memref_slice %arg5[%add3A_218, %dma_start3A_223] : memref<2624x64xi32, #tpu.memory_space<hbm>> -> memref<1x64xi32, #tpu.memory_space<hbm>>
        %dma_start3A_225 = tpu.memref_squeeze %dma_start3A_224 : memref<1x64xi32, #tpu.memory_space<hbm>> -> memref<64xi32, #tpu.memory_space<hbm>>
        %dma_start3A_226 = arith.constant 0 : i32
        %dma_start3A_227 = tpu.memref_slice %arg8[%dma_start3A_219, %dma_start3A_226] : memref<2x64xi32, #tpu.memory_space<vmem>> -> memref<1x64xi32, #tpu.memory_space<vmem>>
        %dma_start3A_228 = tpu.memref_squeeze %dma_start3A_227 : memref<1x64xi32, #tpu.memory_space<vmem>> -> memref<64xi32, #tpu.memory_space<vmem>>
        %dma_start3A_229 = arith.constant 0 : i32
        %dma_start3A_230 = tpu.memref_slice %arg5[%add3A_218, %dma_start3A_229] : memref<2624x64xi32, #tpu.memory_space<hbm>> -> memref<1x64xi32, #tpu.memory_space<hbm>>
        %dma_start3A_231 = tpu.memref_squeeze %dma_start3A_230 : memref<1x64xi32, #tpu.memory_space<hbm>> -> memref<64xi32, #tpu.memory_space<hbm>>
        tpu.enqueue_dma source(%dma_start3A_231 : memref<64xi32, #tpu.memory_space<hbm>>) target(%dma_start3A_228 : memref<64xi32, #tpu.memory_space<vmem>>) target_semaphore(%arg21 : memref<!tpu.dma_semaphore, #tpu.memory_space<semaphore_mem>>)
      } else {
      }
      %dma_wait3A_117 = arith.constant 0 : i32
      %dma_wait3A_118 = arith.constant 0 : i32
      %dma_wait3A_119 = tpu.memref_slice %arg3[%dma_wait3A_117, %dma_wait3A_118] : memref<163840x128xf32, #tpu.memory_space<hbm>> -> memref<64x128xf32, #tpu.memory_space<hbm>>
      %dma_wait3A_120 = arith.constant 0 : i32
      %dma_wait3A_121 = arith.constant 0 : i32
      %dma_wait3A_122 = tpu.memref_slice %arg3[%dma_wait3A_120, %dma_wait3A_121] : memref<163840x128xf32, #tpu.memory_space<hbm>> -> memref<64x128xf32, #tpu.memory_space<hbm>>
      tpu.wait_dma2 semaphore(%arg14 : memref<!tpu.dma_semaphore, #tpu.memory_space<semaphore_mem>>) src(%dma_wait3A_122 : memref<64x128xf32, #tpu.memory_space<hbm>>) dst(%arg11 : memref<64x128xf32, #tpu.memory_space<vmem>>)
      %dma_wait3A_123 = arith.constant 0 : i32
      %dma_wait3A_124 = arith.constant 0 : i32
      %dma_wait3A_125 = tpu.memref_slice %arg2[%dma_wait3A_123, %dma_wait3A_124] : memref<10000x128xf32, #tpu.memory_space<hbm>> -> memref<64x128xf32, #tpu.memory_space<hbm>>
      %dma_wait3A_126 = arith.constant 0 : i32
      %dma_wait3A_127 = arith.constant 0 : i32
      %dma_wait3A_128 = tpu.memref_slice %arg2[%dma_wait3A_126, %dma_wait3A_127] : memref<10000x128xf32, #tpu.memory_space<hbm>> -> memref<64x128xf32, #tpu.memory_space<hbm>>
      tpu.wait_dma2 semaphore(%arg16 : memref<!tpu.dma_semaphore, #tpu.memory_space<semaphore_mem>>) src(%dma_wait3A_128 : memref<64x128xf32, #tpu.memory_space<hbm>>) dst(%arg9 : memref<64x128xf32, #tpu.memory_space<vmem>>)
      %dma_wait3A_129 = arith.constant 0 : i32
      %dma_wait3A_130 = arith.constant 0 : i32
      %dma_wait3A_131 = arith.constant 0 : i32
      %dma_wait3A_132 = tpu.memref_slice %arg8[%dma_wait3A_130, %dma_wait3A_131] : memref<2x64xi32, #tpu.memory_space<vmem>> -> memref<1x64xi32, #tpu.memory_space<vmem>>
      %dma_wait3A_133 = tpu.memref_squeeze %dma_wait3A_132 : memref<1x64xi32, #tpu.memory_space<vmem>> -> memref<64xi32, #tpu.memory_space<vmem>>
      %dma_wait3A_134 = arith.constant 0 : i32
      %dma_wait3A_135 = tpu.memref_slice %arg5[%dma_wait3A_129, %dma_wait3A_134] : memref<2624x64xi32, #tpu.memory_space<hbm>> -> memref<1x64xi32, #tpu.memory_space<hbm>>
      %dma_wait3A_136 = tpu.memref_squeeze %dma_wait3A_135 : memref<1x64xi32, #tpu.memory_space<hbm>> -> memref<64xi32, #tpu.memory_space<hbm>>
      %dma_wait3A_137 = arith.constant 0 : i32
      %dma_wait3A_138 = tpu.memref_slice %arg8[%dma_wait3A_130, %dma_wait3A_137] : memref<2x64xi32, #tpu.memory_space<vmem>> -> memref<1x64xi32, #tpu.memory_space<vmem>>
      %dma_wait3A_139 = tpu.memref_squeeze %dma_wait3A_138 : memref<1x64xi32, #tpu.memory_space<vmem>> -> memref<64xi32, #tpu.memory_space<vmem>>
      %dma_wait3A_140 = arith.constant 0 : i32
      %dma_wait3A_141 = tpu.memref_slice %arg5[%dma_wait3A_129, %dma_wait3A_140] : memref<2624x64xi32, #tpu.memory_space<hbm>> -> memref<1x64xi32, #tpu.memory_space<hbm>>
      %dma_wait3A_142 = tpu.memref_squeeze %dma_wait3A_141 : memref<1x64xi32, #tpu.memory_space<hbm>> -> memref<64xi32, #tpu.memory_space<hbm>>
      tpu.wait_dma2 semaphore(%arg20 : memref<!tpu.dma_semaphore, #tpu.memory_space<semaphore_mem>>) src(%dma_wait3A_142 : memref<64xi32, #tpu.memory_space<hbm>>) dst(%dma_wait3A_139 : memref<64xi32, #tpu.memory_space<vmem>>)
      %parallel_loop3A = arith.constant 0 : i32
      %parallel_loop3A_143 = arith.constant 512 : i32
      %parallel_loop3A_144 = arith.constant 1 : i32
      scf.for %parallel_loop3A_203 = %parallel_loop3A to %parallel_loop3A_143 step %parallel_loop3A_144  : i32 {
        %parallel_loop3A_204 = arith.constant 3 : i32
        %parallel_loop3A_205 = arith.shrsi %parallel_loop3A_203, %parallel_loop3A_204 : i32
        %parallel_loop3A_206 = arith.constant 7 : i32
        %parallel_loop3A_207 = arith.andi %parallel_loop3A_203, %parallel_loop3A_206 : i32
        %parallel_loop3A_208 = arith.constant 16 : i32
        %parallel_loop3A_209 = arith.muli %parallel_loop3A_207, %parallel_loop3A_208 : i32
        %parallel_loop3A_210 = arith.index_cast %parallel_loop3A_205 : i32 to index
        %parallel_loop3A_211 = arith.index_cast %parallel_loop3A_209 : i32 to index
        %parallel_loop3A_212 = tpu.vector_load %arg11[%parallel_loop3A_210, %parallel_loop3A_211] {strides = array<i32>} : memref<64x128xf32, #tpu.memory_space<vmem>>, vector<1x16xf32>,
        %parallel_loop3A_213 = vector.shape_cast %parallel_loop3A_212 : vector<1x16xf32> to vector<16xf32>
        %parallel_loop3A_214 = arith.index_cast %parallel_loop3A_205 : i32 to index
        %parallel_loop3A_215 = arith.index_cast %parallel_loop3A_209 : i32 to index
        %parallel_loop3A_216 = tpu.vector_load %arg9[%parallel_loop3A_214, %parallel_loop3A_215] {strides = array<i32>} : memref<64x128xf32, #tpu.memory_space<vmem>>, vector<1x16xf32>,
        %parallel_loop3A_217 = vector.shape_cast %parallel_loop3A_216 : vector<1x16xf32> to vector<16xf32>
        %parallel_loop3A_218 = arith.addf %parallel_loop3A_213, %parallel_loop3A_217 : vector<16xf32>
        %parallel_loop3A_219 = arith.constant 0.000000e+00 : f32
        %parallel_loop3A_220 = vector.broadcast %parallel_loop3A_219 : f32 to vector<16xf32>
        %parallel_loop3A_221 = arith.maximumf %parallel_loop3A_218, %parallel_loop3A_220 : vector<16xf32>
        %parallel_loop3A_222 = arith.index_cast %parallel_loop3A_205 : i32 to index
        %parallel_loop3A_223 = arith.index_cast %parallel_loop3A_209 : i32 to index
        %parallel_loop3A_224 = tpu.vector_load %arg11[%parallel_loop3A_222, %parallel_loop3A_223] {strides = array<i32>} : memref<64x128xf32, #tpu.memory_space<vmem>>, vector<1x16xf32>,
        %parallel_loop3A_225 = vector.shape_cast %parallel_loop3A_224 : vector<1x16xf32> to vector<16xf32>
        %parallel_loop3A_226 = vector.shape_cast %parallel_loop3A_221 : vector<16xf32> to vector<1x16xf32>
        tpu.vector_store %arg11[%parallel_loop3A_222, %parallel_loop3A_223], %parallel_loop3A_226 {strides = array<i32>} : memref<64x128xf32, #tpu.memory_space<vmem>>, vector<1x16xf32>,
      } {sc.loop_unroll_factor = 4 : i64, sc.parallel_access}
      %dma_start3A_145 = arith.constant 0 : i32
      %dma_start3A_146 = arith.constant 0 : i32
      %dma_start3A_147 = tpu.memref_slice %arg8[%dma_start3A_145, %dma_start3A_146] : memref<2x64xi32, #tpu.memory_space<vmem>> -> memref<1x64xi32, #tpu.memory_space<vmem>>
      %dma_start3A_148 = tpu.memref_squeeze %dma_start3A_147 : memref<1x64xi32, #tpu.memory_space<vmem>> -> memref<64xi32, #tpu.memory_space<vmem>>
      %dma_start3A_149 = arith.constant 0 : i32
      %dma_start3A_150 = arith.constant 0 : i32
      %dma_start3A_151 = tpu.memref_slice %arg13[%dma_start3A_149, %dma_start3A_150] : memref<10112x128xf32, #tpu.memory_space<vmem_shared>> -> memref<10112x128xf32, #tpu.memory_space<vmem_shared>>
      tpu.enqueue_indirect_dma source(%arg11 : memref<64x128xf32, #tpu.memory_space<vmem>>) target(%dma_start3A_151 : memref<10112x128xf32, #tpu.memory_space<vmem_shared>>) offsets(%dma_start3A_148 : memref<64xi32, #tpu.memory_space<vmem>>) semaphore(%arg18 : memref<!tpu.dma_semaphore, #tpu.memory_space<semaphore_mem>>) {add = true}
      %add3A_152 = arith.constant 1 : i32
      %add3A_153 = arith.addi %add3A_107, %add3A_152 : i32
      %dma_wait3A_154 = arith.constant 0 : i32
      %dma_wait3A_155 = arith.constant 0 : i32
      %dma_wait3A_156 = tpu.memref_slice %arg8[%dma_wait3A_154, %dma_wait3A_155] : memref<2x64xi32, #tpu.memory_space<vmem>> -> memref<1x64xi32, #tpu.memory_space<vmem>>
      %dma_wait3A_157 = tpu.memref_squeeze %dma_wait3A_156 : memref<1x64xi32, #tpu.memory_space<vmem>> -> memref<64xi32, #tpu.memory_space<vmem>>
      %dma_wait3A_158 = arith.constant 0 : i32
      %dma_wait3A_159 = arith.constant 0 : i32
      %dma_wait3A_160 = tpu.memref_slice %arg13[%dma_wait3A_158, %dma_wait3A_159] : memref<10112x128xf32, #tpu.memory_space<vmem_shared>> -> memref<10112x128xf32, #tpu.memory_space<vmem_shared>>
      tpu.wait_indirect_dma semaphore(%arg18 : memref<!tpu.dma_semaphore, #tpu.memory_space<semaphore_mem>>) src(%arg11 : memref<64x128xf32, #tpu.memory_space<vmem>>) dst(%dma_wait3A_160 : memref<10112x128xf32, #tpu.memory_space<vmem_shared>>)
      %add3A_161 = arith.constant 1 : i32
      %add3A_162 = arith.addi %add3A_153, %add3A_161 : i32
      %lt3A_163 = arith.cmpi slt, %add3A_162, %select_n3A : i32
      %convert_element_type3A_164 = arith.extui %lt3A_163 : i1 to i32
      %cond3A_165 = arith.constant 0 : i32
      %cond3A_166 = arith.cmpi ne, %convert_element_type3A_164, %cond3A_165 : i32
      scf.if %cond3A_166 {
        %add3A_203 = arith.constant 1 : i32
        %add3A_204 = arith.addi %add3A_153, %add3A_203 : i32
        %add3A_205 = arith.addi %select_n3A_8, %add3A_204 : i32
        %mul3A_206 = arith.constant 64 : i32
        %mul3A_207 = arith.muli %add3A_205, %mul3A_206 : i32
        %dma_start3A_208 = arith.constant 0 : i32
        %dma_start3A_209 = tpu.memref_slice %arg3[%mul3A_207, %dma_start3A_208] : memref<163840x128xf32, #tpu.memory_space<hbm>> -> memref<64x128xf32, #tpu.memory_space<hbm>>
        %dma_start3A_210 = arith.constant 0 : i32
        %dma_start3A_211 = tpu.memref_slice %arg3[%mul3A_207, %dma_start3A_210] : memref<163840x128xf32, #tpu.memory_space<hbm>> -> memref<64x128xf32, #tpu.memory_space<hbm>>
        tpu.enqueue_dma source(%dma_start3A_211 : memref<64x128xf32, #tpu.memory_space<hbm>>) target(%arg11 : memref<64x128xf32, #tpu.memory_space<vmem>>) target_semaphore(%arg14 : memref<!tpu.dma_semaphore, #tpu.memory_space<semaphore_mem>>)
        %dma_start3A_212 = arith.constant 0 : i32
        %dma_start3A_213 = tpu.memref_slice %arg7[%add3A_204, %dma_start3A_212] : memref<112x64xi32, #tpu.memory_space<vmem>> -> memref<1x64xi32, #tpu.memory_space<vmem>>
        %dma_start3A_214 = tpu.memref_squeeze %dma_start3A_213 : memref<1x64xi32, #tpu.memory_space<vmem>> -> memref<64xi32, #tpu.memory_space<vmem>>
        %dma_start3A_215 = arith.constant 0 : i32
        %dma_start3A_216 = arith.constant 0 : i32
        %dma_start3A_217 = tpu.memref_slice %arg2[%dma_start3A_215, %dma_start3A_216] : memref<10000x128xf32, #tpu.memory_space<hbm>> -> memref<10000x128xf32, #tpu.memory_space<hbm>>
        tpu.enqueue_indirect_dma source(%dma_start3A_217 : memref<10000x128xf32, #tpu.memory_space<hbm>>) target(%arg9 : memref<64x128xf32, #tpu.memory_space<vmem>>) offsets(%dma_start3A_214 : memref<64xi32, #tpu.memory_space<vmem>>) semaphore(%arg16 : memref<!tpu.dma_semaphore, #tpu.memory_space<semaphore_mem>>)
        %add3A_218 = arith.addi %select_n3A_8, %add3A_204 : i32
        %dma_start3A_219 = arith.constant 0 : i32
        %dma_start3A_220 = arith.constant 0 : i32
        %dma_start3A_221 = tpu.memref_slice %arg8[%dma_start3A_219, %dma_start3A_220] : memref<2x64xi32, #tpu.memory_space<vmem>> -> memref<1x64xi32, #tpu.memory_space<vmem>>
        %dma_start3A_222 = tpu.memref_squeeze %dma_start3A_221 : memref<1x64xi32, #tpu.memory_space<vmem>> -> memref<64xi32, #tpu.memory_space<vmem>>
        %dma_start3A_223 = arith.constant 0 : i32
        %dma_start3A_224 = tpu.memref_slice %arg5[%add3A_218, %dma_start3A_223] : memref<2624x64xi32, #tpu.memory_space<hbm>> -> memref<1x64xi32, #tpu.memory_space<hbm>>
        %dma_start3A_225 = tpu.memref_squeeze %dma_start3A_224 : memref<1x64xi32, #tpu.memory_space<hbm>> -> memref<64xi32, #tpu.memory_space<hbm>>
        %dma_start3A_226 = arith.constant 0 : i32
        %dma_start3A_227 = tpu.memref_slice %arg8[%dma_start3A_219, %dma_start3A_226] : memref<2x64xi32, #tpu.memory_space<vmem>> -> memref<1x64xi32, #tpu.memory_space<vmem>>
        %dma_start3A_228 = tpu.memref_squeeze %dma_start3A_227 : memref<1x64xi32, #tpu.memory_space<vmem>> -> memref<64xi32, #tpu.memory_space<vmem>>
        %dma_start3A_229 = arith.constant 0 : i32
        %dma_start3A_230 = tpu.memref_slice %arg5[%add3A_218, %dma_start3A_229] : memref<2624x64xi32, #tpu.memory_space<hbm>> -> memref<1x64xi32, #tpu.memory_space<hbm>>
        %dma_start3A_231 = tpu.memref_squeeze %dma_start3A_230 : memref<1x64xi32, #tpu.memory_space<hbm>> -> memref<64xi32, #tpu.memory_space<hbm>>
        tpu.enqueue_dma source(%dma_start3A_231 : memref<64xi32, #tpu.memory_space<hbm>>) target(%dma_start3A_228 : memref<64xi32, #tpu.memory_space<vmem>>) target_semaphore(%arg20 : memref<!tpu.dma_semaphore, #tpu.memory_space<semaphore_mem>>)
      } else {
      }
      %dma_wait3A_167 = arith.constant 0 : i32
      %dma_wait3A_168 = arith.constant 0 : i32
      %dma_wait3A_169 = tpu.memref_slice %arg3[%dma_wait3A_167, %dma_wait3A_168] : memref<163840x128xf32, #tpu.memory_space<hbm>> -> memref<64x128xf32, #tpu.memory_space<hbm>>
      %dma_wait3A_170 = arith.constant 0 : i32
      %dma_wait3A_171 = arith.constant 0 : i32
      %dma_wait3A_172 = tpu.memref_slice %arg3[%dma_wait3A_170, %dma_wait3A_171] : memref<163840x128xf32, #tpu.memory_space<hbm>> -> memref<64x128xf32, #tpu.memory_space<hbm>>
      tpu.wait_dma2 semaphore(%arg15 : memref<!tpu.dma_semaphore, #tpu.memory_space<semaphore_mem>>) src(%dma_wait3A_172 : memref<64x128xf32, #tpu.memory_space<hbm>>) dst(%arg12 : memref<64x128xf32, #tpu.memory_space<vmem>>)
      %dma_wait3A_173 = arith.constant 0 : i32
      %dma_wait3A_174 = arith.constant 0 : i32
      %dma_wait3A_175 = tpu.memref_slice %arg2[%dma_wait3A_173, %dma_wait3A_174] : memref<10000x128xf32, #tpu.memory_space<hbm>> -> memref<64x128xf32, #tpu.memory_space<hbm>>
      %dma_wait3A_176 = arith.constant 0 : i32
      %dma_wait3A_177 = arith.constant 0 : i32
      %dma_wait3A_178 = tpu.memref_slice %arg2[%dma_wait3A_176, %dma_wait3A_177] : memref<10000x128xf32, #tpu.memory_space<hbm>> -> memref<64x128xf32, #tpu.memory_space<hbm>>
      tpu.wait_dma2 semaphore(%arg17 : memref<!tpu.dma_semaphore, #tpu.memory_space<semaphore_mem>>) src(%dma_wait3A_178 : memref<64x128xf32, #tpu.memory_space<hbm>>) dst(%arg10 : memref<64x128xf32, #tpu.memory_space<vmem>>)
      %dma_wait3A_179 = arith.constant 0 : i32
      %dma_wait3A_180 = arith.constant 1 : i32
      %dma_wait3A_181 = arith.constant 0 : i32
      %dma_wait3A_182 = tpu.memref_slice %arg8[%dma_wait3A_180, %dma_wait3A_181] : memref<2x64xi32, #tpu.memory_space<vmem>> -> memref<1x64xi32, #tpu.memory_space<vmem>>
      %dma_wait3A_183 = tpu.memref_squeeze %dma_wait3A_182 : memref<1x64xi32, #tpu.memory_space<vmem>> -> memref<64xi32, #tpu.memory_space<vmem>>
      %dma_wait3A_184 = arith.constant 0 : i32
      %dma_wait3A_185 = tpu.memref_slice %arg5[%dma_wait3A_179, %dma_wait3A_184] : memref<2624x64xi32, #tpu.memory_space<hbm>> -> memref<1x64xi32, #tpu.memory_space<hbm>>
      %dma_wait3A_186 = tpu.memref_squeeze %dma_wait3A_185 : memref<1x64xi32, #tpu.memory_space<hbm>> -> memref<64xi32, #tpu.memory_space<hbm>>
      %dma_wait3A_187 = arith.constant 0 : i32
      %dma_wait3A_188 = tpu.memref_slice %arg8[%dma_wait3A_180, %dma_wait3A_187] : memref<2x64xi32, #tpu.memory_space<vmem>> -> memref<1x64xi32, #tpu.memory_space<vmem>>
      %dma_wait3A_189 = tpu.memref_squeeze %dma_wait3A_188 : memref<1x64xi32, #tpu.memory_space<vmem>> -> memref<64xi32, #tpu.memory_space<vmem>>
      %dma_wait3A_190 = arith.constant 0 : i32
      %dma_wait3A_191 = tpu.memref_slice %arg5[%dma_wait3A_179, %dma_wait3A_190] : memref<2624x64xi32, #tpu.memory_space<hbm>> -> memref<1x64xi32, #tpu.memory_space<hbm>>
      %dma_wait3A_192 = tpu.memref_squeeze %dma_wait3A_191 : memref<1x64xi32, #tpu.memory_space<hbm>> -> memref<64xi32, #tpu.memory_space<hbm>>
      tpu.wait_dma2 semaphore(%arg21 : memref<!tpu.dma_semaphore, #tpu.memory_space<semaphore_mem>>) src(%dma_wait3A_192 : memref<64xi32, #tpu.memory_space<hbm>>) dst(%dma_wait3A_189 : memref<64xi32, #tpu.memory_space<vmem>>)
      %parallel_loop3A_193 = arith.constant 0 : i32
      %parallel_loop3A_194 = arith.constant 512 : i32
      %parallel_loop3A_195 = arith.constant 1 : i32
      scf.for %parallel_loop3A_203 = %parallel_loop3A_193 to %parallel_loop3A_194 step %parallel_loop3A_195  : i32 {
        %parallel_loop3A_204 = arith.constant 3 : i32
        %parallel_loop3A_205 = arith.shrsi %parallel_loop3A_203, %parallel_loop3A_204 : i32
        %parallel_loop3A_206 = arith.constant 7 : i32
        %parallel_loop3A_207 = arith.andi %parallel_loop3A_203, %parallel_loop3A_206 : i32
        %parallel_loop3A_208 = arith.constant 16 : i32
        %parallel_loop3A_209 = arith.muli %parallel_loop3A_207, %parallel_loop3A_208 : i32
        %parallel_loop3A_210 = arith.index_cast %parallel_loop3A_205 : i32 to index
        %parallel_loop3A_211 = arith.index_cast %parallel_loop3A_209 : i32 to index
        %parallel_loop3A_212 = tpu.vector_load %arg12[%parallel_loop3A_210, %parallel_loop3A_211] {strides = array<i32>} : memref<64x128xf32, #tpu.memory_space<vmem>>, vector<1x16xf32>,
        %parallel_loop3A_213 = vector.shape_cast %parallel_loop3A_212 : vector<1x16xf32> to vector<16xf32>
        %parallel_loop3A_214 = arith.index_cast %parallel_loop3A_205 : i32 to index
        %parallel_loop3A_215 = arith.index_cast %parallel_loop3A_209 : i32 to index
        %parallel_loop3A_216 = tpu.vector_load %arg10[%parallel_loop3A_214, %parallel_loop3A_215] {strides = array<i32>} : memref<64x128xf32, #tpu.memory_space<vmem>>, vector<1x16xf32>,
        %parallel_loop3A_217 = vector.shape_cast %parallel_loop3A_216 : vector<1x16xf32> to vector<16xf32>
        %parallel_loop3A_218 = arith.addf %parallel_loop3A_213, %parallel_loop3A_217 : vector<16xf32>
        %parallel_loop3A_219 = arith.constant 0.000000e+00 : f32
        %parallel_loop3A_220 = vector.broadcast %parallel_loop3A_219 : f32 to vector<16xf32>
        %parallel_loop3A_221 = arith.maximumf %parallel_loop3A_218, %parallel_loop3A_220 : vector<16xf32>
        %parallel_loop3A_222 = arith.index_cast %parallel_loop3A_205 : i32 to index
        %parallel_loop3A_223 = arith.index_cast %parallel_loop3A_209 : i32 to index
        %parallel_loop3A_224 = tpu.vector_load %arg12[%parallel_loop3A_222, %parallel_loop3A_223] {strides = array<i32>} : memref<64x128xf32, #tpu.memory_space<vmem>>, vector<1x16xf32>,
        %parallel_loop3A_225 = vector.shape_cast %parallel_loop3A_224 : vector<1x16xf32> to vector<16xf32>
        %parallel_loop3A_226 = vector.shape_cast %parallel_loop3A_221 : vector<16xf32> to vector<1x16xf32>
        tpu.vector_store %arg12[%parallel_loop3A_222, %parallel_loop3A_223], %parallel_loop3A_226 {strides = array<i32>} : memref<64x128xf32, #tpu.memory_space<vmem>>, vector<1x16xf32>,
      } {sc.loop_unroll_factor = 4 : i64, sc.parallel_access}
      %dma_start3A_196 = arith.constant 1 : i32
      %dma_start3A_197 = arith.constant 0 : i32
      %dma_start3A_198 = tpu.memref_slice %arg8[%dma_start3A_196, %dma_start3A_197] : memref<2x64xi32, #tpu.memory_space<vmem>> -> memref<1x64xi32, #tpu.memory_space<vmem>>
      %dma_start3A_199 = tpu.memref_squeeze %dma_start3A_198 : memref<1x64xi32, #tpu.memory_space<vmem>> -> memref<64xi32, #tpu.memory_space<vmem>>
      %dma_start3A_200 = arith.constant 0 : i32
      %dma_start3A_201 = arith.constant 0 : i32
      %dma_start3A_202 = tpu.memref_slice %arg13[%dma_start3A_200, %dma_start3A_201] : memref<10112x128xf32, #tpu.memory_space<vmem_shared>> -> memref<10112x128xf32, #tpu.memory_space<vmem_shared>>
      tpu.enqueue_indirect_dma source(%arg12 : memref<64x128xf32, #tpu.memory_space<vmem>>) target(%dma_start3A_202 : memref<10112x128xf32, #tpu.memory_space<vmem_shared>>) offsets(%dma_start3A_199 : memref<64xi32, #tpu.memory_space<vmem>>) semaphore(%arg19 : memref<!tpu.dma_semaphore, #tpu.memory_space<semaphore_mem>>) {add = true}
    }
    %dma_wait3A = arith.constant 1 : i32
    %dma_wait3A_94 = arith.constant 0 : i32
    %dma_wait3A_95 = tpu.memref_slice %arg8[%dma_wait3A, %dma_wait3A_94] : memref<2x64xi32, #tpu.memory_space<vmem>> -> memref<1x64xi32, #tpu.memory_space<vmem>>
    %dma_wait3A_96 = tpu.memref_squeeze %dma_wait3A_95 : memref<1x64xi32, #tpu.memory_space<vmem>> -> memref<64xi32, #tpu.memory_space<vmem>>
    %dma_wait3A_97 = arith.constant 0 : i32
    %dma_wait3A_98 = arith.constant 0 : i32
    %dma_wait3A_99 = tpu.memref_slice %arg13[%dma_wait3A_97, %dma_wait3A_98] : memref<10112x128xf32, #tpu.memory_space<vmem_shared>> -> memref<10112x128xf32, #tpu.memory_space<vmem_shared>>
    tpu.wait_indirect_dma semaphore(%arg19 : memref<!tpu.dma_semaphore, #tpu.memory_space<semaphore_mem>>) src(%arg12 : memref<64x128xf32, #tpu.memory_space<vmem>>) dst(%dma_wait3A_99 : memref<10112x128xf32, #tpu.memory_space<vmem_shared>>)
    %barrier3A_100 = arith.constant 0 : index
    tpu.barrier barrier_id(%barrier3A_100)
    %mul3A_101 = arith.constant 632 : i32
    %mul3A_102 = arith.muli %arg1, %mul3A_101 : i32
    %mul3A_103 = arith.constant 632 : i32
    %mul3A_104 = arith.muli %arg1, %mul3A_103 : i32
    "tpu.region"() ({
      %run_scoped3A = tpu.sem_alloc : memref<!tpu.dma_semaphore, #tpu.memory_space<semaphore_mem>>
      %dma_start3A_105 = arith.constant 0 : i32
      %dma_start3A_106 = tpu.memref_slice %arg6[%arg0, %mul3A_104, %dma_start3A_105] : memref<2x10112x128xf32, #tpu.memory_space<hbm>> -> memref<1x632x128xf32, #tpu.memory_space<hbm>>
      %dma_start3A_107 = tpu.memref_squeeze %dma_start3A_106 : memref<1x632x128xf32, #tpu.memory_space<hbm>> -> memref<632x128xf32, #tpu.memory_space<hbm>>
      %dma_start3A_108 = arith.constant 0 : i32
      %dma_start3A_109 = tpu.memref_slice %arg13[%mul3A_102, %dma_start3A_108] : memref<10112x128xf32, #tpu.memory_space<vmem_shared>> -> memref<632x128xf32, #tpu.memory_space<vmem_shared>>
      tpu.enqueue_dma source(%dma_start3A_109 : memref<632x128xf32, #tpu.memory_space<vmem_shared>>) target(%dma_start3A_107 : memref<632x128xf32, #tpu.memory_space<hbm>>) target_semaphore(%run_scoped3A : memref<!tpu.dma_semaphore, #tpu.memory_space<semaphore_mem>>)
      %dma_wait3A_110 = arith.constant 0 : i32
      %dma_wait3A_111 = tpu.memref_slice %arg6[%arg0, %mul3A_104, %dma_wait3A_110] : memref<2x10112x128xf32, #tpu.memory_space<hbm>> -> memref<1x632x128xf32, #tpu.memory_space<hbm>>
      %dma_wait3A_112 = tpu.memref_squeeze %dma_wait3A_111 : memref<1x632x128xf32, #tpu.memory_space<hbm>> -> memref<632x128xf32, #tpu.memory_space<hbm>>
      %dma_wait3A_113 = arith.constant 0 : i32
      %dma_wait3A_114 = tpu.memref_slice %arg13[%mul3A_102, %dma_wait3A_113] : memref<10112x128xf32, #tpu.memory_space<vmem_shared>> -> memref<632x128xf32, #tpu.memory_space<vmem_shared>>
      tpu.wait_dma2 semaphore(%run_scoped3A : memref<!tpu.dma_semaphore, #tpu.memory_space<semaphore_mem>>) src(%dma_wait3A_114 : memref<632x128xf32, #tpu.memory_space<vmem_shared>>) dst(%dma_wait3A_112 : memref<632x128xf32, #tpu.memory_space<hbm>>)
      tpu.yield
    }) : () -> ()
    return
  }
}

#map = affine_map<(d0, d1) -> (0, 0)>
#map1 = affine_map<(d0, d1) -> (0, 0, 0)>
module attributes {stable_mosaic.version = 14 : i64} {
  func.func @_sc_body(%arg0: i32, %arg1: i32, %arg2: memref<10000x128xf32, #tpu.memory_space<hbm>>, %arg3: memref<163840x128xf32, #tpu.memory_space<hbm>>, %arg4: memref<2624x64xi32, #tpu.memory_space<hbm>>, %arg5: memref<2624x64xi32, #tpu.memory_space<hbm>>, %arg6: memref<2x10112x128xf32, #tpu.memory_space<hbm>>, %arg7: memref<112x64xi32, #tpu.memory_space<vmem>>, %arg8: memref<2x64xi32, #tpu.memory_space<vmem>>, %arg9: memref<64x128xf32, #tpu.memory_space<vmem>>, %arg10: memref<64x128xf32, #tpu.memory_space<vmem>>, %arg11: memref<64x128xf32, #tpu.memory_space<vmem>>, %arg12: memref<64x128xf32, #tpu.memory_space<vmem>>, %arg13: memref<10112x128xf32, #tpu.memory_space<vmem_shared>>, %arg14: memref<!tpu.dma_semaphore, #tpu.memory_space<semaphore_mem>>, %arg15: memref<!tpu.dma_semaphore, #tpu.memory_space<semaphore_mem>>, %arg16: memref<!tpu.dma_semaphore, #tpu.memory_space<semaphore_mem>>, %arg17: memref<!tpu.dma_semaphore, #tpu.memory_space<semaphore_mem>>, %arg18: memref<!tpu.dma_semaphore, #tpu.memory_space<semaphore_mem>>, %arg19: memref<!tpu.dma_semaphore, #tpu.memory_space<semaphore_mem>>, %arg20: memref<!tpu.dma_semaphore, #tpu.memory_space<semaphore_mem>>, %arg21: memref<!tpu.dma_semaphore, #tpu.memory_space<semaphore_mem>>) attributes {dimension_semantics = [#tpu.dimension_semantics<core_parallel>, #tpu.dimension_semantics<subcore_parallel>], iteration_bounds = array<i64: 2, 16>, scalar_prefetch = 0 : i64, scratch_operands = 15 : i64, tpu.core_type = #tpu.core_type<sc_vector_subcore>, window_params = [{transform_indices = #map}, {transform_indices = #map}, {transform_indices = #map}, {transform_indices = #map}, {transform_indices = #map1}]} {
    %eq3A = arith.constant 0 : i32
    %eq3A_0 = arith.cmpi eq, %arg0, %eq3A : i32
    %jit3A = arith.constant 112 : i32
    %jit3A_1 = arith.constant 48 : i32
    %select_n3A = arith.select %eq3A_0, %jit3A, %jit3A_1 : i32
    %eq3A_2 = arith.constant 0 : i32
    %eq3A_3 = arith.cmpi eq, %arg0, %eq3A_2 : i32
    %mul3A = arith.constant 112 : i32
    %mul3A_4 = arith.muli %arg1, %mul3A : i32
    %mul3A_5 = arith.constant 48 : i32
    %mul3A_6 = arith.muli %arg1, %mul3A_5 : i32
    %add3A = arith.constant 1792 : i32
    %add3A_7 = arith.addi %add3A, %mul3A_6 : i32
    %select_n3A_8 = arith.select %eq3A_3, %mul3A_4, %add3A_7 : i32
    "tpu.region"() ({
      %run_scoped3A = tpu.sem_alloc : memref<!tpu.dma_semaphore, #tpu.memory_space<semaphore_mem>>
      %dma_start3A_105 = arith.constant 0 : i32
      %dma_start3A_106 = tpu.memref_slice %arg4[%select_n3A_8, %dma_start3A_105] : memref<2624x64xi32, #tpu.memory_space<hbm>> -> memref<112x64xi32, #tpu.memory_space<hbm>>
      %dma_start3A_107 = arith.constant 0 : i32
      %dma_start3A_108 = tpu.memref_slice %arg4[%select_n3A_8, %dma_start3A_107] : memref<2624x64xi32, #tpu.memory_space<hbm>> -> memref<112x64xi32, #tpu.memory_space<hbm>>
      tpu.enqueue_dma source(%dma_start3A_108 : memref<112x64xi32, #tpu.memory_space<hbm>>) target(%arg7 : memref<112x64xi32, #tpu.memory_space<vmem>>) target_semaphore(%run_scoped3A : memref<!tpu.dma_semaphore, #tpu.memory_space<semaphore_mem>>)
      %dma_wait3A_109 = arith.constant 0 : i32
      %dma_wait3A_110 = tpu.memref_slice %arg4[%select_n3A_8, %dma_wait3A_109] : memref<2624x64xi32, #tpu.memory_space<hbm>> -> memref<112x64xi32, #tpu.memory_space<hbm>>
      %dma_wait3A_111 = arith.constant 0 : i32
      %dma_wait3A_112 = tpu.memref_slice %arg4[%select_n3A_8, %dma_wait3A_111] : memref<2624x64xi32, #tpu.memory_space<hbm>> -> memref<112x64xi32, #tpu.memory_space<hbm>>
      tpu.wait_dma2 semaphore(%run_scoped3A : memref<!tpu.dma_semaphore, #tpu.memory_space<semaphore_mem>>) src(%dma_wait3A_112 : memref<112x64xi32, #tpu.memory_space<hbm>>) dst(%arg7 : memref<112x64xi32, #tpu.memory_space<vmem>>)
      tpu.yield
    }) : () -> ()
    %dma_start3A = arith.constant 0 : i32
    %dma_start3A_9 = arith.constant 0 : i32
    %dma_start3A_10 = tpu.memref_slice %arg7[%dma_start3A, %dma_start3A_9] : memref<112x64xi32, #tpu.memory_space<vmem>> -> memref<1x64xi32, #tpu.memory_space<vmem>>
    %dma_start3A_11 = tpu.memref_squeeze %dma_start3A_10 : memref<1x64xi32, #tpu.memory_space<vmem>> -> memref<64xi32, #tpu.memory_space<vmem>>
    %dma_start3A_12 = arith.constant 0 : i32
    %dma_start3A_13 = arith.constant 0 : i32
    %dma_start3A_14 = tpu.memref_slice %arg2[%dma_start3A_12, %dma_start3A_13] : memref<10000x128xf32, #tpu.memory_space<hbm>> -> memref<10000x128xf32, #tpu.memory_space<hbm>>
    tpu.enqueue_indirect_dma source(%dma_start3A_14 : memref<10000x128xf32, #tpu.memory_space<hbm>>) target(%arg9 : memref<64x128xf32, #tpu.memory_space<vmem>>) offsets(%dma_start3A_11 : memref<64xi32, #tpu.memory_space<vmem>>) semaphore(%arg16 : memref<!tpu.dma_semaphore, #tpu.memory_space<semaphore_mem>>)
    %dma_start3A_15 = arith.constant 0 : i32
    %dma_start3A_16 = arith.constant 0 : i32
    %dma_start3A_17 = tpu.memref_slice %arg8[%dma_start3A_15, %dma_start3A_16] : memref<2x64xi32, #tpu.memory_space<vmem>> -> memref<1x64xi32, #tpu.memory_space<vmem>>
    %dma_start3A_18 = tpu.memref_squeeze %dma_start3A_17 : memref<1x64xi32, #tpu.memory_space<vmem>> -> memref<64xi32, #tpu.memory_space<vmem>>
    %dma_start3A_19 = arith.constant 0 : i32
    %dma_start3A_20 = tpu.memref_slice %arg5[%select_n3A_8, %dma_start3A_19] : memref<2624x64xi32, #tpu.memory_space<hbm>> -> memref<1x64xi32, #tpu.memory_space<hbm>>
    %dma_start3A_21 = tpu.memref_squeeze %dma_start3A_20 : memref<1x64xi32, #tpu.memory_space<hbm>> -> memref<64xi32, #tpu.memory_space<hbm>>
    %dma_start3A_22 = arith.constant 0 : i32
    %dma_start3A_23 = tpu.memref_slice %arg8[%dma_start3A_15, %dma_start3A_22] : memref<2x64xi32, #tpu.memory_space<vmem>> -> memref<1x64xi32, #tpu.memory_space<vmem>>
    %dma_start3A_24 = tpu.memref_squeeze %dma_start3A_23 : memref<1x64xi32, #tpu.memory_space<vmem>> -> memref<64xi32, #tpu.memory_space<vmem>>
    %dma_start3A_25 = arith.constant 0 : i32
    %dma_start3A_26 = tpu.memref_slice %arg5[%select_n3A_8, %dma_start3A_25] : memref<2624x64xi32, #tpu.memory_space<hbm>> -> memref<1x64xi32, #tpu.memory_space<hbm>>
    %dma_start3A_27 = tpu.memref_squeeze %dma_start3A_26 : memref<1x64xi32, #tpu.memory_space<hbm>> -> memref<64xi32, #tpu.memory_space<hbm>>
    tpu.enqueue_dma source(%dma_start3A_27 : memref<64xi32, #tpu.memory_space<hbm>>) target(%dma_start3A_24 : memref<64xi32, #tpu.memory_space<vmem>>) target_semaphore(%arg20 : memref<!tpu.dma_semaphore, #tpu.memory_space<semaphore_mem>>)
    %scan3A = arith.constant 0 : i32
    %scan3A_28 = arith.constant 64 : i32
    %scan3A_29 = arith.addi %scan3A, %scan3A_28 : i32
    %scan3A_30 = arith.constant 1 : i32
    scf.for %scan3A_105 = %scan3A to %scan3A_29 step %scan3A_30  : i32 {
      %mul3A_106 = arith.constant 1 : i32
      %mul3A_107 = arith.muli %scan3A_105, %mul3A_106 : i32
      %add3A_108 = arith.constant 0 : i32
      %add3A_109 = arith.addi %add3A_108, %mul3A_107 : i32
      %broadcast_in_dim3A = arith.constant 0.000000e+00 : f32
      %broadcast_in_dim3A_110 = vector.broadcast %broadcast_in_dim3A : f32 to vector<16xf32>
      %swap3A = arith.index_cast %add3A_109 : i32 to index
      %swap3A_111 = arith.constant 0 : index
      %swap3A_112 = tpu.vector_load %arg11[%swap3A, %swap3A_111] {strides = array<i32>} : memref<64x128xf32, #tpu.memory_space<vmem>>, vector<1x16xf32>,
      %swap3A_113 = vector.shape_cast %swap3A_112 : vector<1x16xf32> to vector<16xf32>
      %swap3A_114 = vector.shape_cast %broadcast_in_dim3A_110 : vector<16xf32> to vector<1x16xf32>
      tpu.vector_store %arg11[%swap3A, %swap3A_111], %swap3A_114 {strides = array<i32>} : memref<64x128xf32, #tpu.memory_space<vmem>>, vector<1x16xf32>,
      %broadcast_in_dim3A_115 = arith.constant 0.000000e+00 : f32
      %broadcast_in_dim3A_116 = vector.broadcast %broadcast_in_dim3A_115 : f32 to vector<16xf32>
      %swap3A_117 = arith.index_cast %add3A_109 : i32 to index
      %swap3A_118 = arith.constant 16 : index
      %swap3A_119 = tpu.vector_load %arg11[%swap3A_117, %swap3A_118] {strides = array<i32>} : memref<64x128xf32, #tpu.memory_space<vmem>>, vector<1x16xf32>,
      %swap3A_120 = vector.shape_cast %swap3A_119 : vector<1x16xf32> to vector<16xf32>
      %swap3A_121 = vector.shape_cast %broadcast_in_dim3A_116 : vector<16xf32> to vector<1x16xf32>
      tpu.vector_store %arg11[%swap3A_117, %swap3A_118], %swap3A_121 {strides = array<i32>} : memref<64x128xf32, #tpu.memory_space<vmem>>, vector<1x16xf32>,
      %broadcast_in_dim3A_122 = arith.constant 0.000000e+00 : f32
      %broadcast_in_dim3A_123 = vector.broadcast %broadcast_in_dim3A_122 : f32 to vector<16xf32>
      %swap3A_124 = arith.index_cast %add3A_109 : i32 to index
      %swap3A_125 = arith.constant 32 : index
      %swap3A_126 = tpu.vector_load %arg11[%swap3A_124, %swap3A_125] {strides = array<i32>} : memref<64x128xf32, #tpu.memory_space<vmem>>, vector<1x16xf32>,
      %swap3A_127 = vector.shape_cast %swap3A_126 : vector<1x16xf32> to vector<16xf32>
      %swap3A_128 = vector.shape_cast %broadcast_in_dim3A_123 : vector<16xf32> to vector<1x16xf32>
      tpu.vector_store %arg11[%swap3A_124, %swap3A_125], %swap3A_128 {strides = array<i32>} : memref<64x128xf32, #tpu.memory_space<vmem>>, vector<1x16xf32>,
      %broadcast_in_dim3A_129 = arith.constant 0.000000e+00 : f32
      %broadcast_in_dim3A_130 = vector.broadcast %broadcast_in_dim3A_129 : f32 to vector<16xf32>
      %swap3A_131 = arith.index_cast %add3A_109 : i32 to index
      %swap3A_132 = arith.constant 48 : index
      %swap3A_133 = tpu.vector_load %arg11[%swap3A_131, %swap3A_132] {strides = array<i32>} : memref<64x128xf32, #tpu.memory_space<vmem>>, vector<1x16xf32>,
      %swap3A_134 = vector.shape_cast %swap3A_133 : vector<1x16xf32> to vector<16xf32>
      %swap3A_135 = vector.shape_cast %broadcast_in_dim3A_130 : vector<16xf32> to vector<1x16xf32>
      tpu.vector_store %arg11[%swap3A_131, %swap3A_132], %swap3A_135 {strides = array<i32>} : memref<64x128xf32, #tpu.memory_space<vmem>>, vector<1x16xf32>,
      %broadcast_in_dim3A_136 = arith.constant 0.000000e+00 : f32
      %broadcast_in_dim3A_137 = vector.broadcast %broadcast_in_dim3A_136 : f32 to vector<16xf32>
      %swap3A_138 = arith.index_cast %add3A_109 : i32 to index
      %swap3A_139 = arith.constant 64 : index
      %swap3A_140 = tpu.vector_load %arg11[%swap3A_138, %swap3A_139] {strides = array<i32>} : memref<64x128xf32, #tpu.memory_space<vmem>>, vector<1x16xf32>,
      %swap3A_141 = vector.shape_cast %swap3A_140 : vector<1x16xf32> to vector<16xf32>
      %swap3A_142 = vector.shape_cast %broadcast_in_dim3A_137 : vector<16xf32> to vector<1x16xf32>
      tpu.vector_store %arg11[%swap3A_138, %swap3A_139], %swap3A_142 {strides = array<i32>} : memref<64x128xf32, #tpu.memory_space<vmem>>, vector<1x16xf32>,
      %broadcast_in_dim3A_143 = arith.constant 0.000000e+00 : f32
      %broadcast_in_dim3A_144 = vector.broadcast %broadcast_in_dim3A_143 : f32 to vector<16xf32>
      %swap3A_145 = arith.index_cast %add3A_109 : i32 to index
      %swap3A_146 = arith.constant 80 : index
      %swap3A_147 = tpu.vector_load %arg11[%swap3A_145, %swap3A_146] {strides = array<i32>} : memref<64x128xf32, #tpu.memory_space<vmem>>, vector<1x16xf32>,
      %swap3A_148 = vector.shape_cast %swap3A_147 : vector<1x16xf32> to vector<16xf32>
      %swap3A_149 = vector.shape_cast %broadcast_in_dim3A_144 : vector<16xf32> to vector<1x16xf32>
      tpu.vector_store %arg11[%swap3A_145, %swap3A_146], %swap3A_149 {strides = array<i32>} : memref<64x128xf32, #tpu.memory_space<vmem>>, vector<1x16xf32>,
      %broadcast_in_dim3A_150 = arith.constant 0.000000e+00 : f32
      %broadcast_in_dim3A_151 = vector.broadcast %broadcast_in_dim3A_150 : f32 to vector<16xf32>
      %swap3A_152 = arith.index_cast %add3A_109 : i32 to index
      %swap3A_153 = arith.constant 96 : index
      %swap3A_154 = tpu.vector_load %arg11[%swap3A_152, %swap3A_153] {strides = array<i32>} : memref<64x128xf32, #tpu.memory_space<vmem>>, vector<1x16xf32>,
      %swap3A_155 = vector.shape_cast %swap3A_154 : vector<1x16xf32> to vector<16xf32>
      %swap3A_156 = vector.shape_cast %broadcast_in_dim3A_151 : vector<16xf32> to vector<1x16xf32>
      tpu.vector_store %arg11[%swap3A_152, %swap3A_153], %swap3A_156 {strides = array<i32>} : memref<64x128xf32, #tpu.memory_space<vmem>>, vector<1x16xf32>,
      %broadcast_in_dim3A_157 = arith.constant 0.000000e+00 : f32
      %broadcast_in_dim3A_158 = vector.broadcast %broadcast_in_dim3A_157 : f32 to vector<16xf32>
      %swap3A_159 = arith.index_cast %add3A_109 : i32 to index
      %swap3A_160 = arith.constant 112 : index
      %swap3A_161 = tpu.vector_load %arg11[%swap3A_159, %swap3A_160] {strides = array<i32>} : memref<64x128xf32, #tpu.memory_space<vmem>>, vector<1x16xf32>,
      %swap3A_162 = vector.shape_cast %swap3A_161 : vector<1x16xf32> to vector<16xf32>
      %swap3A_163 = vector.shape_cast %broadcast_in_dim3A_158 : vector<16xf32> to vector<1x16xf32>
      tpu.vector_store %arg11[%swap3A_159, %swap3A_160], %swap3A_163 {strides = array<i32>} : memref<64x128xf32, #tpu.memory_space<vmem>>, vector<1x16xf32>,
    }
    %scan3A_31 = arith.constant 64 : i32
    %mul3A_32 = arith.constant 632 : i32
    %mul3A_33 = arith.muli %arg1, %mul3A_32 : i32
    %add3A_34 = arith.constant 0 : i32
    %add3A_35 = arith.addi %mul3A_33, %add3A_34 : i32
    "tpu.region"() ({
      %run_scoped3A = tpu.sem_alloc : memref<!tpu.dma_semaphore, #tpu.memory_space<semaphore_mem>>
      %dma_start3A_105 = arith.constant 0 : i32
      %dma_start3A_106 = tpu.memref_slice %arg13[%add3A_35, %dma_start3A_105] : memref<10112x128xf32, #tpu.memory_space<vmem_shared>> -> memref<64x128xf32, #tpu.memory_space<vmem_shared>>
      %dma_start3A_107 = arith.constant 0 : i32
      %dma_start3A_108 = tpu.memref_slice %arg13[%add3A_35, %dma_start3A_107] : memref<10112x128xf32, #tpu.memory_space<vmem_shared>> -> memref<64x128xf32, #tpu.memory_space<vmem_shared>>
      tpu.enqueue_dma source(%arg11 : memref<64x128xf32, #tpu.memory_space<vmem>>) target(%dma_start3A_108 : memref<64x128xf32, #tpu.memory_space<vmem_shared>>) target_semaphore(%run_scoped3A : memref<!tpu.dma_semaphore, #tpu.memory_space<semaphore_mem>>)
      %dma_wait3A_109 = arith.constant 0 : i32
      %dma_wait3A_110 = tpu.memref_slice %arg13[%add3A_35, %dma_wait3A_109] : memref<10112x128xf32, #tpu.memory_space<vmem_shared>> -> memref<64x128xf32, #tpu.memory_space<vmem_shared>>
      %dma_wait3A_111 = arith.constant 0 : i32
      %dma_wait3A_112 = tpu.memref_slice %arg13[%add3A_35, %dma_wait3A_111] : memref<10112x128xf32, #tpu.memory_space<vmem_shared>> -> memref<64x128xf32, #tpu.memory_space<vmem_shared>>
      tpu.wait_dma2 semaphore(%run_scoped3A : memref<!tpu.dma_semaphore, #tpu.memory_space<semaphore_mem>>) src(%arg11 : memref<64x128xf32, #tpu.memory_space<vmem>>) dst(%dma_wait3A_112 : memref<64x128xf32, #tpu.memory_space<vmem_shared>>)
      tpu.yield
    }) : () -> ()
    %mul3A_36 = arith.constant 632 : i32
    %mul3A_37 = arith.muli %arg1, %mul3A_36 : i32
    %add3A_38 = arith.constant 64 : i32
    %add3A_39 = arith.addi %mul3A_37, %add3A_38 : i32
    "tpu.region"() ({
      %run_scoped3A = tpu.sem_alloc : memref<!tpu.dma_semaphore, #tpu.memory_space<semaphore_mem>>
      %dma_start3A_105 = arith.constant 0 : i32
      %dma_start3A_106 = tpu.memref_slice %arg13[%add3A_39, %dma_start3A_105] : memref<10112x128xf32, #tpu.memory_space<vmem_shared>> -> memref<64x128xf32, #tpu.memory_space<vmem_shared>>
      %dma_start3A_107 = arith.constant 0 : i32
      %dma_start3A_108 = tpu.memref_slice %arg13[%add3A_39, %dma_start3A_107] : memref<10112x128xf32, #tpu.memory_space<vmem_shared>> -> memref<64x128xf32, #tpu.memory_space<vmem_shared>>
      tpu.enqueue_dma source(%arg11 : memref<64x128xf32, #tpu.memory_space<vmem>>) target(%dma_start3A_108 : memref<64x128xf32, #tpu.memory_space<vmem_shared>>) target_semaphore(%run_scoped3A : memref<!tpu.dma_semaphore, #tpu.memory_space<semaphore_mem>>)
      %dma_wait3A_109 = arith.constant 0 : i32
      %dma_wait3A_110 = tpu.memref_slice %arg13[%add3A_39, %dma_wait3A_109] : memref<10112x128xf32, #tpu.memory_space<vmem_shared>> -> memref<64x128xf32, #tpu.memory_space<vmem_shared>>
      %dma_wait3A_111 = arith.constant 0 : i32
      %dma_wait3A_112 = tpu.memref_slice %arg13[%add3A_39, %dma_wait3A_111] : memref<10112x128xf32, #tpu.memory_space<vmem_shared>> -> memref<64x128xf32, #tpu.memory_space<vmem_shared>>
      tpu.wait_dma2 semaphore(%run_scoped3A : memref<!tpu.dma_semaphore, #tpu.memory_space<semaphore_mem>>) src(%arg11 : memref<64x128xf32, #tpu.memory_space<vmem>>) dst(%dma_wait3A_112 : memref<64x128xf32, #tpu.memory_space<vmem_shared>>)
      tpu.yield
    }) : () -> ()
    %mul3A_40 = arith.constant 632 : i32
    %mul3A_41 = arith.muli %arg1, %mul3A_40 : i32
    %add3A_42 = arith.constant 128 : i32
    %add3A_43 = arith.addi %mul3A_41, %add3A_42 : i32
    "tpu.region"() ({
      %run_scoped3A = tpu.sem_alloc : memref<!tpu.dma_semaphore, #tpu.memory_space<semaphore_mem>>
      %dma_start3A_105 = arith.constant 0 : i32
      %dma_start3A_106 = tpu.memref_slice %arg13[%add3A_43, %dma_start3A_105] : memref<10112x128xf32, #tpu.memory_space<vmem_shared>> -> memref<64x128xf32, #tpu.memory_space<vmem_shared>>
      %dma_start3A_107 = arith.constant 0 : i32
      %dma_start3A_108 = tpu.memref_slice %arg13[%add3A_43, %dma_start3A_107] : memref<10112x128xf32, #tpu.memory_space<vmem_shared>> -> memref<64x128xf32, #tpu.memory_space<vmem_shared>>
      tpu.enqueue_dma source(%arg11 : memref<64x128xf32, #tpu.memory_space<vmem>>) target(%dma_start3A_108 : memref<64x128xf32, #tpu.memory_space<vmem_shared>>) target_semaphore(%run_scoped3A : memref<!tpu.dma_semaphore, #tpu.memory_space<semaphore_mem>>)
      %dma_wait3A_109 = arith.constant 0 : i32
      %dma_wait3A_110 = tpu.memref_slice %arg13[%add3A_43, %dma_wait3A_109] : memref<10112x128xf32, #tpu.memory_space<vmem_shared>> -> memref<64x128xf32, #tpu.memory_space<vmem_shared>>
      %dma_wait3A_111 = arith.constant 0 : i32
      %dma_wait3A_112 = tpu.memref_slice %arg13[%add3A_43, %dma_wait3A_111] : memref<10112x128xf32, #tpu.memory_space<vmem_shared>> -> memref<64x128xf32, #tpu.memory_space<vmem_shared>>
      tpu.wait_dma2 semaphore(%run_scoped3A : memref<!tpu.dma_semaphore, #tpu.memory_space<semaphore_mem>>) src(%arg11 : memref<64x128xf32, #tpu.memory_space<vmem>>) dst(%dma_wait3A_112 : memref<64x128xf32, #tpu.memory_space<vmem_shared>>)
      tpu.yield
    }) : () -> ()
    %mul3A_44 = arith.constant 632 : i32
    %mul3A_45 = arith.muli %arg1, %mul3A_44 : i32
    %add3A_46 = arith.constant 192 : i32
    %add3A_47 = arith.addi %mul3A_45, %add3A_46 : i32
    "tpu.region"() ({
      %run_scoped3A = tpu.sem_alloc : memref<!tpu.dma_semaphore, #tpu.memory_space<semaphore_mem>>
      %dma_start3A_105 = arith.constant 0 : i32
      %dma_start3A_106 = tpu.memref_slice %arg13[%add3A_47, %dma_start3A_105] : memref<10112x128xf32, #tpu.memory_space<vmem_shared>> -> memref<64x128xf32, #tpu.memory_space<vmem_shared>>
      %dma_start3A_107 = arith.constant 0 : i32
      %dma_start3A_108 = tpu.memref_slice %arg13[%add3A_47, %dma_start3A_107] : memref<10112x128xf32, #tpu.memory_space<vmem_shared>> -> memref<64x128xf32, #tpu.memory_space<vmem_shared>>
      tpu.enqueue_dma source(%arg11 : memref<64x128xf32, #tpu.memory_space<vmem>>) target(%dma_start3A_108 : memref<64x128xf32, #tpu.memory_space<vmem_shared>>) target_semaphore(%run_scoped3A : memref<!tpu.dma_semaphore, #tpu.memory_space<semaphore_mem>>)
      %dma_wait3A_109 = arith.constant 0 : i32
      %dma_wait3A_110 = tpu.memref_slice %arg13[%add3A_47, %dma_wait3A_109] : memref<10112x128xf32, #tpu.memory_space<vmem_shared>> -> memref<64x128xf32, #tpu.memory_space<vmem_shared>>
      %dma_wait3A_111 = arith.constant 0 : i32
      %dma_wait3A_112 = tpu.memref_slice %arg13[%add3A_47, %dma_wait3A_111] : memref<10112x128xf32, #tpu.memory_space<vmem_shared>> -> memref<64x128xf32, #tpu.memory_space<vmem_shared>>
      tpu.wait_dma2 semaphore(%run_scoped3A : memref<!tpu.dma_semaphore, #tpu.memory_space<semaphore_mem>>) src(%arg11 : memref<64x128xf32, #tpu.memory_space<vmem>>) dst(%dma_wait3A_112 : memref<64x128xf32, #tpu.memory_space<vmem_shared>>)
      tpu.yield
    }) : () -> ()
    %mul3A_48 = arith.constant 632 : i32
    %mul3A_49 = arith.muli %arg1, %mul3A_48 : i32
    %add3A_50 = arith.constant 256 : i32
    %add3A_51 = arith.addi %mul3A_49, %add3A_50 : i32
    "tpu.region"() ({
      %run_scoped3A = tpu.sem_alloc : memref<!tpu.dma_semaphore, #tpu.memory_space<semaphore_mem>>
      %dma_start3A_105 = arith.constant 0 : i32
      %dma_start3A_106 = tpu.memref_slice %arg13[%add3A_51, %dma_start3A_105] : memref<10112x128xf32, #tpu.memory_space<vmem_shared>> -> memref<64x128xf32, #tpu.memory_space<vmem_shared>>
      %dma_start3A_107 = arith.constant 0 : i32
      %dma_start3A_108 = tpu.memref_slice %arg13[%add3A_51, %dma_start3A_107] : memref<10112x128xf32, #tpu.memory_space<vmem_shared>> -> memref<64x128xf32, #tpu.memory_space<vmem_shared>>
      tpu.enqueue_dma source(%arg11 : memref<64x128xf32, #tpu.memory_space<vmem>>) target(%dma_start3A_108 : memref<64x128xf32, #tpu.memory_space<vmem_shared>>) target_semaphore(%run_scoped3A : memref<!tpu.dma_semaphore, #tpu.memory_space<semaphore_mem>>)
      %dma_wait3A_109 = arith.constant 0 : i32
      %dma_wait3A_110 = tpu.memref_slice %arg13[%add3A_51, %dma_wait3A_109] : memref<10112x128xf32, #tpu.memory_space<vmem_shared>> -> memref<64x128xf32, #tpu.memory_space<vmem_shared>>
      %dma_wait3A_111 = arith.constant 0 : i32
      %dma_wait3A_112 = tpu.memref_slice %arg13[%add3A_51, %dma_wait3A_111] : memref<10112x128xf32, #tpu.memory_space<vmem_shared>> -> memref<64x128xf32, #tpu.memory_space<vmem_shared>>
      tpu.wait_dma2 semaphore(%run_scoped3A : memref<!tpu.dma_semaphore, #tpu.memory_space<semaphore_mem>>) src(%arg11 : memref<64x128xf32, #tpu.memory_space<vmem>>) dst(%dma_wait3A_112 : memref<64x128xf32, #tpu.memory_space<vmem_shared>>)
      tpu.yield
    }) : () -> ()
    %mul3A_52 = arith.constant 632 : i32
    %mul3A_53 = arith.muli %arg1, %mul3A_52 : i32
    %add3A_54 = arith.constant 320 : i32
    %add3A_55 = arith.addi %mul3A_53, %add3A_54 : i32
    "tpu.region"() ({
      %run_scoped3A = tpu.sem_alloc : memref<!tpu.dma_semaphore, #tpu.memory_space<semaphore_mem>>
      %dma_start3A_105 = arith.constant 0 : i32
      %dma_start3A_106 = tpu.memref_slice %arg13[%add3A_55, %dma_start3A_105] : memref<10112x128xf32, #tpu.memory_space<vmem_shared>> -> memref<64x128xf32, #tpu.memory_space<vmem_shared>>
      %dma_start3A_107 = arith.constant 0 : i32
      %dma_start3A_108 = tpu.memref_slice %arg13[%add3A_55, %dma_start3A_107] : memref<10112x128xf32, #tpu.memory_space<vmem_shared>> -> memref<64x128xf32, #tpu.memory_space<vmem_shared>>
      tpu.enqueue_dma source(%arg11 : memref<64x128xf32, #tpu.memory_space<vmem>>) target(%dma_start3A_108 : memref<64x128xf32, #tpu.memory_space<vmem_shared>>) target_semaphore(%run_scoped3A : memref<!tpu.dma_semaphore, #tpu.memory_space<semaphore_mem>>)
      %dma_wait3A_109 = arith.constant 0 : i32
      %dma_wait3A_110 = tpu.memref_slice %arg13[%add3A_55, %dma_wait3A_109] : memref<10112x128xf32, #tpu.memory_space<vmem_shared>> -> memref<64x128xf32, #tpu.memory_space<vmem_shared>>
      %dma_wait3A_111 = arith.constant 0 : i32
      %dma_wait3A_112 = tpu.memref_slice %arg13[%add3A_55, %dma_wait3A_111] : memref<10112x128xf32, #tpu.memory_space<vmem_shared>> -> memref<64x128xf32, #tpu.memory_space<vmem_shared>>
      tpu.wait_dma2 semaphore(%run_scoped3A : memref<!tpu.dma_semaphore, #tpu.memory_space<semaphore_mem>>) src(%arg11 : memref<64x128xf32, #tpu.memory_space<vmem>>) dst(%dma_wait3A_112 : memref<64x128xf32, #tpu.memory_space<vmem_shared>>)
      tpu.yield
    }) : () -> ()
    %mul3A_56 = arith.constant 632 : i32
    %mul3A_57 = arith.muli %arg1, %mul3A_56 : i32
    %add3A_58 = arith.constant 384 : i32
    %add3A_59 = arith.addi %mul3A_57, %add3A_58 : i32
    "tpu.region"() ({
      %run_scoped3A = tpu.sem_alloc : memref<!tpu.dma_semaphore, #tpu.memory_space<semaphore_mem>>
      %dma_start3A_105 = arith.constant 0 : i32
      %dma_start3A_106 = tpu.memref_slice %arg13[%add3A_59, %dma_start3A_105] : memref<10112x128xf32, #tpu.memory_space<vmem_shared>> -> memref<64x128xf32, #tpu.memory_space<vmem_shared>>
      %dma_start3A_107 = arith.constant 0 : i32
      %dma_start3A_108 = tpu.memref_slice %arg13[%add3A_59, %dma_start3A_107] : memref<10112x128xf32, #tpu.memory_space<vmem_shared>> -> memref<64x128xf32, #tpu.memory_space<vmem_shared>>
      tpu.enqueue_dma source(%arg11 : memref<64x128xf32, #tpu.memory_space<vmem>>) target(%dma_start3A_108 : memref<64x128xf32, #tpu.memory_space<vmem_shared>>) target_semaphore(%run_scoped3A : memref<!tpu.dma_semaphore, #tpu.memory_space<semaphore_mem>>)
      %dma_wait3A_109 = arith.constant 0 : i32
      %dma_wait3A_110 = tpu.memref_slice %arg13[%add3A_59, %dma_wait3A_109] : memref<10112x128xf32, #tpu.memory_space<vmem_shared>> -> memref<64x128xf32, #tpu.memory_space<vmem_shared>>
      %dma_wait3A_111 = arith.constant 0 : i32
      %dma_wait3A_112 = tpu.memref_slice %arg13[%add3A_59, %dma_wait3A_111] : memref<10112x128xf32, #tpu.memory_space<vmem_shared>> -> memref<64x128xf32, #tpu.memory_space<vmem_shared>>
      tpu.wait_dma2 semaphore(%run_scoped3A : memref<!tpu.dma_semaphore, #tpu.memory_space<semaphore_mem>>) src(%arg11 : memref<64x128xf32, #tpu.memory_space<vmem>>) dst(%dma_wait3A_112 : memref<64x128xf32, #tpu.memory_space<vmem_shared>>)
      tpu.yield
    }) : () -> ()
    %mul3A_60 = arith.constant 632 : i32
    %mul3A_61 = arith.muli %arg1, %mul3A_60 : i32
    %add3A_62 = arith.constant 448 : i32
    %add3A_63 = arith.addi %mul3A_61, %add3A_62 : i32
    "tpu.region"() ({
      %run_scoped3A = tpu.sem_alloc : memref<!tpu.dma_semaphore, #tpu.memory_space<semaphore_mem>>
      %dma_start3A_105 = arith.constant 0 : i32
      %dma_start3A_106 = tpu.memref_slice %arg13[%add3A_63, %dma_start3A_105] : memref<10112x128xf32, #tpu.memory_space<vmem_shared>> -> memref<64x128xf32, #tpu.memory_space<vmem_shared>>
      %dma_start3A_107 = arith.constant 0 : i32
      %dma_start3A_108 = tpu.memref_slice %arg13[%add3A_63, %dma_start3A_107] : memref<10112x128xf32, #tpu.memory_space<vmem_shared>> -> memref<64x128xf32, #tpu.memory_space<vmem_shared>>
      tpu.enqueue_dma source(%arg11 : memref<64x128xf32, #tpu.memory_space<vmem>>) target(%dma_start3A_108 : memref<64x128xf32, #tpu.memory_space<vmem_shared>>) target_semaphore(%run_scoped3A : memref<!tpu.dma_semaphore, #tpu.memory_space<semaphore_mem>>)
      %dma_wait3A_109 = arith.constant 0 : i32
      %dma_wait3A_110 = tpu.memref_slice %arg13[%add3A_63, %dma_wait3A_109] : memref<10112x128xf32, #tpu.memory_space<vmem_shared>> -> memref<64x128xf32, #tpu.memory_space<vmem_shared>>
      %dma_wait3A_111 = arith.constant 0 : i32
      %dma_wait3A_112 = tpu.memref_slice %arg13[%add3A_63, %dma_wait3A_111] : memref<10112x128xf32, #tpu.memory_space<vmem_shared>> -> memref<64x128xf32, #tpu.memory_space<vmem_shared>>
      tpu.wait_dma2 semaphore(%run_scoped3A : memref<!tpu.dma_semaphore, #tpu.memory_space<semaphore_mem>>) src(%arg11 : memref<64x128xf32, #tpu.memory_space<vmem>>) dst(%dma_wait3A_112 : memref<64x128xf32, #tpu.memory_space<vmem_shared>>)
      tpu.yield
    }) : () -> ()
    %mul3A_64 = arith.constant 632 : i32
    %mul3A_65 = arith.muli %arg1, %mul3A_64 : i32
    %add3A_66 = arith.constant 512 : i32
    %add3A_67 = arith.addi %mul3A_65, %add3A_66 : i32
    "tpu.region"() ({
      %run_scoped3A = tpu.sem_alloc : memref<!tpu.dma_semaphore, #tpu.memory_space<semaphore_mem>>
      %dma_start3A_105 = arith.constant 0 : i32
      %dma_start3A_106 = tpu.memref_slice %arg13[%add3A_67, %dma_start3A_105] : memref<10112x128xf32, #tpu.memory_space<vmem_shared>> -> memref<64x128xf32, #tpu.memory_space<vmem_shared>>
      %dma_start3A_107 = arith.constant 0 : i32
      %dma_start3A_108 = tpu.memref_slice %arg13[%add3A_67, %dma_start3A_107] : memref<10112x128xf32, #tpu.memory_space<vmem_shared>> -> memref<64x128xf32, #tpu.memory_space<vmem_shared>>
      tpu.enqueue_dma source(%arg11 : memref<64x128xf32, #tpu.memory_space<vmem>>) target(%dma_start3A_108 : memref<64x128xf32, #tpu.memory_space<vmem_shared>>) target_semaphore(%run_scoped3A : memref<!tpu.dma_semaphore, #tpu.memory_space<semaphore_mem>>)
      %dma_wait3A_109 = arith.constant 0 : i32
      %dma_wait3A_110 = tpu.memref_slice %arg13[%add3A_67, %dma_wait3A_109] : memref<10112x128xf32, #tpu.memory_space<vmem_shared>> -> memref<64x128xf32, #tpu.memory_space<vmem_shared>>
      %dma_wait3A_111 = arith.constant 0 : i32
      %dma_wait3A_112 = tpu.memref_slice %arg13[%add3A_67, %dma_wait3A_111] : memref<10112x128xf32, #tpu.memory_space<vmem_shared>> -> memref<64x128xf32, #tpu.memory_space<vmem_shared>>
      tpu.wait_dma2 semaphore(%run_scoped3A : memref<!tpu.dma_semaphore, #tpu.memory_space<semaphore_mem>>) src(%arg11 : memref<64x128xf32, #tpu.memory_space<vmem>>) dst(%dma_wait3A_112 : memref<64x128xf32, #tpu.memory_space<vmem_shared>>)
      tpu.yield
    }) : () -> ()
    %mul3A_68 = arith.constant 632 : i32
    %mul3A_69 = arith.muli %arg1, %mul3A_68 : i32
    %add3A_70 = arith.constant 576 : i32
    %add3A_71 = arith.addi %mul3A_69, %add3A_70 : i32
    "tpu.region"() ({
      %run_scoped3A = tpu.sem_alloc : memref<!tpu.dma_semaphore, #tpu.memory_space<semaphore_mem>>
      %dma_start3A_105 = arith.constant 0 : i32
      %dma_start3A_106 = arith.constant 0 : i32
      %dma_start3A_107 = tpu.memref_slice %arg11[%dma_start3A_105, %dma_start3A_106] : memref<64x128xf32, #tpu.memory_space<vmem>> -> memref<56x128xf32, #tpu.memory_space<vmem>>
      %dma_start3A_108 = arith.constant 0 : i32
      %dma_start3A_109 = tpu.memref_slice %arg13[%add3A_71, %dma_start3A_108] : memref<10112x128xf32, #tpu.memory_space<vmem_shared>> -> memref<56x128xf32, #tpu.memory_space<vmem_shared>>
      %dma_start3A_110 = arith.constant 0 : i32
      %dma_start3A_111 = tpu.memref_slice %arg13[%add3A_71, %dma_start3A_110] : memref<10112x128xf32, #tpu.memory_space<vmem_shared>> -> memref<56x128xf32, #tpu.memory_space<vmem_shared>>
      %dma_start3A_112 = arith.constant 0 : i32
      %dma_start3A_113 = arith.constant 0 : i32
      %dma_start3A_114 = tpu.memref_slice %arg11[%dma_start3A_112, %dma_start3A_113] : memref<64x128xf32, #tpu.memory_space<vmem>> -> memref<56x128xf32, #tpu.memory_space<vmem>>
      tpu.enqueue_dma source(%dma_start3A_114 : memref<56x128xf32, #tpu.memory_space<vmem>>) target(%dma_start3A_111 : memref<56x128xf32, #tpu.memory_space<vmem_shared>>) target_semaphore(%run_scoped3A : memref<!tpu.dma_semaphore, #tpu.memory_space<semaphore_mem>>)
      %dma_wait3A_115 = arith.constant 0 : i32
      %dma_wait3A_116 = arith.constant 0 : i32
      %dma_wait3A_117 = tpu.memref_slice %arg11[%dma_wait3A_115, %dma_wait3A_116] : memref<64x128xf32, #tpu.memory_space<vmem>> -> memref<56x128xf32, #tpu.memory_space<vmem>>
      %dma_wait3A_118 = arith.constant 0 : i32
      %dma_wait3A_119 = tpu.memref_slice %arg13[%add3A_71, %dma_wait3A_118] : memref<10112x128xf32, #tpu.memory_space<vmem_shared>> -> memref<56x128xf32, #tpu.memory_space<vmem_shared>>
      %dma_wait3A_120 = arith.constant 0 : i32
      %dma_wait3A_121 = tpu.memref_slice %arg13[%add3A_71, %dma_wait3A_120] : memref<10112x128xf32, #tpu.memory_space<vmem_shared>> -> memref<56x128xf32, #tpu.memory_space<vmem_shared>>
      %dma_wait3A_122 = arith.constant 0 : i32
      %dma_wait3A_123 = arith.constant 0 : i32
      %dma_wait3A_124 = tpu.memref_slice %arg11[%dma_wait3A_122, %dma_wait3A_123] : memref<64x128xf32, #tpu.memory_space<vmem>> -> memref<56x128xf32, #tpu.memory_space<vmem>>
      tpu.wait_dma2 semaphore(%run_scoped3A : memref<!tpu.dma_semaphore, #tpu.memory_space<semaphore_mem>>) src(%dma_wait3A_124 : memref<56x128xf32, #tpu.memory_space<vmem>>) dst(%dma_wait3A_121 : memref<56x128xf32, #tpu.memory_space<vmem_shared>>)
      tpu.yield
    }) : () -> ()
    %barrier3A = arith.constant 0 : index
    tpu.barrier barrier_id(%barrier3A)
    %mul3A_72 = arith.constant 64 : i32
    %mul3A_73 = arith.muli %select_n3A_8, %mul3A_72 : i32
    %dma_start3A_74 = arith.constant 0 : i32
    %dma_start3A_75 = tpu.memref_slice %arg3[%mul3A_73, %dma_start3A_74] : memref<163840x128xf32, #tpu.memory_space<hbm>> -> memref<64x128xf32, #tpu.memory_space<hbm>>
    %dma_start3A_76 = arith.constant 0 : i32
    %dma_start3A_77 = tpu.memref_slice %arg3[%mul3A_73, %dma_start3A_76] : memref<163840x128xf32, #tpu.memory_space<hbm>> -> memref<64x128xf32, #tpu.memory_space<hbm>>
    tpu.enqueue_dma source(%dma_start3A_77 : memref<64x128xf32, #tpu.memory_space<hbm>>) target(%arg11 : memref<64x128xf32, #tpu.memory_space<vmem>>) target_semaphore(%arg14 : memref<!tpu.dma_semaphore, #tpu.memory_space<semaphore_mem>>)
    %sub3A = arith.constant 0 : i32
    %sub3A_78 = arith.subi %select_n3A, %sub3A : i32
    %sub3A_79 = arith.constant 2 : i32
    %sub3A_80 = arith.constant 1 : i32
    %sub3A_81 = arith.subi %sub3A_79, %sub3A_80 : i32
    %add3A_82 = arith.addi %sub3A_78, %sub3A_81 : i32
    %div3A = arith.constant 2 : i32
    %div3A_83 = arith.divsi %add3A_82, %div3A : i32
    %while3A = arith.constant 2 : i32
    %while3A_84 = arith.constant 0 : i32
    %while3A_85 = arith.constant 0 : i32
    %while3A_86 = arith.subi %div3A_83, %while3A_85 : i32
    %while3A_87 = arith.addi %while3A_85, %while3A_86 : i32
    %while3A_88 = arith.constant 1 : i32
    %while3A_89 = arith.divsi %while3A_86, %while3A_88 : i32
    %while3A_90 = arith.muli %while3A_89, %while3A_88 : i32
    %while3A_91 = arith.addi %while3A_85, %while3A_90 : i32
    %while3A_92 = arith.constant 1 : i32
    scf.for %while3A_105 = %while3A_85 to %while3A_91 step %while3A_92  : i32 {
      %mul3A_106 = arith.muli %while3A_105, %while3A : i32
      %add3A_107 = arith.addi %while3A_84, %mul3A_106 : i32
      %add3A_108 = arith.constant 0 : i32
      %add3A_109 = arith.addi %add3A_107, %add3A_108 : i32
      %gt3A = arith.constant 0 : i32
      %gt3A_110 = arith.cmpi sgt, %add3A_107, %gt3A : i32
      %convert_element_type3A = arith.extui %gt3A_110 : i1 to i32
      %cond3A = arith.constant 0 : i32
      %cond3A_111 = arith.cmpi ne, %convert_element_type3A, %cond3A : i32
      scf.if %cond3A_111 {
        %dma_wait3A_203 = arith.constant 1 : i32
        %dma_wait3A_204 = arith.constant 0 : i32
        %dma_wait3A_205 = tpu.memref_slice %arg8[%dma_wait3A_203, %dma_wait3A_204] : memref<2x64xi32, #tpu.memory_space<vmem>> -> memref<1x64xi32, #tpu.memory_space<vmem>>
        %dma_wait3A_206 = tpu.memref_squeeze %dma_wait3A_205 : memref<1x64xi32, #tpu.memory_space<vmem>> -> memref<64xi32, #tpu.memory_space<vmem>>
        %dma_wait3A_207 = arith.constant 0 : i32
        %dma_wait3A_208 = arith.constant 0 : i32
        %dma_wait3A_209 = tpu.memref_slice %arg13[%dma_wait3A_207, %dma_wait3A_208] : memref<10112x128xf32, #tpu.memory_space<vmem_shared>> -> memref<10112x128xf32, #tpu.memory_space<vmem_shared>>
        tpu.wait_indirect_dma semaphore(%arg19 : memref<!tpu.dma_semaphore, #tpu.memory_space<semaphore_mem>>) src(%arg12 : memref<64x128xf32, #tpu.memory_space<vmem>>) dst(%dma_wait3A_209 : memref<10112x128xf32, #tpu.memory_space<vmem_shared>>)
      } else {
      }
      %add3A_112 = arith.constant 1 : i32
      %add3A_113 = arith.addi %add3A_109, %add3A_112 : i32
      %lt3A = arith.cmpi slt, %add3A_113, %select_n3A : i32
      %convert_element_type3A_114 = arith.extui %lt3A : i1 to i32
      %cond3A_115 = arith.constant 0 : i32
      %cond3A_116 = arith.cmpi ne, %convert_element_type3A_114, %cond3A_115 : i32
      scf.if %cond3A_116 {
        %add3A_203 = arith.constant 1 : i32
        %add3A_204 = arith.addi %add3A_109, %add3A_203 : i32
        %add3A_205 = arith.addi %select_n3A_8, %add3A_204 : i32
        %mul3A_206 = arith.constant 64 : i32
        %mul3A_207 = arith.muli %add3A_205, %mul3A_206 : i32
        %dma_start3A_208 = arith.constant 0 : i32
        %dma_start3A_209 = tpu.memref_slice %arg3[%mul3A_207, %dma_start3A_208] : memref<163840x128xf32, #tpu.memory_space<hbm>> -> memref<64x128xf32, #tpu.memory_space<hbm>>
        %dma_start3A_210 = arith.constant 0 : i32
        %dma_start3A_211 = tpu.memref_slice %arg3[%mul3A_207, %dma_start3A_210] : memref<163840x128xf32, #tpu.memory_space<hbm>> -> memref<64x128xf32, #tpu.memory_space<hbm>>
        tpu.enqueue_dma source(%dma_start3A_211 : memref<64x128xf32, #tpu.memory_space<hbm>>) target(%arg12 : memref<64x128xf32, #tpu.memory_space<vmem>>) target_semaphore(%arg15 : memref<!tpu.dma_semaphore, #tpu.memory_space<semaphore_mem>>)
        %dma_start3A_212 = arith.constant 0 : i32
        %dma_start3A_213 = tpu.memref_slice %arg7[%add3A_204, %dma_start3A_212] : memref<112x64xi32, #tpu.memory_space<vmem>> -> memref<1x64xi32, #tpu.memory_space<vmem>>
        %dma_start3A_214 = tpu.memref_squeeze %dma_start3A_213 : memref<1x64xi32, #tpu.memory_space<vmem>> -> memref<64xi32, #tpu.memory_space<vmem>>
        %dma_start3A_215 = arith.constant 0 : i32
        %dma_start3A_216 = arith.constant 0 : i32
        %dma_start3A_217 = tpu.memref_slice %arg2[%dma_start3A_215, %dma_start3A_216] : memref<10000x128xf32, #tpu.memory_space<hbm>> -> memref<10000x128xf32, #tpu.memory_space<hbm>>
        tpu.enqueue_indirect_dma source(%dma_start3A_217 : memref<10000x128xf32, #tpu.memory_space<hbm>>) target(%arg10 : memref<64x128xf32, #tpu.memory_space<vmem>>) offsets(%dma_start3A_214 : memref<64xi32, #tpu.memory_space<vmem>>) semaphore(%arg17 : memref<!tpu.dma_semaphore, #tpu.memory_space<semaphore_mem>>)
        %add3A_218 = arith.addi %select_n3A_8, %add3A_204 : i32
        %dma_start3A_219 = arith.constant 1 : i32
        %dma_start3A_220 = arith.constant 0 : i32
        %dma_start3A_221 = tpu.memref_slice %arg8[%dma_start3A_219, %dma_start3A_220] : memref<2x64xi32, #tpu.memory_space<vmem>> -> memref<1x64xi32, #tpu.memory_space<vmem>>
        %dma_start3A_222 = tpu.memref_squeeze %dma_start3A_221 : memref<1x64xi32, #tpu.memory_space<vmem>> -> memref<64xi32, #tpu.memory_space<vmem>>
        %dma_start3A_223 = arith.constant 0 : i32
        %dma_start3A_224 = tpu.memref_slice %arg5[%add3A_218, %dma_start3A_223] : memref<2624x64xi32, #tpu.memory_space<hbm>> -> memref<1x64xi32, #tpu.memory_space<hbm>>
        %dma_start3A_225 = tpu.memref_squeeze %dma_start3A_224 : memref<1x64xi32, #tpu.memory_space<hbm>> -> memref<64xi32, #tpu.memory_space<hbm>>
        %dma_start3A_226 = arith.constant 0 : i32
        %dma_start3A_227 = tpu.memref_slice %arg8[%dma_start3A_219, %dma_start3A_226] : memref<2x64xi32, #tpu.memory_space<vmem>> -> memref<1x64xi32, #tpu.memory_space<vmem>>
        %dma_start3A_228 = tpu.memref_squeeze %dma_start3A_227 : memref<1x64xi32, #tpu.memory_space<vmem>> -> memref<64xi32, #tpu.memory_space<vmem>>
        %dma_start3A_229 = arith.constant 0 : i32
        %dma_start3A_230 = tpu.memref_slice %arg5[%add3A_218, %dma_start3A_229] : memref<2624x64xi32, #tpu.memory_space<hbm>> -> memref<1x64xi32, #tpu.memory_space<hbm>>
        %dma_start3A_231 = tpu.memref_squeeze %dma_start3A_230 : memref<1x64xi32, #tpu.memory_space<hbm>> -> memref<64xi32, #tpu.memory_space<hbm>>
        tpu.enqueue_dma source(%dma_start3A_231 : memref<64xi32, #tpu.memory_space<hbm>>) target(%dma_start3A_228 : memref<64xi32, #tpu.memory_space<vmem>>) target_semaphore(%arg21 : memref<!tpu.dma_semaphore, #tpu.memory_space<semaphore_mem>>)
      } else {
      }
      %dma_wait3A_117 = arith.constant 0 : i32
      %dma_wait3A_118 = arith.constant 0 : i32
      %dma_wait3A_119 = tpu.memref_slice %arg3[%dma_wait3A_117, %dma_wait3A_118] : memref<163840x128xf32, #tpu.memory_space<hbm>> -> memref<64x128xf32, #tpu.memory_space<hbm>>
      %dma_wait3A_120 = arith.constant 0 : i32
      %dma_wait3A_121 = arith.constant 0 : i32
      %dma_wait3A_122 = tpu.memref_slice %arg3[%dma_wait3A_120, %dma_wait3A_121] : memref<163840x128xf32, #tpu.memory_space<hbm>> -> memref<64x128xf32, #tpu.memory_space<hbm>>
      tpu.wait_dma2 semaphore(%arg14 : memref<!tpu.dma_semaphore, #tpu.memory_space<semaphore_mem>>) src(%dma_wait3A_122 : memref<64x128xf32, #tpu.memory_space<hbm>>) dst(%arg11 : memref<64x128xf32, #tpu.memory_space<vmem>>)
      %dma_wait3A_123 = arith.constant 0 : i32
      %dma_wait3A_124 = arith.constant 0 : i32
      %dma_wait3A_125 = tpu.memref_slice %arg2[%dma_wait3A_123, %dma_wait3A_124] : memref<10000x128xf32, #tpu.memory_space<hbm>> -> memref<64x128xf32, #tpu.memory_space<hbm>>
      %dma_wait3A_126 = arith.constant 0 : i32
      %dma_wait3A_127 = arith.constant 0 : i32
      %dma_wait3A_128 = tpu.memref_slice %arg2[%dma_wait3A_126, %dma_wait3A_127] : memref<10000x128xf32, #tpu.memory_space<hbm>> -> memref<64x128xf32, #tpu.memory_space<hbm>>
      tpu.wait_dma2 semaphore(%arg16 : memref<!tpu.dma_semaphore, #tpu.memory_space<semaphore_mem>>) src(%dma_wait3A_128 : memref<64x128xf32, #tpu.memory_space<hbm>>) dst(%arg9 : memref<64x128xf32, #tpu.memory_space<vmem>>)
      %dma_wait3A_129 = arith.constant 0 : i32
      %dma_wait3A_130 = arith.constant 0 : i32
      %dma_wait3A_131 = arith.constant 0 : i32
      %dma_wait3A_132 = tpu.memref_slice %arg8[%dma_wait3A_130, %dma_wait3A_131] : memref<2x64xi32, #tpu.memory_space<vmem>> -> memref<1x64xi32, #tpu.memory_space<vmem>>
      %dma_wait3A_133 = tpu.memref_squeeze %dma_wait3A_132 : memref<1x64xi32, #tpu.memory_space<vmem>> -> memref<64xi32, #tpu.memory_space<vmem>>
      %dma_wait3A_134 = arith.constant 0 : i32
      %dma_wait3A_135 = tpu.memref_slice %arg5[%dma_wait3A_129, %dma_wait3A_134] : memref<2624x64xi32, #tpu.memory_space<hbm>> -> memref<1x64xi32, #tpu.memory_space<hbm>>
      %dma_wait3A_136 = tpu.memref_squeeze %dma_wait3A_135 : memref<1x64xi32, #tpu.memory_space<hbm>> -> memref<64xi32, #tpu.memory_space<hbm>>
      %dma_wait3A_137 = arith.constant 0 : i32
      %dma_wait3A_138 = tpu.memref_slice %arg8[%dma_wait3A_130, %dma_wait3A_137] : memref<2x64xi32, #tpu.memory_space<vmem>> -> memref<1x64xi32, #tpu.memory_space<vmem>>
      %dma_wait3A_139 = tpu.memref_squeeze %dma_wait3A_138 : memref<1x64xi32, #tpu.memory_space<vmem>> -> memref<64xi32, #tpu.memory_space<vmem>>
      %dma_wait3A_140 = arith.constant 0 : i32
      %dma_wait3A_141 = tpu.memref_slice %arg5[%dma_wait3A_129, %dma_wait3A_140] : memref<2624x64xi32, #tpu.memory_space<hbm>> -> memref<1x64xi32, #tpu.memory_space<hbm>>
      %dma_wait3A_142 = tpu.memref_squeeze %dma_wait3A_141 : memref<1x64xi32, #tpu.memory_space<hbm>> -> memref<64xi32, #tpu.memory_space<hbm>>
      tpu.wait_dma2 semaphore(%arg20 : memref<!tpu.dma_semaphore, #tpu.memory_space<semaphore_mem>>) src(%dma_wait3A_142 : memref<64xi32, #tpu.memory_space<hbm>>) dst(%dma_wait3A_139 : memref<64xi32, #tpu.memory_space<vmem>>)
      %parallel_loop3A = arith.constant 0 : i32
      %parallel_loop3A_143 = arith.constant 512 : i32
      %parallel_loop3A_144 = arith.constant 1 : i32
      scf.for %parallel_loop3A_203 = %parallel_loop3A to %parallel_loop3A_143 step %parallel_loop3A_144  : i32 {
        %parallel_loop3A_204 = arith.constant 3 : i32
        %parallel_loop3A_205 = arith.shrsi %parallel_loop3A_203, %parallel_loop3A_204 : i32
        %parallel_loop3A_206 = arith.constant 7 : i32
        %parallel_loop3A_207 = arith.andi %parallel_loop3A_203, %parallel_loop3A_206 : i32
        %parallel_loop3A_208 = arith.constant 16 : i32
        %parallel_loop3A_209 = arith.muli %parallel_loop3A_207, %parallel_loop3A_208 : i32
        %parallel_loop3A_210 = arith.index_cast %parallel_loop3A_205 : i32 to index
        %parallel_loop3A_211 = arith.index_cast %parallel_loop3A_209 : i32 to index
        %parallel_loop3A_212 = tpu.vector_load %arg11[%parallel_loop3A_210, %parallel_loop3A_211] {strides = array<i32>} : memref<64x128xf32, #tpu.memory_space<vmem>>, vector<1x16xf32>,
        %parallel_loop3A_213 = vector.shape_cast %parallel_loop3A_212 : vector<1x16xf32> to vector<16xf32>
        %parallel_loop3A_214 = arith.index_cast %parallel_loop3A_205 : i32 to index
        %parallel_loop3A_215 = arith.index_cast %parallel_loop3A_209 : i32 to index
        %parallel_loop3A_216 = tpu.vector_load %arg9[%parallel_loop3A_214, %parallel_loop3A_215] {strides = array<i32>} : memref<64x128xf32, #tpu.memory_space<vmem>>, vector<1x16xf32>,
        %parallel_loop3A_217 = vector.shape_cast %parallel_loop3A_216 : vector<1x16xf32> to vector<16xf32>
        %parallel_loop3A_218 = arith.addf %parallel_loop3A_213, %parallel_loop3A_217 : vector<16xf32>
        %parallel_loop3A_219 = arith.constant 0.000000e+00 : f32
        %parallel_loop3A_220 = vector.broadcast %parallel_loop3A_219 : f32 to vector<16xf32>
        %parallel_loop3A_221 = arith.maximumf %parallel_loop3A_218, %parallel_loop3A_220 : vector<16xf32>
        %parallel_loop3A_222 = arith.index_cast %parallel_loop3A_205 : i32 to index
        %parallel_loop3A_223 = arith.index_cast %parallel_loop3A_209 : i32 to index
        %parallel_loop3A_224 = tpu.vector_load %arg11[%parallel_loop3A_222, %parallel_loop3A_223] {strides = array<i32>} : memref<64x128xf32, #tpu.memory_space<vmem>>, vector<1x16xf32>,
        %parallel_loop3A_225 = vector.shape_cast %parallel_loop3A_224 : vector<1x16xf32> to vector<16xf32>
        %parallel_loop3A_226 = vector.shape_cast %parallel_loop3A_221 : vector<16xf32> to vector<1x16xf32>
        tpu.vector_store %arg11[%parallel_loop3A_222, %parallel_loop3A_223], %parallel_loop3A_226 {strides = array<i32>} : memref<64x128xf32, #tpu.memory_space<vmem>>, vector<1x16xf32>,
      } {sc.loop_unroll_factor = 4 : i64, sc.parallel_access}
      %dma_start3A_145 = arith.constant 0 : i32
      %dma_start3A_146 = arith.constant 0 : i32
      %dma_start3A_147 = tpu.memref_slice %arg8[%dma_start3A_145, %dma_start3A_146] : memref<2x64xi32, #tpu.memory_space<vmem>> -> memref<1x64xi32, #tpu.memory_space<vmem>>
      %dma_start3A_148 = tpu.memref_squeeze %dma_start3A_147 : memref<1x64xi32, #tpu.memory_space<vmem>> -> memref<64xi32, #tpu.memory_space<vmem>>
      %dma_start3A_149 = arith.constant 0 : i32
      %dma_start3A_150 = arith.constant 0 : i32
      %dma_start3A_151 = tpu.memref_slice %arg13[%dma_start3A_149, %dma_start3A_150] : memref<10112x128xf32, #tpu.memory_space<vmem_shared>> -> memref<10112x128xf32, #tpu.memory_space<vmem_shared>>
      tpu.enqueue_indirect_dma source(%arg11 : memref<64x128xf32, #tpu.memory_space<vmem>>) target(%dma_start3A_151 : memref<10112x128xf32, #tpu.memory_space<vmem_shared>>) offsets(%dma_start3A_148 : memref<64xi32, #tpu.memory_space<vmem>>) semaphore(%arg18 : memref<!tpu.dma_semaphore, #tpu.memory_space<semaphore_mem>>) {add = true}
      %add3A_152 = arith.constant 1 : i32
      %add3A_153 = arith.addi %add3A_107, %add3A_152 : i32
      %dma_wait3A_154 = arith.constant 0 : i32
      %dma_wait3A_155 = arith.constant 0 : i32
      %dma_wait3A_156 = tpu.memref_slice %arg8[%dma_wait3A_154, %dma_wait3A_155] : memref<2x64xi32, #tpu.memory_space<vmem>> -> memref<1x64xi32, #tpu.memory_space<vmem>>
      %dma_wait3A_157 = tpu.memref_squeeze %dma_wait3A_156 : memref<1x64xi32, #tpu.memory_space<vmem>> -> memref<64xi32, #tpu.memory_space<vmem>>
      %dma_wait3A_158 = arith.constant 0 : i32
      %dma_wait3A_159 = arith.constant 0 : i32
      %dma_wait3A_160 = tpu.memref_slice %arg13[%dma_wait3A_158, %dma_wait3A_159] : memref<10112x128xf32, #tpu.memory_space<vmem_shared>> -> memref<10112x128xf32, #tpu.memory_space<vmem_shared>>
      tpu.wait_indirect_dma semaphore(%arg18 : memref<!tpu.dma_semaphore, #tpu.memory_space<semaphore_mem>>) src(%arg11 : memref<64x128xf32, #tpu.memory_space<vmem>>) dst(%dma_wait3A_160 : memref<10112x128xf32, #tpu.memory_space<vmem_shared>>)
      %add3A_161 = arith.constant 1 : i32
      %add3A_162 = arith.addi %add3A_153, %add3A_161 : i32
      %lt3A_163 = arith.cmpi slt, %add3A_162, %select_n3A : i32
      %convert_element_type3A_164 = arith.extui %lt3A_163 : i1 to i32
      %cond3A_165 = arith.constant 0 : i32
      %cond3A_166 = arith.cmpi ne, %convert_element_type3A_164, %cond3A_165 : i32
      scf.if %cond3A_166 {
        %add3A_203 = arith.constant 1 : i32
        %add3A_204 = arith.addi %add3A_153, %add3A_203 : i32
        %add3A_205 = arith.addi %select_n3A_8, %add3A_204 : i32
        %mul3A_206 = arith.constant 64 : i32
        %mul3A_207 = arith.muli %add3A_205, %mul3A_206 : i32
        %dma_start3A_208 = arith.constant 0 : i32
        %dma_start3A_209 = tpu.memref_slice %arg3[%mul3A_207, %dma_start3A_208] : memref<163840x128xf32, #tpu.memory_space<hbm>> -> memref<64x128xf32, #tpu.memory_space<hbm>>
        %dma_start3A_210 = arith.constant 0 : i32
        %dma_start3A_211 = tpu.memref_slice %arg3[%mul3A_207, %dma_start3A_210] : memref<163840x128xf32, #tpu.memory_space<hbm>> -> memref<64x128xf32, #tpu.memory_space<hbm>>
        tpu.enqueue_dma source(%dma_start3A_211 : memref<64x128xf32, #tpu.memory_space<hbm>>) target(%arg11 : memref<64x128xf32, #tpu.memory_space<vmem>>) target_semaphore(%arg14 : memref<!tpu.dma_semaphore, #tpu.memory_space<semaphore_mem>>)
        %dma_start3A_212 = arith.constant 0 : i32
        %dma_start3A_213 = tpu.memref_slice %arg7[%add3A_204, %dma_start3A_212] : memref<112x64xi32, #tpu.memory_space<vmem>> -> memref<1x64xi32, #tpu.memory_space<vmem>>
        %dma_start3A_214 = tpu.memref_squeeze %dma_start3A_213 : memref<1x64xi32, #tpu.memory_space<vmem>> -> memref<64xi32, #tpu.memory_space<vmem>>
        %dma_start3A_215 = arith.constant 0 : i32
        %dma_start3A_216 = arith.constant 0 : i32
        %dma_start3A_217 = tpu.memref_slice %arg2[%dma_start3A_215, %dma_start3A_216] : memref<10000x128xf32, #tpu.memory_space<hbm>> -> memref<10000x128xf32, #tpu.memory_space<hbm>>
        tpu.enqueue_indirect_dma source(%dma_start3A_217 : memref<10000x128xf32, #tpu.memory_space<hbm>>) target(%arg9 : memref<64x128xf32, #tpu.memory_space<vmem>>) offsets(%dma_start3A_214 : memref<64xi32, #tpu.memory_space<vmem>>) semaphore(%arg16 : memref<!tpu.dma_semaphore, #tpu.memory_space<semaphore_mem>>)
        %add3A_218 = arith.addi %select_n3A_8, %add3A_204 : i32
        %dma_start3A_219 = arith.constant 0 : i32
        %dma_start3A_220 = arith.constant 0 : i32
        %dma_start3A_221 = tpu.memref_slice %arg8[%dma_start3A_219, %dma_start3A_220] : memref<2x64xi32, #tpu.memory_space<vmem>> -> memref<1x64xi32, #tpu.memory_space<vmem>>
        %dma_start3A_222 = tpu.memref_squeeze %dma_start3A_221 : memref<1x64xi32, #tpu.memory_space<vmem>> -> memref<64xi32, #tpu.memory_space<vmem>>
        %dma_start3A_223 = arith.constant 0 : i32
        %dma_start3A_224 = tpu.memref_slice %arg5[%add3A_218, %dma_start3A_223] : memref<2624x64xi32, #tpu.memory_space<hbm>> -> memref<1x64xi32, #tpu.memory_space<hbm>>
        %dma_start3A_225 = tpu.memref_squeeze %dma_start3A_224 : memref<1x64xi32, #tpu.memory_space<hbm>> -> memref<64xi32, #tpu.memory_space<hbm>>
        %dma_start3A_226 = arith.constant 0 : i32
        %dma_start3A_227 = tpu.memref_slice %arg8[%dma_start3A_219, %dma_start3A_226] : memref<2x64xi32, #tpu.memory_space<vmem>> -> memref<1x64xi32, #tpu.memory_space<vmem>>
        %dma_start3A_228 = tpu.memref_squeeze %dma_start3A_227 : memref<1x64xi32, #tpu.memory_space<vmem>> -> memref<64xi32, #tpu.memory_space<vmem>>
        %dma_start3A_229 = arith.constant 0 : i32
        %dma_start3A_230 = tpu.memref_slice %arg5[%add3A_218, %dma_start3A_229] : memref<2624x64xi32, #tpu.memory_space<hbm>> -> memref<1x64xi32, #tpu.memory_space<hbm>>
        %dma_start3A_231 = tpu.memref_squeeze %dma_start3A_230 : memref<1x64xi32, #tpu.memory_space<hbm>> -> memref<64xi32, #tpu.memory_space<hbm>>
        tpu.enqueue_dma source(%dma_start3A_231 : memref<64xi32, #tpu.memory_space<hbm>>) target(%dma_start3A_228 : memref<64xi32, #tpu.memory_space<vmem>>) target_semaphore(%arg20 : memref<!tpu.dma_semaphore, #tpu.memory_space<semaphore_mem>>)
      } else {
      }
      %dma_wait3A_167 = arith.constant 0 : i32
      %dma_wait3A_168 = arith.constant 0 : i32
      %dma_wait3A_169 = tpu.memref_slice %arg3[%dma_wait3A_167, %dma_wait3A_168] : memref<163840x128xf32, #tpu.memory_space<hbm>> -> memref<64x128xf32, #tpu.memory_space<hbm>>
      %dma_wait3A_170 = arith.constant 0 : i32
      %dma_wait3A_171 = arith.constant 0 : i32
      %dma_wait3A_172 = tpu.memref_slice %arg3[%dma_wait3A_170, %dma_wait3A_171] : memref<163840x128xf32, #tpu.memory_space<hbm>> -> memref<64x128xf32, #tpu.memory_space<hbm>>
      tpu.wait_dma2 semaphore(%arg15 : memref<!tpu.dma_semaphore, #tpu.memory_space<semaphore_mem>>) src(%dma_wait3A_172 : memref<64x128xf32, #tpu.memory_space<hbm>>) dst(%arg12 : memref<64x128xf32, #tpu.memory_space<vmem>>)
      %dma_wait3A_173 = arith.constant 0 : i32
      %dma_wait3A_174 = arith.constant 0 : i32
      %dma_wait3A_175 = tpu.memref_slice %arg2[%dma_wait3A_173, %dma_wait3A_174] : memref<10000x128xf32, #tpu.memory_space<hbm>> -> memref<64x128xf32, #tpu.memory_space<hbm>>
      %dma_wait3A_176 = arith.constant 0 : i32
      %dma_wait3A_177 = arith.constant 0 : i32
      %dma_wait3A_178 = tpu.memref_slice %arg2[%dma_wait3A_176, %dma_wait3A_177] : memref<10000x128xf32, #tpu.memory_space<hbm>> -> memref<64x128xf32, #tpu.memory_space<hbm>>
      tpu.wait_dma2 semaphore(%arg17 : memref<!tpu.dma_semaphore, #tpu.memory_space<semaphore_mem>>) src(%dma_wait3A_178 : memref<64x128xf32, #tpu.memory_space<hbm>>) dst(%arg10 : memref<64x128xf32, #tpu.memory_space<vmem>>)
      %dma_wait3A_179 = arith.constant 0 : i32
      %dma_wait3A_180 = arith.constant 1 : i32
      %dma_wait3A_181 = arith.constant 0 : i32
      %dma_wait3A_182 = tpu.memref_slice %arg8[%dma_wait3A_180, %dma_wait3A_181] : memref<2x64xi32, #tpu.memory_space<vmem>> -> memref<1x64xi32, #tpu.memory_space<vmem>>
      %dma_wait3A_183 = tpu.memref_squeeze %dma_wait3A_182 : memref<1x64xi32, #tpu.memory_space<vmem>> -> memref<64xi32, #tpu.memory_space<vmem>>
      %dma_wait3A_184 = arith.constant 0 : i32
      %dma_wait3A_185 = tpu.memref_slice %arg5[%dma_wait3A_179, %dma_wait3A_184] : memref<2624x64xi32, #tpu.memory_space<hbm>> -> memref<1x64xi32, #tpu.memory_space<hbm>>
      %dma_wait3A_186 = tpu.memref_squeeze %dma_wait3A_185 : memref<1x64xi32, #tpu.memory_space<hbm>> -> memref<64xi32, #tpu.memory_space<hbm>>
      %dma_wait3A_187 = arith.constant 0 : i32
      %dma_wait3A_188 = tpu.memref_slice %arg8[%dma_wait3A_180, %dma_wait3A_187] : memref<2x64xi32, #tpu.memory_space<vmem>> -> memref<1x64xi32, #tpu.memory_space<vmem>>
      %dma_wait3A_189 = tpu.memref_squeeze %dma_wait3A_188 : memref<1x64xi32, #tpu.memory_space<vmem>> -> memref<64xi32, #tpu.memory_space<vmem>>
      %dma_wait3A_190 = arith.constant 0 : i32
      %dma_wait3A_191 = tpu.memref_slice %arg5[%dma_wait3A_179, %dma_wait3A_190] : memref<2624x64xi32, #tpu.memory_space<hbm>> -> memref<1x64xi32, #tpu.memory_space<hbm>>
      %dma_wait3A_192 = tpu.memref_squeeze %dma_wait3A_191 : memref<1x64xi32, #tpu.memory_space<hbm>> -> memref<64xi32, #tpu.memory_space<hbm>>
      tpu.wait_dma2 semaphore(%arg21 : memref<!tpu.dma_semaphore, #tpu.memory_space<semaphore_mem>>) src(%dma_wait3A_192 : memref<64xi32, #tpu.memory_space<hbm>>) dst(%dma_wait3A_189 : memref<64xi32, #tpu.memory_space<vmem>>)
      %parallel_loop3A_193 = arith.constant 0 : i32
      %parallel_loop3A_194 = arith.constant 512 : i32
      %parallel_loop3A_195 = arith.constant 1 : i32
      scf.for %parallel_loop3A_203 = %parallel_loop3A_193 to %parallel_loop3A_194 step %parallel_loop3A_195  : i32 {
        %parallel_loop3A_204 = arith.constant 3 : i32
        %parallel_loop3A_205 = arith.shrsi %parallel_loop3A_203, %parallel_loop3A_204 : i32
        %parallel_loop3A_206 = arith.constant 7 : i32
        %parallel_loop3A_207 = arith.andi %parallel_loop3A_203, %parallel_loop3A_206 : i32
        %parallel_loop3A_208 = arith.constant 16 : i32
        %parallel_loop3A_209 = arith.muli %parallel_loop3A_207, %parallel_loop3A_208 : i32
        %parallel_loop3A_210 = arith.index_cast %parallel_loop3A_205 : i32 to index
        %parallel_loop3A_211 = arith.index_cast %parallel_loop3A_209 : i32 to index
        %parallel_loop3A_212 = tpu.vector_load %arg12[%parallel_loop3A_210, %parallel_loop3A_211] {strides = array<i32>} : memref<64x128xf32, #tpu.memory_space<vmem>>, vector<1x16xf32>,
        %parallel_loop3A_213 = vector.shape_cast %parallel_loop3A_212 : vector<1x16xf32> to vector<16xf32>
        %parallel_loop3A_214 = arith.index_cast %parallel_loop3A_205 : i32 to index
        %parallel_loop3A_215 = arith.index_cast %parallel_loop3A_209 : i32 to index
        %parallel_loop3A_216 = tpu.vector_load %arg10[%parallel_loop3A_214, %parallel_loop3A_215] {strides = array<i32>} : memref<64x128xf32, #tpu.memory_space<vmem>>, vector<1x16xf32>,
        %parallel_loop3A_217 = vector.shape_cast %parallel_loop3A_216 : vector<1x16xf32> to vector<16xf32>
        %parallel_loop3A_218 = arith.addf %parallel_loop3A_213, %parallel_loop3A_217 : vector<16xf32>
        %parallel_loop3A_219 = arith.constant 0.000000e+00 : f32
        %parallel_loop3A_220 = vector.broadcast %parallel_loop3A_219 : f32 to vector<16xf32>
        %parallel_loop3A_221 = arith.maximumf %parallel_loop3A_218, %parallel_loop3A_220 : vector<16xf32>
        %parallel_loop3A_222 = arith.index_cast %parallel_loop3A_205 : i32 to index
        %parallel_loop3A_223 = arith.index_cast %parallel_loop3A_209 : i32 to index
        %parallel_loop3A_224 = tpu.vector_load %arg12[%parallel_loop3A_222, %parallel_loop3A_223] {strides = array<i32>} : memref<64x128xf32, #tpu.memory_space<vmem>>, vector<1x16xf32>,
        %parallel_loop3A_225 = vector.shape_cast %parallel_loop3A_224 : vector<1x16xf32> to vector<16xf32>
        %parallel_loop3A_226 = vector.shape_cast %parallel_loop3A_221 : vector<16xf32> to vector<1x16xf32>
        tpu.vector_store %arg12[%parallel_loop3A_222, %parallel_loop3A_223], %parallel_loop3A_226 {strides = array<i32>} : memref<64x128xf32, #tpu.memory_space<vmem>>, vector<1x16xf32>,
      } {sc.loop_unroll_factor = 4 : i64, sc.parallel_access}
      %dma_start3A_196 = arith.constant 1 : i32
      %dma_start3A_197 = arith.constant 0 : i32
      %dma_start3A_198 = tpu.memref_slice %arg8[%dma_start3A_196, %dma_start3A_197] : memref<2x64xi32, #tpu.memory_space<vmem>> -> memref<1x64xi32, #tpu.memory_space<vmem>>
      %dma_start3A_199 = tpu.memref_squeeze %dma_start3A_198 : memref<1x64xi32, #tpu.memory_space<vmem>> -> memref<64xi32, #tpu.memory_space<vmem>>
      %dma_start3A_200 = arith.constant 0 : i32
      %dma_start3A_201 = arith.constant 0 : i32
      %dma_start3A_202 = tpu.memref_slice %arg13[%dma_start3A_200, %dma_start3A_201] : memref<10112x128xf32, #tpu.memory_space<vmem_shared>> -> memref<10112x128xf32, #tpu.memory_space<vmem_shared>>
      tpu.enqueue_indirect_dma source(%arg12 : memref<64x128xf32, #tpu.memory_space<vmem>>) target(%dma_start3A_202 : memref<10112x128xf32, #tpu.memory_space<vmem_shared>>) offsets(%dma_start3A_199 : memref<64xi32, #tpu.memory_space<vmem>>) semaphore(%arg19 : memref<!tpu.dma_semaphore, #tpu.memory_space<semaphore_mem>>) {add = true}
    }
    %while3A_93 = arith.constant 1 : i32
    scf.for %while3A_105 = %while3A_91 to %while3A_87 step %while3A_93  : i32 {
      %mul3A_106 = arith.muli %while3A_105, %while3A : i32
      %add3A_107 = arith.addi %while3A_84, %mul3A_106 : i32
      %add3A_108 = arith.constant 0 : i32
      %add3A_109 = arith.addi %add3A_107, %add3A_108 : i32
      %gt3A = arith.constant 0 : i32
      %gt3A_110 = arith.cmpi sgt, %add3A_107, %gt3A : i32
      %convert_element_type3A = arith.extui %gt3A_110 : i1 to i32
      %cond3A = arith.constant 0 : i32
      %cond3A_111 = arith.cmpi ne, %convert_element_type3A, %cond3A : i32
      scf.if %cond3A_111 {
        %dma_wait3A_203 = arith.constant 1 : i32
        %dma_wait3A_204 = arith.constant 0 : i32
        %dma_wait3A_205 = tpu.memref_slice %arg8[%dma_wait3A_203, %dma_wait3A_204] : memref<2x64xi32, #tpu.memory_space<vmem>> -> memref<1x64xi32, #tpu.memory_space<vmem>>
        %dma_wait3A_206 = tpu.memref_squeeze %dma_wait3A_205 : memref<1x64xi32, #tpu.memory_space<vmem>> -> memref<64xi32, #tpu.memory_space<vmem>>
        %dma_wait3A_207 = arith.constant 0 : i32
        %dma_wait3A_208 = arith.constant 0 : i32
        %dma_wait3A_209 = tpu.memref_slice %arg13[%dma_wait3A_207, %dma_wait3A_208] : memref<10112x128xf32, #tpu.memory_space<vmem_shared>> -> memref<10112x128xf32, #tpu.memory_space<vmem_shared>>
        tpu.wait_indirect_dma semaphore(%arg19 : memref<!tpu.dma_semaphore, #tpu.memory_space<semaphore_mem>>) src(%arg12 : memref<64x128xf32, #tpu.memory_space<vmem>>) dst(%dma_wait3A_209 : memref<10112x128xf32, #tpu.memory_space<vmem_shared>>)
      } else {
      }
      %add3A_112 = arith.constant 1 : i32
      %add3A_113 = arith.addi %add3A_109, %add3A_112 : i32
      %lt3A = arith.cmpi slt, %add3A_113, %select_n3A : i32
      %convert_element_type3A_114 = arith.extui %lt3A : i1 to i32
      %cond3A_115 = arith.constant 0 : i32
      %cond3A_116 = arith.cmpi ne, %convert_element_type3A_114, %cond3A_115 : i32
      scf.if %cond3A_116 {
        %add3A_203 = arith.constant 1 : i32
        %add3A_204 = arith.addi %add3A_109, %add3A_203 : i32
        %add3A_205 = arith.addi %select_n3A_8, %add3A_204 : i32
        %mul3A_206 = arith.constant 64 : i32
        %mul3A_207 = arith.muli %add3A_205, %mul3A_206 : i32
        %dma_start3A_208 = arith.constant 0 : i32
        %dma_start3A_209 = tpu.memref_slice %arg3[%mul3A_207, %dma_start3A_208] : memref<163840x128xf32, #tpu.memory_space<hbm>> -> memref<64x128xf32, #tpu.memory_space<hbm>>
        %dma_start3A_210 = arith.constant 0 : i32
        %dma_start3A_211 = tpu.memref_slice %arg3[%mul3A_207, %dma_start3A_210] : memref<163840x128xf32, #tpu.memory_space<hbm>> -> memref<64x128xf32, #tpu.memory_space<hbm>>
        tpu.enqueue_dma source(%dma_start3A_211 : memref<64x128xf32, #tpu.memory_space<hbm>>) target(%arg12 : memref<64x128xf32, #tpu.memory_space<vmem>>) target_semaphore(%arg15 : memref<!tpu.dma_semaphore, #tpu.memory_space<semaphore_mem>>)
        %dma_start3A_212 = arith.constant 0 : i32
        %dma_start3A_213 = tpu.memref_slice %arg7[%add3A_204, %dma_start3A_212] : memref<112x64xi32, #tpu.memory_space<vmem>> -> memref<1x64xi32, #tpu.memory_space<vmem>>
        %dma_start3A_214 = tpu.memref_squeeze %dma_start3A_213 : memref<1x64xi32, #tpu.memory_space<vmem>> -> memref<64xi32, #tpu.memory_space<vmem>>
        %dma_start3A_215 = arith.constant 0 : i32
        %dma_start3A_216 = arith.constant 0 : i32
        %dma_start3A_217 = tpu.memref_slice %arg2[%dma_start3A_215, %dma_start3A_216] : memref<10000x128xf32, #tpu.memory_space<hbm>> -> memref<10000x128xf32, #tpu.memory_space<hbm>>
        tpu.enqueue_indirect_dma source(%dma_start3A_217 : memref<10000x128xf32, #tpu.memory_space<hbm>>) target(%arg10 : memref<64x128xf32, #tpu.memory_space<vmem>>) offsets(%dma_start3A_214 : memref<64xi32, #tpu.memory_space<vmem>>) semaphore(%arg17 : memref<!tpu.dma_semaphore, #tpu.memory_space<semaphore_mem>>)
        %add3A_218 = arith.addi %select_n3A_8, %add3A_204 : i32
        %dma_start3A_219 = arith.constant 1 : i32
        %dma_start3A_220 = arith.constant 0 : i32
        %dma_start3A_221 = tpu.memref_slice %arg8[%dma_start3A_219, %dma_start3A_220] : memref<2x64xi32, #tpu.memory_space<vmem>> -> memref<1x64xi32, #tpu.memory_space<vmem>>
        %dma_start3A_222 = tpu.memref_squeeze %dma_start3A_221 : memref<1x64xi32, #tpu.memory_space<vmem>> -> memref<64xi32, #tpu.memory_space<vmem>>
        %dma_start3A_223 = arith.constant 0 : i32
        %dma_start3A_224 = tpu.memref_slice %arg5[%add3A_218, %dma_start3A_223] : memref<2624x64xi32, #tpu.memory_space<hbm>> -> memref<1x64xi32, #tpu.memory_space<hbm>>
        %dma_start3A_225 = tpu.memref_squeeze %dma_start3A_224 : memref<1x64xi32, #tpu.memory_space<hbm>> -> memref<64xi32, #tpu.memory_space<hbm>>
        %dma_start3A_226 = arith.constant 0 : i32
        %dma_start3A_227 = tpu.memref_slice %arg8[%dma_start3A_219, %dma_start3A_226] : memref<2x64xi32, #tpu.memory_space<vmem>> -> memref<1x64xi32, #tpu.memory_space<vmem>>
        %dma_start3A_228 = tpu.memref_squeeze %dma_start3A_227 : memref<1x64xi32, #tpu.memory_space<vmem>> -> memref<64xi32, #tpu.memory_space<vmem>>
        %dma_start3A_229 = arith.constant 0 : i32
        %dma_start3A_230 = tpu.memref_slice %arg5[%add3A_218, %dma_start3A_229] : memref<2624x64xi32, #tpu.memory_space<hbm>> -> memref<1x64xi32, #tpu.memory_space<hbm>>
        %dma_start3A_231 = tpu.memref_squeeze %dma_start3A_230 : memref<1x64xi32, #tpu.memory_space<hbm>> -> memref<64xi32, #tpu.memory_space<hbm>>
        tpu.enqueue_dma source(%dma_start3A_231 : memref<64xi32, #tpu.memory_space<hbm>>) target(%dma_start3A_228 : memref<64xi32, #tpu.memory_space<vmem>>) target_semaphore(%arg21 : memref<!tpu.dma_semaphore, #tpu.memory_space<semaphore_mem>>)
      } else {
      }
      %dma_wait3A_117 = arith.constant 0 : i32
      %dma_wait3A_118 = arith.constant 0 : i32
      %dma_wait3A_119 = tpu.memref_slice %arg3[%dma_wait3A_117, %dma_wait3A_118] : memref<163840x128xf32, #tpu.memory_space<hbm>> -> memref<64x128xf32, #tpu.memory_space<hbm>>
      %dma_wait3A_120 = arith.constant 0 : i32
      %dma_wait3A_121 = arith.constant 0 : i32
      %dma_wait3A_122 = tpu.memref_slice %arg3[%dma_wait3A_120, %dma_wait3A_121] : memref<163840x128xf32, #tpu.memory_space<hbm>> -> memref<64x128xf32, #tpu.memory_space<hbm>>
      tpu.wait_dma2 semaphore(%arg14 : memref<!tpu.dma_semaphore, #tpu.memory_space<semaphore_mem>>) src(%dma_wait3A_122 : memref<64x128xf32, #tpu.memory_space<hbm>>) dst(%arg11 : memref<64x128xf32, #tpu.memory_space<vmem>>)
      %dma_wait3A_123 = arith.constant 0 : i32
      %dma_wait3A_124 = arith.constant 0 : i32
      %dma_wait3A_125 = tpu.memref_slice %arg2[%dma_wait3A_123, %dma_wait3A_124] : memref<10000x128xf32, #tpu.memory_space<hbm>> -> memref<64x128xf32, #tpu.memory_space<hbm>>
      %dma_wait3A_126 = arith.constant 0 : i32
      %dma_wait3A_127 = arith.constant 0 : i32
      %dma_wait3A_128 = tpu.memref_slice %arg2[%dma_wait3A_126, %dma_wait3A_127] : memref<10000x128xf32, #tpu.memory_space<hbm>> -> memref<64x128xf32, #tpu.memory_space<hbm>>
      tpu.wait_dma2 semaphore(%arg16 : memref<!tpu.dma_semaphore, #tpu.memory_space<semaphore_mem>>) src(%dma_wait3A_128 : memref<64x128xf32, #tpu.memory_space<hbm>>) dst(%arg9 : memref<64x128xf32, #tpu.memory_space<vmem>>)
      %dma_wait3A_129 = arith.constant 0 : i32
      %dma_wait3A_130 = arith.constant 0 : i32
      %dma_wait3A_131 = arith.constant 0 : i32
      %dma_wait3A_132 = tpu.memref_slice %arg8[%dma_wait3A_130, %dma_wait3A_131] : memref<2x64xi32, #tpu.memory_space<vmem>> -> memref<1x64xi32, #tpu.memory_space<vmem>>
      %dma_wait3A_133 = tpu.memref_squeeze %dma_wait3A_132 : memref<1x64xi32, #tpu.memory_space<vmem>> -> memref<64xi32, #tpu.memory_space<vmem>>
      %dma_wait3A_134 = arith.constant 0 : i32
      %dma_wait3A_135 = tpu.memref_slice %arg5[%dma_wait3A_129, %dma_wait3A_134] : memref<2624x64xi32, #tpu.memory_space<hbm>> -> memref<1x64xi32, #tpu.memory_space<hbm>>
      %dma_wait3A_136 = tpu.memref_squeeze %dma_wait3A_135 : memref<1x64xi32, #tpu.memory_space<hbm>> -> memref<64xi32, #tpu.memory_space<hbm>>
      %dma_wait3A_137 = arith.constant 0 : i32
      %dma_wait3A_138 = tpu.memref_slice %arg8[%dma_wait3A_130, %dma_wait3A_137] : memref<2x64xi32, #tpu.memory_space<vmem>> -> memref<1x64xi32, #tpu.memory_space<vmem>>
      %dma_wait3A_139 = tpu.memref_squeeze %dma_wait3A_138 : memref<1x64xi32, #tpu.memory_space<vmem>> -> memref<64xi32, #tpu.memory_space<vmem>>
      %dma_wait3A_140 = arith.constant 0 : i32
      %dma_wait3A_141 = tpu.memref_slice %arg5[%dma_wait3A_129, %dma_wait3A_140] : memref<2624x64xi32, #tpu.memory_space<hbm>> -> memref<1x64xi32, #tpu.memory_space<hbm>>
      %dma_wait3A_142 = tpu.memref_squeeze %dma_wait3A_141 : memref<1x64xi32, #tpu.memory_space<hbm>> -> memref<64xi32, #tpu.memory_space<hbm>>
      tpu.wait_dma2 semaphore(%arg20 : memref<!tpu.dma_semaphore, #tpu.memory_space<semaphore_mem>>) src(%dma_wait3A_142 : memref<64xi32, #tpu.memory_space<hbm>>) dst(%dma_wait3A_139 : memref<64xi32, #tpu.memory_space<vmem>>)
      %parallel_loop3A = arith.constant 0 : i32
      %parallel_loop3A_143 = arith.constant 512 : i32
      %parallel_loop3A_144 = arith.constant 1 : i32
      scf.for %parallel_loop3A_203 = %parallel_loop3A to %parallel_loop3A_143 step %parallel_loop3A_144  : i32 {
        %parallel_loop3A_204 = arith.constant 3 : i32
        %parallel_loop3A_205 = arith.shrsi %parallel_loop3A_203, %parallel_loop3A_204 : i32
        %parallel_loop3A_206 = arith.constant 7 : i32
        %parallel_loop3A_207 = arith.andi %parallel_loop3A_203, %parallel_loop3A_206 : i32
        %parallel_loop3A_208 = arith.constant 16 : i32
        %parallel_loop3A_209 = arith.muli %parallel_loop3A_207, %parallel_loop3A_208 : i32
        %parallel_loop3A_210 = arith.index_cast %parallel_loop3A_205 : i32 to index
        %parallel_loop3A_211 = arith.index_cast %parallel_loop3A_209 : i32 to index
        %parallel_loop3A_212 = tpu.vector_load %arg11[%parallel_loop3A_210, %parallel_loop3A_211] {strides = array<i32>} : memref<64x128xf32, #tpu.memory_space<vmem>>, vector<1x16xf32>,
        %parallel_loop3A_213 = vector.shape_cast %parallel_loop3A_212 : vector<1x16xf32> to vector<16xf32>
        %parallel_loop3A_214 = arith.index_cast %parallel_loop3A_205 : i32 to index
        %parallel_loop3A_215 = arith.index_cast %parallel_loop3A_209 : i32 to index
        %parallel_loop3A_216 = tpu.vector_load %arg9[%parallel_loop3A_214, %parallel_loop3A_215] {strides = array<i32>} : memref<64x128xf32, #tpu.memory_space<vmem>>, vector<1x16xf32>,
        %parallel_loop3A_217 = vector.shape_cast %parallel_loop3A_216 : vector<1x16xf32> to vector<16xf32>
        %parallel_loop3A_218 = arith.addf %parallel_loop3A_213, %parallel_loop3A_217 : vector<16xf32>
        %parallel_loop3A_219 = arith.constant 0.000000e+00 : f32
        %parallel_loop3A_220 = vector.broadcast %parallel_loop3A_219 : f32 to vector<16xf32>
        %parallel_loop3A_221 = arith.maximumf %parallel_loop3A_218, %parallel_loop3A_220 : vector<16xf32>
        %parallel_loop3A_222 = arith.index_cast %parallel_loop3A_205 : i32 to index
        %parallel_loop3A_223 = arith.index_cast %parallel_loop3A_209 : i32 to index
        %parallel_loop3A_224 = tpu.vector_load %arg11[%parallel_loop3A_222, %parallel_loop3A_223] {strides = array<i32>} : memref<64x128xf32, #tpu.memory_space<vmem>>, vector<1x16xf32>,
        %parallel_loop3A_225 = vector.shape_cast %parallel_loop3A_224 : vector<1x16xf32> to vector<16xf32>
        %parallel_loop3A_226 = vector.shape_cast %parallel_loop3A_221 : vector<16xf32> to vector<1x16xf32>
        tpu.vector_store %arg11[%parallel_loop3A_222, %parallel_loop3A_223], %parallel_loop3A_226 {strides = array<i32>} : memref<64x128xf32, #tpu.memory_space<vmem>>, vector<1x16xf32>,
      } {sc.loop_unroll_factor = 4 : i64, sc.parallel_access}
      %dma_start3A_145 = arith.constant 0 : i32
      %dma_start3A_146 = arith.constant 0 : i32
      %dma_start3A_147 = tpu.memref_slice %arg8[%dma_start3A_145, %dma_start3A_146] : memref<2x64xi32, #tpu.memory_space<vmem>> -> memref<1x64xi32, #tpu.memory_space<vmem>>
      %dma_start3A_148 = tpu.memref_squeeze %dma_start3A_147 : memref<1x64xi32, #tpu.memory_space<vmem>> -> memref<64xi32, #tpu.memory_space<vmem>>
      %dma_start3A_149 = arith.constant 0 : i32
      %dma_start3A_150 = arith.constant 0 : i32
      %dma_start3A_151 = tpu.memref_slice %arg13[%dma_start3A_149, %dma_start3A_150] : memref<10112x128xf32, #tpu.memory_space<vmem_shared>> -> memref<10112x128xf32, #tpu.memory_space<vmem_shared>>
      tpu.enqueue_indirect_dma source(%arg11 : memref<64x128xf32, #tpu.memory_space<vmem>>) target(%dma_start3A_151 : memref<10112x128xf32, #tpu.memory_space<vmem_shared>>) offsets(%dma_start3A_148 : memref<64xi32, #tpu.memory_space<vmem>>) semaphore(%arg18 : memref<!tpu.dma_semaphore, #tpu.memory_space<semaphore_mem>>) {add = true}
      %add3A_152 = arith.constant 1 : i32
      %add3A_153 = arith.addi %add3A_107, %add3A_152 : i32
      %dma_wait3A_154 = arith.constant 0 : i32
      %dma_wait3A_155 = arith.constant 0 : i32
      %dma_wait3A_156 = tpu.memref_slice %arg8[%dma_wait3A_154, %dma_wait3A_155] : memref<2x64xi32, #tpu.memory_space<vmem>> -> memref<1x64xi32, #tpu.memory_space<vmem>>
      %dma_wait3A_157 = tpu.memref_squeeze %dma_wait3A_156 : memref<1x64xi32, #tpu.memory_space<vmem>> -> memref<64xi32, #tpu.memory_space<vmem>>
      %dma_wait3A_158 = arith.constant 0 : i32
      %dma_wait3A_159 = arith.constant 0 : i32
      %dma_wait3A_160 = tpu.memref_slice %arg13[%dma_wait3A_158, %dma_wait3A_159] : memref<10112x128xf32, #tpu.memory_space<vmem_shared>> -> memref<10112x128xf32, #tpu.memory_space<vmem_shared>>
      tpu.wait_indirect_dma semaphore(%arg18 : memref<!tpu.dma_semaphore, #tpu.memory_space<semaphore_mem>>) src(%arg11 : memref<64x128xf32, #tpu.memory_space<vmem>>) dst(%dma_wait3A_160 : memref<10112x128xf32, #tpu.memory_space<vmem_shared>>)
      %add3A_161 = arith.constant 1 : i32
      %add3A_162 = arith.addi %add3A_153, %add3A_161 : i32
      %lt3A_163 = arith.cmpi slt, %add3A_162, %select_n3A : i32
      %convert_element_type3A_164 = arith.extui %lt3A_163 : i1 to i32
      %cond3A_165 = arith.constant 0 : i32
      %cond3A_166 = arith.cmpi ne, %convert_element_type3A_164, %cond3A_165 : i32
      scf.if %cond3A_166 {
        %add3A_203 = arith.constant 1 : i32
        %add3A_204 = arith.addi %add3A_153, %add3A_203 : i32
        %add3A_205 = arith.addi %select_n3A_8, %add3A_204 : i32
        %mul3A_206 = arith.constant 64 : i32
        %mul3A_207 = arith.muli %add3A_205, %mul3A_206 : i32
        %dma_start3A_208 = arith.constant 0 : i32
        %dma_start3A_209 = tpu.memref_slice %arg3[%mul3A_207, %dma_start3A_208] : memref<163840x128xf32, #tpu.memory_space<hbm>> -> memref<64x128xf32, #tpu.memory_space<hbm>>
        %dma_start3A_210 = arith.constant 0 : i32
        %dma_start3A_211 = tpu.memref_slice %arg3[%mul3A_207, %dma_start3A_210] : memref<163840x128xf32, #tpu.memory_space<hbm>> -> memref<64x128xf32, #tpu.memory_space<hbm>>
        tpu.enqueue_dma source(%dma_start3A_211 : memref<64x128xf32, #tpu.memory_space<hbm>>) target(%arg11 : memref<64x128xf32, #tpu.memory_space<vmem>>) target_semaphore(%arg14 : memref<!tpu.dma_semaphore, #tpu.memory_space<semaphore_mem>>)
        %dma_start3A_212 = arith.constant 0 : i32
        %dma_start3A_213 = tpu.memref_slice %arg7[%add3A_204, %dma_start3A_212] : memref<112x64xi32, #tpu.memory_space<vmem>> -> memref<1x64xi32, #tpu.memory_space<vmem>>
        %dma_start3A_214 = tpu.memref_squeeze %dma_start3A_213 : memref<1x64xi32, #tpu.memory_space<vmem>> -> memref<64xi32, #tpu.memory_space<vmem>>
        %dma_start3A_215 = arith.constant 0 : i32
        %dma_start3A_216 = arith.constant 0 : i32
        %dma_start3A_217 = tpu.memref_slice %arg2[%dma_start3A_215, %dma_start3A_216] : memref<10000x128xf32, #tpu.memory_space<hbm>> -> memref<10000x128xf32, #tpu.memory_space<hbm>>
        tpu.enqueue_indirect_dma source(%dma_start3A_217 : memref<10000x128xf32, #tpu.memory_space<hbm>>) target(%arg9 : memref<64x128xf32, #tpu.memory_space<vmem>>) offsets(%dma_start3A_214 : memref<64xi32, #tpu.memory_space<vmem>>) semaphore(%arg16 : memref<!tpu.dma_semaphore, #tpu.memory_space<semaphore_mem>>)
        %add3A_218 = arith.addi %select_n3A_8, %add3A_204 : i32
        %dma_start3A_219 = arith.constant 0 : i32
        %dma_start3A_220 = arith.constant 0 : i32
        %dma_start3A_221 = tpu.memref_slice %arg8[%dma_start3A_219, %dma_start3A_220] : memref<2x64xi32, #tpu.memory_space<vmem>> -> memref<1x64xi32, #tpu.memory_space<vmem>>
        %dma_start3A_222 = tpu.memref_squeeze %dma_start3A_221 : memref<1x64xi32, #tpu.memory_space<vmem>> -> memref<64xi32, #tpu.memory_space<vmem>>
        %dma_start3A_223 = arith.constant 0 : i32
        %dma_start3A_224 = tpu.memref_slice %arg5[%add3A_218, %dma_start3A_223] : memref<2624x64xi32, #tpu.memory_space<hbm>> -> memref<1x64xi32, #tpu.memory_space<hbm>>
        %dma_start3A_225 = tpu.memref_squeeze %dma_start3A_224 : memref<1x64xi32, #tpu.memory_space<hbm>> -> memref<64xi32, #tpu.memory_space<hbm>>
        %dma_start3A_226 = arith.constant 0 : i32
        %dma_start3A_227 = tpu.memref_slice %arg8[%dma_start3A_219, %dma_start3A_226] : memref<2x64xi32, #tpu.memory_space<vmem>> -> memref<1x64xi32, #tpu.memory_space<vmem>>
        %dma_start3A_228 = tpu.memref_squeeze %dma_start3A_227 : memref<1x64xi32, #tpu.memory_space<vmem>> -> memref<64xi32, #tpu.memory_space<vmem>>
        %dma_start3A_229 = arith.constant 0 : i32
        %dma_start3A_230 = tpu.memref_slice %arg5[%add3A_218, %dma_start3A_229] : memref<2624x64xi32, #tpu.memory_space<hbm>> -> memref<1x64xi32, #tpu.memory_space<hbm>>
        %dma_start3A_231 = tpu.memref_squeeze %dma_start3A_230 : memref<1x64xi32, #tpu.memory_space<hbm>> -> memref<64xi32, #tpu.memory_space<hbm>>
        tpu.enqueue_dma source(%dma_start3A_231 : memref<64xi32, #tpu.memory_space<hbm>>) target(%dma_start3A_228 : memref<64xi32, #tpu.memory_space<vmem>>) target_semaphore(%arg20 : memref<!tpu.dma_semaphore, #tpu.memory_space<semaphore_mem>>)
      } else {
      }
      %dma_wait3A_167 = arith.constant 0 : i32
      %dma_wait3A_168 = arith.constant 0 : i32
      %dma_wait3A_169 = tpu.memref_slice %arg3[%dma_wait3A_167, %dma_wait3A_168] : memref<163840x128xf32, #tpu.memory_space<hbm>> -> memref<64x128xf32, #tpu.memory_space<hbm>>
      %dma_wait3A_170 = arith.constant 0 : i32
      %dma_wait3A_171 = arith.constant 0 : i32
      %dma_wait3A_172 = tpu.memref_slice %arg3[%dma_wait3A_170, %dma_wait3A_171] : memref<163840x128xf32, #tpu.memory_space<hbm>> -> memref<64x128xf32, #tpu.memory_space<hbm>>
      tpu.wait_dma2 semaphore(%arg15 : memref<!tpu.dma_semaphore, #tpu.memory_space<semaphore_mem>>) src(%dma_wait3A_172 : memref<64x128xf32, #tpu.memory_space<hbm>>) dst(%arg12 : memref<64x128xf32, #tpu.memory_space<vmem>>)
      %dma_wait3A_173 = arith.constant 0 : i32
      %dma_wait3A_174 = arith.constant 0 : i32
      %dma_wait3A_175 = tpu.memref_slice %arg2[%dma_wait3A_173, %dma_wait3A_174] : memref<10000x128xf32, #tpu.memory_space<hbm>> -> memref<64x128xf32, #tpu.memory_space<hbm>>
      %dma_wait3A_176 = arith.constant 0 : i32
      %dma_wait3A_177 = arith.constant 0 : i32
      %dma_wait3A_178 = tpu.memref_slice %arg2[%dma_wait3A_176, %dma_wait3A_177] : memref<10000x128xf32, #tpu.memory_space<hbm>> -> memref<64x128xf32, #tpu.memory_space<hbm>>
      tpu.wait_dma2 semaphore(%arg17 : memref<!tpu.dma_semaphore, #tpu.memory_space<semaphore_mem>>) src(%dma_wait3A_178 : memref<64x128xf32, #tpu.memory_space<hbm>>) dst(%arg10 : memref<64x128xf32, #tpu.memory_space<vmem>>)
      %dma_wait3A_179 = arith.constant 0 : i32
      %dma_wait3A_180 = arith.constant 1 : i32
      %dma_wait3A_181 = arith.constant 0 : i32
      %dma_wait3A_182 = tpu.memref_slice %arg8[%dma_wait3A_180, %dma_wait3A_181] : memref<2x64xi32, #tpu.memory_space<vmem>> -> memref<1x64xi32, #tpu.memory_space<vmem>>
      %dma_wait3A_183 = tpu.memref_squeeze %dma_wait3A_182 : memref<1x64xi32, #tpu.memory_space<vmem>> -> memref<64xi32, #tpu.memory_space<vmem>>
      %dma_wait3A_184 = arith.constant 0 : i32
      %dma_wait3A_185 = tpu.memref_slice %arg5[%dma_wait3A_179, %dma_wait3A_184] : memref<2624x64xi32, #tpu.memory_space<hbm>> -> memref<1x64xi32, #tpu.memory_space<hbm>>
      %dma_wait3A_186 = tpu.memref_squeeze %dma_wait3A_185 : memref<1x64xi32, #tpu.memory_space<hbm>> -> memref<64xi32, #tpu.memory_space<hbm>>
      %dma_wait3A_187 = arith.constant 0 : i32
      %dma_wait3A_188 = tpu.memref_slice %arg8[%dma_wait3A_180, %dma_wait3A_187] : memref<2x64xi32, #tpu.memory_space<vmem>> -> memref<1x64xi32, #tpu.memory_space<vmem>>
      %dma_wait3A_189 = tpu.memref_squeeze %dma_wait3A_188 : memref<1x64xi32, #tpu.memory_space<vmem>> -> memref<64xi32, #tpu.memory_space<vmem>>
      %dma_wait3A_190 = arith.constant 0 : i32
      %dma_wait3A_191 = tpu.memref_slice %arg5[%dma_wait3A_179, %dma_wait3A_190] : memref<2624x64xi32, #tpu.memory_space<hbm>> -> memref<1x64xi32, #tpu.memory_space<hbm>>
      %dma_wait3A_192 = tpu.memref_squeeze %dma_wait3A_191 : memref<1x64xi32, #tpu.memory_space<hbm>> -> memref<64xi32, #tpu.memory_space<hbm>>
      tpu.wait_dma2 semaphore(%arg21 : memref<!tpu.dma_semaphore, #tpu.memory_space<semaphore_mem>>) src(%dma_wait3A_192 : memref<64xi32, #tpu.memory_space<hbm>>) dst(%dma_wait3A_189 : memref<64xi32, #tpu.memory_space<vmem>>)
      %parallel_loop3A_193 = arith.constant 0 : i32
      %parallel_loop3A_194 = arith.constant 512 : i32
      %parallel_loop3A_195 = arith.constant 1 : i32
      scf.for %parallel_loop3A_203 = %parallel_loop3A_193 to %parallel_loop3A_194 step %parallel_loop3A_195  : i32 {
        %parallel_loop3A_204 = arith.constant 3 : i32
        %parallel_loop3A_205 = arith.shrsi %parallel_loop3A_203, %parallel_loop3A_204 : i32
        %parallel_loop3A_206 = arith.constant 7 : i32
        %parallel_loop3A_207 = arith.andi %parallel_loop3A_203, %parallel_loop3A_206 : i32
        %parallel_loop3A_208 = arith.constant 16 : i32
        %parallel_loop3A_209 = arith.muli %parallel_loop3A_207, %parallel_loop3A_208 : i32
        %parallel_loop3A_210 = arith.index_cast %parallel_loop3A_205 : i32 to index
        %parallel_loop3A_211 = arith.index_cast %parallel_loop3A_209 : i32 to index
        %parallel_loop3A_212 = tpu.vector_load %arg12[%parallel_loop3A_210, %parallel_loop3A_211] {strides = array<i32>} : memref<64x128xf32, #tpu.memory_space<vmem>>, vector<1x16xf32>,
        %parallel_loop3A_213 = vector.shape_cast %parallel_loop3A_212 : vector<1x16xf32> to vector<16xf32>
        %parallel_loop3A_214 = arith.index_cast %parallel_loop3A_205 : i32 to index
        %parallel_loop3A_215 = arith.index_cast %parallel_loop3A_209 : i32 to index
        %parallel_loop3A_216 = tpu.vector_load %arg10[%parallel_loop3A_214, %parallel_loop3A_215] {strides = array<i32>} : memref<64x128xf32, #tpu.memory_space<vmem>>, vector<1x16xf32>,
        %parallel_loop3A_217 = vector.shape_cast %parallel_loop3A_216 : vector<1x16xf32> to vector<16xf32>
        %parallel_loop3A_218 = arith.addf %parallel_loop3A_213, %parallel_loop3A_217 : vector<16xf32>
        %parallel_loop3A_219 = arith.constant 0.000000e+00 : f32
        %parallel_loop3A_220 = vector.broadcast %parallel_loop3A_219 : f32 to vector<16xf32>
        %parallel_loop3A_221 = arith.maximumf %parallel_loop3A_218, %parallel_loop3A_220 : vector<16xf32>
        %parallel_loop3A_222 = arith.index_cast %parallel_loop3A_205 : i32 to index
        %parallel_loop3A_223 = arith.index_cast %parallel_loop3A_209 : i32 to index
        %parallel_loop3A_224 = tpu.vector_load %arg12[%parallel_loop3A_222, %parallel_loop3A_223] {strides = array<i32>} : memref<64x128xf32, #tpu.memory_space<vmem>>, vector<1x16xf32>,
        %parallel_loop3A_225 = vector.shape_cast %parallel_loop3A_224 : vector<1x16xf32> to vector<16xf32>
        %parallel_loop3A_226 = vector.shape_cast %parallel_loop3A_221 : vector<16xf32> to vector<1x16xf32>
        tpu.vector_store %arg12[%parallel_loop3A_222, %parallel_loop3A_223], %parallel_loop3A_226 {strides = array<i32>} : memref<64x128xf32, #tpu.memory_space<vmem>>, vector<1x16xf32>,
      } {sc.loop_unroll_factor = 4 : i64, sc.parallel_access}
      %dma_start3A_196 = arith.constant 1 : i32
      %dma_start3A_197 = arith.constant 0 : i32
      %dma_start3A_198 = tpu.memref_slice %arg8[%dma_start3A_196, %dma_start3A_197] : memref<2x64xi32, #tpu.memory_space<vmem>> -> memref<1x64xi32, #tpu.memory_space<vmem>>
      %dma_start3A_199 = tpu.memref_squeeze %dma_start3A_198 : memref<1x64xi32, #tpu.memory_space<vmem>> -> memref<64xi32, #tpu.memory_space<vmem>>
      %dma_start3A_200 = arith.constant 0 : i32
      %dma_start3A_201 = arith.constant 0 : i32
      %dma_start3A_202 = tpu.memref_slice %arg13[%dma_start3A_200, %dma_start3A_201] : memref<10112x128xf32, #tpu.memory_space<vmem_shared>> -> memref<10112x128xf32, #tpu.memory_space<vmem_shared>>
      tpu.enqueue_indirect_dma source(%arg12 : memref<64x128xf32, #tpu.memory_space<vmem>>) target(%dma_start3A_202 : memref<10112x128xf32, #tpu.memory_space<vmem_shared>>) offsets(%dma_start3A_199 : memref<64xi32, #tpu.memory_space<vmem>>) semaphore(%arg19 : memref<!tpu.dma_semaphore, #tpu.memory_space<semaphore_mem>>) {add = true}
    }
    %dma_wait3A = arith.constant 1 : i32
    %dma_wait3A_94 = arith.constant 0 : i32
    %dma_wait3A_95 = tpu.memref_slice %arg8[%dma_wait3A, %dma_wait3A_94] : memref<2x64xi32, #tpu.memory_space<vmem>> -> memref<1x64xi32, #tpu.memory_space<vmem>>
    %dma_wait3A_96 = tpu.memref_squeeze %dma_wait3A_95 : memref<1x64xi32, #tpu.memory_space<vmem>> -> memref<64xi32, #tpu.memory_space<vmem>>
    %dma_wait3A_97 = arith.constant 0 : i32
    %dma_wait3A_98 = arith.constant 0 : i32
    %dma_wait3A_99 = tpu.memref_slice %arg13[%dma_wait3A_97, %dma_wait3A_98] : memref<10112x128xf32, #tpu.memory_space<vmem_shared>> -> memref<10112x128xf32, #tpu.memory_space<vmem_shared>>
    tpu.wait_indirect_dma semaphore(%arg19 : memref<!tpu.dma_semaphore, #tpu.memory_space<semaphore_mem>>) src(%arg12 : memref<64x128xf32, #tpu.memory_space<vmem>>) dst(%dma_wait3A_99 : memref<10112x128xf32, #tpu.memory_space<vmem_shared>>)
    %barrier3A_100 = arith.constant 0 : index
    tpu.barrier barrier_id(%barrier3A_100)
    %mul3A_101 = arith.constant 632 : i32
    %mul3A_102 = arith.muli %arg1, %mul3A_101 : i32
    %mul3A_103 = arith.constant 632 : i32
    %mul3A_104 = arith.muli %arg1, %mul3A_103 : i32
    "tpu.region"() ({
      %run_scoped3A = tpu.sem_alloc : memref<!tpu.dma_semaphore, #tpu.memory_space<semaphore_mem>>
      %dma_start3A_105 = arith.constant 0 : i32
      %dma_start3A_106 = tpu.memref_slice %arg6[%arg0, %mul3A_104, %dma_start3A_105] : memref<2x10112x128xf32, #tpu.memory_space<hbm>> -> memref<1x632x128xf32, #tpu.memory_space<hbm>>
      %dma_start3A_107 = tpu.memref_squeeze %dma_start3A_106 : memref<1x632x128xf32, #tpu.memory_space<hbm>> -> memref<632x128xf32, #tpu.memory_space<hbm>>
      %dma_start3A_108 = arith.constant 0 : i32
      %dma_start3A_109 = tpu.memref_slice %arg13[%mul3A_102, %dma_start3A_108] : memref<10112x128xf32, #tpu.memory_space<vmem_shared>> -> memref<632x128xf32, #tpu.memory_space<vmem_shared>>
      tpu.enqueue_dma source(%dma_start3A_109 : memref<632x128xf32, #tpu.memory_space<vmem_shared>>) target(%dma_start3A_107 : memref<632x128xf32, #tpu.memory_space<hbm>>) target_semaphore(%run_scoped3A : memref<!tpu.dma_semaphore, #tpu.memory_space<semaphore_mem>>)
      %dma_wait3A_110 = arith.constant 0 : i32
      %dma_wait3A_111 = tpu.memref_slice %arg6[%arg0, %mul3A_104, %dma_wait3A_110] : memref<2x10112x128xf32, #tpu.memory_space<hbm>> -> memref<1x632x128xf32, #tpu.memory_space<hbm>>
      %dma_wait3A_112 = tpu.memref_squeeze %dma_wait3A_111 : memref<1x632x128xf32, #tpu.memory_space<hbm>> -> memref<632x128xf32, #tpu.memory_space<hbm>>
      %dma_wait3A_113 = arith.constant 0 : i32
      %dma_wait3A_114 = tpu.memref_slice %arg13[%mul3A_102, %dma_wait3A_113] : memref<10112x128xf32, #tpu.memory_space<vmem_shared>> -> memref<632x128xf32, #tpu.memory_space<vmem_shared>>
      tpu.wait_dma2 semaphore(%run_scoped3A : memref<!tpu.dma_semaphore, #tpu.memory_space<semaphore_mem>>) src(%dma_wait3A_114 : memref<632x128xf32, #tpu.memory_space<vmem_shared>>) dst(%dma_wait3A_112 : memref<632x128xf32, #tpu.memory_space<hbm>>)
      tpu.yield
    }) : () -> ()
    return
  }
}

module attributes {stable_mosaic.version = 14 : i64} {
  func.func @body(%arg0: i32, %arg1: memref<2048x16xf32, #tpu.memory_space<vmem>>, %arg2: memref<3x16x128xf32, #tpu.memory_space<vmem>>, %arg3: memref<3x1x128xf32, #tpu.memory_space<vmem>>, %arg4: memref<2048x128xf32, #tpu.memory_space<vmem>>, %arg5: memref<2048x128xf32, #tpu.memory_space<vmem>>, %arg6: memref<2048x128xf32, #tpu.memory_space<vmem>>) attributes {dimension_semantics = [#tpu.dimension_semantics<arbitrary>], iteration_bounds = array<i64: 80>, scalar_prefetch = 0 : i64, scratch_operands = 0 : i64, tpu.core_type = #tpu.core_type<tc>, window_params = [{transform_indices = @transform_0, window_bounds = array<i64: 2048, 16>}, {pipeline_mode = #tpu.pipeline_mode<synchronous>, transform_indices = @transform_1, window_bounds = array<i64: 3, 16, 128>}, {pipeline_mode = #tpu.pipeline_mode<synchronous>, transform_indices = @transform_2, window_bounds = array<i64: 3, 1, 128>}, {transform_indices = @transform_3, window_bounds = array<i64: 2048, 128>}, {transform_indices = @transform_4, window_bounds = array<i64: 2048, 128>}, {transform_indices = @transform_5, window_bounds = array<i64: 2048, 128>}]} {
    %get3A = arith.constant 0 : index
    %get3A_0 = arith.constant 0 : index
    %get3A_1 = vector.load %arg1[%get3A, %get3A_0] : memref<2048x16xf32, #tpu.memory_space<vmem>>, vector<2048x16xf32>
    %get3A_2 = arith.constant 0 : index
    %get3A_3 = arith.constant 0 : index
    %get3A_4 = arith.constant 0 : index
    %get3A_5 = vector.load %arg2[%get3A_2, %get3A_3, %get3A_4] : memref<3x16x128xf32, #tpu.memory_space<vmem>>, vector<1x16x128xf32>
    %get3A_6 = vector.shape_cast %get3A_5 : vector<1x16x128xf32> to vector<16x128xf32>
    %dot_general3A = arith.constant dense<0.000000e+00> : vector<2048x128xf32>
    %dot_general3A_7 = tpu.matmul %get3A_1, %get3A_6, %dot_general3A {dimension_numbers = #tpu.dot_dimension_numbers<[1], [0], [0], [1], [0, 0, 1, 1], [], []>, transpose_lhs_hint = false} : vector<2048x16xf32>, vector<16x128xf32>, vector<2048x128xf32> -> vector<2048x128xf32>
    %get3A_8 = arith.constant 0 : index
    %get3A_9 = arith.constant 0 : index
    %get3A_10 = arith.constant 0 : index
    %get3A_11 = vector.load %arg3[%get3A_8, %get3A_9, %get3A_10] : memref<3x1x128xf32, #tpu.memory_space<vmem>>, vector<1x1x128xf32>
    %get3A_12 = vector.shape_cast %get3A_11 : vector<1x1x128xf32> to vector<1x128xf32>
    %add3A = vector.broadcast %get3A_12 : vector<1x128xf32> to vector<2048x128xf32>
    %add3A_13 = arith.addf %dot_general3A_7, %add3A : vector<2048x128xf32>
    %swap3A = arith.constant 0 : index
    %swap3A_14 = arith.constant 0 : index
    %swap3A_15 = vector.load %arg4[%swap3A, %swap3A_14] : memref<2048x128xf32, #tpu.memory_space<vmem>>, vector<2048x128xf32>
    tpu.vector_store %arg4[%swap3A, %swap3A_14], %add3A_13 {strides = array<i32>} : memref<2048x128xf32, #tpu.memory_space<vmem>>, vector<2048x128xf32>,
    %get3A_16 = arith.constant 1 : index
    %get3A_17 = arith.constant 0 : index
    %get3A_18 = arith.constant 0 : index
    %get3A_19 = vector.load %arg2[%get3A_16, %get3A_17, %get3A_18] : memref<3x16x128xf32, #tpu.memory_space<vmem>>, vector<1x16x128xf32>
    %get3A_20 = vector.shape_cast %get3A_19 : vector<1x16x128xf32> to vector<16x128xf32>
    %dot_general3A_21 = arith.constant dense<0.000000e+00> : vector<2048x128xf32>
    %dot_general3A_22 = tpu.matmul %get3A_1, %get3A_20, %dot_general3A_21 {dimension_numbers = #tpu.dot_dimension_numbers<[1], [0], [0], [1], [0, 0, 1, 1], [], []>, transpose_lhs_hint = false} : vector<2048x16xf32>, vector<16x128xf32>, vector<2048x128xf32> -> vector<2048x128xf32>
    %get3A_23 = arith.constant 1 : index
    %get3A_24 = arith.constant 0 : index
    %get3A_25 = arith.constant 0 : index
    %get3A_26 = vector.load %arg3[%get3A_23, %get3A_24, %get3A_25] : memref<3x1x128xf32, #tpu.memory_space<vmem>>, vector<1x1x128xf32>
    %get3A_27 = vector.shape_cast %get3A_26 : vector<1x1x128xf32> to vector<1x128xf32>
    %add3A_28 = vector.broadcast %get3A_27 : vector<1x128xf32> to vector<2048x128xf32>
    %add3A_29 = arith.addf %dot_general3A_22, %add3A_28 : vector<2048x128xf32>
    %swap3A_30 = arith.constant 0 : index
    %swap3A_31 = arith.constant 0 : index
    %swap3A_32 = vector.load %arg5[%swap3A_30, %swap3A_31] : memref<2048x128xf32, #tpu.memory_space<vmem>>, vector<2048x128xf32>
    tpu.vector_store %arg5[%swap3A_30, %swap3A_31], %add3A_29 {strides = array<i32>} : memref<2048x128xf32, #tpu.memory_space<vmem>>, vector<2048x128xf32>,
    %get3A_33 = arith.constant 2 : index
    %get3A_34 = arith.constant 0 : index
    %get3A_35 = arith.constant 0 : index
    %get3A_36 = vector.load %arg2[%get3A_33, %get3A_34, %get3A_35] : memref<3x16x128xf32, #tpu.memory_space<vmem>>, vector<1x16x128xf32>
    %get3A_37 = vector.shape_cast %get3A_36 : vector<1x16x128xf32> to vector<16x128xf32>
    %dot_general3A_38 = arith.constant dense<0.000000e+00> : vector<2048x128xf32>
    %dot_general3A_39 = tpu.matmul %get3A_1, %get3A_37, %dot_general3A_38 {dimension_numbers = #tpu.dot_dimension_numbers<[1], [0], [0], [1], [0, 0, 1, 1], [], []>, transpose_lhs_hint = false} : vector<2048x16xf32>, vector<16x128xf32>, vector<2048x128xf32> -> vector<2048x128xf32>
    %get3A_40 = arith.constant 2 : index
    %get3A_41 = arith.constant 0 : index
    %get3A_42 = arith.constant 0 : index
    %get3A_43 = vector.load %arg3[%get3A_40, %get3A_41, %get3A_42] : memref<3x1x128xf32, #tpu.memory_space<vmem>>, vector<1x1x128xf32>
    %get3A_44 = vector.shape_cast %get3A_43 : vector<1x1x128xf32> to vector<1x128xf32>
    %add3A_45 = vector.broadcast %get3A_44 : vector<1x128xf32> to vector<2048x128xf32>
    %add3A_46 = arith.addf %dot_general3A_39, %add3A_45 : vector<2048x128xf32>
    %swap3A_47 = arith.constant 0 : index
    %swap3A_48 = arith.constant 0 : index
    %swap3A_49 = vector.load %arg6[%swap3A_47, %swap3A_48] : memref<2048x128xf32, #tpu.memory_space<vmem>>, vector<2048x128xf32>
    tpu.vector_store %arg6[%swap3A_47, %swap3A_48], %add3A_46 {strides = array<i32>} : memref<2048x128xf32, #tpu.memory_space<vmem>>, vector<2048x128xf32>,
    return
  }
  func.func @transform_0(%arg0: i32) -> (i32, i32) {
    %c0_i32 = arith.constant 0 : i32
    %c0_i32_0 = arith.constant 0 : i32
    return %arg0, %c0_i32 : i32, i32
  }
  func.func @transform_1(%arg0: i32) -> (i32, i32, i32) {
    %c0_i32 = arith.constant 0 : i32
    %c0_i32_0 = arith.constant 0 : i32
    %c0_i32_1 = arith.constant 0 : i32
    %c0_i32_2 = arith.constant 0 : i32
    return %c0_i32, %c0_i32_0, %c0_i32_1 : i32, i32, i32
  }
  func.func @transform_2(%arg0: i32) -> (i32, i32, i32) {
    %c0_i32 = arith.constant 0 : i32
    %c0_i32_0 = arith.constant 0 : i32
    %c0_i32_1 = arith.constant 0 : i32
    %c0_i32_2 = arith.constant 0 : i32
    return %c0_i32, %c0_i32_0, %c0_i32_1 : i32, i32, i32
  }
  func.func @transform_3(%arg0: i32) -> (i32, i32) {
    %c0_i32 = arith.constant 0 : i32
    %c0_i32_0 = arith.constant 0 : i32
    return %arg0, %c0_i32 : i32, i32
  }
  func.func @transform_4(%arg0: i32) -> (i32, i32) {
    %c0_i32 = arith.constant 0 : i32
    %c0_i32_0 = arith.constant 0 : i32
    return %arg0, %c0_i32 : i32, i32
  }
  func.func @transform_5(%arg0: i32) -> (i32, i32) {
    %c0_i32 = arith.constant 0 : i32
    %c0_i32_0 = arith.constant 0 : i32
    return %arg0, %c0_i32 : i32, i32
  }
}

module attributes {stable_mosaic.version = 14 : i64} {
  func.func @_enc_nodes_body(%arg0: i32, %arg1: memref<1000x128xf32, #tpu.memory_space<vmem>>, %arg2: memref<128x128xf32, #tpu.memory_space<vmem>>, %arg3: memref<1x128xf32, #tpu.memory_space<vmem>>, %arg4: memref<128x128xf32, #tpu.memory_space<vmem>>, %arg5: memref<1000x128xf32, #tpu.memory_space<vmem>>, %arg6: memref<1000x128xf32, #tpu.memory_space<vmem>>) attributes {dimension_semantics = [#tpu.dimension_semantics<arbitrary>], iteration_bounds = array<i64: 10>, scalar_prefetch = 0 : i64, scratch_operands = 0 : i64, tpu.core_type = #tpu.core_type<tc>, window_params = [{transform_indices = @transform_0, window_bounds = array<i64: 1000, 128>}, {pipeline_mode = #tpu.pipeline_mode<synchronous>, transform_indices = @transform_1, window_bounds = array<i64: 128, 128>}, {pipeline_mode = #tpu.pipeline_mode<synchronous>, transform_indices = @transform_2, window_bounds = array<i64: 1, 128>}, {pipeline_mode = #tpu.pipeline_mode<synchronous>, transform_indices = @transform_3, window_bounds = array<i64: 128, 128>}, {transform_indices = @transform_4, window_bounds = array<i64: 1000, 128>}, {transform_indices = @transform_5, window_bounds = array<i64: 1000, 128>}]} {
    %get3A = arith.constant 0 : index
    %get3A_0 = arith.constant 0 : index
    %get3A_1 = vector.load %arg1[%get3A, %get3A_0] : memref<1000x128xf32, #tpu.memory_space<vmem>>, vector<1000x128xf32>
    %get3A_2 = arith.constant 0 : index
    %get3A_3 = arith.constant 0 : index
    %get3A_4 = vector.load %arg2[%get3A_2, %get3A_3] : memref<128x128xf32, #tpu.memory_space<vmem>>, vector<128x128xf32>
    %dot_general3A = arith.constant dense<0.000000e+00> : vector<1000x128xf32>
    %dot_general3A_5 = tpu.matmul %get3A_1, %get3A_4, %dot_general3A {dimension_numbers = #tpu.dot_dimension_numbers<[1], [0], [0], [1], [0, 0, 1, 1], [], []>, transpose_lhs_hint = false} : vector<1000x128xf32>, vector<128x128xf32>, vector<1000x128xf32> -> vector<1000x128xf32>
    %get3A_6 = arith.constant 0 : index
    %get3A_7 = arith.constant 0 : index
    %get3A_8 = vector.load %arg3[%get3A_6, %get3A_7] : memref<1x128xf32, #tpu.memory_space<vmem>>, vector<1x128xf32>
    %add3A = vector.broadcast %get3A_8 : vector<1x128xf32> to vector<1000x128xf32>
    %add3A_9 = arith.addf %dot_general3A_5, %add3A : vector<1000x128xf32>
    %swap3A = arith.constant 0 : index
    %swap3A_10 = arith.constant 0 : index
    %swap3A_11 = vector.load %arg5[%swap3A, %swap3A_10] : memref<1000x128xf32, #tpu.memory_space<vmem>>, vector<1000x128xf32>
    tpu.vector_store %arg5[%swap3A, %swap3A_10], %add3A_9 {strides = array<i32>} : memref<1000x128xf32, #tpu.memory_space<vmem>>, vector<1000x128xf32>,
    %get3A_12 = arith.constant 0 : index
    %get3A_13 = arith.constant 0 : index
    %get3A_14 = vector.load %arg4[%get3A_12, %get3A_13] : memref<128x128xf32, #tpu.memory_space<vmem>>, vector<128x128xf32>
    %dot_general3A_15 = arith.constant dense<0.000000e+00> : vector<1000x128xf32>
    %dot_general3A_16 = tpu.matmul %add3A_9, %get3A_14, %dot_general3A_15 {dimension_numbers = #tpu.dot_dimension_numbers<[1], [0], [0], [1], [0, 0, 1, 1], [], []>, transpose_lhs_hint = false} : vector<1000x128xf32>, vector<128x128xf32>, vector<1000x128xf32> -> vector<1000x128xf32>
    %swap3A_17 = arith.constant 0 : index
    %swap3A_18 = arith.constant 0 : index
    %swap3A_19 = vector.load %arg6[%swap3A_17, %swap3A_18] : memref<1000x128xf32, #tpu.memory_space<vmem>>, vector<1000x128xf32>
    tpu.vector_store %arg6[%swap3A_17, %swap3A_18], %dot_general3A_16 {strides = array<i32>} : memref<1000x128xf32, #tpu.memory_space<vmem>>, vector<1000x128xf32>,
    return
  }
  func.func @transform_0(%arg0: i32) -> (i32, i32) {
    %c0_i32 = arith.constant 0 : i32
    %c0_i32_0 = arith.constant 0 : i32
    return %arg0, %c0_i32 : i32, i32
  }
  func.func @transform_1(%arg0: i32) -> (i32, i32) {
    %c0_i32 = arith.constant 0 : i32
    %c0_i32_0 = arith.constant 0 : i32
    %c0_i32_1 = arith.constant 0 : i32
    return %c0_i32, %c0_i32_0 : i32, i32
  }
  func.func @transform_2(%arg0: i32) -> (i32, i32) {
    %c0_i32 = arith.constant 0 : i32
    %c0_i32_0 = arith.constant 0 : i32
    %c0_i32_1 = arith.constant 0 : i32
    return %c0_i32, %c0_i32_0 : i32, i32
  }
  func.func @transform_3(%arg0: i32) -> (i32, i32) {
    %c0_i32 = arith.constant 0 : i32
    %c0_i32_0 = arith.constant 0 : i32
    %c0_i32_1 = arith.constant 0 : i32
    return %c0_i32, %c0_i32_0 : i32, i32
  }
  func.func @transform_4(%arg0: i32) -> (i32, i32) {
    %c0_i32 = arith.constant 0 : i32
    %c0_i32_0 = arith.constant 0 : i32
    return %arg0, %c0_i32 : i32, i32
  }
  func.func @transform_5(%arg0: i32) -> (i32, i32) {
    %c0_i32 = arith.constant 0 : i32
    %c0_i32_0 = arith.constant 0 : i32
    return %arg0, %c0_i32 : i32, i32
  }
}

module attributes {stable_mosaic.version = 14 : i64} {
  func.func @body(%arg0: i32, %arg1: memref<1000x128xf32, #tpu.memory_space<vmem>>, %arg2: memref<2x1000x128xf32, #tpu.memory_space<vmem>>, %arg3: memref<128x128xf32, #tpu.memory_space<vmem>>, %arg4: memref<128x128xf32, #tpu.memory_space<vmem>>, %arg5: memref<1x128xf32, #tpu.memory_space<vmem>>, %arg6: memref<128x128xf32, #tpu.memory_space<vmem>>, %arg7: memref<1000x128xf32, #tpu.memory_space<vmem>>, %arg8: memref<1000x128xf32, #tpu.memory_space<vmem>>) attributes {dimension_semantics = [#tpu.dimension_semantics<arbitrary>], iteration_bounds = array<i64: 10>, scalar_prefetch = 0 : i64, scratch_operands = 0 : i64, tpu.core_type = #tpu.core_type<tc>, window_params = [{transform_indices = @transform_0, window_bounds = array<i64: 1000, 128>}, {transform_indices = @transform_1, window_bounds = array<i64: 2, 1000, 128>}, {pipeline_mode = #tpu.pipeline_mode<synchronous>, transform_indices = @transform_2, window_bounds = array<i64: 128, 128>}, {pipeline_mode = #tpu.pipeline_mode<synchronous>, transform_indices = @transform_3, window_bounds = array<i64: 128, 128>}, {pipeline_mode = #tpu.pipeline_mode<synchronous>, transform_indices = @transform_4, window_bounds = array<i64: 1, 128>}, {pipeline_mode = #tpu.pipeline_mode<synchronous>, transform_indices = @transform_5, window_bounds = array<i64: 128, 128>}, {transform_indices = @transform_6, window_bounds = array<i64: 1000, 128>}, {transform_indices = @transform_7, window_bounds = array<i64: 1000, 128>}]} {
    %get3A = arith.constant 0 : index
    %get3A_0 = arith.constant 0 : index
    %get3A_1 = vector.load %arg1[%get3A, %get3A_0] : memref<1000x128xf32, #tpu.memory_space<vmem>>, vector<1000x128xf32>
    %get3A_2 = arith.constant 0 : index
    %get3A_3 = arith.constant 0 : index
    %get3A_4 = arith.constant 0 : index
    %get3A_5 = vector.load %arg2[%get3A_2, %get3A_3, %get3A_4] : memref<2x1000x128xf32, #tpu.memory_space<vmem>>, vector<1x1000x128xf32>
    %get3A_6 = vector.shape_cast %get3A_5 : vector<1x1000x128xf32> to vector<1000x128xf32>
    %get3A_7 = arith.constant 1 : index
    %get3A_8 = arith.constant 0 : index
    %get3A_9 = arith.constant 0 : index
    %get3A_10 = vector.load %arg2[%get3A_7, %get3A_8, %get3A_9] : memref<2x1000x128xf32, #tpu.memory_space<vmem>>, vector<1x1000x128xf32>
    %get3A_11 = vector.shape_cast %get3A_10 : vector<1x1000x128xf32> to vector<1000x128xf32>
    %add3A = arith.addf %get3A_6, %get3A_11 : vector<1000x128xf32>
    %get3A_12 = arith.constant 0 : index
    %get3A_13 = arith.constant 0 : index
    %get3A_14 = vector.load %arg3[%get3A_12, %get3A_13] : memref<128x128xf32, #tpu.memory_space<vmem>>, vector<128x128xf32>
    %dot_general3A = arith.constant dense<0.000000e+00> : vector<1000x128xf32>
    %dot_general3A_15 = tpu.matmul %get3A_1, %get3A_14, %dot_general3A {dimension_numbers = #tpu.dot_dimension_numbers<[1], [0], [0], [1], [0, 0, 1, 1], [], []>, transpose_lhs_hint = false} : vector<1000x128xf32>, vector<128x128xf32>, vector<1000x128xf32> -> vector<1000x128xf32>
    %get3A_16 = arith.constant 0 : index
    %get3A_17 = arith.constant 0 : index
    %get3A_18 = vector.load %arg4[%get3A_16, %get3A_17] : memref<128x128xf32, #tpu.memory_space<vmem>>, vector<128x128xf32>
    %dot_general3A_19 = arith.constant dense<0.000000e+00> : vector<1000x128xf32>
    %dot_general3A_20 = tpu.matmul %add3A, %get3A_18, %dot_general3A_19 {dimension_numbers = #tpu.dot_dimension_numbers<[1], [0], [0], [1], [0, 0, 1, 1], [], []>, transpose_lhs_hint = false} : vector<1000x128xf32>, vector<128x128xf32>, vector<1000x128xf32> -> vector<1000x128xf32>
    %add3A_21 = arith.addf %dot_general3A_15, %dot_general3A_20 : vector<1000x128xf32>
    %get3A_22 = arith.constant 0 : index
    %get3A_23 = arith.constant 0 : index
    %get3A_24 = vector.load %arg5[%get3A_22, %get3A_23] : memref<1x128xf32, #tpu.memory_space<vmem>>, vector<1x128xf32>
    %add3A_25 = vector.broadcast %get3A_24 : vector<1x128xf32> to vector<1000x128xf32>
    %add3A_26 = arith.addf %add3A_21, %add3A_25 : vector<1000x128xf32>
    %max3A = arith.constant 0.000000e+00 : f32
    %max3A_27 = vector.broadcast %max3A : f32 to vector<1000x128xf32>
    %max3A_28 = arith.maximumf %add3A_26, %max3A_27 : vector<1000x128xf32>
    %add3A_29 = arith.addf %max3A_28, %get3A_1 : vector<1000x128xf32>
    %swap3A = arith.constant 0 : index
    %swap3A_30 = arith.constant 0 : index
    %swap3A_31 = vector.load %arg7[%swap3A, %swap3A_30] : memref<1000x128xf32, #tpu.memory_space<vmem>>, vector<1000x128xf32>
    tpu.vector_store %arg7[%swap3A, %swap3A_30], %add3A_29 {strides = array<i32>} : memref<1000x128xf32, #tpu.memory_space<vmem>>, vector<1000x128xf32>,
    %get3A_32 = arith.constant 0 : index
    %get3A_33 = arith.constant 0 : index
    %get3A_34 = vector.load %arg6[%get3A_32, %get3A_33] : memref<128x128xf32, #tpu.memory_space<vmem>>, vector<128x128xf32>
    %dot_general3A_35 = arith.constant dense<0.000000e+00> : vector<1000x128xf32>
    %dot_general3A_36 = tpu.matmul %add3A_29, %get3A_34, %dot_general3A_35 {dimension_numbers = #tpu.dot_dimension_numbers<[1], [0], [0], [1], [0, 0, 1, 1], [], []>, transpose_lhs_hint = false} : vector<1000x128xf32>, vector<128x128xf32>, vector<1000x128xf32> -> vector<1000x128xf32>
    %swap3A_37 = arith.constant 0 : index
    %swap3A_38 = arith.constant 0 : index
    %swap3A_39 = vector.load %arg8[%swap3A_37, %swap3A_38] : memref<1000x128xf32, #tpu.memory_space<vmem>>, vector<1000x128xf32>
    tpu.vector_store %arg8[%swap3A_37, %swap3A_38], %dot_general3A_36 {strides = array<i32>} : memref<1000x128xf32, #tpu.memory_space<vmem>>, vector<1000x128xf32>,
    return
  }
  func.func @transform_0(%arg0: i32) -> (i32, i32) {
    %c0_i32 = arith.constant 0 : i32
    %c0_i32_0 = arith.constant 0 : i32
    return %arg0, %c0_i32 : i32, i32
  }
  func.func @transform_1(%arg0: i32) -> (i32, i32, i32) {
    %c0_i32 = arith.constant 0 : i32
    %c0_i32_0 = arith.constant 0 : i32
    %c0_i32_1 = arith.constant 0 : i32
    return %c0_i32, %arg0, %c0_i32_0 : i32, i32, i32
  }
  func.func @transform_2(%arg0: i32) -> (i32, i32) {
    %c0_i32 = arith.constant 0 : i32
    %c0_i32_0 = arith.constant 0 : i32
    %c0_i32_1 = arith.constant 0 : i32
    return %c0_i32, %c0_i32_0 : i32, i32
  }
  func.func @transform_3(%arg0: i32) -> (i32, i32) {
    %c0_i32 = arith.constant 0 : i32
    %c0_i32_0 = arith.constant 0 : i32
    %c0_i32_1 = arith.constant 0 : i32
    return %c0_i32, %c0_i32_0 : i32, i32
  }
  func.func @transform_4(%arg0: i32) -> (i32, i32) {
    %c0_i32 = arith.constant 0 : i32
    %c0_i32_0 = arith.constant 0 : i32
    %c0_i32_1 = arith.constant 0 : i32
    return %c0_i32, %c0_i32_0 : i32, i32
  }
  func.func @transform_5(%arg0: i32) -> (i32, i32) {
    %c0_i32 = arith.constant 0 : i32
    %c0_i32_0 = arith.constant 0 : i32
    %c0_i32_1 = arith.constant 0 : i32
    return %c0_i32, %c0_i32_0 : i32, i32
  }
  func.func @transform_6(%arg0: i32) -> (i32, i32) {
    %c0_i32 = arith.constant 0 : i32
    %c0_i32_0 = arith.constant 0 : i32
    return %arg0, %c0_i32 : i32, i32
  }
  func.func @transform_7(%arg0: i32) -> (i32, i32) {
    %c0_i32 = arith.constant 0 : i32
    %c0_i32_0 = arith.constant 0 : i32
    return %arg0, %c0_i32 : i32, i32
  }
}

module attributes {stable_mosaic.version = 14 : i64} {
  func.func @body(%arg0: i32, %arg1: memref<1000x128xf32, #tpu.memory_space<vmem>>, %arg2: memref<2x1000x128xf32, #tpu.memory_space<vmem>>, %arg3: memref<128x128xf32, #tpu.memory_space<vmem>>, %arg4: memref<128x128xf32, #tpu.memory_space<vmem>>, %arg5: memref<1x128xf32, #tpu.memory_space<vmem>>, %arg6: memref<128x128xf32, #tpu.memory_space<vmem>>, %arg7: memref<1000x128xf32, #tpu.memory_space<vmem>>) attributes {dimension_semantics = [#tpu.dimension_semantics<arbitrary>], iteration_bounds = array<i64: 10>, scalar_prefetch = 0 : i64, scratch_operands = 0 : i64, tpu.core_type = #tpu.core_type<tc>, window_params = [{transform_indices = @transform_0, window_bounds = array<i64: 1000, 128>}, {transform_indices = @transform_1, window_bounds = array<i64: 2, 1000, 128>}, {pipeline_mode = #tpu.pipeline_mode<synchronous>, transform_indices = @transform_2, window_bounds = array<i64: 128, 128>}, {pipeline_mode = #tpu.pipeline_mode<synchronous>, transform_indices = @transform_3, window_bounds = array<i64: 128, 128>}, {pipeline_mode = #tpu.pipeline_mode<synchronous>, transform_indices = @transform_4, window_bounds = array<i64: 1, 128>}, {pipeline_mode = #tpu.pipeline_mode<synchronous>, transform_indices = @transform_5, window_bounds = array<i64: 128, 128>}, {transform_indices = @transform_6, window_bounds = array<i64: 1000, 128>}]} {
    %get3A = arith.constant 0 : index
    %get3A_0 = arith.constant 0 : index
    %get3A_1 = vector.load %arg1[%get3A, %get3A_0] : memref<1000x128xf32, #tpu.memory_space<vmem>>, vector<1000x128xf32>
    %get3A_2 = arith.constant 0 : index
    %get3A_3 = arith.constant 0 : index
    %get3A_4 = arith.constant 0 : index
    %get3A_5 = vector.load %arg2[%get3A_2, %get3A_3, %get3A_4] : memref<2x1000x128xf32, #tpu.memory_space<vmem>>, vector<1x1000x128xf32>
    %get3A_6 = vector.shape_cast %get3A_5 : vector<1x1000x128xf32> to vector<1000x128xf32>
    %get3A_7 = arith.constant 1 : index
    %get3A_8 = arith.constant 0 : index
    %get3A_9 = arith.constant 0 : index
    %get3A_10 = vector.load %arg2[%get3A_7, %get3A_8, %get3A_9] : memref<2x1000x128xf32, #tpu.memory_space<vmem>>, vector<1x1000x128xf32>
    %get3A_11 = vector.shape_cast %get3A_10 : vector<1x1000x128xf32> to vector<1000x128xf32>
    %add3A = arith.addf %get3A_6, %get3A_11 : vector<1000x128xf32>
    %get3A_12 = arith.constant 0 : index
    %get3A_13 = arith.constant 0 : index
    %get3A_14 = vector.load %arg3[%get3A_12, %get3A_13] : memref<128x128xf32, #tpu.memory_space<vmem>>, vector<128x128xf32>
    %dot_general3A = arith.constant dense<0.000000e+00> : vector<1000x128xf32>
    %dot_general3A_15 = tpu.matmul %get3A_1, %get3A_14, %dot_general3A {dimension_numbers = #tpu.dot_dimension_numbers<[1], [0], [0], [1], [0, 0, 1, 1], [], []>, transpose_lhs_hint = false} : vector<1000x128xf32>, vector<128x128xf32>, vector<1000x128xf32> -> vector<1000x128xf32>
    %get3A_16 = arith.constant 0 : index
    %get3A_17 = arith.constant 0 : index
    %get3A_18 = vector.load %arg4[%get3A_16, %get3A_17] : memref<128x128xf32, #tpu.memory_space<vmem>>, vector<128x128xf32>
    %dot_general3A_19 = arith.constant dense<0.000000e+00> : vector<1000x128xf32>
    %dot_general3A_20 = tpu.matmul %add3A, %get3A_18, %dot_general3A_19 {dimension_numbers = #tpu.dot_dimension_numbers<[1], [0], [0], [1], [0, 0, 1, 1], [], []>, transpose_lhs_hint = false} : vector<1000x128xf32>, vector<128x128xf32>, vector<1000x128xf32> -> vector<1000x128xf32>
    %add3A_21 = arith.addf %dot_general3A_15, %dot_general3A_20 : vector<1000x128xf32>
    %get3A_22 = arith.constant 0 : index
    %get3A_23 = arith.constant 0 : index
    %get3A_24 = vector.load %arg5[%get3A_22, %get3A_23] : memref<1x128xf32, #tpu.memory_space<vmem>>, vector<1x128xf32>
    %add3A_25 = vector.broadcast %get3A_24 : vector<1x128xf32> to vector<1000x128xf32>
    %add3A_26 = arith.addf %add3A_21, %add3A_25 : vector<1000x128xf32>
    %max3A = arith.constant 0.000000e+00 : f32
    %max3A_27 = vector.broadcast %max3A : f32 to vector<1000x128xf32>
    %max3A_28 = arith.maximumf %add3A_26, %max3A_27 : vector<1000x128xf32>
    %add3A_29 = arith.addf %max3A_28, %get3A_1 : vector<1000x128xf32>
    %swap3A = arith.constant 0 : index
    %swap3A_30 = arith.constant 0 : index
    %swap3A_31 = vector.load %arg7[%swap3A, %swap3A_30] : memref<1000x128xf32, #tpu.memory_space<vmem>>, vector<1000x128xf32>
    tpu.vector_store %arg7[%swap3A, %swap3A_30], %add3A_29 {strides = array<i32>} : memref<1000x128xf32, #tpu.memory_space<vmem>>, vector<1000x128xf32>,
    return
  }
  func.func @transform_0(%arg0: i32) -> (i32, i32) {
    %c0_i32 = arith.constant 0 : i32
    %c0_i32_0 = arith.constant 0 : i32
    return %arg0, %c0_i32 : i32, i32
  }
  func.func @transform_1(%arg0: i32) -> (i32, i32, i32) {
    %c0_i32 = arith.constant 0 : i32
    %c0_i32_0 = arith.constant 0 : i32
    %c0_i32_1 = arith.constant 0 : i32
    return %c0_i32, %arg0, %c0_i32_0 : i32, i32, i32
  }
  func.func @transform_2(%arg0: i32) -> (i32, i32) {
    %c0_i32 = arith.constant 0 : i32
    %c0_i32_0 = arith.constant 0 : i32
    %c0_i32_1 = arith.constant 0 : i32
    return %c0_i32, %c0_i32_0 : i32, i32
  }
  func.func @transform_3(%arg0: i32) -> (i32, i32) {
    %c0_i32 = arith.constant 0 : i32
    %c0_i32_0 = arith.constant 0 : i32
    %c0_i32_1 = arith.constant 0 : i32
    return %c0_i32, %c0_i32_0 : i32, i32
  }
  func.func @transform_4(%arg0: i32) -> (i32, i32) {
    %c0_i32 = arith.constant 0 : i32
    %c0_i32_0 = arith.constant 0 : i32
    %c0_i32_1 = arith.constant 0 : i32
    return %c0_i32, %c0_i32_0 : i32, i32
  }
  func.func @transform_5(%arg0: i32) -> (i32, i32) {
    %c0_i32 = arith.constant 0 : i32
    %c0_i32_0 = arith.constant 0 : i32
    %c0_i32_1 = arith.constant 0 : i32
    return %c0_i32, %c0_i32_0 : i32, i32
  }
  func.func @transform_6(%arg0: i32) -> (i32, i32) {
    %c0_i32 = arith.constant 0 : i32
    %c0_i32_0 = arith.constant 0 : i32
    return %arg0, %c0_i32 : i32, i32
  }
}

module attributes {stable_mosaic.version = 14 : i64} {
  func.func @_decode_body(%arg0: i32, %arg1: memref<5000x256xf32, #tpu.memory_space<vmem>>, %arg2: memref<256x128xf32, #tpu.memory_space<vmem>>, %arg3: memref<1x128xf32, #tpu.memory_space<vmem>>, %arg4: memref<128x128xf32, #tpu.memory_space<vmem>>, %arg5: memref<1x128xf32, #tpu.memory_space<vmem>>, %arg6: memref<128x1xf32, #tpu.memory_space<vmem>>, %arg7: memref<1x1xf32, #tpu.memory_space<vmem>>, %arg8: memref<5000x1xf32, #tpu.memory_space<vmem>>, %arg9: memref<1x1xf32, #tpu.memory_space<vmem>>) attributes {dimension_semantics = [#tpu.dimension_semantics<arbitrary>], iteration_bounds = array<i64: 1>, scalar_prefetch = 0 : i64, scratch_operands = 0 : i64, tpu.core_type = #tpu.core_type<tc>, window_params = [{pipeline_mode = #tpu.pipeline_mode<synchronous>, transform_indices = @transform_0, window_bounds = array<i64: 5000, 256>}, {pipeline_mode = #tpu.pipeline_mode<synchronous>, transform_indices = @transform_1, window_bounds = array<i64: 256, 128>}, {pipeline_mode = #tpu.pipeline_mode<synchronous>, transform_indices = @transform_2, window_bounds = array<i64: 1, 128>}, {pipeline_mode = #tpu.pipeline_mode<synchronous>, transform_indices = @transform_3, window_bounds = array<i64: 128, 128>}, {pipeline_mode = #tpu.pipeline_mode<synchronous>, transform_indices = @transform_4, window_bounds = array<i64: 1, 128>}, {pipeline_mode = #tpu.pipeline_mode<synchronous>, transform_indices = @transform_5, window_bounds = array<i64: 128, 1>}, {pipeline_mode = #tpu.pipeline_mode<synchronous>, transform_indices = @transform_6, window_bounds = array<i64: 1, 1>}, {pipeline_mode = #tpu.pipeline_mode<synchronous>, transform_indices = @transform_7, window_bounds = array<i64: 5000, 1>}, {pipeline_mode = #tpu.pipeline_mode<synchronous>, transform_indices = @transform_8, window_bounds = array<i64: 1, 1>}]} {
    %get3A = arith.constant 0 : index
    %get3A_0 = arith.constant 0 : index
    %get3A_1 = vector.load %arg1[%get3A, %get3A_0] : memref<5000x256xf32, #tpu.memory_space<vmem>>, vector<5000x256xf32>
    %get3A_2 = arith.constant 0 : index
    %get3A_3 = arith.constant 0 : index
    %get3A_4 = vector.load %arg2[%get3A_2, %get3A_3] : memref<256x128xf32, #tpu.memory_space<vmem>>, vector<256x128xf32>
    %dot_general3A = arith.constant dense<0.000000e+00> : vector<5000x128xf32>
    %dot_general3A_5 = tpu.matmul %get3A_1, %get3A_4, %dot_general3A {dimension_numbers = #tpu.dot_dimension_numbers<[1], [0], [0], [1], [0, 0, 1, 1], [], []>, transpose_lhs_hint = false} : vector<5000x256xf32>, vector<256x128xf32>, vector<5000x128xf32> -> vector<5000x128xf32>
    %get3A_6 = arith.constant 0 : index
    %get3A_7 = arith.constant 0 : index
    %get3A_8 = vector.load %arg3[%get3A_6, %get3A_7] : memref<1x128xf32, #tpu.memory_space<vmem>>, vector<1x128xf32>
    %add3A = vector.broadcast %get3A_8 : vector<1x128xf32> to vector<5000x128xf32>
    %add3A_9 = arith.addf %dot_general3A_5, %add3A : vector<5000x128xf32>
    %max3A = arith.constant 0.000000e+00 : f32
    %max3A_10 = vector.broadcast %max3A : f32 to vector<5000x128xf32>
    %max3A_11 = arith.maximumf %add3A_9, %max3A_10 : vector<5000x128xf32>
    %get3A_12 = arith.constant 0 : index
    %get3A_13 = arith.constant 0 : index
    %get3A_14 = vector.load %arg4[%get3A_12, %get3A_13] : memref<128x128xf32, #tpu.memory_space<vmem>>, vector<128x128xf32>
    %dot_general3A_15 = arith.constant dense<0.000000e+00> : vector<5000x128xf32>
    %dot_general3A_16 = tpu.matmul %max3A_11, %get3A_14, %dot_general3A_15 {dimension_numbers = #tpu.dot_dimension_numbers<[1], [0], [0], [1], [0, 0, 1, 1], [], []>, transpose_lhs_hint = false} : vector<5000x128xf32>, vector<128x128xf32>, vector<5000x128xf32> -> vector<5000x128xf32>
    %get3A_17 = arith.constant 0 : index
    %get3A_18 = arith.constant 0 : index
    %get3A_19 = vector.load %arg5[%get3A_17, %get3A_18] : memref<1x128xf32, #tpu.memory_space<vmem>>, vector<1x128xf32>
    %add3A_20 = vector.broadcast %get3A_19 : vector<1x128xf32> to vector<5000x128xf32>
    %add3A_21 = arith.addf %dot_general3A_16, %add3A_20 : vector<5000x128xf32>
    %max3A_22 = arith.constant 0.000000e+00 : f32
    %max3A_23 = vector.broadcast %max3A_22 : f32 to vector<5000x128xf32>
    %max3A_24 = arith.maximumf %add3A_21, %max3A_23 : vector<5000x128xf32>
    %get3A_25 = arith.constant 0 : index
    %get3A_26 = arith.constant 0 : index
    %get3A_27 = vector.load %arg6[%get3A_25, %get3A_26] : memref<128x1xf32, #tpu.memory_space<vmem>>, vector<128x1xf32>
    %dot_general3A_28 = arith.constant dense<0.000000e+00> : vector<5000x1xf32>
    %dot_general3A_29 = tpu.matmul %max3A_24, %get3A_27, %dot_general3A_28 {dimension_numbers = #tpu.dot_dimension_numbers<[1], [0], [0], [1], [0, 0, 1, 1], [], []>, transpose_lhs_hint = false} : vector<5000x128xf32>, vector<128x1xf32>, vector<5000x1xf32> -> vector<5000x1xf32>
    %get3A_30 = arith.constant 0 : index
    %get3A_31 = arith.constant 0 : index
    %get3A_32 = vector.load %arg7[%get3A_30, %get3A_31] : memref<1x1xf32, #tpu.memory_space<vmem>>, vector<1x1xf32>
    %add3A_33 = vector.broadcast %get3A_32 : vector<1x1xf32> to vector<5000x1xf32>
    %add3A_34 = arith.addf %dot_general3A_29, %add3A_33 : vector<5000x1xf32>
    %get3A_35 = arith.constant 0 : index
    %get3A_36 = arith.constant 0 : index
    %get3A_37 = vector.load %arg8[%get3A_35, %get3A_36] : memref<5000x1xf32, #tpu.memory_space<vmem>>, vector<5000x1xf32>
    %sub3A = arith.subf %add3A_34, %get3A_37 : vector<5000x1xf32>
    %mul3A = arith.mulf %sub3A, %sub3A : vector<5000x1xf32>
    %reduce_sum3A = vector.shape_cast %mul3A : vector<5000x1xf32> to vector<1x5000x1xf32>
    %reduce_sum3A_38 = arith.constant dense<0.000000e+00> : vector<1xf32>
    %reduce_sum3A_39 = vector.multi_reduction <add>, %reduce_sum3A, %reduce_sum3A_38 [1, 2] : vector<1x5000x1xf32> to vector<1xf32>
    %reduce_sum3A_40 = vector.shape_cast %reduce_sum3A_39 : vector<1xf32> to vector<1x1x1xf32>
    %reduce_sum3A_41 = vector.extract %reduce_sum3A_40[0, 0, 0] : f32 from vector<1x1x1xf32>
    %div3A = arith.constant 5.000000e+03 : f32
    %div3A_42 = arith.divf %reduce_sum3A_41, %div3A : f32
    %reshape3A = vector.broadcast %div3A_42 : f32 to vector<1x1xf32>
    %swap3A = arith.constant 0 : index
    %swap3A_43 = arith.constant 0 : index
    %swap3A_44 = vector.load %arg9[%swap3A, %swap3A_43] : memref<1x1xf32, #tpu.memory_space<vmem>>, vector<1x1xf32>
    tpu.vector_store %arg9[%swap3A, %swap3A_43], %reshape3A {strides = array<i32>} : memref<1x1xf32, #tpu.memory_space<vmem>>, vector<1x1xf32>,
    return
  }
  func.func @transform_0(%arg0: i32) -> (i32, i32) {
    %c0_i32 = arith.constant 0 : i32
    %c0_i32_0 = arith.constant 0 : i32
    %c0_i32_1 = arith.constant 0 : i32
    return %c0_i32, %c0_i32_0 : i32, i32
  }
  func.func @transform_1(%arg0: i32) -> (i32, i32) {
    %c0_i32 = arith.constant 0 : i32
    %c0_i32_0 = arith.constant 0 : i32
    %c0_i32_1 = arith.constant 0 : i32
    return %c0_i32, %c0_i32_0 : i32, i32
  }
  func.func @transform_2(%arg0: i32) -> (i32, i32) {
    %c0_i32 = arith.constant 0 : i32
    %c0_i32_0 = arith.constant 0 : i32
    %c0_i32_1 = arith.constant 0 : i32
    return %c0_i32, %c0_i32_0 : i32, i32
  }
  func.func @transform_3(%arg0: i32) -> (i32, i32) {
    %c0_i32 = arith.constant 0 : i32
    %c0_i32_0 = arith.constant 0 : i32
    %c0_i32_1 = arith.constant 0 : i32
    return %c0_i32, %c0_i32_0 : i32, i32
  }
  func.func @transform_4(%arg0: i32) -> (i32, i32) {
    %c0_i32 = arith.constant 0 : i32
    %c0_i32_0 = arith.constant 0 : i32
    %c0_i32_1 = arith.constant 0 : i32
    return %c0_i32, %c0_i32_0 : i32, i32
  }
  func.func @transform_5(%arg0: i32) -> (i32, i32) {
    %c0_i32 = arith.constant 0 : i32
    %c0_i32_0 = arith.constant 0 : i32
    %c0_i32_1 = arith.constant 0 : i32
    return %c0_i32, %c0_i32_0 : i32, i32
  }
  func.func @transform_6(%arg0: i32) -> (i32, i32) {
    %c0_i32 = arith.constant 0 : i32
    %c0_i32_0 = arith.constant 0 : i32
    %c0_i32_1 = arith.constant 0 : i32
    return %c0_i32, %c0_i32_0 : i32, i32
  }
  func.func @transform_7(%arg0: i32) -> (i32, i32) {
    %c0_i32 = arith.constant 0 : i32
    %c0_i32_0 = arith.constant 0 : i32
    %c0_i32_1 = arith.constant 0 : i32
    return %c0_i32, %c0_i32_0 : i32, i32
  }
  func.func @transform_8(%arg0: i32) -> (i32, i32) {
    %c0_i32 = arith.constant 0 : i32
    %c0_i32_0 = arith.constant 0 : i32
    %c0_i32_1 = arith.constant 0 : i32
    return %c0_i32, %c0_i32_0 : i32, i32
  }
}

</mosaic_0001>

<sc_bundles>
// kernel: kernel.11.cloned.1.call-start
scs
__scs_entry_jumppad:
0x0: {  	(pc) =	sbr.rel $0x88, $3  }
0x1: {  	(tag) =	ssettag $0x0;
	lr =	simm.s32 $0x1  }
0x2: {  	[smem:$0x3F87] =	sst lr;
	_ =	strace $0xD0000000  }
0x3: {  	_ = 	snop  }
0x4: {  	_ = 	snop  }
0x5: {  	_ = 	snop  }
0x6: {  	_ = 	snop  }
0x7: {  	_ = 	snop  }
__scs_overlays_trampoline_lowered:
0x8: {  	[smem:$0x3F96] =	sst s0  }
0x9: {  	[smem:$0x3F97] =	sst s1  }
0xa: {  	[smem:$0x3F98] =	sst s2  }
0xb: {  	[smem:$0x3F99] =	sst s3  }
0xc: {  	[smem:$0x3F9A] =	sst s4  }
0xd: {  	[smem:$0x3F9B] =	sst s5  }
0xe: {  	[smem:$0x3F9C] =	sst s6  }
0xf: {  	[smem:$0x3F9D] =	sst s7  }
0x10: {  	[smem:$0x3F9E] =	sst s8  }
0x11: {  	[smem:$0x3F9F] =	sst s9;
	s0 =	simm.s32 @!p0 $0x0  }
0x12: {  	s1 =	sld [smem:$0x3F85];
	s0 =	simm.s32 @p0 $0x1  }
0x13: {  	[smem:$0x3FA0] =	sst s0;
	s0 =	simm.s32 @!p1 $0x0  }
0x14: {  	s2 =	sld [smem:$0x3F84];
	s0 =	simm.s32 @p1 $0x1  }
0x15: {  	[smem:$0x3FA1] =	sst s0;
	s0 =	simm.s32 @!p2 $0x0  }
0x16: {  	s3 =	sld [smem:$0x3FDB];
	s0 =	simm.s32 @p2 $0x1  }
0x17: {  	s4 =	simm.s32 $0x1BF5;
	[smem:$0x3FA3] =	sst s0  }
0x18: {  	s0 =	sld [smem:$0x3F86];
	_ =	swait.ge [sflag:s4], $0x0  }
0x19: {  	s7 =	sld [smem:$0x3F87]  }
0x1a: {  	s8 =	sadd.s32 $0xFFFFE003, lr  }
0x1b: {  	s9 =	sadd.s32 $0xFFFFFEF7, lr;
	s5 =	simm.s32 $0xFFFFFFFF;
	p2 =	slt.u32 s8, $0xFFFFF086  }
0x1c: {  	p1 =	slt.u32 s9, $0xF7A;
	s5 =	simm.s32 @!p2 $0x0  }
0x1d: {  	s5 =	simm.s32 @p1 $0x1;
	p0 =	seq.s32 s7, s2  }
0x1e: {  	s7 =	smul.u32 @!p0 $0xF7A, s2;
	p2 =	seq.s32 @!p0 s5, $0x0  }
0x1f: {  	s9 =	smul.u32 $0xF7A, s1;
	s8 =	simm.s32 @!p0 $0x1BF5;
	p2 =	por !p2, p0  }
0x20: {  	[sflag:s8] =	ssyncset.s32 @!p0 $0xFFFFF086;
	s6 =	sadd.s32 @!p0 s3, s7;
	s7 =	simm.s32 @!p0 $0x108  }
0x21: {  	s3 =	sadd.s32 s3, s9;
	s6 =	sadd.s32 @!p0 $0x88, s6;
	s7 =	simm.s32 @p2 $0x1082  }
0x22: {  	[simem:s7], [sflag:s8] =	dma.local @!p0 [hbm:s6], $0xF7A  }
0x23: {  	s9 =	sor.u32 $0xD0000000, s2;
	s6 =	simm.s32 $0x108;
	_ =	swait.ge @!p0 [sflag:s8], $0x0  }
0x24: {  	s3 =	sadd.s32 $0x88, s3;
	s6 =	simm.s32 @!p1 $0x1082;
	[sflag:s4] =	ssyncset.s32 $0xFFFFF086  }
0x25: {  	[simem:s6], [sflag:s4] =	dma.local [hbm:s3], $0xF7A  }
0x26: {  	[smem:$0x3F87] =	sst s1;
	(tag) =	ssettag s2;
	_ =	strace s9  }
0x27: {  	s1 =	sld [smem:$0x3F97]  }
0x28: {  	s2 =	sld [smem:$0x3F98]  }
0x29: {  	s4 =	sld [smem:$0x3F9A]  }
0x2a: {  	p0 =	seq.s32 s5, $0x0;
	s5 =	sld [smem:$0x3F9B]  }
0x2b: {  	s6 =	sld [smem:$0x3F9C]  }
0x2c: {  	s7 =	sld [smem:$0x3F9D]  }
0x2d: {  	s3 =	simm.s32 $0x108;
	s8 =	sld [smem:$0x3F9E]  }
0x2e: {  	s3 =	simm.s32 @!p0 $0x1082;
	s9 =	sld [smem:$0x3F9F]  }
0x2f: {  	lr =	sadd.s32 s0, s3;
	s0 =	sld [smem:$0x3F96]  }
0x30: {  	s3 =	sld [smem:$0x3F99]  }
0x31: {  	[smem:$0x3FA2] =	sst s10  }
0x32: {  	s10 =	sld [smem:$0x3FA0];
	_ =	sdelay $0x3  }
0x33: {  	p0 =	seq.s32 s10, $0x1;
	s10 =	sld [smem:$0x3FA2];
	_ =	sdelay $0x3  }
0x34: {  	[smem:$0x3FA2] =	sst s10  }
0x35: {  	s10 =	sld [smem:$0x3FA1];
	_ =	sdelay $0x3  }
0x36: {  	p1 =	seq.s32 s10, $0x1;
	s10 =	sld [smem:$0x3FA2];
	_ =	sdelay $0x3  }
0x37: {  	[smem:$0x3FA2] =	sst s10  }
0x38: {  	s10 =	sld [smem:$0x3FA3]  }
0x39: {  	_ = 	snop;
	(pc) =	sbr.ind lr, $3  }
0x3a: {  	_ = 	snop  }
0x3b: {  	_ = 	snop  }
0x3c: {  	p2 =	seq.s32 s10, $0x1;
	s10 =	sld [smem:$0x3FA2]  }
0x3d: {  	_ =	shalt  }
0x3e: {  	_ =	shalt  }
0x3f: {  	_ =	shalt  }
0x40: {  	_ =	shalt  }
0x41: {  	_ =	shalt  }
0x42: {  	_ =	shalt  }
0x43: {  	_ =	shalt  }
0x44: {  	_ =	shalt  }
0x45: {  	_ =	shalt  }
0x46: {  	_ =	shalt  }
0x47: {  	_ =	shalt  }
0x48: {  	_ =	shalt  }
0x49: {  	_ =	shalt  }
0x4a: {  	_ =	shalt  }
0x4b: {  	_ =	shalt  }
0x4c: {  	_ =	shalt  }
0x4d: {  	_ =	shalt  }
0x4e: {  	_ =	shalt  }
0x4f: {  	_ =	shalt  }
0x50: {  	_ =	shalt  }
0x51: {  	_ =	shalt  }
0x52: {  	_ =	shalt  }
0x53: {  	_ =	shalt  }
0x54: {  	_ =	shalt  }
0x55: {  	_ =	shalt  }
0x56: {  	_ =	shalt  }
0x57: {  	_ =	shalt  }
0x58: {  	_ =	shalt  }
0x59: {  	_ =	shalt  }
0x5a: {  	_ =	shalt  }
0x5b: {  	_ =	shalt  }
0x5c: {  	_ =	shalt  }
0x5d: {  	_ =	shalt  }
0x5e: {  	_ =	shalt  }
0x5f: {  	_ =	shalt  }
0x60: {  	_ =	shalt  }
0x61: {  	_ =	shalt  }
0x62: {  	_ =	shalt  }
0x63: {  	_ =	shalt  }
0x64: {  	_ =	shalt  }
0x65: {  	_ =	shalt  }
0x66: {  	_ =	shalt  }
0x67: {  	_ =	shalt  }
0x68: {  	_ =	shalt  }
0x69: {  	_ =	shalt  }
0x6a: {  	_ =	shalt  }
0x6b: {  	_ =	shalt  }
0x6c: {  	_ =	shalt  }
0x6d: {  	_ =	shalt  }
0x6e: {  	_ =	shalt  }
0x6f: {  	_ =	shalt  }
0x70: {  	_ =	shalt  }
0x71: {  	_ =	shalt  }
0x72: {  	_ =	shalt  }
0x73: {  	_ =	shalt  }
0x74: {  	_ =	shalt  }
0x75: {  	_ =	shalt  }
0x76: {  	_ =	shalt  }
0x77: {  	_ =	shalt  }
0x78: {  	_ =	shalt  }
0x79: {  	_ =	shalt  }
0x7a: {  	_ =	shalt  }
0x7b: {  	_ =	shalt  }
0x7c: {  	_ =	shalt  }
0x7d: {  	_ =	shalt  }
0x7e: {  	_ =	shalt  }
0x7f: {  	_ =	shalt  }
0x80: {  	_ =	shalt  }
0x81: {  	_ =	shalt  }
0x82: {  	_ =	shalt  }
0x83: {  	_ =	shalt  }
0x84: {  	_ =	shalt  }
0x85: {  	_ =	shalt  }
0x86: {  	_ =	shalt  }
0x87: {  	_ =	shalt  }
.Lfunc_end0:
.L_simem_size_0:
called_computation_lowered:
.L_overlay_start_0:
0x88: {  	s2 =	sld [smem:$0x3FD9]  }
0x89: {  	s3 =	sld [smem:$0x3FFE];
	_ =	sdelay $0x1  }
0x8a: {  	s1 =	srdreg.scid  }
0x8b: {  	s0 =	sand.u32 $0x1, s1  }
0x8c: {  	s16 =	sshll.u32 s0, $0xA;
	s2 =	sadd.s32 s3, s2  }
0x8d: {  	s2 =	sadd.s32 s2, s16  }
0x8e: {  	[smem:$0x3FAE] =	sst s2  }
0x8f: {  	_ = 	snop  }
0x90: {  	(tm) =	ssettm $0x1  }
0x91: {  	s17 =	sld [smem:$0x3FFB];
	_ =	sdelay $0x3  }
0x92: {  	_ =	strace s17  }
0x93: {  	s2 =	sld [smem:$0x3FFC];
	_ =	sdelay $0x3  }
0x94: {  	_ =	strace s2  }
0x95: {  	s2 =	sld [smem:$0x3FFD];
	_ =	sdelay $0x3  }
0x96: {  	_ =	strace s2  }
0x97: {  	_ =	strace $0x8FFFFFFF  }
0x98: {  	s18 =	sld [smem:$0x3FDB];
	_ =	sdelay $0x1  }
0x99: {  	s19 =	simm.s32 $_scs_section_size  }
0x9a: {  	s4 =	simm.s32 $_size__tile_overlayer_lowered;
	s5 =	simm.s32 $_tile_overlayer_lowered  }
0x9b: {  	s22 =	simm.s32 $0x1BFF;
	s21 =	sshll.u32 s5, $0x1;
	s2 =	sadd.s32 s19, s18  }
0x9c: {  	s6 =	simm.s32 $0x0;
	s20 =	sshll.u32 s4, $0x1;
	s4 =	sadd.s32 s21, s2  }
0x9d: {  	[timem:s6], [sflag:s22] =	dma.local [hbm:s4], s20  }
0x9e: {  	_ =	swait.ge [sflag:s22], s20  }
0x9f: {  	s3 =	ssub.s32 $0x0, s20;
	[sflag:s22] =	ssyncset.done $0x0  }
0xa0: {  	[sflag:s22] =	ssyncadd.s32 s3;
	_ =	sdelay $0x1  }
0xa1: {  	s23 =	simm.s32 $0x1B8B  }
0xa2: {  	_ =	swait.ge [sflag:s23], $0x1  }
0xa3: {  	[sflag:s23] =	ssyncset.done $0x0  }
0xa4: {  	s25 =	simm.s32 $0x1B8E;
	s24 =	sld [smem:$0x3FFE];
	[sflag:s23] =	ssyncadd.s32 $0xFFFFFFFF  }
0xa5: {  	s26 =	simm.s32 $execute0_lowered;
	[smem:$0x3FD2] =	sst s25  }
0xa6: {  	s4 =	sshll.u32 s26, $0x1;
	_ =	strace $0x80000046;
	[dreg:$0x1] =	wrdreg $0xFFFFFFFF  }
0xa7: {  	s28 =	simm.s32 $_size_execute0_lowered;
	s2 =	sadd.s32 s2, s4;
	[dreg:$0x0] =	wrdreg $0x0  }
0xa8: {  	s4 =	sshll.u32 s28, $0x1;
	[dreg:$0x2] =	wrdreg s2  }
0xa9: {  	[dreg:$0x3] =	wrdreg s4  }
0xaa: {  	[dreg:$0x4] =	wrdreg $0xC0  }
0xab: {  	_ =	task [dreg:s6], $0x5FFFF  }
0xac: {  	[dreg:$0x1] =	wrdreg $0xFFFFFFFF  }
0xad: {  	[dreg:$0x0] =	wrdreg $0x60  }
0xae: {  	[dreg:$0x2] =	wrdreg s24  }
0xaf: {  	[dreg:$0x3] =	wrdreg $0xB9000  }
0xb0: {  	[dreg:$0x4] =	wrdreg $0x9  }
0xb1: {  	_ =	task.clear_ibuf [dreg:s6], $0x5FFFF;
	_ =	strace $0x90000046  }
0xb2: {  	s29 =	simm.s32 $0x9;
	_ =	strace $0x80000048  }
0xb3: {  	_ =	swait.ge [sflag:s29], $0x1  }
0xb4: {  	[sflag:s29] =	ssyncadd.s32 $0xFFFFFFFF  }
0xb5: {  	_ =	strace $0x90000048  }
0xb6: {  	_ =	sfence  }
0xb7: {  	s30 =	sld [smem:$0x0];
	_ =	sdelay $0x2  }
0xb8: {  	s31 =	sshll.u32 s1, $0xD;
	s1 =	sshrl.u32 s1, $0x2  }
0xb9: {  	s3 =	sand.u32 $0x4000, s31;
	s1 =	sadd.s32 s1, s30  }
0xba: {  	s0 =	sor.u32 s3, s0;
	s1 =	sshll.u32 s1, $0x11  }
0xbb: {  	s0 =	sor.u32 s1, s0  }
0xbc: {  	s0 =	sadd.s32 $0x8F2B, s0  }
0xbd: {  	[sflag:s0] =	ssyncadd.remote.s32 $0x1  }
0xbe: {  	_ =	sfence.sel $0xFFFF  }
0xbf: {  	[dreg:$0x0] =	wrdreg $0xFFFFFFFF;
	(pc) =	sbr.abs _section_cstart, $3  }
0xc0: {  	[dreg:$0x1] =	wrdreg $0xFFFFFFFF  }
0xc1: {  	_ =	task.clear_ibuf [dreg:s6], $0x2FFFF;
	_ =	strace $0x9FFFFFFF  }
0xc2: {  	(tm) =	ssettm $0x7FFFFFFF  }
0xc3: {  	_ =	shalt  }
tec
execute0_lowered:
.L_overlay_start_1:
0x0: {  	(tag) =	ssettag $0x1  }
0x1: {  	s0 =	rddreg [dreg:$0x0]  }
0x2: {  	s2 =	rddreg [dreg:$0x1];
	s3 =	stileid.u32;
	s5 =	simm.s32 $0x0  }
0x3: {  	s1 =	srdreg.scid;
	s29 =	simm.s32 $0x3800;
	s4 =	smul.u32 $0x30, s3  }
0x4: {  	s30 =	simm.s32 $0x7900;
	[smem:$0x7FF] =	sst s5;
	s5 =	smul.u32 $0x70, s3  }
0x5: {  	s31 =	simm.s32 $0x1;
	s28 =	simm.s32 $0x7;
	s9 =	smul.u32 $0x13C00, s3  }
0x6: {  	s1 =	sand.u32 $0x1, s1;
	s6 =	sadd.s32 $0x50AA00, s0;
	s3 =	smul.u32 $0x4F000, s3  }
0x7: {  	s7 =	sadd.s32 $0xF600, s0;
	p0 =	seq.s32 s1, $0x0;
	s8 =	smul.u32 $0x13C000, s1  }
0x8: {  	_ =	strace $0x80000047;
	s1 =	ssub.s32 $0x2, s1;
	s4 =	sadd.s32 $0x700, s4  }
0x9: {  	s12 =	sshrl.u32 s1, $0x1;
	s4 =	smov.u32 @p0 s5;
	s5 =	sadd.s32 $0x19A00, s0  }
0xa: {  	s8 =	sadd.s32 s9, s8;
	s1 =	ssub.s32 s1, s12;
	s9 =	sshrl.u32 s3, $0x2  }
0xb: {  	s10 =	sshll.u32 s4, $0x4;
	s8 =	sshrl.u32 s8, $0x3;
	s26 =	smax.u32 s1, $0x1  }
0xc: {  	s23 =	sshll.u32 s4, $0xA;
	s14 =	sadd.s32 s7, s10;
	[dreg:$0x10] =	wrdreg s26  }
0xd: {  	s11 =	sadd.s32 s10, s0;
	s25 =	sadd.s32 s6, s23;
	[dreg:$0x4] =	wrdreg s14  }
0xe: {  	s0 =	sadd.s32 s8, s0;
	s13 =	sadd.s32 $0x5200, s11;
	[dreg:$0xe] =	wrdreg s25  }
0xf: {  	s11 =	sadd.s32 s9, s2;
	s0 =	sadd.s32 $0x40C00, s0;
	[dreg:$0x3] =	wrdreg s13  }
0x10: {  	s12 =	simm.s32 $0x8;
	s15 =	sadd.s32 $0x2000, s11;
	[dreg:$0xf] =	wrdreg s0  }
0x11: {  	s1 =	simm.s32 $0x5;
	s16 =	sadd.s32 $0x4000, s11;
	[dreg:$0x5] =	wrdreg s15  }
0x12: {  	s8 =	simm.s32 $0x70;
	s17 =	sadd.s32 $0x6000, s11;
	[dreg:$0x6] =	wrdreg s16  }
0x13: {  	s26 =	simm.s32 $0x40;
	s18 =	sadd.s32 $0x8000, s11;
	[dreg:$0x7] =	wrdreg s17  }
0x14: {  	s10 =	simm.s32 $0x4;
	s19 =	sadd.s32 $0xA000, s11;
	[dreg:$0x8] =	wrdreg s18  }
0x15: {  	s8 =	simm.s32 @!p0 $0x30;
	s20 =	sadd.s32 $0xC000, s11;
	[dreg:$0x9] =	wrdreg s19  }
0x16: {  	s25 =	simm.s32 $0x9;
	s21 =	sadd.s32 $0xE000, s11;
	[dreg:$0xa] =	wrdreg s20  }
0x17: {  	s9 =	simm.s32 $0x2;
	s22 =	sadd.s32 $0x10000, s11;
	[dreg:$0xb] =	wrdreg s21  }
0x18: {  	s14 =	simm.s32 $0x9900;
	s24 =	sadd.s32 $0x12000, s11;
	[dreg:$0xc] =	wrdreg s22  }
0x19: {  	s0 =	simm.s32 $0x3;
	s13 =	simm.s32 $0x3880;
	[dreg:$0xd] =	wrdreg s24  }
0x1a: {  	v0 =	vimm.f32 $0.0e+00;
	s22 =	sshrl.u32 s8, $0x1;
	s15 =	simm.s32 $0x6;
	s16 =	simm.s32 $0x0  }
.LBB2_1:
0x1b: {  	s3 =	simm.s32 $0x0;
	s17 =	rddreg [dreg:$0x3]  }
0x1c: {  	[tilespmem:s3], [sflag:$0x9] =	stream.linear.gather [hbm4b:s17+s3], $0x3800, $0x38;
	[tilespmem:$0x1F500] =	vst v63  }
0x1d: {  	_ =	swait.ge [sflag:s25], $0x3800  }
0x1e: {  	[sflag:s25] =	ssyncset.done $0x0  }
0x1f: {  	s23 =	simm.s32 $0x3900;
	[sflag:s25] =	ssyncadd.s32 $0xFFFFC800  }
0x20: {  	[tilespmem:s23], [sflag:$0x3] =	stream.indirect.gather [hbm4b:s5+s26], $0x80, s3, s26, $0xb8;
	[tilespmem:$0x1F500] =	vst v63  }
0x21: {  	s18 =	simm.s32 $0x200;
	s17 =	simm.s32 $0x0;
	s24 =	rddreg [dreg:$0x4]  }
0x22: {  	[tilespmem:s29], [sflag:$0x7] =	stream.linear.gather [hbm4b:s24+s3], $0x80, $0x38;
	[tilespmem:$0x1F500] =	vst v63  }
.LBB2_2:
0x23: {  	p0 =	sne.s32 s18, $0x7E00;
	[tilespmem:s17+$0x7970] =	vst v0  }
0x24: {  	[tilespmem:s17+$0x7900] =	vst v0  }
0x25: {  	[tilespmem:s17+$0x7910] =	vst v0  }
.Ltmp0:
0x26: {  	[tilespmem:s17+$0x7920] =	vst v0;
	(pc) =	sbr.rel @p0 .LBB2_2-.Ltmp0, $4  }
0x27: {  	[tilespmem:s17+$0x7930] =	vst v0  }
0x28: {  	[tilespmem:s17+$0x7940] =	vst v0  }
0x29: {  	[tilespmem:s17+$0x7950] =	vst v0  }
0x2a: {  	[tilespmem:s17+$0x7960] =	vst v0;
	s17 =	sshra.s32 s18, $0x2;
	s18 =	sadd.s32 $0x200, s18  }
0x2b: {  	[tilespmem:s17+$0x7970] =	vst v0  }
0x2c: {  	[tilespmem:s17+$0x7900] =	vst v0  }
0x2d: {  	[tilespmem:s17+$0x7910] =	vst v0  }
0x2e: {  	[tilespmem:s17+$0x7920] =	vst v0  }
0x2f: {  	[tilespmem:s17+$0x7930] =	vst v0  }
0x30: {  	[tilespmem:s17+$0x7940] =	vst v0  }
0x31: {  	[tilespmem:s17+$0x7950] =	vst v0  }
0x32: {  	[tilespmem:s17+$0x7960] =	vst v0  }
0x33: {  	[spmem:s11] =	stream.linear.scatter [tilespmem:s30], [sflag:$0x9], $0x2000, $0x38;
	[tilespmem:$0x1F500] =	vst v63  }
0x34: {  	_ =	swait.ge [sflag:s25], $0x2000  }
0x35: {  	[sflag:s25] =	ssyncset.done $0x0  }
0x36: {  	s3 =	rddreg [dreg:$0x5];
	[sflag:s25] =	ssyncadd.s32 $0xFFFFE000  }
0x37: {  	[spmem:s3] =	stream.linear.scatter [tilespmem:s30], [sflag:$0x9], $0x2000, $0x38;
	[tilespmem:$0x1F500] =	vst v63  }
0x38: {  	_ =	swait.ge [sflag:s25], $0x2000  }
0x39: {  	[sflag:s25] =	ssyncset.done $0x0  }
0x3a: {  	s23 =	rddreg [dreg:$0x6];
	[sflag:s25] =	ssyncadd.s32 $0xFFFFE000  }
0x3b: {  	[spmem:s23] =	stream.linear.scatter [tilespmem:s30], [sflag:$0x9], $0x2000, $0x38;
	[tilespmem:$0x1F500] =	vst v63  }
0x3c: {  	_ =	swait.ge [sflag:s25], $0x2000  }
0x3d: {  	[sflag:s25] =	ssyncset.done $0x0  }
0x3e: {  	s24 =	rddreg [dreg:$0x7];
	[sflag:s25] =	ssyncadd.s32 $0xFFFFE000  }
0x3f: {  	[spmem:s24] =	stream.linear.scatter [tilespmem:s30], [sflag:$0x9], $0x2000, $0x38;
	[tilespmem:$0x1F500] =	vst v63  }
0x40: {  	_ =	swait.ge [sflag:s25], $0x2000  }
0x41: {  	[sflag:s25] =	ssyncset.done $0x0  }
0x42: {  	s17 =	rddreg [dreg:$0x8];
	[sflag:s25] =	ssyncadd.s32 $0xFFFFE000  }
0x43: {  	[spmem:s17] =	stream.linear.scatter [tilespmem:s30], [sflag:$0x9], $0x2000, $0x38;
	[tilespmem:$0x1F500] =	vst v63  }
0x44: {  	_ =	swait.ge [sflag:s25], $0x2000  }
0x45: {  	[sflag:s25] =	ssyncset.done $0x0  }
0x46: {  	s18 =	rddreg [dreg:$0x9];
	[sflag:s25] =	ssyncadd.s32 $0xFFFFE000  }
0x47: {  	[spmem:s18] =	stream.linear.scatter [tilespmem:s30], [sflag:$0x9], $0x2000, $0x38;
	[tilespmem:$0x1F500] =	vst v63  }
0x48: {  	_ =	swait.ge [sflag:s25], $0x2000  }
0x49: {  	[sflag:s25] =	ssyncset.done $0x0  }
0x4a: {  	s19 =	rddreg [dreg:$0xa];
	[sflag:s25] =	ssyncadd.s32 $0xFFFFE000  }
0x4b: {  	[spmem:s19] =	stream.linear.scatter [tilespmem:s30], [sflag:$0x9], $0x2000, $0x38;
	[tilespmem:$0x1F500] =	vst v63  }
0x4c: {  	_ =	swait.ge [sflag:s25], $0x2000  }
0x4d: {  	[sflag:s25] =	ssyncset.done $0x0  }
0x4e: {  	s20 =	rddreg [dreg:$0xb];
	[sflag:s25] =	ssyncadd.s32 $0xFFFFE000  }
0x4f: {  	[spmem:s20] =	stream.linear.scatter [tilespmem:s30], [sflag:$0x9], $0x2000, $0x38;
	[tilespmem:$0x1F500] =	vst v63  }
0x50: {  	_ =	swait.ge [sflag:s25], $0x2000  }
0x51: {  	[sflag:s25] =	ssyncset.done $0x0  }
0x52: {  	s21 =	rddreg [dreg:$0xc];
	[sflag:s25] =	ssyncadd.s32 $0xFFFFE000  }
0x53: {  	[spmem:s21] =	stream.linear.scatter [tilespmem:s30], [sflag:$0x9], $0x2000, $0x38;
	[tilespmem:$0x1F500] =	vst v63  }
0x54: {  	_ =	swait.ge [sflag:s25], $0x2000  }
0x55: {  	[sflag:s25] =	ssyncset.done $0x0  }
0x56: {  	s23 =	rddreg [dreg:$0xd];
	[sflag:s25] =	ssyncadd.s32 $0xFFFFE000  }
0x57: {  	[spmem:s23] =	stream.linear.scatter [tilespmem:s30], [sflag:$0x9], $0x1C00, $0x38;
	[tilespmem:$0x1F500] =	vst v63  }
0x58: {  	_ =	swait.ge [sflag:s25], $0x1C00  }
0x59: {  	[sflag:s25] =	ssyncset.done $0x0  }
0x5a: {  	[sflag:s25] =	ssyncadd.s32 $0xFFFFE400  }
0x5b: {  	[bflag:$0x0] =	sbarrier.arrive $0xFFFF  }
0x5c: {  	s17 =	simm.s32 $0x0;
	s24 =	rddreg [dreg:$0xe]  }
0x5d: {  	[tilespmem:s30], [sflag:$0x1] =	stream.linear.gather [hbm4b:s24+s17], $0x2000, $0x38;
	[tilespmem:$0x1F500] =	vst v63  }
.LBB2_4:
0x5e: {  	s18 =	sshll.u32 s17, $0x1;
	p1 =	seq.s32 s17, $0x0  }
0x5f: {  	s19 =	simm.s32 @!p1 $0x6;
	s20 =	sor.u32 $0x1, s18  }
0x60: {  	_ =	swait.ge @!p1 [sflag:s19], $0x2000;
	p0 =	sge.u32 s20, s8  }
0x61: {  	[sflag:s19] =	ssyncset.done @!p1 $0x0;
	s21 =	sadd.s32 @!p0 s4, s20  }
0x62: {  	[sflag:s19] =	ssyncadd.s32 @!p1 $0xFFFFE000;
	s19 =	sshll.u32 @!p0 s21, $0xA  }
0x63: {  	s23 =	simm.s32 @!p0 $0x0;
	s24 =	simm.s32 @!p0 $0x9900;
	s19 =	sadd.s32 @!p0 s6, s19  }
0x64: {  	[tilespmem:s24], [sflag:$0x2] =	stream.linear.gather @!p0 [hbm4b:s19+s23], $0x2000, $0x38;
	[tilespmem:$0x1F500] =	vst v63  }
0x65: {  	s19 =	sshll.u32 @!p0 s20, $0x7  }
0x66: {  	s3 =	simm.s32 @!p0 $0x5900;
	s24 =	simm.s32 @!p0 $0x40;
	s20 =	sand.u32 @!p0 $0x3FFFFF80, s19  }
0x67: {  	[tilespmem:s3], [sflag:$0x4] =	stream.indirect.gather @!p0 [hbm4b:s5+s24], $0x80, s20, s24, $0xb8;
	[tilespmem:$0x1F500] =	vst v63  }
0x68: {  	s3 =	sshll.u32 @!p0 s21, $0x7  }
0x69: {  	s19 =	sand.u32 @!p0 $0x380, s19;
	s3 =	sand.u32 @!p0 $0x7FFFFC00, s3  }
0x6a: {  	s3 =	sor.u32 @!p0 s19, s3  }
0x6b: {  	s3 =	sshrl.u32 @!p0 s3, $0x3  }
0x6c: {  	s19 =	simm.s32 @!p0 $0x3880;
	s3 =	sadd.s32 @!p0 s7, s3  }
0x6d: {  	[tilespmem:s19], [sflag:$0x8] =	stream.linear.gather @!p0 [hbm4b:s3+s23], $0x80, $0x38;
	[tilespmem:$0x1F500] =	vst v63  }
0x6e: {  	_ =	swait.ge [sflag:s31], $0x2000  }
0x6f: {  	[sflag:s31] =	ssyncset.done $0x0  }
0x70: {  	[sflag:s31] =	ssyncadd.s32 $0xFFFFE000  }
0x71: {  	_ =	swait.ge [sflag:s0], $0x2000  }
0x72: {  	[sflag:s0] =	ssyncset.done $0x0  }
0x73: {  	[sflag:s0] =	ssyncadd.s32 $0xFFFFE000  }
0x74: {  	_ =	swait.ge [sflag:s28], $0x80  }
0x75: {  	[sflag:s28] =	ssyncset.done $0x0  }
0x76: {  	s19 =	simm.s32 $0x7920;
	[sflag:s28] =	ssyncadd.s32 $0xFFFFFF80  }
0x77: {  	s20 =	simm.s32 $0x3920;
	v6 =	vld [tilespmem:s19+$0x10]  }
0x78: {  	v7 =	vld [tilespmem:s20+$0x10]  }
0x79: {  	v3 =	vld [tilespmem:s20+$0xFFFFFFE0]  }
0x7a: {  	v1 =	vld [tilespmem:s19+$0xFFFFFFF0]  }
0x7b: {  	v5 =	vld [tilespmem:s20+$0xFFFFFFF0]  }
0x7c: {  	v2 =	vld [tilespmem:s19+$0x0]  }
0x7d: {  	v4 =	vld [tilespmem:s20+$0x0];
	v7 =	vadd.f32 v7, v6  }
0x7e: {  	s21 =	simm.s32 $0x0;
	s23 =	simm.s32 $0x7960;
	v6 =	vld [tilespmem:s19+$0xFFFFFFE0]  }
.LBB2_5:
0x7f: {  	v8 =	vld [tilespmem:s23+$0x10];
	v7 =	vmax.f32 v7, $0.0e+00;
	s20 =	sadd.s32 $0x40, s20  }
0x80: {  	s21 =	sadd.s32 $0x4, s21;
	v9 =	vld [tilespmem:s20+$0x10];
	v5 =	vadd.f32 v5, v1;
	[tilespmem:s19+$0x10] =	vst v7  }
0x81: {  	p0 =	slt.u32 s21, $0x1FC;
	v10 =	vld [tilespmem:s20+$0xFFFFFFE0]  }
.Ltmp1:
0x82: {  	v1 =	vld [tilespmem:s23+$0xFFFFFFF0];
	v7 =	vmax.f32 v5, $0.0e+00;
	v4 =	vadd.f32 v4, v2;
	(pc) =	sbr.rel @p0 .LBB2_5-.Ltmp1, $4  }
0x83: {  	v5 =	vld [tilespmem:s20+$0xFFFFFFF0];
	v11 =	vadd.f32 v3, v6;
	[tilespmem:s19+$0xFFFFFFF0] =	vst v7  }
0x84: {  	v2 =	vld [tilespmem:s23+$0x0];
	v6 =	vmax.f32 v4, $0.0e+00  }
0x85: {  	v4 =	vld [tilespmem:s20+$0x0];
	v7 =	vadd.f32 v9, v8;
	v8 =	vmax.f32 v11, $0.0e+00;
	[tilespmem:s19+$0x0] =	vst v6  }
0x86: {  	v6 =	vld [tilespmem:s23+$0xFFFFFFE0];
	[tilespmem:s19+$0xFFFFFFE0] =	vst v8;
	v3 =	vmov v10;
	s19 =	smov.u32 s23;
	s23 =	sadd.s32 $0x40, s23  }
0x87: {  	_ =	sdelay $0x1  }
0x88: {  	v1 =	vadd.f32 v5, v1  }
0x89: {  	v5 =	vmax.f32 v7, $0.0e+00;
	v2 =	vadd.f32 v4, v2  }
0x8a: {  	[tilespmem:s19+$0x10] =	vst v5;
	v1 =	vmax.f32 v1, $0.0e+00;
	v3 =	vadd.f32 v3, v6  }
0x8b: {  	s3 =	sadd.s32 $0x2, s18;
	[tilespmem:s19+$0xFFFFFFF0] =	vst v1;
	v1 =	vmax.f32 v2, $0.0e+00  }
0x8c: {  	p0 =	sge.u32 s3, s8;
	v2 =	vmax.f32 v3, $0.0e+00;
	[tilespmem:s19+$0x0] =	vst v1  }
0x8d: {  	s18 =	sadd.s32 @!p0 s4, s3;
	s20 =	simm.s32 @!p0 $0x0;
	[tilespmem:s19+$0xFFFFFFE0] =	vst v2  }
0x8e: {  	[spmem:s2] =	stream.indirect.scatter.add.f32 [tilespmem:s30], [sflag:$0x5], $0x80, s29, s26, $0xb8;
	[tilespmem:$0x1F500] =	vst v63  }
0x8f: {  	s21 =	simm.s32 @!p0 $0x7900;
	s3 =	sshll.u32 @!p0 s3, $0x7;
	_ =	swait.ge [sflag:s1], $0x2000  }
0x90: {  	s19 =	sshll.u32 @!p0 s18, $0xA;
	s18 =	sshll.u32 @!p0 s18, $0x7;
	[sflag:s1] =	ssyncset.done $0x0  }
0x91: {  	s19 =	sadd.s32 @!p0 s6, s19;
	s18 =	sand.u32 @!p0 $0x7FFFFC00, s18;
	[sflag:s1] =	ssyncadd.s32 $0xFFFFE000  }
0x92: {  	[tilespmem:s21], [sflag:$0x1] =	stream.linear.gather @!p0 [hbm4b:s19+s20], $0x2000, $0x38;
	[tilespmem:$0x1F500] =	vst v63  }
0x93: {  	s19 =	sand.u32 @!p0 $0x3FFFFF80, s3;
	s3 =	sand.u32 @!p0 $0x300, s3  }
0x94: {  	s23 =	simm.s32 @!p0 $0x3900;
	s21 =	simm.s32 @!p0 $0x40;
	s3 =	sor.u32 @!p0 s3, s18  }
0x95: {  	[tilespmem:s23], [sflag:$0x3] =	stream.indirect.gather @!p0 [hbm4b:s5+s21], $0x80, s19, s21, $0xb8;
	[tilespmem:$0x1F500] =	vst v63  }
0x96: {  	s3 =	sshrl.u32 @!p0 s3, $0x3  }
0x97: {  	s18 =	simm.s32 @!p0 $0x3800;
	s3 =	sadd.s32 @!p0 s7, s3  }
0x98: {  	[tilespmem:s18], [sflag:$0x7] =	stream.linear.gather @!p0 [hbm4b:s3+s20], $0x80, $0x38;
	[tilespmem:$0x1F500] =	vst v63  }
0x99: {  	_ =	swait.ge [sflag:s9], $0x2000  }
0x9a: {  	[sflag:s9] =	ssyncset.done $0x0  }
0x9b: {  	[sflag:s9] =	ssyncadd.s32 $0xFFFFE000  }
0x9c: {  	_ =	swait.ge [sflag:s10], $0x2000  }
0x9d: {  	[sflag:s10] =	ssyncset.done $0x0  }
0x9e: {  	[sflag:s10] =	ssyncadd.s32 $0xFFFFE000  }
0x9f: {  	_ =	swait.ge [sflag:s12], $0x80  }
0xa0: {  	[sflag:s12] =	ssyncset.done $0x0  }
0xa1: {  	s18 =	simm.s32 $0x9920;
	[sflag:s12] =	ssyncadd.s32 $0xFFFFFF80  }
0xa2: {  	s19 =	simm.s32 $0x5920;
	v6 =	vld [tilespmem:s18+$0x10]  }
0xa3: {  	v7 =	vld [tilespmem:s19+$0x10]  }
0xa4: {  	v3 =	vld [tilespmem:s19+$0xFFFFFFE0]  }
0xa5: {  	v1 =	vld [tilespmem:s18+$0xFFFFFFF0]  }
0xa6: {  	v5 =	vld [tilespmem:s19+$0xFFFFFFF0]  }
0xa7: {  	v2 =	vld [tilespmem:s18+$0x0]  }
0xa8: {  	v4 =	vld [tilespmem:s19+$0x0];
	v7 =	vadd.f32 v7, v6  }
0xa9: {  	s21 =	simm.s32 $0x9960;
	s20 =	simm.s32 $0x0;
	v6 =	vld [tilespmem:s18+$0xFFFFFFE0]  }
.LBB2_7:
0xaa: {  	v8 =	vld [tilespmem:s21+$0x10];
	v7 =	vmax.f32 v7, $0.0e+00;
	s19 =	sadd.s32 $0x40, s19  }
0xab: {  	s20 =	sadd.s32 $0x4, s20;
	v9 =	vld [tilespmem:s19+$0x10];
	v5 =	vadd.f32 v5, v1;
	[tilespmem:s18+$0x10] =	vst v7  }
0xac: {  	p0 =	slt.u32 s20, $0x1FC;
	v10 =	vld [tilespmem:s19+$0xFFFFFFE0]  }
.Ltmp2:
0xad: {  	v1 =	vld [tilespmem:s21+$0xFFFFFFF0];
	v7 =	vmax.f32 v5, $0.0e+00;
	v4 =	vadd.f32 v4, v2;
	(pc) =	sbr.rel @p0 .LBB2_7-.Ltmp2, $4  }
0xae: {  	v5 =	vld [tilespmem:s19+$0xFFFFFFF0];
	v11 =	vadd.f32 v3, v6;
	[tilespmem:s18+$0xFFFFFFF0] =	vst v7  }
0xaf: {  	v2 =	vld [tilespmem:s21+$0x0];
	v6 =	vmax.f32 v4, $0.0e+00  }
0xb0: {  	v4 =	vld [tilespmem:s19+$0x0];
	v7 =	vadd.f32 v9, v8;
	v8 =	vmax.f32 v11, $0.0e+00;
	[tilespmem:s18+$0x0] =	vst v6  }
0xb1: {  	v6 =	vld [tilespmem:s21+$0xFFFFFFE0];
	[tilespmem:s18+$0xFFFFFFE0] =	vst v8;
	v3 =	vmov v10;
	s18 =	smov.u32 s21;
	s21 =	sadd.s32 $0x40, s21  }
0xb2: {  	_ =	sdelay $0x1  }
0xb3: {  	s17 =	sadd.s32 $0x1, s17;
	v1 =	vadd.f32 v5, v1  }
0xb4: {  	v63 =	vmax.f32 v7, $0.0e+00;
	p0 =	sne.s32 s17, s22;
	v2 =	vadd.f32 v4, v2  }
.Ltmp3:
0xb5: {  	[tilespmem:s18+$0x10] =	vst v63;
	v1 =	vmax.f32 v1, $0.0e+00;
	v3 =	vadd.f32 v3, v6;
	(pc) =	sbr.rel @p0 .LBB2_4-.Ltmp3, $4  }
0xb6: {  	[tilespmem:s18+$0xFFFFFFF0] =	vst v1;
	v1 =	vmax.f32 v2, $0.0e+00  }
0xb7: {  	v2 =	vmax.f32 v3, $0.0e+00;
	[tilespmem:s18+$0x0] =	vst v1  }
0xb8: {  	[tilespmem:s18+$0xFFFFFFE0] =	vst v2  }
0xb9: {  	[spmem:s2] =	stream.indirect.scatter.add.f32 [tilespmem:s14], [sflag:$0x6], $0x80, s13, s26, $0xb8;
	[tilespmem:$0x1F500] =	vst v63  }
0xba: {  	_ =	swait.ge [sflag:s15], $0x2000  }
0xbb: {  	[sflag:s15] =	ssyncset.done $0x0  }
0xbc: {  	s3 =	stileid.u32;
	[sflag:s15] =	ssyncadd.s32 $0xFFFFE000  }
0xbd: {  	s3 =	sshll.u32 s3, $0x6;
	[bflag:$0x0] =	sbarrier.arrive $0xFFFF  }
0xbe: {  	s17 =	sshrl.u32 s11, $0x3;
	s3 =	sor.u32 $0x1C09, s3;
	s18 =	rddreg [dreg:$0xf]  }
0xbf: {  	[hbm:s18], [sflag:s3] =	dma.local [spmem:s17], $0x2780  }
0xc0: {  	_ =	swait.ge [sflag:s25], $0x2780  }
0xc1: {  	s16 =	sadd.s32 $0x1, s16;
	s24 =	rddreg [dreg:$0x10]  }
0xc2: {  	p0 =	sne.s32 s16, s24  }
.Ltmp4:
0xc3: {  	_ = 	snop;
	(pc) =	sbr.rel @p0 .LBB2_1-.Ltmp4, $3  }
0xc4: {  	_ =	sdelay $0x1  }
0xc5: {  	[sflag:s25] =	ssyncset.done $0x0  }
0xc6: {  	[sflag:s25] =	ssyncadd.s32 $0xFFFFD880  }
0xc7: {  	_ =	sfence.sel $0x180000  }
0xc8: {  	[bflag:$0x0] =	sbarrier.arrive $0xFFFF  }
0xc9: {  	_ =	strace $0x90000047  }
0xca: {  	s0 =	stileid.u32;
	[bflag:$0x2] =	sbarrier.arrive $0xFFFF  }
0xcb: {  	p0 =	sne.s32 s0, $0x0;
	s0 =	rddreg [dreg:$0x2]  }
0xcc: {  	s0 =	sadd.s32 @!p0 $0x100000, s0  }
0xcd: {  	[sflag:s0] =	ssyncadd.tile.s32 @!p0 $0x1;
	_ =	shalt  }
.Lfunc_end2:
_tile_overlayer_lowered:
.L_overlay_start_2:
0xce: {  	(tag) =	ssettag $0x2  }
0xcf: {  	s0 =	rddreg [dreg:$0x0];
	s2 =	stileid.u32  }
0xd0: {  	s1 =	rddreg [dreg:$0x1];
	p0 =	sne.s32 s2, $0x0  }
0xd1: {  	s3 =	rddreg [dreg:$0x2];
	[bflag:$0x3] =	sbarrier.arrive $0xFFFF;
	s2 =	simm.s32 @!p0 $0x1C09  }
0xd2: {  	[timem:s3], [sflag:s2] =	dma.local @!p0 [hbm:s0], s1  }
0xd3: {  	s0 =	simm.s32 @!p0 $0x9  }
0xd4: {  	_ =	swait.ge @!p0 [sflag:s0], s1  }
0xd5: {  	s1 =	ssub.s32 @!p0 $0x0, s1;
	[sflag:s0] =	ssyncset.done @!p0 $0x0  }
0xd6: {  	[sflag:s0] =	ssyncadd.s32 @!p0 s1  }
0xd7: {  	[bflag:$0x3] =	sbarrier.arrive $0xFFFF  }
0xd8: {  	_ =	shalt  }

// kernel: kernel.14.cloned.1.call-start
scs
__scs_entry_jumppad:
0x0: {  	(pc) =	sbr.rel $0x88, $3  }
0x1: {  	(tag) =	ssettag $0x0;
	lr =	simm.s32 $0x1  }
0x2: {  	[smem:$0x3F87] =	sst lr;
	_ =	strace $0xD0000000  }
0x3: {  	_ = 	snop  }
0x4: {  	_ = 	snop  }
0x5: {  	_ = 	snop  }
0x6: {  	_ = 	snop  }
0x7: {  	_ = 	snop  }
__scs_overlays_trampoline_lowered:
0x8: {  	[smem:$0x3F96] =	sst s0  }
0x9: {  	[smem:$0x3F97] =	sst s1  }
0xa: {  	[smem:$0x3F98] =	sst s2  }
0xb: {  	[smem:$0x3F99] =	sst s3  }
0xc: {  	[smem:$0x3F9A] =	sst s4  }
0xd: {  	[smem:$0x3F9B] =	sst s5  }
0xe: {  	[smem:$0x3F9C] =	sst s6  }
0xf: {  	[smem:$0x3F9D] =	sst s7  }
0x10: {  	[smem:$0x3F9E] =	sst s8  }
0x11: {  	[smem:$0x3F9F] =	sst s9;
	s0 =	simm.s32 @!p0 $0x0  }
0x12: {  	s1 =	sld [smem:$0x3F85];
	s0 =	simm.s32 @p0 $0x1  }
0x13: {  	[smem:$0x3FA0] =	sst s0;
	s0 =	simm.s32 @!p1 $0x0  }
0x14: {  	s2 =	sld [smem:$0x3F84];
	s0 =	simm.s32 @p1 $0x1  }
0x15: {  	[smem:$0x3FA1] =	sst s0;
	s0 =	simm.s32 @!p2 $0x0  }
0x16: {  	s3 =	sld [smem:$0x3FDB];
	s0 =	simm.s32 @p2 $0x1  }
0x17: {  	s4 =	simm.s32 $0x1BF5;
	[smem:$0x3FA3] =	sst s0  }
0x18: {  	s0 =	sld [smem:$0x3F86];
	_ =	swait.ge [sflag:s4], $0x0  }
0x19: {  	s7 =	sld [smem:$0x3F87]  }
0x1a: {  	s8 =	sadd.s32 $0xFFFFE003, lr  }
0x1b: {  	s9 =	sadd.s32 $0xFFFFFEF7, lr;
	s5 =	simm.s32 $0xFFFFFFFF;
	p2 =	slt.u32 s8, $0xFFFFF086  }
0x1c: {  	p1 =	slt.u32 s9, $0xF7A;
	s5 =	simm.s32 @!p2 $0x0  }
0x1d: {  	s5 =	simm.s32 @p1 $0x1;
	p0 =	seq.s32 s7, s2  }
0x1e: {  	s7 =	smul.u32 @!p0 $0xF7A, s2;
	p2 =	seq.s32 @!p0 s5, $0x0  }
0x1f: {  	s9 =	smul.u32 $0xF7A, s1;
	s8 =	simm.s32 @!p0 $0x1BF5;
	p2 =	por !p2, p0  }
0x20: {  	[sflag:s8] =	ssyncset.s32 @!p0 $0xFFFFF086;
	s6 =	sadd.s32 @!p0 s3, s7;
	s7 =	simm.s32 @!p0 $0x108  }
0x21: {  	s3 =	sadd.s32 s3, s9;
	s6 =	sadd.s32 @!p0 $0x88, s6;
	s7 =	simm.s32 @p2 $0x1082  }
0x22: {  	[simem:s7], [sflag:s8] =	dma.local @!p0 [hbm:s6], $0xF7A  }
0x23: {  	s9 =	sor.u32 $0xD0000000, s2;
	s6 =	simm.s32 $0x108;
	_ =	swait.ge @!p0 [sflag:s8], $0x0  }
0x24: {  	s3 =	sadd.s32 $0x88, s3;
	s6 =	simm.s32 @!p1 $0x1082;
	[sflag:s4] =	ssyncset.s32 $0xFFFFF086  }
0x25: {  	[simem:s6], [sflag:s4] =	dma.local [hbm:s3], $0xF7A  }
0x26: {  	[smem:$0x3F87] =	sst s1;
	(tag) =	ssettag s2;
	_ =	strace s9  }
0x27: {  	s1 =	sld [smem:$0x3F97]  }
0x28: {  	s2 =	sld [smem:$0x3F98]  }
0x29: {  	s4 =	sld [smem:$0x3F9A]  }
0x2a: {  	p0 =	seq.s32 s5, $0x0;
	s5 =	sld [smem:$0x3F9B]  }
0x2b: {  	s6 =	sld [smem:$0x3F9C]  }
0x2c: {  	s7 =	sld [smem:$0x3F9D]  }
0x2d: {  	s3 =	simm.s32 $0x108;
	s8 =	sld [smem:$0x3F9E]  }
0x2e: {  	s3 =	simm.s32 @!p0 $0x1082;
	s9 =	sld [smem:$0x3F9F]  }
0x2f: {  	lr =	sadd.s32 s0, s3;
	s0 =	sld [smem:$0x3F96]  }
0x30: {  	s3 =	sld [smem:$0x3F99]  }
0x31: {  	[smem:$0x3FA2] =	sst s10  }
0x32: {  	s10 =	sld [smem:$0x3FA0];
	_ =	sdelay $0x3  }
0x33: {  	p0 =	seq.s32 s10, $0x1;
	s10 =	sld [smem:$0x3FA2];
	_ =	sdelay $0x3  }
0x34: {  	[smem:$0x3FA2] =	sst s10  }
0x35: {  	s10 =	sld [smem:$0x3FA1];
	_ =	sdelay $0x3  }
0x36: {  	p1 =	seq.s32 s10, $0x1;
	s10 =	sld [smem:$0x3FA2];
	_ =	sdelay $0x3  }
0x37: {  	[smem:$0x3FA2] =	sst s10  }
0x38: {  	s10 =	sld [smem:$0x3FA3]  }
0x39: {  	_ = 	snop;
	(pc) =	sbr.ind lr, $3  }
0x3a: {  	_ = 	snop  }
0x3b: {  	_ = 	snop  }
0x3c: {  	p2 =	seq.s32 s10, $0x1;
	s10 =	sld [smem:$0x3FA2]  }
0x3d: {  	_ =	shalt  }
0x3e: {  	_ =	shalt  }
0x3f: {  	_ =	shalt  }
0x40: {  	_ =	shalt  }
0x41: {  	_ =	shalt  }
0x42: {  	_ =	shalt  }
0x43: {  	_ =	shalt  }
0x44: {  	_ =	shalt  }
0x45: {  	_ =	shalt  }
0x46: {  	_ =	shalt  }
0x47: {  	_ =	shalt  }
0x48: {  	_ =	shalt  }
0x49: {  	_ =	shalt  }
0x4a: {  	_ =	shalt  }
0x4b: {  	_ =	shalt  }
0x4c: {  	_ =	shalt  }
0x4d: {  	_ =	shalt  }
0x4e: {  	_ =	shalt  }
0x4f: {  	_ =	shalt  }
0x50: {  	_ =	shalt  }
0x51: {  	_ =	shalt  }
0x52: {  	_ =	shalt  }
0x53: {  	_ =	shalt  }
0x54: {  	_ =	shalt  }
0x55: {  	_ =	shalt  }
0x56: {  	_ =	shalt  }
0x57: {  	_ =	shalt  }
0x58: {  	_ =	shalt  }
0x59: {  	_ =	shalt  }
0x5a: {  	_ =	shalt  }
0x5b: {  	_ =	shalt  }
0x5c: {  	_ =	shalt  }
0x5d: {  	_ =	shalt  }
0x5e: {  	_ =	shalt  }
0x5f: {  	_ =	shalt  }
0x60: {  	_ =	shalt  }
0x61: {  	_ =	shalt  }
0x62: {  	_ =	shalt  }
0x63: {  	_ =	shalt  }
0x64: {  	_ =	shalt  }
0x65: {  	_ =	shalt  }
0x66: {  	_ =	shalt  }
0x67: {  	_ =	shalt  }
0x68: {  	_ =	shalt  }
0x69: {  	_ =	shalt  }
0x6a: {  	_ =	shalt  }
0x6b: {  	_ =	shalt  }
0x6c: {  	_ =	shalt  }
0x6d: {  	_ =	shalt  }
0x6e: {  	_ =	shalt  }
0x6f: {  	_ =	shalt  }
0x70: {  	_ =	shalt  }
0x71: {  	_ =	shalt  }
0x72: {  	_ =	shalt  }
0x73: {  	_ =	shalt  }
0x74: {  	_ =	shalt  }
0x75: {  	_ =	shalt  }
0x76: {  	_ =	shalt  }
0x77: {  	_ =	shalt  }
0x78: {  	_ =	shalt  }
0x79: {  	_ =	shalt  }
0x7a: {  	_ =	shalt  }
0x7b: {  	_ =	shalt  }
0x7c: {  	_ =	shalt  }
0x7d: {  	_ =	shalt  }
0x7e: {  	_ =	shalt  }
0x7f: {  	_ =	shalt  }
0x80: {  	_ =	shalt  }
0x81: {  	_ =	shalt  }
0x82: {  	_ =	shalt  }
0x83: {  	_ =	shalt  }
0x84: {  	_ =	shalt  }
0x85: {  	_ =	shalt  }
0x86: {  	_ =	shalt  }
0x87: {  	_ =	shalt  }
.Lfunc_end0:
.L_simem_size_0:
called_computation.1_lowered:
.L_overlay_start_0:
0x88: {  	s2 =	sld [smem:$0x3FD9]  }
0x89: {  	s3 =	sld [smem:$0x3FFE];
	_ =	sdelay $0x1  }
0x8a: {  	s1 =	srdreg.scid  }
0x8b: {  	s0 =	sand.u32 $0x1, s1  }
0x8c: {  	s16 =	sshll.u32 s0, $0xA;
	s2 =	sadd.s32 s3, s2  }
0x8d: {  	s2 =	sadd.s32 s2, s16  }
0x8e: {  	[smem:$0x3FAE] =	sst s2  }
0x8f: {  	_ = 	snop  }
0x90: {  	(tm) =	ssettm $0x1  }
0x91: {  	s17 =	sld [smem:$0x3FFB];
	_ =	sdelay $0x3  }
0x92: {  	_ =	strace s17  }
0x93: {  	s2 =	sld [smem:$0x3FFC];
	_ =	sdelay $0x3  }
0x94: {  	_ =	strace s2  }
0x95: {  	s2 =	sld [smem:$0x3FFD];
	_ =	sdelay $0x3  }
0x96: {  	_ =	strace s2  }
0x97: {  	_ =	strace $0x8FFFFFFF  }
0x98: {  	s18 =	sld [smem:$0x3FDB];
	_ =	sdelay $0x1  }
0x99: {  	s19 =	simm.s32 $_scs_section_size  }
0x9a: {  	s4 =	simm.s32 $_size__tile_overlayer_lowered;
	s5 =	simm.s32 $_tile_overlayer_lowered  }
0x9b: {  	s22 =	simm.s32 $0x1BFF;
	s21 =	sshll.u32 s5, $0x1;
	s2 =	sadd.s32 s19, s18  }
0x9c: {  	s6 =	simm.s32 $0x0;
	s20 =	sshll.u32 s4, $0x1;
	s4 =	sadd.s32 s21, s2  }
0x9d: {  	[timem:s6], [sflag:s22] =	dma.local [hbm:s4], s20  }
0x9e: {  	_ =	swait.ge [sflag:s22], s20  }
0x9f: {  	s3 =	ssub.s32 $0x0, s20;
	[sflag:s22] =	ssyncset.done $0x0  }
0xa0: {  	[sflag:s22] =	ssyncadd.s32 s3;
	_ =	sdelay $0x1  }
0xa1: {  	s23 =	simm.s32 $0x1B8B  }
0xa2: {  	_ =	swait.ge [sflag:s23], $0x1  }
0xa3: {  	[sflag:s23] =	ssyncset.done $0x0  }
0xa4: {  	s25 =	simm.s32 $0x1B8E;
	s24 =	sld [smem:$0x3FFE];
	[sflag:s23] =	ssyncadd.s32 $0xFFFFFFFF  }
0xa5: {  	s26 =	simm.s32 $execute0_lowered;
	[smem:$0x3FD2] =	sst s25  }
0xa6: {  	s4 =	sshll.u32 s26, $0x1;
	_ =	strace $0x80000049;
	[dreg:$0x1] =	wrdreg $0xFFFFFFFF  }
0xa7: {  	s28 =	simm.s32 $_size_execute0_lowered;
	s2 =	sadd.s32 s2, s4;
	[dreg:$0x0] =	wrdreg $0x0  }
0xa8: {  	s4 =	sshll.u32 s28, $0x1;
	[dreg:$0x2] =	wrdreg s2  }
0xa9: {  	[dreg:$0x3] =	wrdreg s4  }
0xaa: {  	[dreg:$0x4] =	wrdreg $0xC0  }
0xab: {  	_ =	task [dreg:s6], $0x5FFFF  }
0xac: {  	[dreg:$0x1] =	wrdreg $0xFFFFFFFF  }
0xad: {  	[dreg:$0x0] =	wrdreg $0x60  }
0xae: {  	[dreg:$0x2] =	wrdreg s24  }
0xaf: {  	[dreg:$0x3] =	wrdreg $0xB9000  }
0xb0: {  	[dreg:$0x4] =	wrdreg $0x9  }
0xb1: {  	_ =	task.clear_ibuf [dreg:s6], $0x5FFFF;
	_ =	strace $0x90000049  }
0xb2: {  	s29 =	simm.s32 $0x9;
	_ =	strace $0x8000004B  }
0xb3: {  	_ =	swait.ge [sflag:s29], $0x1  }
0xb4: {  	[sflag:s29] =	ssyncadd.s32 $0xFFFFFFFF  }
0xb5: {  	_ =	strace $0x9000004B  }
0xb6: {  	_ =	sfence  }
0xb7: {  	s30 =	sld [smem:$0x0];
	_ =	sdelay $0x2  }
0xb8: {  	s31 =	sshll.u32 s1, $0xD;
	s1 =	sshrl.u32 s1, $0x2  }
0xb9: {  	s3 =	sand.u32 $0x4000, s31;
	s1 =	sadd.s32 s1, s30  }
0xba: {  	s0 =	sor.u32 s3, s0;
	s1 =	sshll.u32 s1, $0x11  }
0xbb: {  	s0 =	sor.u32 s1, s0  }
0xbc: {  	s0 =	sadd.s32 $0x8F2B, s0  }
0xbd: {  	[sflag:s0] =	ssyncadd.remote.s32 $0x1  }
0xbe: {  	_ =	sfence.sel $0xFFFF  }
0xbf: {  	[dreg:$0x0] =	wrdreg $0xFFFFFFFF;
	(pc) =	sbr.abs _section_cstart, $3  }
0xc0: {  	[dreg:$0x1] =	wrdreg $0xFFFFFFFF  }
0xc1: {  	_ =	task.clear_ibuf [dreg:s6], $0x2FFFF;
	_ =	strace $0x9FFFFFFF  }
0xc2: {  	(tm) =	ssettm $0x7FFFFFFF  }
0xc3: {  	_ =	shalt  }
tec
execute0_lowered:
.L_overlay_start_1:
0x0: {  	(tag) =	ssettag $0x1  }
0x1: {  	s0 =	rddreg [dreg:$0x0]  }
0x2: {  	s2 =	rddreg [dreg:$0x1];
	s3 =	stileid.u32;
	s5 =	simm.s32 $0x0  }
0x3: {  	s1 =	srdreg.scid;
	s29 =	simm.s32 $0x3800;
	s4 =	smul.u32 $0x30, s3  }
0x4: {  	s30 =	simm.s32 $0x7900;
	[smem:$0x7FF] =	sst s5;
	s5 =	smul.u32 $0x70, s3  }
0x5: {  	s31 =	simm.s32 $0x1;
	s28 =	simm.s32 $0x7;
	s9 =	smul.u32 $0x13C00, s3  }
0x6: {  	s1 =	sand.u32 $0x1, s1;
	s6 =	sadd.s32 $0x78AA00, s0;
	s3 =	smul.u32 $0x4F000, s3  }
0x7: {  	s7 =	sadd.s32 $0xF600, s0;
	p0 =	seq.s32 s1, $0x0;
	s8 =	smul.u32 $0x13C000, s1  }
0x8: {  	_ =	strace $0x8000004A;
	s1 =	ssub.s32 $0x2, s1;
	s4 =	sadd.s32 $0x700, s4  }
0x9: {  	s12 =	sshrl.u32 s1, $0x1;
	s4 =	smov.u32 @p0 s5;
	s5 =	sadd.s32 $0x19A00, s0  }
0xa: {  	s8 =	sadd.s32 s9, s8;
	s1 =	ssub.s32 s1, s12;
	s9 =	sshrl.u32 s3, $0x2  }
0xb: {  	s10 =	sshll.u32 s4, $0x4;
	s8 =	sshrl.u32 s8, $0x3;
	s26 =	smax.u32 s1, $0x1  }
0xc: {  	s23 =	sshll.u32 s4, $0xA;
	s14 =	sadd.s32 s7, s10;
	[dreg:$0x10] =	wrdreg s26  }
0xd: {  	s11 =	sadd.s32 s10, s0;
	s25 =	sadd.s32 s6, s23;
	[dreg:$0x4] =	wrdreg s14  }
0xe: {  	s0 =	sadd.s32 s8, s0;
	s13 =	sadd.s32 $0x5200, s11;
	[dreg:$0xe] =	wrdreg s25  }
0xf: {  	s11 =	sadd.s32 s9, s2;
	s0 =	sadd.s32 $0x40C00, s0;
	[dreg:$0x3] =	wrdreg s13  }
0x10: {  	s12 =	simm.s32 $0x8;
	s15 =	sadd.s32 $0x2000, s11;
	[dreg:$0xf] =	wrdreg s0  }
0x11: {  	s1 =	simm.s32 $0x5;
	s16 =	sadd.s32 $0x4000, s11;
	[dreg:$0x5] =	wrdreg s15  }
0x12: {  	s8 =	simm.s32 $0x70;
	s17 =	sadd.s32 $0x6000, s11;
	[dreg:$0x6] =	wrdreg s16  }
0x13: {  	s26 =	simm.s32 $0x40;
	s18 =	sadd.s32 $0x8000, s11;
	[dreg:$0x7] =	wrdreg s17  }
0x14: {  	s10 =	simm.s32 $0x4;
	s19 =	sadd.s32 $0xA000, s11;
	[dreg:$0x8] =	wrdreg s18  }
0x15: {  	s8 =	simm.s32 @!p0 $0x30;
	s20 =	sadd.s32 $0xC000, s11;
	[dreg:$0x9] =	wrdreg s19  }
0x16: {  	s25 =	simm.s32 $0x9;
	s21 =	sadd.s32 $0xE000, s11;
	[dreg:$0xa] =	wrdreg s20  }
0x17: {  	s9 =	simm.s32 $0x2;
	s22 =	sadd.s32 $0x10000, s11;
	[dreg:$0xb] =	wrdreg s21  }
0x18: {  	s14 =	simm.s32 $0x9900;
	s24 =	sadd.s32 $0x12000, s11;
	[dreg:$0xc] =	wrdreg s22  }
0x19: {  	s0 =	simm.s32 $0x3;
	s13 =	simm.s32 $0x3880;
	[dreg:$0xd] =	wrdreg s24  }
0x1a: {  	v0 =	vimm.f32 $0.0e+00;
	s22 =	sshrl.u32 s8, $0x1;
	s15 =	simm.s32 $0x6;
	s16 =	simm.s32 $0x0  }
.LBB2_1:
0x1b: {  	s3 =	simm.s32 $0x0;
	s17 =	rddreg [dreg:$0x3]  }
0x1c: {  	[tilespmem:s3], [sflag:$0x9] =	stream.linear.gather [hbm4b:s17+s3], $0x3800, $0x38;
	[tilespmem:$0x1F500] =	vst v63  }
0x1d: {  	_ =	swait.ge [sflag:s25], $0x3800  }
0x1e: {  	[sflag:s25] =	ssyncset.done $0x0  }
0x1f: {  	s23 =	simm.s32 $0x3900;
	[sflag:s25] =	ssyncadd.s32 $0xFFFFC800  }
0x20: {  	[tilespmem:s23], [sflag:$0x3] =	stream.indirect.gather [hbm4b:s5+s26], $0x80, s3, s26, $0xb8;
	[tilespmem:$0x1F500] =	vst v63  }
0x21: {  	s18 =	simm.s32 $0x200;
	s17 =	simm.s32 $0x0;
	s24 =	rddreg [dreg:$0x4]  }
0x22: {  	[tilespmem:s29], [sflag:$0x7] =	stream.linear.gather [hbm4b:s24+s3], $0x80, $0x38;
	[tilespmem:$0x1F500] =	vst v63  }
.LBB2_2:
0x23: {  	p0 =	sne.s32 s18, $0x7E00;
	[tilespmem:s17+$0x7970] =	vst v0  }
0x24: {  	[tilespmem:s17+$0x7900] =	vst v0  }
0x25: {  	[tilespmem:s17+$0x7910] =	vst v0  }
.Ltmp0:
0x26: {  	[tilespmem:s17+$0x7920] =	vst v0;
	(pc) =	sbr.rel @p0 .LBB2_2-.Ltmp0, $4  }
0x27: {  	[tilespmem:s17+$0x7930] =	vst v0  }
0x28: {  	[tilespmem:s17+$0x7940] =	vst v0  }
0x29: {  	[tilespmem:s17+$0x7950] =	vst v0  }
0x2a: {  	[tilespmem:s17+$0x7960] =	vst v0;
	s17 =	sshra.s32 s18, $0x2;
	s18 =	sadd.s32 $0x200, s18  }
0x2b: {  	[tilespmem:s17+$0x7970] =	vst v0  }
0x2c: {  	[tilespmem:s17+$0x7900] =	vst v0  }
0x2d: {  	[tilespmem:s17+$0x7910] =	vst v0  }
0x2e: {  	[tilespmem:s17+$0x7920] =	vst v0  }
0x2f: {  	[tilespmem:s17+$0x7930] =	vst v0  }
0x30: {  	[tilespmem:s17+$0x7940] =	vst v0  }
0x31: {  	[tilespmem:s17+$0x7950] =	vst v0  }
0x32: {  	[tilespmem:s17+$0x7960] =	vst v0  }
0x33: {  	[spmem:s11] =	stream.linear.scatter [tilespmem:s30], [sflag:$0x9], $0x2000, $0x38;
	[tilespmem:$0x1F500] =	vst v63  }
0x34: {  	_ =	swait.ge [sflag:s25], $0x2000  }
0x35: {  	[sflag:s25] =	ssyncset.done $0x0  }
0x36: {  	s3 =	rddreg [dreg:$0x5];
	[sflag:s25] =	ssyncadd.s32 $0xFFFFE000  }
0x37: {  	[spmem:s3] =	stream.linear.scatter [tilespmem:s30], [sflag:$0x9], $0x2000, $0x38;
	[tilespmem:$0x1F500] =	vst v63  }
0x38: {  	_ =	swait.ge [sflag:s25], $0x2000  }
0x39: {  	[sflag:s25] =	ssyncset.done $0x0  }
0x3a: {  	s23 =	rddreg [dreg:$0x6];
	[sflag:s25] =	ssyncadd.s32 $0xFFFFE000  }
0x3b: {  	[spmem:s23] =	stream.linear.scatter [tilespmem:s30], [sflag:$0x9], $0x2000, $0x38;
	[tilespmem:$0x1F500] =	vst v63  }
0x3c: {  	_ =	swait.ge [sflag:s25], $0x2000  }
0x3d: {  	[sflag:s25] =	ssyncset.done $0x0  }
0x3e: {  	s24 =	rddreg [dreg:$0x7];
	[sflag:s25] =	ssyncadd.s32 $0xFFFFE000  }
0x3f: {  	[spmem:s24] =	stream.linear.scatter [tilespmem:s30], [sflag:$0x9], $0x2000, $0x38;
	[tilespmem:$0x1F500] =	vst v63  }
0x40: {  	_ =	swait.ge [sflag:s25], $0x2000  }
0x41: {  	[sflag:s25] =	ssyncset.done $0x0  }
0x42: {  	s17 =	rddreg [dreg:$0x8];
	[sflag:s25] =	ssyncadd.s32 $0xFFFFE000  }
0x43: {  	[spmem:s17] =	stream.linear.scatter [tilespmem:s30], [sflag:$0x9], $0x2000, $0x38;
	[tilespmem:$0x1F500] =	vst v63  }
0x44: {  	_ =	swait.ge [sflag:s25], $0x2000  }
0x45: {  	[sflag:s25] =	ssyncset.done $0x0  }
0x46: {  	s18 =	rddreg [dreg:$0x9];
	[sflag:s25] =	ssyncadd.s32 $0xFFFFE000  }
0x47: {  	[spmem:s18] =	stream.linear.scatter [tilespmem:s30], [sflag:$0x9], $0x2000, $0x38;
	[tilespmem:$0x1F500] =	vst v63  }
0x48: {  	_ =	swait.ge [sflag:s25], $0x2000  }
0x49: {  	[sflag:s25] =	ssyncset.done $0x0  }
0x4a: {  	s19 =	rddreg [dreg:$0xa];
	[sflag:s25] =	ssyncadd.s32 $0xFFFFE000  }
0x4b: {  	[spmem:s19] =	stream.linear.scatter [tilespmem:s30], [sflag:$0x9], $0x2000, $0x38;
	[tilespmem:$0x1F500] =	vst v63  }
0x4c: {  	_ =	swait.ge [sflag:s25], $0x2000  }
0x4d: {  	[sflag:s25] =	ssyncset.done $0x0  }
0x4e: {  	s20 =	rddreg [dreg:$0xb];
	[sflag:s25] =	ssyncadd.s32 $0xFFFFE000  }
0x4f: {  	[spmem:s20] =	stream.linear.scatter [tilespmem:s30], [sflag:$0x9], $0x2000, $0x38;
	[tilespmem:$0x1F500] =	vst v63  }
0x50: {  	_ =	swait.ge [sflag:s25], $0x2000  }
0x51: {  	[sflag:s25] =	ssyncset.done $0x0  }
0x52: {  	s21 =	rddreg [dreg:$0xc];
	[sflag:s25] =	ssyncadd.s32 $0xFFFFE000  }
0x53: {  	[spmem:s21] =	stream.linear.scatter [tilespmem:s30], [sflag:$0x9], $0x2000, $0x38;
	[tilespmem:$0x1F500] =	vst v63  }
0x54: {  	_ =	swait.ge [sflag:s25], $0x2000  }
0x55: {  	[sflag:s25] =	ssyncset.done $0x0  }
0x56: {  	s23 =	rddreg [dreg:$0xd];
	[sflag:s25] =	ssyncadd.s32 $0xFFFFE000  }
0x57: {  	[spmem:s23] =	stream.linear.scatter [tilespmem:s30], [sflag:$0x9], $0x1C00, $0x38;
	[tilespmem:$0x1F500] =	vst v63  }
0x58: {  	_ =	swait.ge [sflag:s25], $0x1C00  }
0x59: {  	[sflag:s25] =	ssyncset.done $0x0  }
0x5a: {  	[sflag:s25] =	ssyncadd.s32 $0xFFFFE400  }
0x5b: {  	[bflag:$0x0] =	sbarrier.arrive $0xFFFF  }
0x5c: {  	s17 =	simm.s32 $0x0;
	s24 =	rddreg [dreg:$0xe]  }
0x5d: {  	[tilespmem:s30], [sflag:$0x1] =	stream.linear.gather [hbm4b:s24+s17], $0x2000, $0x38;
	[tilespmem:$0x1F500] =	vst v63  }
.LBB2_4:
0x5e: {  	s18 =	sshll.u32 s17, $0x1;
	p1 =	seq.s32 s17, $0x0  }
0x5f: {  	s19 =	simm.s32 @!p1 $0x6;
	s20 =	sor.u32 $0x1, s18  }
0x60: {  	_ =	swait.ge @!p1 [sflag:s19], $0x2000;
	p0 =	sge.u32 s20, s8  }
0x61: {  	[sflag:s19] =	ssyncset.done @!p1 $0x0;
	s21 =	sadd.s32 @!p0 s4, s20  }
0x62: {  	[sflag:s19] =	ssyncadd.s32 @!p1 $0xFFFFE000;
	s19 =	sshll.u32 @!p0 s21, $0xA  }
0x63: {  	s23 =	simm.s32 @!p0 $0x0;
	s24 =	simm.s32 @!p0 $0x9900;
	s19 =	sadd.s32 @!p0 s6, s19  }
0x64: {  	[tilespmem:s24], [sflag:$0x2] =	stream.linear.gather @!p0 [hbm4b:s19+s23], $0x2000, $0x38;
	[tilespmem:$0x1F500] =	vst v63  }
0x65: {  	s19 =	sshll.u32 @!p0 s20, $0x7  }
0x66: {  	s3 =	simm.s32 @!p0 $0x5900;
	s24 =	simm.s32 @!p0 $0x40;
	s20 =	sand.u32 @!p0 $0x3FFFFF80, s19  }
0x67: {  	[tilespmem:s3], [sflag:$0x4] =	stream.indirect.gather @!p0 [hbm4b:s5+s24], $0x80, s20, s24, $0xb8;
	[tilespmem:$0x1F500] =	vst v63  }
0x68: {  	s3 =	sshll.u32 @!p0 s21, $0x7  }
0x69: {  	s19 =	sand.u32 @!p0 $0x380, s19;
	s3 =	sand.u32 @!p0 $0x7FFFFC00, s3  }
0x6a: {  	s3 =	sor.u32 @!p0 s19, s3  }
0x6b: {  	s3 =	sshrl.u32 @!p0 s3, $0x3  }
0x6c: {  	s19 =	simm.s32 @!p0 $0x3880;
	s3 =	sadd.s32 @!p0 s7, s3  }
0x6d: {  	[tilespmem:s19], [sflag:$0x8] =	stream.linear.gather @!p0 [hbm4b:s3+s23], $0x80, $0x38;
	[tilespmem:$0x1F500] =	vst v63  }
0x6e: {  	_ =	swait.ge [sflag:s31], $0x2000  }
0x6f: {  	[sflag:s31] =	ssyncset.done $0x0  }
0x70: {  	[sflag:s31] =	ssyncadd.s32 $0xFFFFE000  }
0x71: {  	_ =	swait.ge [sflag:s0], $0x2000  }
0x72: {  	[sflag:s0] =	ssyncset.done $0x0  }
0x73: {  	[sflag:s0] =	ssyncadd.s32 $0xFFFFE000  }
0x74: {  	_ =	swait.ge [sflag:s28], $0x80  }
0x75: {  	[sflag:s28] =	ssyncset.done $0x0  }
0x76: {  	s19 =	simm.s32 $0x7920;
	[sflag:s28] =	ssyncadd.s32 $0xFFFFFF80  }
0x77: {  	s20 =	simm.s32 $0x3920;
	v6 =	vld [tilespmem:s19+$0x10]  }
0x78: {  	v7 =	vld [tilespmem:s20+$0x10]  }
0x79: {  	v3 =	vld [tilespmem:s20+$0xFFFFFFE0]  }
0x7a: {  	v1 =	vld [tilespmem:s19+$0xFFFFFFF0]  }
0x7b: {  	v5 =	vld [tilespmem:s20+$0xFFFFFFF0]  }
0x7c: {  	v2 =	vld [tilespmem:s19+$0x0]  }
0x7d: {  	v4 =	vld [tilespmem:s20+$0x0];
	v7 =	vadd.f32 v7, v6  }
0x7e: {  	s21 =	simm.s32 $0x0;
	s23 =	simm.s32 $0x7960;
	v6 =	vld [tilespmem:s19+$0xFFFFFFE0]  }
.LBB2_5:
0x7f: {  	v8 =	vld [tilespmem:s23+$0x10];
	v7 =	vmax.f32 v7, $0.0e+00;
	s20 =	sadd.s32 $0x40, s20  }
0x80: {  	s21 =	sadd.s32 $0x4, s21;
	v9 =	vld [tilespmem:s20+$0x10];
	v5 =	vadd.f32 v5, v1;
	[tilespmem:s19+$0x10] =	vst v7  }
0x81: {  	p0 =	slt.u32 s21, $0x1FC;
	v10 =	vld [tilespmem:s20+$0xFFFFFFE0]  }
.Ltmp1:
0x82: {  	v1 =	vld [tilespmem:s23+$0xFFFFFFF0];
	v7 =	vmax.f32 v5, $0.0e+00;
	v4 =	vadd.f32 v4, v2;
	(pc) =	sbr.rel @p0 .LBB2_5-.Ltmp1, $4  }
0x83: {  	v5 =	vld [tilespmem:s20+$0xFFFFFFF0];
	v11 =	vadd.f32 v3, v6;
	[tilespmem:s19+$0xFFFFFFF0] =	vst v7  }
0x84: {  	v2 =	vld [tilespmem:s23+$0x0];
	v6 =	vmax.f32 v4, $0.0e+00  }
0x85: {  	v4 =	vld [tilespmem:s20+$0x0];
	v7 =	vadd.f32 v9, v8;
	v8 =	vmax.f32 v11, $0.0e+00;
	[tilespmem:s19+$0x0] =	vst v6  }
0x86: {  	v6 =	vld [tilespmem:s23+$0xFFFFFFE0];
	[tilespmem:s19+$0xFFFFFFE0] =	vst v8;
	v3 =	vmov v10;
	s19 =	smov.u32 s23;
	s23 =	sadd.s32 $0x40, s23  }
0x87: {  	_ =	sdelay $0x1  }
0x88: {  	v1 =	vadd.f32 v5, v1  }
0x89: {  	v5 =	vmax.f32 v7, $0.0e+00;
	v2 =	vadd.f32 v4, v2  }
0x8a: {  	[tilespmem:s19+$0x10] =	vst v5;
	v1 =	vmax.f32 v1, $0.0e+00;
	v3 =	vadd.f32 v3, v6  }
0x8b: {  	s3 =	sadd.s32 $0x2, s18;
	[tilespmem:s19+$0xFFFFFFF0] =	vst v1;
	v1 =	vmax.f32 v2, $0.0e+00  }
0x8c: {  	p0 =	sge.u32 s3, s8;
	v2 =	vmax.f32 v3, $0.0e+00;
	[tilespmem:s19+$0x0] =	vst v1  }
0x8d: {  	s18 =	sadd.s32 @!p0 s4, s3;
	s20 =	simm.s32 @!p0 $0x0;
	[tilespmem:s19+$0xFFFFFFE0] =	vst v2  }
0x8e: {  	[spmem:s2] =	stream.indirect.scatter.add.f32 [tilespmem:s30], [sflag:$0x5], $0x80, s29, s26, $0xb8;
	[tilespmem:$0x1F500] =	vst v63  }
0x8f: {  	s21 =	simm.s32 @!p0 $0x7900;
	s3 =	sshll.u32 @!p0 s3, $0x7;
	_ =	swait.ge [sflag:s1], $0x2000  }
0x90: {  	s19 =	sshll.u32 @!p0 s18, $0xA;
	s18 =	sshll.u32 @!p0 s18, $0x7;
	[sflag:s1] =	ssyncset.done $0x0  }
0x91: {  	s19 =	sadd.s32 @!p0 s6, s19;
	s18 =	sand.u32 @!p0 $0x7FFFFC00, s18;
	[sflag:s1] =	ssyncadd.s32 $0xFFFFE000  }
0x92: {  	[tilespmem:s21], [sflag:$0x1] =	stream.linear.gather @!p0 [hbm4b:s19+s20], $0x2000, $0x38;
	[tilespmem:$0x1F500] =	vst v63  }
0x93: {  	s19 =	sand.u32 @!p0 $0x3FFFFF80, s3;
	s3 =	sand.u32 @!p0 $0x300, s3  }
0x94: {  	s23 =	simm.s32 @!p0 $0x3900;
	s21 =	simm.s32 @!p0 $0x40;
	s3 =	sor.u32 @!p0 s3, s18  }
0x95: {  	[tilespmem:s23], [sflag:$0x3] =	stream.indirect.gather @!p0 [hbm4b:s5+s21], $0x80, s19, s21, $0xb8;
	[tilespmem:$0x1F500] =	vst v63  }
0x96: {  	s3 =	sshrl.u32 @!p0 s3, $0x3  }
0x97: {  	s18 =	simm.s32 @!p0 $0x3800;
	s3 =	sadd.s32 @!p0 s7, s3  }
0x98: {  	[tilespmem:s18], [sflag:$0x7] =	stream.linear.gather @!p0 [hbm4b:s3+s20], $0x80, $0x38;
	[tilespmem:$0x1F500] =	vst v63  }
0x99: {  	_ =	swait.ge [sflag:s9], $0x2000  }
0x9a: {  	[sflag:s9] =	ssyncset.done $0x0  }
0x9b: {  	[sflag:s9] =	ssyncadd.s32 $0xFFFFE000  }
0x9c: {  	_ =	swait.ge [sflag:s10], $0x2000  }
0x9d: {  	[sflag:s10] =	ssyncset.done $0x0  }
0x9e: {  	[sflag:s10] =	ssyncadd.s32 $0xFFFFE000  }
0x9f: {  	_ =	swait.ge [sflag:s12], $0x80  }
0xa0: {  	[sflag:s12] =	ssyncset.done $0x0  }
0xa1: {  	s18 =	simm.s32 $0x9920;
	[sflag:s12] =	ssyncadd.s32 $0xFFFFFF80  }
0xa2: {  	s19 =	simm.s32 $0x5920;
	v6 =	vld [tilespmem:s18+$0x10]  }
0xa3: {  	v7 =	vld [tilespmem:s19+$0x10]  }
0xa4: {  	v3 =	vld [tilespmem:s19+$0xFFFFFFE0]  }
0xa5: {  	v1 =	vld [tilespmem:s18+$0xFFFFFFF0]  }
0xa6: {  	v5 =	vld [tilespmem:s19+$0xFFFFFFF0]  }
0xa7: {  	v2 =	vld [tilespmem:s18+$0x0]  }
0xa8: {  	v4 =	vld [tilespmem:s19+$0x0];
	v7 =	vadd.f32 v7, v6  }
0xa9: {  	s21 =	simm.s32 $0x9960;
	s20 =	simm.s32 $0x0;
	v6 =	vld [tilespmem:s18+$0xFFFFFFE0]  }
.LBB2_7:
0xaa: {  	v8 =	vld [tilespmem:s21+$0x10];
	v7 =	vmax.f32 v7, $0.0e+00;
	s19 =	sadd.s32 $0x40, s19  }
0xab: {  	s20 =	sadd.s32 $0x4, s20;
	v9 =	vld [tilespmem:s19+$0x10];
	v5 =	vadd.f32 v5, v1;
	[tilespmem:s18+$0x10] =	vst v7  }
0xac: {  	p0 =	slt.u32 s20, $0x1FC;
	v10 =	vld [tilespmem:s19+$0xFFFFFFE0]  }
.Ltmp2:
0xad: {  	v1 =	vld [tilespmem:s21+$0xFFFFFFF0];
	v7 =	vmax.f32 v5, $0.0e+00;
	v4 =	vadd.f32 v4, v2;
	(pc) =	sbr.rel @p0 .LBB2_7-.Ltmp2, $4  }
0xae: {  	v5 =	vld [tilespmem:s19+$0xFFFFFFF0];
	v11 =	vadd.f32 v3, v6;
	[tilespmem:s18+$0xFFFFFFF0] =	vst v7  }
0xaf: {  	v2 =	vld [tilespmem:s21+$0x0];
	v6 =	vmax.f32 v4, $0.0e+00  }
0xb0: {  	v4 =	vld [tilespmem:s19+$0x0];
	v7 =	vadd.f32 v9, v8;
	v8 =	vmax.f32 v11, $0.0e+00;
	[tilespmem:s18+$0x0] =	vst v6  }
0xb1: {  	v6 =	vld [tilespmem:s21+$0xFFFFFFE0];
	[tilespmem:s18+$0xFFFFFFE0] =	vst v8;
	v3 =	vmov v10;
	s18 =	smov.u32 s21;
	s21 =	sadd.s32 $0x40, s21  }
0xb2: {  	_ =	sdelay $0x1  }
0xb3: {  	s17 =	sadd.s32 $0x1, s17;
	v1 =	vadd.f32 v5, v1  }
0xb4: {  	v63 =	vmax.f32 v7, $0.0e+00;
	p0 =	sne.s32 s17, s22;
	v2 =	vadd.f32 v4, v2  }
.Ltmp3:
0xb5: {  	[tilespmem:s18+$0x10] =	vst v63;
	v1 =	vmax.f32 v1, $0.0e+00;
	v3 =	vadd.f32 v3, v6;
	(pc) =	sbr.rel @p0 .LBB2_4-.Ltmp3, $4  }
0xb6: {  	[tilespmem:s18+$0xFFFFFFF0] =	vst v1;
	v1 =	vmax.f32 v2, $0.0e+00  }
0xb7: {  	v2 =	vmax.f32 v3, $0.0e+00;
	[tilespmem:s18+$0x0] =	vst v1  }
0xb8: {  	[tilespmem:s18+$0xFFFFFFE0] =	vst v2  }
0xb9: {  	[spmem:s2] =	stream.indirect.scatter.add.f32 [tilespmem:s14], [sflag:$0x6], $0x80, s13, s26, $0xb8;
	[tilespmem:$0x1F500] =	vst v63  }
0xba: {  	_ =	swait.ge [sflag:s15], $0x2000  }
0xbb: {  	[sflag:s15] =	ssyncset.done $0x0  }
0xbc: {  	s3 =	stileid.u32;
	[sflag:s15] =	ssyncadd.s32 $0xFFFFE000  }
0xbd: {  	s3 =	sshll.u32 s3, $0x6;
	[bflag:$0x0] =	sbarrier.arrive $0xFFFF  }
0xbe: {  	s17 =	sshrl.u32 s11, $0x3;
	s3 =	sor.u32 $0x1C09, s3;
	s18 =	rddreg [dreg:$0xf]  }
0xbf: {  	[hbm:s18], [sflag:s3] =	dma.local [spmem:s17], $0x2780  }
0xc0: {  	_ =	swait.ge [sflag:s25], $0x2780  }
0xc1: {  	s16 =	sadd.s32 $0x1, s16;
	s24 =	rddreg [dreg:$0x10]  }
0xc2: {  	p0 =	sne.s32 s16, s24  }
.Ltmp4:
0xc3: {  	_ = 	snop;
	(pc) =	sbr.rel @p0 .LBB2_1-.Ltmp4, $3  }
0xc4: {  	_ =	sdelay $0x1  }
0xc5: {  	[sflag:s25] =	ssyncset.done $0x0  }
0xc6: {  	[sflag:s25] =	ssyncadd.s32 $0xFFFFD880  }
0xc7: {  	_ =	sfence.sel $0x180000  }
0xc8: {  	[bflag:$0x0] =	sbarrier.arrive $0xFFFF  }
0xc9: {  	_ =	strace $0x9000004A  }
0xca: {  	s0 =	stileid.u32;
	[bflag:$0x2] =	sbarrier.arrive $0xFFFF  }
0xcb: {  	p0 =	sne.s32 s0, $0x0;
	s0 =	rddreg [dreg:$0x2]  }
0xcc: {  	s0 =	sadd.s32 @!p0 $0x100000, s0  }
0xcd: {  	[sflag:s0] =	ssyncadd.tile.s32 @!p0 $0x1;
	_ =	shalt  }
.Lfunc_end2:
_tile_overlayer_lowered:
.L_overlay_start_2:
0xce: {  	(tag) =	ssettag $0x2  }
0xcf: {  	s0 =	rddreg [dreg:$0x0];
	s2 =	stileid.u32  }
0xd0: {  	s1 =	rddreg [dreg:$0x1];
	p0 =	sne.s32 s2, $0x0  }
0xd1: {  	s3 =	rddreg [dreg:$0x2];
	[bflag:$0x3] =	sbarrier.arrive $0xFFFF;
	s2 =	simm.s32 @!p0 $0x1C09  }
0xd2: {  	[timem:s3], [sflag:s2] =	dma.local @!p0 [hbm:s0], s1  }
0xd3: {  	s0 =	simm.s32 @!p0 $0x9  }
0xd4: {  	_ =	swait.ge @!p0 [sflag:s0], s1  }
0xd5: {  	s1 =	ssub.s32 @!p0 $0x0, s1;
	[sflag:s0] =	ssyncset.done @!p0 $0x0  }
0xd6: {  	[sflag:s0] =	ssyncadd.s32 @!p0 s1  }
0xd7: {  	[bflag:$0x3] =	sbarrier.arrive $0xFFFF  }
0xd8: {  	_ =	shalt  }

// kernel: kernel.17.cloned.1.call-start
scs
__scs_entry_jumppad:
0x0: {  	(pc) =	sbr.rel $0x88, $3  }
0x1: {  	(tag) =	ssettag $0x0;
	lr =	simm.s32 $0x1  }
0x2: {  	[smem:$0x3F87] =	sst lr;
	_ =	strace $0xD0000000  }
0x3: {  	_ = 	snop  }
0x4: {  	_ = 	snop  }
0x5: {  	_ = 	snop  }
0x6: {  	_ = 	snop  }
0x7: {  	_ = 	snop  }
__scs_overlays_trampoline_lowered:
0x8: {  	[smem:$0x3F96] =	sst s0  }
0x9: {  	[smem:$0x3F97] =	sst s1  }
0xa: {  	[smem:$0x3F98] =	sst s2  }
0xb: {  	[smem:$0x3F99] =	sst s3  }
0xc: {  	[smem:$0x3F9A] =	sst s4  }
0xd: {  	[smem:$0x3F9B] =	sst s5  }
0xe: {  	[smem:$0x3F9C] =	sst s6  }
0xf: {  	[smem:$0x3F9D] =	sst s7  }
0x10: {  	[smem:$0x3F9E] =	sst s8  }
0x11: {  	[smem:$0x3F9F] =	sst s9;
	s0 =	simm.s32 @!p0 $0x0  }
0x12: {  	s1 =	sld [smem:$0x3F85];
	s0 =	simm.s32 @p0 $0x1  }
0x13: {  	[smem:$0x3FA0] =	sst s0;
	s0 =	simm.s32 @!p1 $0x0  }
0x14: {  	s2 =	sld [smem:$0x3F84];
	s0 =	simm.s32 @p1 $0x1  }
0x15: {  	[smem:$0x3FA1] =	sst s0;
	s0 =	simm.s32 @!p2 $0x0  }
0x16: {  	s3 =	sld [smem:$0x3FDB];
	s0 =	simm.s32 @p2 $0x1  }
0x17: {  	s4 =	simm.s32 $0x1BF5;
	[smem:$0x3FA3] =	sst s0  }
0x18: {  	s0 =	sld [smem:$0x3F86];
	_ =	swait.ge [sflag:s4], $0x0  }
0x19: {  	s7 =	sld [smem:$0x3F87]  }
0x1a: {  	s8 =	sadd.s32 $0xFFFFE003, lr  }
0x1b: {  	s9 =	sadd.s32 $0xFFFFFEF7, lr;
	s5 =	simm.s32 $0xFFFFFFFF;
	p2 =	slt.u32 s8, $0xFFFFF086  }
0x1c: {  	p1 =	slt.u32 s9, $0xF7A;
	s5 =	simm.s32 @!p2 $0x0  }
0x1d: {  	s5 =	simm.s32 @p1 $0x1;
	p0 =	seq.s32 s7, s2  }
0x1e: {  	s7 =	smul.u32 @!p0 $0xF7A, s2;
	p2 =	seq.s32 @!p0 s5, $0x0  }
0x1f: {  	s9 =	smul.u32 $0xF7A, s1;
	s8 =	simm.s32 @!p0 $0x1BF5;
	p2 =	por !p2, p0  }
0x20: {  	[sflag:s8] =	ssyncset.s32 @!p0 $0xFFFFF086;
	s6 =	sadd.s32 @!p0 s3, s7;
	s7 =	simm.s32 @!p0 $0x108  }
0x21: {  	s3 =	sadd.s32 s3, s9;
	s6 =	sadd.s32 @!p0 $0x88, s6;
	s7 =	simm.s32 @p2 $0x1082  }
0x22: {  	[simem:s7], [sflag:s8] =	dma.local @!p0 [hbm:s6], $0xF7A  }
0x23: {  	s9 =	sor.u32 $0xD0000000, s2;
	s6 =	simm.s32 $0x108;
	_ =	swait.ge @!p0 [sflag:s8], $0x0  }
0x24: {  	s3 =	sadd.s32 $0x88, s3;
	s6 =	simm.s32 @!p1 $0x1082;
	[sflag:s4] =	ssyncset.s32 $0xFFFFF086  }
0x25: {  	[simem:s6], [sflag:s4] =	dma.local [hbm:s3], $0xF7A  }
0x26: {  	[smem:$0x3F87] =	sst s1;
	(tag) =	ssettag s2;
	_ =	strace s9  }
0x27: {  	s1 =	sld [smem:$0x3F97]  }
0x28: {  	s2 =	sld [smem:$0x3F98]  }
0x29: {  	s4 =	sld [smem:$0x3F9A]  }
0x2a: {  	p0 =	seq.s32 s5, $0x0;
	s5 =	sld [smem:$0x3F9B]  }
0x2b: {  	s6 =	sld [smem:$0x3F9C]  }
0x2c: {  	s7 =	sld [smem:$0x3F9D]  }
0x2d: {  	s3 =	simm.s32 $0x108;
	s8 =	sld [smem:$0x3F9E]  }
0x2e: {  	s3 =	simm.s32 @!p0 $0x1082;
	s9 =	sld [smem:$0x3F9F]  }
0x2f: {  	lr =	sadd.s32 s0, s3;
	s0 =	sld [smem:$0x3F96]  }
0x30: {  	s3 =	sld [smem:$0x3F99]  }
0x31: {  	[smem:$0x3FA2] =	sst s10  }
0x32: {  	s10 =	sld [smem:$0x3FA0];
	_ =	sdelay $0x3  }
0x33: {  	p0 =	seq.s32 s10, $0x1;
	s10 =	sld [smem:$0x3FA2];
	_ =	sdelay $0x3  }
0x34: {  	[smem:$0x3FA2] =	sst s10  }
0x35: {  	s10 =	sld [smem:$0x3FA1];
	_ =	sdelay $0x3  }
0x36: {  	p1 =	seq.s32 s10, $0x1;
	s10 =	sld [smem:$0x3FA2];
	_ =	sdelay $0x3  }
0x37: {  	[smem:$0x3FA2] =	sst s10  }
0x38: {  	s10 =	sld [smem:$0x3FA3]  }
0x39: {  	_ = 	snop;
	(pc) =	sbr.ind lr, $3  }
0x3a: {  	_ = 	snop  }
0x3b: {  	_ = 	snop  }
0x3c: {  	p2 =	seq.s32 s10, $0x1;
	s10 =	sld [smem:$0x3FA2]  }
0x3d: {  	_ =	shalt  }
0x3e: {  	_ =	shalt  }
0x3f: {  	_ =	shalt  }
0x40: {  	_ =	shalt  }
0x41: {  	_ =	shalt  }
0x42: {  	_ =	shalt  }
0x43: {  	_ =	shalt  }
0x44: {  	_ =	shalt  }
0x45: {  	_ =	shalt  }
0x46: {  	_ =	shalt  }
0x47: {  	_ =	shalt  }
0x48: {  	_ =	shalt  }
0x49: {  	_ =	shalt  }
0x4a: {  	_ =	shalt  }
0x4b: {  	_ =	shalt  }
0x4c: {  	_ =	shalt  }
0x4d: {  	_ =	shalt  }
0x4e: {  	_ =	shalt  }
0x4f: {  	_ =	shalt  }
0x50: {  	_ =	shalt  }
0x51: {  	_ =	shalt  }
0x52: {  	_ =	shalt  }
0x53: {  	_ =	shalt  }
0x54: {  	_ =	shalt  }
0x55: {  	_ =	shalt  }
0x56: {  	_ =	shalt  }
0x57: {  	_ =	shalt  }
0x58: {  	_ =	shalt  }
0x59: {  	_ =	shalt  }
0x5a: {  	_ =	shalt  }
0x5b: {  	_ =	shalt  }
0x5c: {  	_ =	shalt  }
0x5d: {  	_ =	shalt  }
0x5e: {  	_ =	shalt  }
0x5f: {  	_ =	shalt  }
0x60: {  	_ =	shalt  }
0x61: {  	_ =	shalt  }
0x62: {  	_ =	shalt  }
0x63: {  	_ =	shalt  }
0x64: {  	_ =	shalt  }
0x65: {  	_ =	shalt  }
0x66: {  	_ =	shalt  }
0x67: {  	_ =	shalt  }
0x68: {  	_ =	shalt  }
0x69: {  	_ =	shalt  }
0x6a: {  	_ =	shalt  }
0x6b: {  	_ =	shalt  }
0x6c: {  	_ =	shalt  }
0x6d: {  	_ =	shalt  }
0x6e: {  	_ =	shalt  }
0x6f: {  	_ =	shalt  }
0x70: {  	_ =	shalt  }
0x71: {  	_ =	shalt  }
0x72: {  	_ =	shalt  }
0x73: {  	_ =	shalt  }
0x74: {  	_ =	shalt  }
0x75: {  	_ =	shalt  }
0x76: {  	_ =	shalt  }
0x77: {  	_ =	shalt  }
0x78: {  	_ =	shalt  }
0x79: {  	_ =	shalt  }
0x7a: {  	_ =	shalt  }
0x7b: {  	_ =	shalt  }
0x7c: {  	_ =	shalt  }
0x7d: {  	_ =	shalt  }
0x7e: {  	_ =	shalt  }
0x7f: {  	_ =	shalt  }
0x80: {  	_ =	shalt  }
0x81: {  	_ =	shalt  }
0x82: {  	_ =	shalt  }
0x83: {  	_ =	shalt  }
0x84: {  	_ =	shalt  }
0x85: {  	_ =	shalt  }
0x86: {  	_ =	shalt  }
0x87: {  	_ =	shalt  }
.Lfunc_end0:
.L_simem_size_0:
called_computation.2_lowered:
.L_overlay_start_0:
0x88: {  	s2 =	sld [smem:$0x3FD9]  }
0x89: {  	s3 =	sld [smem:$0x3FFE];
	_ =	sdelay $0x1  }
0x8a: {  	s1 =	srdreg.scid  }
0x8b: {  	s0 =	sand.u32 $0x1, s1  }
0x8c: {  	s16 =	sshll.u32 s0, $0xA;
	s2 =	sadd.s32 s3, s2  }
0x8d: {  	s2 =	sadd.s32 s2, s16  }
0x8e: {  	[smem:$0x3FAE] =	sst s2  }
0x8f: {  	_ = 	snop  }
0x90: {  	(tm) =	ssettm $0x1  }
0x91: {  	s17 =	sld [smem:$0x3FFB];
	_ =	sdelay $0x3  }
0x92: {  	_ =	strace s17  }
0x93: {  	s2 =	sld [smem:$0x3FFC];
	_ =	sdelay $0x3  }
0x94: {  	_ =	strace s2  }
0x95: {  	s2 =	sld [smem:$0x3FFD];
	_ =	sdelay $0x3  }
0x96: {  	_ =	strace s2  }
0x97: {  	_ =	strace $0x8FFFFFFF  }
0x98: {  	s18 =	sld [smem:$0x3FDB];
	_ =	sdelay $0x1  }
0x99: {  	s19 =	simm.s32 $_scs_section_size  }
0x9a: {  	s4 =	simm.s32 $_size__tile_overlayer_lowered;
	s5 =	simm.s32 $_tile_overlayer_lowered  }
0x9b: {  	s22 =	simm.s32 $0x1BFF;
	s21 =	sshll.u32 s5, $0x1;
	s2 =	sadd.s32 s19, s18  }
0x9c: {  	s6 =	simm.s32 $0x0;
	s20 =	sshll.u32 s4, $0x1;
	s4 =	sadd.s32 s21, s2  }
0x9d: {  	[timem:s6], [sflag:s22] =	dma.local [hbm:s4], s20  }
0x9e: {  	_ =	swait.ge [sflag:s22], s20  }
0x9f: {  	s3 =	ssub.s32 $0x0, s20;
	[sflag:s22] =	ssyncset.done $0x0  }
0xa0: {  	[sflag:s22] =	ssyncadd.s32 s3;
	_ =	sdelay $0x1  }
0xa1: {  	s23 =	simm.s32 $0x1B8B  }
0xa2: {  	_ =	swait.ge [sflag:s23], $0x1  }
0xa3: {  	[sflag:s23] =	ssyncset.done $0x0  }
0xa4: {  	s25 =	simm.s32 $0x1B8E;
	s24 =	sld [smem:$0x3FFE];
	[sflag:s23] =	ssyncadd.s32 $0xFFFFFFFF  }
0xa5: {  	s26 =	simm.s32 $execute0_lowered;
	[smem:$0x3FD2] =	sst s25  }
0xa6: {  	s4 =	sshll.u32 s26, $0x1;
	_ =	strace $0x8000004C;
	[dreg:$0x1] =	wrdreg $0xFFFFFFFF  }
0xa7: {  	s28 =	simm.s32 $_size_execute0_lowered;
	s2 =	sadd.s32 s2, s4;
	[dreg:$0x0] =	wrdreg $0x0  }
0xa8: {  	s4 =	sshll.u32 s28, $0x1;
	[dreg:$0x2] =	wrdreg s2  }
0xa9: {  	[dreg:$0x3] =	wrdreg s4  }
0xaa: {  	[dreg:$0x4] =	wrdreg $0xC0  }
0xab: {  	_ =	task [dreg:s6], $0x5FFFF  }
0xac: {  	[dreg:$0x1] =	wrdreg $0xFFFFFFFF  }
0xad: {  	[dreg:$0x0] =	wrdreg $0x60  }
0xae: {  	[dreg:$0x2] =	wrdreg s24  }
0xaf: {  	[dreg:$0x3] =	wrdreg $0xB9000  }
0xb0: {  	[dreg:$0x4] =	wrdreg $0x9  }
0xb1: {  	_ =	task.clear_ibuf [dreg:s6], $0x5FFFF;
	_ =	strace $0x9000004C  }
0xb2: {  	s29 =	simm.s32 $0x9;
	_ =	strace $0x8000004E  }
0xb3: {  	_ =	swait.ge [sflag:s29], $0x1  }
0xb4: {  	[sflag:s29] =	ssyncadd.s32 $0xFFFFFFFF  }
0xb5: {  	_ =	strace $0x9000004E  }
0xb6: {  	_ =	sfence  }
0xb7: {  	s30 =	sld [smem:$0x0];
	_ =	sdelay $0x2  }
0xb8: {  	s31 =	sshll.u32 s1, $0xD;
	s1 =	sshrl.u32 s1, $0x2  }
0xb9: {  	s3 =	sand.u32 $0x4000, s31;
	s1 =	sadd.s32 s1, s30  }
0xba: {  	s0 =	sor.u32 s3, s0;
	s1 =	sshll.u32 s1, $0x11  }
0xbb: {  	s0 =	sor.u32 s1, s0  }
0xbc: {  	s0 =	sadd.s32 $0x8F2B, s0  }
0xbd: {  	[sflag:s0] =	ssyncadd.remote.s32 $0x1  }
0xbe: {  	_ =	sfence.sel $0xFFFF  }
0xbf: {  	[dreg:$0x0] =	wrdreg $0xFFFFFFFF;
	(pc) =	sbr.abs _section_cstart, $3  }
0xc0: {  	[dreg:$0x1] =	wrdreg $0xFFFFFFFF  }
0xc1: {  	_ =	task.clear_ibuf [dreg:s6], $0x2FFFF;
	_ =	strace $0x9FFFFFFF  }
0xc2: {  	(tm) =	ssettm $0x7FFFFFFF  }
0xc3: {  	_ =	shalt  }
tec
execute0_lowered:
.L_overlay_start_1:
0x0: {  	(tag) =	ssettag $0x1  }
0x1: {  	s0 =	rddreg [dreg:$0x0]  }
0x2: {  	s2 =	rddreg [dreg:$0x1];
	s3 =	stileid.u32;
	s5 =	simm.s32 $0x0  }
0x3: {  	s1 =	srdreg.scid;
	s29 =	simm.s32 $0x3800;
	s4 =	smul.u32 $0x30, s3  }
0x4: {  	s30 =	simm.s32 $0x7900;
	[smem:$0x7FF] =	sst s5;
	s5 =	smul.u32 $0x70, s3  }
0x5: {  	s31 =	simm.s32 $0x1;
	s28 =	simm.s32 $0x7;
	s9 =	smul.u32 $0x13C00, s3  }
0x6: {  	s1 =	sand.u32 $0x1, s1;
	s6 =	sadd.s32 $0xA0AA00, s0;
	s3 =	smul.u32 $0x4F000, s3  }
0x7: {  	s7 =	sadd.s32 $0xF600, s0;
	p0 =	seq.s32 s1, $0x0;
	s8 =	smul.u32 $0x13C000, s1  }
0x8: {  	_ =	strace $0x8000004D;
	s1 =	ssub.s32 $0x2, s1;
	s4 =	sadd.s32 $0x700, s4  }
0x9: {  	s12 =	sshrl.u32 s1, $0x1;
	s4 =	smov.u32 @p0 s5;
	s5 =	sadd.s32 $0x19A00, s0  }
0xa: {  	s8 =	sadd.s32 s9, s8;
	s1 =	ssub.s32 s1, s12;
	s9 =	sshrl.u32 s3, $0x2  }
0xb: {  	s10 =	sshll.u32 s4, $0x4;
	s8 =	sshrl.u32 s8, $0x3;
	s26 =	smax.u32 s1, $0x1  }
0xc: {  	s23 =	sshll.u32 s4, $0xA;
	s14 =	sadd.s32 s7, s10;
	[dreg:$0x10] =	wrdreg s26  }
0xd: {  	s11 =	sadd.s32 s10, s0;
	s25 =	sadd.s32 s6, s23;
	[dreg:$0x4] =	wrdreg s14  }
0xe: {  	s0 =	sadd.s32 s8, s0;
	s13 =	sadd.s32 $0x5200, s11;
	[dreg:$0xe] =	wrdreg s25  }
0xf: {  	s11 =	sadd.s32 s9, s2;
	s0 =	sadd.s32 $0x40C00, s0;
	[dreg:$0x3] =	wrdreg s13  }
0x10: {  	s12 =	simm.s32 $0x8;
	s15 =	sadd.s32 $0x2000, s11;
	[dreg:$0xf] =	wrdreg s0  }
0x11: {  	s1 =	simm.s32 $0x5;
	s16 =	sadd.s32 $0x4000, s11;
	[dreg:$0x5] =	wrdreg s15  }
0x12: {  	s8 =	simm.s32 $0x70;
	s17 =	sadd.s32 $0x6000, s11;
	[dreg:$0x6] =	wrdreg s16  }
0x13: {  	s26 =	simm.s32 $0x40;
	s18 =	sadd.s32 $0x8000, s11;
	[dreg:$0x7] =	wrdreg s17  }
0x14: {  	s10 =	simm.s32 $0x4;
	s19 =	sadd.s32 $0xA000, s11;
	[dreg:$0x8] =	wrdreg s18  }
0x15: {  	s8 =	simm.s32 @!p0 $0x30;
	s20 =	sadd.s32 $0xC000, s11;
	[dreg:$0x9] =	wrdreg s19  }
0x16: {  	s25 =	simm.s32 $0x9;
	s21 =	sadd.s32 $0xE000, s11;
	[dreg:$0xa] =	wrdreg s20  }
0x17: {  	s9 =	simm.s32 $0x2;
	s22 =	sadd.s32 $0x10000, s11;
	[dreg:$0xb] =	wrdreg s21  }
0x18: {  	s14 =	simm.s32 $0x9900;
	s24 =	sadd.s32 $0x12000, s11;
	[dreg:$0xc] =	wrdreg s22  }
0x19: {  	s0 =	simm.s32 $0x3;
	s13 =	simm.s32 $0x3880;
	[dreg:$0xd] =	wrdreg s24  }
0x1a: {  	v0 =	vimm.f32 $0.0e+00;
	s22 =	sshrl.u32 s8, $0x1;
	s15 =	simm.s32 $0x6;
	s16 =	simm.s32 $0x0  }
.LBB2_1:
0x1b: {  	s3 =	simm.s32 $0x0;
	s17 =	rddreg [dreg:$0x3]  }
0x1c: {  	[tilespmem:s3], [sflag:$0x9] =	stream.linear.gather [hbm4b:s17+s3], $0x3800, $0x38;
	[tilespmem:$0x1F500] =	vst v63  }
0x1d: {  	_ =	swait.ge [sflag:s25], $0x3800  }
0x1e: {  	[sflag:s25] =	ssyncset.done $0x0  }
0x1f: {  	s23 =	simm.s32 $0x3900;
	[sflag:s25] =	ssyncadd.s32 $0xFFFFC800  }
0x20: {  	[tilespmem:s23], [sflag:$0x3] =	stream.indirect.gather [hbm4b:s5+s26], $0x80, s3, s26, $0xb8;
	[tilespmem:$0x1F500] =	vst v63  }
0x21: {  	s18 =	simm.s32 $0x200;
	s17 =	simm.s32 $0x0;
	s24 =	rddreg [dreg:$0x4]  }
0x22: {  	[tilespmem:s29], [sflag:$0x7] =	stream.linear.gather [hbm4b:s24+s3], $0x80, $0x38;
	[tilespmem:$0x1F500] =	vst v63  }
.LBB2_2:
0x23: {  	p0 =	sne.s32 s18, $0x7E00;
	[tilespmem:s17+$0x7970] =	vst v0  }
0x24: {  	[tilespmem:s17+$0x7900] =	vst v0  }
0x25: {  	[tilespmem:s17+$0x7910] =	vst v0  }
.Ltmp0:
0x26: {  	[tilespmem:s17+$0x7920] =	vst v0;
	(pc) =	sbr.rel @p0 .LBB2_2-.Ltmp0, $4  }
0x27: {  	[tilespmem:s17+$0x7930] =	vst v0  }
0x28: {  	[tilespmem:s17+$0x7940] =	vst v0  }
0x29: {  	[tilespmem:s17+$0x7950] =	vst v0  }
0x2a: {  	[tilespmem:s17+$0x7960] =	vst v0;
	s17 =	sshra.s32 s18, $0x2;
	s18 =	sadd.s32 $0x200, s18  }
0x2b: {  	[tilespmem:s17+$0x7970] =	vst v0  }
0x2c: {  	[tilespmem:s17+$0x7900] =	vst v0  }
0x2d: {  	[tilespmem:s17+$0x7910] =	vst v0  }
0x2e: {  	[tilespmem:s17+$0x7920] =	vst v0  }
0x2f: {  	[tilespmem:s17+$0x7930] =	vst v0  }
0x30: {  	[tilespmem:s17+$0x7940] =	vst v0  }
0x31: {  	[tilespmem:s17+$0x7950] =	vst v0  }
0x32: {  	[tilespmem:s17+$0x7960] =	vst v0  }
0x33: {  	[spmem:s11] =	stream.linear.scatter [tilespmem:s30], [sflag:$0x9], $0x2000, $0x38;
	[tilespmem:$0x1F500] =	vst v63  }
0x34: {  	_ =	swait.ge [sflag:s25], $0x2000  }
0x35: {  	[sflag:s25] =	ssyncset.done $0x0  }
0x36: {  	s3 =	rddreg [dreg:$0x5];
	[sflag:s25] =	ssyncadd.s32 $0xFFFFE000  }
0x37: {  	[spmem:s3] =	stream.linear.scatter [tilespmem:s30], [sflag:$0x9], $0x2000, $0x38;
	[tilespmem:$0x1F500] =	vst v63  }
0x38: {  	_ =	swait.ge [sflag:s25], $0x2000  }
0x39: {  	[sflag:s25] =	ssyncset.done $0x0  }
0x3a: {  	s23 =	rddreg [dreg:$0x6];
	[sflag:s25] =	ssyncadd.s32 $0xFFFFE000  }
0x3b: {  	[spmem:s23] =	stream.linear.scatter [tilespmem:s30], [sflag:$0x9], $0x2000, $0x38;
	[tilespmem:$0x1F500] =	vst v63  }
0x3c: {  	_ =	swait.ge [sflag:s25], $0x2000  }
0x3d: {  	[sflag:s25] =	ssyncset.done $0x0  }
0x3e: {  	s24 =	rddreg [dreg:$0x7];
	[sflag:s25] =	ssyncadd.s32 $0xFFFFE000  }
0x3f: {  	[spmem:s24] =	stream.linear.scatter [tilespmem:s30], [sflag:$0x9], $0x2000, $0x38;
	[tilespmem:$0x1F500] =	vst v63  }
0x40: {  	_ =	swait.ge [sflag:s25], $0x2000  }
0x41: {  	[sflag:s25] =	ssyncset.done $0x0  }
0x42: {  	s17 =	rddreg [dreg:$0x8];
	[sflag:s25] =	ssyncadd.s32 $0xFFFFE000  }
0x43: {  	[spmem:s17] =	stream.linear.scatter [tilespmem:s30], [sflag:$0x9], $0x2000, $0x38;
	[tilespmem:$0x1F500] =	vst v63  }
0x44: {  	_ =	swait.ge [sflag:s25], $0x2000  }
0x45: {  	[sflag:s25] =	ssyncset.done $0x0  }
0x46: {  	s18 =	rddreg [dreg:$0x9];
	[sflag:s25] =	ssyncadd.s32 $0xFFFFE000  }
0x47: {  	[spmem:s18] =	stream.linear.scatter [tilespmem:s30], [sflag:$0x9], $0x2000, $0x38;
	[tilespmem:$0x1F500] =	vst v63  }
0x48: {  	_ =	swait.ge [sflag:s25], $0x2000  }
0x49: {  	[sflag:s25] =	ssyncset.done $0x0  }
0x4a: {  	s19 =	rddreg [dreg:$0xa];
	[sflag:s25] =	ssyncadd.s32 $0xFFFFE000  }
0x4b: {  	[spmem:s19] =	stream.linear.scatter [tilespmem:s30], [sflag:$0x9], $0x2000, $0x38;
	[tilespmem:$0x1F500] =	vst v63  }
0x4c: {  	_ =	swait.ge [sflag:s25], $0x2000  }
0x4d: {  	[sflag:s25] =	ssyncset.done $0x0  }
0x4e: {  	s20 =	rddreg [dreg:$0xb];
	[sflag:s25] =	ssyncadd.s32 $0xFFFFE000  }
0x4f: {  	[spmem:s20] =	stream.linear.scatter [tilespmem:s30], [sflag:$0x9], $0x2000, $0x38;
	[tilespmem:$0x1F500] =	vst v63  }
0x50: {  	_ =	swait.ge [sflag:s25], $0x2000  }
0x51: {  	[sflag:s25] =	ssyncset.done $0x0  }
0x52: {  	s21 =	rddreg [dreg:$0xc];
	[sflag:s25] =	ssyncadd.s32 $0xFFFFE000  }
0x53: {  	[spmem:s21] =	stream.linear.scatter [tilespmem:s30], [sflag:$0x9], $0x2000, $0x38;
	[tilespmem:$0x1F500] =	vst v63  }
0x54: {  	_ =	swait.ge [sflag:s25], $0x2000  }
0x55: {  	[sflag:s25] =	ssyncset.done $0x0  }
0x56: {  	s23 =	rddreg [dreg:$0xd];
	[sflag:s25] =	ssyncadd.s32 $0xFFFFE000  }
0x57: {  	[spmem:s23] =	stream.linear.scatter [tilespmem:s30], [sflag:$0x9], $0x1C00, $0x38;
	[tilespmem:$0x1F500] =	vst v63  }
0x58: {  	_ =	swait.ge [sflag:s25], $0x1C00  }
0x59: {  	[sflag:s25] =	ssyncset.done $0x0  }
0x5a: {  	[sflag:s25] =	ssyncadd.s32 $0xFFFFE400  }
0x5b: {  	[bflag:$0x0] =	sbarrier.arrive $0xFFFF  }
0x5c: {  	s17 =	simm.s32 $0x0;
	s24 =	rddreg [dreg:$0xe]  }
0x5d: {  	[tilespmem:s30], [sflag:$0x1] =	stream.linear.gather [hbm4b:s24+s17], $0x2000, $0x38;
	[tilespmem:$0x1F500] =	vst v63  }
.LBB2_4:
0x5e: {  	s18 =	sshll.u32 s17, $0x1;
	p1 =	seq.s32 s17, $0x0  }
0x5f: {  	s19 =	simm.s32 @!p1 $0x6;
	s20 =	sor.u32 $0x1, s18  }
0x60: {  	_ =	swait.ge @!p1 [sflag:s19], $0x2000;
	p0 =	sge.u32 s20, s8  }
0x61: {  	[sflag:s19] =	ssyncset.done @!p1 $0x0;
	s21 =	sadd.s32 @!p0 s4, s20  }
0x62: {  	[sflag:s19] =	ssyncadd.s32 @!p1 $0xFFFFE000;
	s19 =	sshll.u32 @!p0 s21, $0xA  }
0x63: {  	s23 =	simm.s32 @!p0 $0x0;
	s24 =	simm.s32 @!p0 $0x9900;
	s19 =	sadd.s32 @!p0 s6, s19  }
0x64: {  	[tilespmem:s24], [sflag:$0x2] =	stream.linear.gather @!p0 [hbm4b:s19+s23], $0x2000, $0x38;
	[tilespmem:$0x1F500] =	vst v63  }
0x65: {  	s19 =	sshll.u32 @!p0 s20, $0x7  }
0x66: {  	s3 =	simm.s32 @!p0 $0x5900;
	s24 =	simm.s32 @!p0 $0x40;
	s20 =	sand.u32 @!p0 $0x3FFFFF80, s19  }
0x67: {  	[tilespmem:s3], [sflag:$0x4] =	stream.indirect.gather @!p0 [hbm4b:s5+s24], $0x80, s20, s24, $0xb8;
	[tilespmem:$0x1F500] =	vst v63  }
0x68: {  	s3 =	sshll.u32 @!p0 s21, $0x7  }
0x69: {  	s19 =	sand.u32 @!p0 $0x380, s19;
	s3 =	sand.u32 @!p0 $0x7FFFFC00, s3  }
0x6a: {  	s3 =	sor.u32 @!p0 s19, s3  }
0x6b: {  	s3 =	sshrl.u32 @!p0 s3, $0x3  }
0x6c: {  	s19 =	simm.s32 @!p0 $0x3880;
	s3 =	sadd.s32 @!p0 s7, s3  }
0x6d: {  	[tilespmem:s19], [sflag:$0x8] =	stream.linear.gather @!p0 [hbm4b:s3+s23], $0x80, $0x38;
	[tilespmem:$0x1F500] =	vst v63  }
0x6e: {  	_ =	swait.ge [sflag:s31], $0x2000  }
0x6f: {  	[sflag:s31] =	ssyncset.done $0x0  }
0x70: {  	[sflag:s31] =	ssyncadd.s32 $0xFFFFE000  }
0x71: {  	_ =	swait.ge [sflag:s0], $0x2000  }
0x72: {  	[sflag:s0] =	ssyncset.done $0x0  }
0x73: {  	[sflag:s0] =	ssyncadd.s32 $0xFFFFE000  }
0x74: {  	_ =	swait.ge [sflag:s28], $0x80  }
0x75: {  	[sflag:s28] =	ssyncset.done $0x0  }
0x76: {  	s19 =	simm.s32 $0x7920;
	[sflag:s28] =	ssyncadd.s32 $0xFFFFFF80  }
0x77: {  	s20 =	simm.s32 $0x3920;
	v6 =	vld [tilespmem:s19+$0x10]  }
0x78: {  	v7 =	vld [tilespmem:s20+$0x10]  }
0x79: {  	v3 =	vld [tilespmem:s20+$0xFFFFFFE0]  }
0x7a: {  	v1 =	vld [tilespmem:s19+$0xFFFFFFF0]  }
0x7b: {  	v5 =	vld [tilespmem:s20+$0xFFFFFFF0]  }
0x7c: {  	v2 =	vld [tilespmem:s19+$0x0]  }
0x7d: {  	v4 =	vld [tilespmem:s20+$0x0];
	v7 =	vadd.f32 v7, v6  }
0x7e: {  	s21 =	simm.s32 $0x0;
	s23 =	simm.s32 $0x7960;
	v6 =	vld [tilespmem:s19+$0xFFFFFFE0]  }
.LBB2_5:
0x7f: {  	v8 =	vld [tilespmem:s23+$0x10];
	v7 =	vmax.f32 v7, $0.0e+00;
	s20 =	sadd.s32 $0x40, s20  }
0x80: {  	s21 =	sadd.s32 $0x4, s21;
	v9 =	vld [tilespmem:s20+$0x10];
	v5 =	vadd.f32 v5, v1;
	[tilespmem:s19+$0x10] =	vst v7  }
0x81: {  	p0 =	slt.u32 s21, $0x1FC;
	v10 =	vld [tilespmem:s20+$0xFFFFFFE0]  }
.Ltmp1:
0x82: {  	v1 =	vld [tilespmem:s23+$0xFFFFFFF0];
	v7 =	vmax.f32 v5, $0.0e+00;
	v4 =	vadd.f32 v4, v2;
	(pc) =	sbr.rel @p0 .LBB2_5-.Ltmp1, $4  }
0x83: {  	v5 =	vld [tilespmem:s20+$0xFFFFFFF0];
	v11 =	vadd.f32 v3, v6;
	[tilespmem:s19+$0xFFFFFFF0] =	vst v7  }
0x84: {  	v2 =	vld [tilespmem:s23+$0x0];
	v6 =	vmax.f32 v4, $0.0e+00  }
0x85: {  	v4 =	vld [tilespmem:s20+$0x0];
	v7 =	vadd.f32 v9, v8;
	v8 =	vmax.f32 v11, $0.0e+00;
	[tilespmem:s19+$0x0] =	vst v6  }
0x86: {  	v6 =	vld [tilespmem:s23+$0xFFFFFFE0];
	[tilespmem:s19+$0xFFFFFFE0] =	vst v8;
	v3 =	vmov v10;
	s19 =	smov.u32 s23;
	s23 =	sadd.s32 $0x40, s23  }
0x87: {  	_ =	sdelay $0x1  }
0x88: {  	v1 =	vadd.f32 v5, v1  }
0x89: {  	v5 =	vmax.f32 v7, $0.0e+00;
	v2 =	vadd.f32 v4, v2  }
0x8a: {  	[tilespmem:s19+$0x10] =	vst v5;
	v1 =	vmax.f32 v1, $0.0e+00;
	v3 =	vadd.f32 v3, v6  }
0x8b: {  	s3 =	sadd.s32 $0x2, s18;
	[tilespmem:s19+$0xFFFFFFF0] =	vst v1;
	v1 =	vmax.f32 v2, $0.0e+00  }
0x8c: {  	p0 =	sge.u32 s3, s8;
	v2 =	vmax.f32 v3, $0.0e+00;
	[tilespmem:s19+$0x0] =	vst v1  }
0x8d: {  	s18 =	sadd.s32 @!p0 s4, s3;
	s20 =	simm.s32 @!p0 $0x0;
	[tilespmem:s19+$0xFFFFFFE0] =	vst v2  }
0x8e: {  	[spmem:s2] =	stream.indirect.scatter.add.f32 [tilespmem:s30], [sflag:$0x5], $0x80, s29, s26, $0xb8;
	[tilespmem:$0x1F500] =	vst v63  }
0x8f: {  	s21 =	simm.s32 @!p0 $0x7900;
	s3 =	sshll.u32 @!p0 s3, $0x7;
	_ =	swait.ge [sflag:s1], $0x2000  }
0x90: {  	s19 =	sshll.u32 @!p0 s18, $0xA;
	s18 =	sshll.u32 @!p0 s18, $0x7;
	[sflag:s1] =	ssyncset.done $0x0  }
0x91: {  	s19 =	sadd.s32 @!p0 s6, s19;
	s18 =	sand.u32 @!p0 $0x7FFFFC00, s18;
	[sflag:s1] =	ssyncadd.s32 $0xFFFFE000  }
0x92: {  	[tilespmem:s21], [sflag:$0x1] =	stream.linear.gather @!p0 [hbm4b:s19+s20], $0x2000, $0x38;
	[tilespmem:$0x1F500] =	vst v63  }
0x93: {  	s19 =	sand.u32 @!p0 $0x3FFFFF80, s3;
	s3 =	sand.u32 @!p0 $0x300, s3  }
0x94: {  	s23 =	simm.s32 @!p0 $0x3900;
	s21 =	simm.s32 @!p0 $0x40;
	s3 =	sor.u32 @!p0 s3, s18  }
0x95: {  	[tilespmem:s23], [sflag:$0x3] =	stream.indirect.gather @!p0 [hbm4b:s5+s21], $0x80, s19, s21, $0xb8;
	[tilespmem:$0x1F500] =	vst v63  }
0x96: {  	s3 =	sshrl.u32 @!p0 s3, $0x3  }
0x97: {  	s18 =	simm.s32 @!p0 $0x3800;
	s3 =	sadd.s32 @!p0 s7, s3  }
0x98: {  	[tilespmem:s18], [sflag:$0x7] =	stream.linear.gather @!p0 [hbm4b:s3+s20], $0x80, $0x38;
	[tilespmem:$0x1F500] =	vst v63  }
0x99: {  	_ =	swait.ge [sflag:s9], $0x2000  }
0x9a: {  	[sflag:s9] =	ssyncset.done $0x0  }
0x9b: {  	[sflag:s9] =	ssyncadd.s32 $0xFFFFE000  }
0x9c: {  	_ =	swait.ge [sflag:s10], $0x2000  }
0x9d: {  	[sflag:s10] =	ssyncset.done $0x0  }
0x9e: {  	[sflag:s10] =	ssyncadd.s32 $0xFFFFE000  }
0x9f: {  	_ =	swait.ge [sflag:s12], $0x80  }
0xa0: {  	[sflag:s12] =	ssyncset.done $0x0  }
0xa1: {  	s18 =	simm.s32 $0x9920;
	[sflag:s12] =	ssyncadd.s32 $0xFFFFFF80  }
0xa2: {  	s19 =	simm.s32 $0x5920;
	v6 =	vld [tilespmem:s18+$0x10]  }
0xa3: {  	v7 =	vld [tilespmem:s19+$0x10]  }
0xa4: {  	v3 =	vld [tilespmem:s19+$0xFFFFFFE0]  }
0xa5: {  	v1 =	vld [tilespmem:s18+$0xFFFFFFF0]  }
0xa6: {  	v5 =	vld [tilespmem:s19+$0xFFFFFFF0]  }
0xa7: {  	v2 =	vld [tilespmem:s18+$0x0]  }
0xa8: {  	v4 =	vld [tilespmem:s19+$0x0];
	v7 =	vadd.f32 v7, v6  }
0xa9: {  	s21 =	simm.s32 $0x9960;
	s20 =	simm.s32 $0x0;
	v6 =	vld [tilespmem:s18+$0xFFFFFFE0]  }
.LBB2_7:
0xaa: {  	v8 =	vld [tilespmem:s21+$0x10];
	v7 =	vmax.f32 v7, $0.0e+00;
	s19 =	sadd.s32 $0x40, s19  }
0xab: {  	s20 =	sadd.s32 $0x4, s20;
	v9 =	vld [tilespmem:s19+$0x10];
	v5 =	vadd.f32 v5, v1;
	[tilespmem:s18+$0x10] =	vst v7  }
0xac: {  	p0 =	slt.u32 s20, $0x1FC;
	v10 =	vld [tilespmem:s19+$0xFFFFFFE0]  }
.Ltmp2:
0xad: {  	v1 =	vld [tilespmem:s21+$0xFFFFFFF0];
	v7 =	vmax.f32 v5, $0.0e+00;
	v4 =	vadd.f32 v4, v2;
	(pc) =	sbr.rel @p0 .LBB2_7-.Ltmp2, $4  }
0xae: {  	v5 =	vld [tilespmem:s19+$0xFFFFFFF0];
	v11 =	vadd.f32 v3, v6;
	[tilespmem:s18+$0xFFFFFFF0] =	vst v7  }
0xaf: {  	v2 =	vld [tilespmem:s21+$0x0];
	v6 =	vmax.f32 v4, $0.0e+00  }
0xb0: {  	v4 =	vld [tilespmem:s19+$0x0];
	v7 =	vadd.f32 v9, v8;
	v8 =	vmax.f32 v11, $0.0e+00;
	[tilespmem:s18+$0x0] =	vst v6  }
0xb1: {  	v6 =	vld [tilespmem:s21+$0xFFFFFFE0];
	[tilespmem:s18+$0xFFFFFFE0] =	vst v8;
	v3 =	vmov v10;
	s18 =	smov.u32 s21;
	s21 =	sadd.s32 $0x40, s21  }
0xb2: {  	_ =	sdelay $0x1  }
0xb3: {  	s17 =	sadd.s32 $0x1, s17;
	v1 =	vadd.f32 v5, v1  }
0xb4: {  	v63 =	vmax.f32 v7, $0.0e+00;
	p0 =	sne.s32 s17, s22;
	v2 =	vadd.f32 v4, v2  }
.Ltmp3:
0xb5: {  	[tilespmem:s18+$0x10] =	vst v63;
	v1 =	vmax.f32 v1, $0.0e+00;
	v3 =	vadd.f32 v3, v6;
	(pc) =	sbr.rel @p0 .LBB2_4-.Ltmp3, $4  }
0xb6: {  	[tilespmem:s18+$0xFFFFFFF0] =	vst v1;
	v1 =	vmax.f32 v2, $0.0e+00  }
0xb7: {  	v2 =	vmax.f32 v3, $0.0e+00;
	[tilespmem:s18+$0x0] =	vst v1  }
0xb8: {  	[tilespmem:s18+$0xFFFFFFE0] =	vst v2  }
0xb9: {  	[spmem:s2] =	stream.indirect.scatter.add.f32 [tilespmem:s14], [sflag:$0x6], $0x80, s13, s26, $0xb8;
	[tilespmem:$0x1F500] =	vst v63  }
0xba: {  	_ =	swait.ge [sflag:s15], $0x2000  }
0xbb: {  	[sflag:s15] =	ssyncset.done $0x0  }
0xbc: {  	s3 =	stileid.u32;
	[sflag:s15] =	ssyncadd.s32 $0xFFFFE000  }
0xbd: {  	s3 =	sshll.u32 s3, $0x6;
	[bflag:$0x0] =	sbarrier.arrive $0xFFFF  }
0xbe: {  	s17 =	sshrl.u32 s11, $0x3;
	s3 =	sor.u32 $0x1C09, s3;
	s18 =	rddreg [dreg:$0xf]  }
0xbf: {  	[hbm:s18], [sflag:s3] =	dma.local [spmem:s17], $0x2780  }
0xc0: {  	_ =	swait.ge [sflag:s25], $0x2780  }
0xc1: {  	s16 =	sadd.s32 $0x1, s16;
	s24 =	rddreg [dreg:$0x10]  }
0xc2: {  	p0 =	sne.s32 s16, s24  }
.Ltmp4:
0xc3: {  	_ = 	snop;
	(pc) =	sbr.rel @p0 .LBB2_1-.Ltmp4, $3  }
0xc4: {  	_ =	sdelay $0x1  }
0xc5: {  	[sflag:s25] =	ssyncset.done $0x0  }
0xc6: {  	[sflag:s25] =	ssyncadd.s32 $0xFFFFD880  }
0xc7: {  	_ =	sfence.sel $0x180000  }
0xc8: {  	[bflag:$0x0] =	sbarrier.arrive $0xFFFF  }
0xc9: {  	_ =	strace $0x9000004D  }
0xca: {  	s0 =	stileid.u32;
	[bflag:$0x2] =	sbarrier.arrive $0xFFFF  }
0xcb: {  	p0 =	sne.s32 s0, $0x0;
	s0 =	rddreg [dreg:$0x2]  }
0xcc: {  	s0 =	sadd.s32 @!p0 $0x100000, s0  }
0xcd: {  	[sflag:s0] =	ssyncadd.tile.s32 @!p0 $0x1;
	_ =	shalt  }
.Lfunc_end2:
_tile_overlayer_lowered:
.L_overlay_start_2:
0xce: {  	(tag) =	ssettag $0x2  }
0xcf: {  	s0 =	rddreg [dreg:$0x0];
	s2 =	stileid.u32  }
0xd0: {  	s1 =	rddreg [dreg:$0x1];
	p0 =	sne.s32 s2, $0x0  }
0xd1: {  	s3 =	rddreg [dreg:$0x2];
	[bflag:$0x3] =	sbarrier.arrive $0xFFFF;
	s2 =	simm.s32 @!p0 $0x1C09  }
0xd2: {  	[timem:s3], [sflag:s2] =	dma.local @!p0 [hbm:s0], s1  }
0xd3: {  	s0 =	simm.s32 @!p0 $0x9  }
0xd4: {  	_ =	swait.ge @!p0 [sflag:s0], s1  }
0xd5: {  	s1 =	ssub.s32 @!p0 $0x0, s1;
	[sflag:s0] =	ssyncset.done @!p0 $0x0  }
0xd6: {  	[sflag:s0] =	ssyncadd.s32 @!p0 s1  }
0xd7: {  	[bflag:$0x3] =	sbarrier.arrive $0xFFFF  }
0xd8: {  	_ =	shalt  }

</sc_bundles>
